<compile_context>
chip_gen: v7x
topology: tpu7x:2x2x1
jax: 0.10.2.dev20260603
libtpu: 0.0.44.dev20260713+nightly
codegen_flags: <defaults>
</compile_context>

<pallas_src>
import jax
import jax.numpy as jnp
from jax import lax
from jax.experimental import pallas as pl
from jax.experimental.pallas import tpu as pltpu
from jax.experimental.pallas import tpu_sc as plsc

_N_EDGES = 65536
_D = 1024
_NC = 2
_NS = 16
_NW = _NC * _NS
_EPW = _N_EDGES // _NW
_C = 16
_NCHUNK = _EPW // _C
_NBUF = 3
_NSLICE = _D // 16


def _body(x_hbm, idx_hbm, rel_hbm, out_hbm,
          idx_v, rel_v, bufs, scores_v, sems):
    wid = lax.axis_index("s") * _NC + lax.axis_index("c")

    pltpu.sync_copy(idx_hbm.at[wid], idx_v)
    pltpu.sync_copy(rel_hbm, rel_v)

    def start(c, buf, sem):
        pltpu.make_async_copy(x_hbm.at[idx_v.at[c]], buf, sem).start()

    def drain(buf, sem):
        pltpu.make_async_copy(x_hbm.at[idx_v.at[0]], buf, sem).wait()

    iota = lax.iota(jnp.int32, 16)

    def compute(c, buf):
        def sstep(s, accs):
            r = rel_v[pl.ds(s * 16, 16)]
            return tuple(
                accs[e] + buf[e, pl.ds(s * 16, 16)] * r
                * buf[_C + e, pl.ds(s * 16, 16)]
                for e in range(_C)
            )
        accs = lax.fori_loop(
            0, _NSLICE, sstep,
            tuple(jnp.zeros((16,), jnp.float32) for _ in range(_C)))
        tot = jnp.zeros((16,), jnp.float32)
        for e in range(_C):
            tot = jnp.where(iota == e, jnp.sum(accs[e]), tot)
        scores_v[pl.ds(c * _C, _C)] = tot

    for j in range(_NBUF):
        start(j, bufs.at[j], sems.at[j])

    _NFULL = _NCHUNK // _NBUF

    def step(k, carry):
        for j in range(_NBUF):
            c = _NBUF * k + j
            drain(bufs.at[j], sems.at[j])
            compute(c, bufs.at[j])

            @pl.when(c + _NBUF < _NCHUNK)
            def _():
                start(c + _NBUF, bufs.at[j], sems.at[j])
        return carry

    lax.fori_loop(0, _NFULL, step, 0)

    for j in range(_NCHUNK - _NFULL * _NBUF):
        c = _NFULL * _NBUF + j
        drain(bufs.at[j], sems.at[j])
        compute(c, bufs.at[j])

    pltpu.sync_copy(scores_v, out_hbm.at[pl.ds(wid * _EPW, _EPW)])


@jax.jit
def kernel(x, edge_index, rel):
    ei = edge_index.astype(jnp.int32).reshape(2, _NW, _NCHUNK, _C)
    idx = jnp.concatenate([ei[0], ei[1]], axis=-1)
    mesh = plsc.VectorSubcoreMesh(
        core_axis_name="c", subcore_axis_name="s",
        num_cores=_NC, num_subcores=_NS)
    f = pl.kernel(
        _body,
        out_type=jax.ShapeDtypeStruct((_N_EDGES,), jnp.float32),
        mesh=mesh,
        compiler_params=pltpu.CompilerParams(needs_layout_passes=False),
        scratch_types=[
            pltpu.VMEM((_NCHUNK, 2 * _C), jnp.int32),
            pltpu.VMEM((_D,), jnp.float32),
            pltpu.VMEM((_NBUF, 2 * _C, _D), jnp.float32),
            pltpu.VMEM((_EPW,), jnp.float32),
            pltpu.SemaphoreType.DMA((_NBUF,)),
        ],
    )
    return f(x, idx, rel)

# --- scband reference (transcript-rebuilt; emitter-appended) ---
"""Pipeline reference for scband-score-predictor-64905545777805 (READ-ONLY COPY).

The authoritative reference and input builder live on the scoring server;
editing this copy changes nothing except your own understanding.
"""

import jax, jax.numpy as jnp
import numpy as np


def setup_inputs(seed: int = 0) -> dict:
    key = jax.random.key(seed)
    k1, k2, k3 = jax.random.split(key, 3)
    n_nodes = 50000
    n_edges = 65536
    d_feat = 1024
    x = jax.random.normal(k1, (n_nodes, d_feat), dtype=jnp.float32)
    edge_index = jax.random.randint(k2, (2, n_edges), 0, n_nodes, dtype=jnp.int64)
    # learned relation parameter, initialized to ones as in the torch module
    rel = jnp.ones((d_feat,), dtype=jnp.float32)
    return {"x": x, "edge_index": edge_index, "rel": rel}


def reference(x, edge_index, rel):
    # DGL apply_edges with edge_func:
    #   head = src node features, tail = dst node features
    #   score = sum(head * rel * tail, dim=-1)
    head = jnp.take(x, edge_index[0], axis=0)  # [E, d]
    tail = jnp.take(x, edge_index[1], axis=0)  # [E, d]
    score = jnp.sum(head * rel * tail, axis=-1)  # [E]
    return score

if __name__ == "__main__":
    import jax
    _d = setup_inputs()
    print(jax.jit(kernel)(*tuple(_d.values())))

</pallas_src>

<mosaic_0001>
#map = affine_map<(d0, d1) -> (0, 0)>
#map1 = affine_map<(d0, d1) -> (0, 0, 0)>
#map2 = affine_map<(d0, d1) -> (0)>
module attributes {stable_mosaic.version = 14 : i64} {
  func.func @_body(%arg0: i32, %arg1: i32, %arg2: memref<50000x1024xf32, #tpu.memory_space<hbm>>, %arg3: memref<32x128x32xi32, #tpu.memory_space<hbm>>, %arg4: memref<1024xf32, #tpu.memory_space<hbm>>, %arg5: memref<65536xf32, #tpu.memory_space<hbm>>, %arg6: memref<128x32xi32, #tpu.memory_space<vmem>>, %arg7: memref<1024xf32, #tpu.memory_space<vmem>>, %arg8: memref<3x32x1024xf32, #tpu.memory_space<vmem>>, %arg9: memref<2048xf32, #tpu.memory_space<vmem>>, %arg10: memref<3x!tpu.dma_semaphore, #tpu.memory_space<semaphore_mem>>) attributes {dimension_semantics = [#tpu.dimension_semantics<core_parallel>, #tpu.dimension_semantics<subcore_parallel>], iteration_bounds = array<i64: 2, 16>, scalar_prefetch = 0 : i64, scratch_operands = 5 : i64, tpu.core_type = #tpu.core_type<sc_vector_subcore>, window_params = [{transform_indices = #map}, {transform_indices = #map1}, {transform_indices = #map2}, {transform_indices = #map2}]} {
    %mul3A = arith.constant 2 : i32
    %mul3A_0 = arith.muli %arg1, %mul3A : i32
    %add3A = arith.addi %mul3A_0, %arg0 : i32
    "tpu.region"() ({
      %run_scoped3A = tpu.sem_alloc : memref<!tpu.dma_semaphore, #tpu.memory_space<semaphore_mem>>
      %dma_start3A_450 = arith.constant 0 : i32
      %dma_start3A_451 = arith.constant 0 : i32
      %dma_start3A_452 = tpu.memref_slice %arg3[%add3A, %dma_start3A_450, %dma_start3A_451] : memref<32x128x32xi32, #tpu.memory_space<hbm>> -> memref<1x128x32xi32, #tpu.memory_space<hbm>>
      %dma_start3A_453 = tpu.memref_squeeze %dma_start3A_452 : memref<1x128x32xi32, #tpu.memory_space<hbm>> -> memref<128x32xi32, #tpu.memory_space<hbm>>
      %dma_start3A_454 = arith.constant 0 : i32
      %dma_start3A_455 = arith.constant 0 : i32
      %dma_start3A_456 = tpu.memref_slice %arg3[%add3A, %dma_start3A_454, %dma_start3A_455] : memref<32x128x32xi32, #tpu.memory_space<hbm>> -> memref<1x128x32xi32, #tpu.memory_space<hbm>>
      %dma_start3A_457 = tpu.memref_squeeze %dma_start3A_456 : memref<1x128x32xi32, #tpu.memory_space<hbm>> -> memref<128x32xi32, #tpu.memory_space<hbm>>
      tpu.enqueue_dma source(%dma_start3A_457 : memref<128x32xi32, #tpu.memory_space<hbm>>) target(%arg6 : memref<128x32xi32, #tpu.memory_space<vmem>>) target_semaphore(%run_scoped3A : memref<!tpu.dma_semaphore, #tpu.memory_space<semaphore_mem>>)
      %dma_wait3A_458 = arith.constant 0 : i32
      %dma_wait3A_459 = arith.constant 0 : i32
      %dma_wait3A_460 = tpu.memref_slice %arg3[%add3A, %dma_wait3A_458, %dma_wait3A_459] : memref<32x128x32xi32, #tpu.memory_space<hbm>> -> memref<1x128x32xi32, #tpu.memory_space<hbm>>
      %dma_wait3A_461 = tpu.memref_squeeze %dma_wait3A_460 : memref<1x128x32xi32, #tpu.memory_space<hbm>> -> memref<128x32xi32, #tpu.memory_space<hbm>>
      %dma_wait3A_462 = arith.constant 0 : i32
      %dma_wait3A_463 = arith.constant 0 : i32
      %dma_wait3A_464 = tpu.memref_slice %arg3[%add3A, %dma_wait3A_462, %dma_wait3A_463] : memref<32x128x32xi32, #tpu.memory_space<hbm>> -> memref<1x128x32xi32, #tpu.memory_space<hbm>>
      %dma_wait3A_465 = tpu.memref_squeeze %dma_wait3A_464 : memref<1x128x32xi32, #tpu.memory_space<hbm>> -> memref<128x32xi32, #tpu.memory_space<hbm>>
      tpu.wait_dma2 semaphore(%run_scoped3A : memref<!tpu.dma_semaphore, #tpu.memory_space<semaphore_mem>>) src(%dma_wait3A_465 : memref<128x32xi32, #tpu.memory_space<hbm>>) dst(%arg6 : memref<128x32xi32, #tpu.memory_space<vmem>>)
      tpu.yield
    }) : () -> ()
    "tpu.region"() ({
      %run_scoped3A = tpu.sem_alloc : memref<!tpu.dma_semaphore, #tpu.memory_space<semaphore_mem>>
      tpu.enqueue_dma source(%arg4 : memref<1024xf32, #tpu.memory_space<hbm>>) target(%arg7 : memref<1024xf32, #tpu.memory_space<vmem>>) target_semaphore(%run_scoped3A : memref<!tpu.dma_semaphore, #tpu.memory_space<semaphore_mem>>)
      tpu.wait_dma2 semaphore(%run_scoped3A : memref<!tpu.dma_semaphore, #tpu.memory_space<semaphore_mem>>) src(%arg4 : memref<1024xf32, #tpu.memory_space<hbm>>) dst(%arg7 : memref<1024xf32, #tpu.memory_space<vmem>>)
      tpu.yield
    }) : () -> ()
    %iota3A = tpu.iota {dimensions = array<i32: 0>} : vector<16xi32>
    %dma_start3A = arith.constant 0 : i32
    %dma_start3A_1 = arith.constant 0 : i32
    %dma_start3A_2 = arith.constant 0 : i32
    %dma_start3A_3 = arith.constant 0 : i32
    %dma_start3A_4 = arith.constant 0 : i32
    %dma_start3A_5 = tpu.memref_slice %arg8[%dma_start3A_1, %dma_start3A_3, %dma_start3A_4] : memref<3x32x1024xf32, #tpu.memory_space<vmem>> -> memref<1x32x1024xf32, #tpu.memory_space<vmem>>
    %dma_start3A_6 = tpu.memref_squeeze %dma_start3A_5 : memref<1x32x1024xf32, #tpu.memory_space<vmem>> -> memref<32x1024xf32, #tpu.memory_space<vmem>>
    %dma_start3A_7 = arith.constant 0 : i32
    %dma_start3A_8 = tpu.memref_slice %arg6[%dma_start3A, %dma_start3A_7] : memref<128x32xi32, #tpu.memory_space<vmem>> -> memref<1x32xi32, #tpu.memory_space<vmem>>
    %dma_start3A_9 = tpu.memref_squeeze %dma_start3A_8 : memref<1x32xi32, #tpu.memory_space<vmem>> -> memref<32xi32, #tpu.memory_space<vmem>>
    %dma_start3A_10 = arith.constant 0 : i32
    %dma_start3A_11 = arith.constant 0 : i32
    %dma_start3A_12 = tpu.memref_slice %arg2[%dma_start3A_10, %dma_start3A_11] : memref<50000x1024xf32, #tpu.memory_space<hbm>> -> memref<50000x1024xf32, #tpu.memory_space<hbm>>
    %dma_start3A_13 = tpu.memref_slice %arg10[%dma_start3A_2] : memref<3x!tpu.dma_semaphore, #tpu.memory_space<semaphore_mem>> -> memref<1x!tpu.dma_semaphore, #tpu.memory_space<semaphore_mem>>
    %dma_start3A_14 = tpu.memref_squeeze %dma_start3A_13 : memref<1x!tpu.dma_semaphore, #tpu.memory_space<semaphore_mem>> -> memref<!tpu.dma_semaphore, #tpu.memory_space<semaphore_mem>>
    tpu.enqueue_indirect_dma source(%dma_start3A_12 : memref<50000x1024xf32, #tpu.memory_space<hbm>>) target(%dma_start3A_6 : memref<32x1024xf32, #tpu.memory_space<vmem>>) offsets(%dma_start3A_9 : memref<32xi32, #tpu.memory_space<vmem>>) semaphore(%dma_start3A_14 : memref<!tpu.dma_semaphore, #tpu.memory_space<semaphore_mem>>)
    %dma_start3A_15 = arith.constant 1 : i32
    %dma_start3A_16 = arith.constant 1 : i32
    %dma_start3A_17 = arith.constant 1 : i32
    %dma_start3A_18 = arith.constant 0 : i32
    %dma_start3A_19 = arith.constant 0 : i32
    %dma_start3A_20 = tpu.memref_slice %arg8[%dma_start3A_16, %dma_start3A_18, %dma_start3A_19] : memref<3x32x1024xf32, #tpu.memory_space<vmem>> -> memref<1x32x1024xf32, #tpu.memory_space<vmem>>
    %dma_start3A_21 = tpu.memref_squeeze %dma_start3A_20 : memref<1x32x1024xf32, #tpu.memory_space<vmem>> -> memref<32x1024xf32, #tpu.memory_space<vmem>>
    %dma_start3A_22 = arith.constant 0 : i32
    %dma_start3A_23 = tpu.memref_slice %arg6[%dma_start3A_15, %dma_start3A_22] : memref<128x32xi32, #tpu.memory_space<vmem>> -> memref<1x32xi32, #tpu.memory_space<vmem>>
    %dma_start3A_24 = tpu.memref_squeeze %dma_start3A_23 : memref<1x32xi32, #tpu.memory_space<vmem>> -> memref<32xi32, #tpu.memory_space<vmem>>
    %dma_start3A_25 = arith.constant 0 : i32
    %dma_start3A_26 = arith.constant 0 : i32
    %dma_start3A_27 = tpu.memref_slice %arg2[%dma_start3A_25, %dma_start3A_26] : memref<50000x1024xf32, #tpu.memory_space<hbm>> -> memref<50000x1024xf32, #tpu.memory_space<hbm>>
    %dma_start3A_28 = tpu.memref_slice %arg10[%dma_start3A_17] : memref<3x!tpu.dma_semaphore, #tpu.memory_space<semaphore_mem>> -> memref<1x!tpu.dma_semaphore, #tpu.memory_space<semaphore_mem>>
    %dma_start3A_29 = tpu.memref_squeeze %dma_start3A_28 : memref<1x!tpu.dma_semaphore, #tpu.memory_space<semaphore_mem>> -> memref<!tpu.dma_semaphore, #tpu.memory_space<semaphore_mem>>
    tpu.enqueue_indirect_dma source(%dma_start3A_27 : memref<50000x1024xf32, #tpu.memory_space<hbm>>) target(%dma_start3A_21 : memref<32x1024xf32, #tpu.memory_space<vmem>>) offsets(%dma_start3A_24 : memref<32xi32, #tpu.memory_space<vmem>>) semaphore(%dma_start3A_29 : memref<!tpu.dma_semaphore, #tpu.memory_space<semaphore_mem>>)
    %dma_start3A_30 = arith.constant 2 : i32
    %dma_start3A_31 = arith.constant 2 : i32
    %dma_start3A_32 = arith.constant 2 : i32
    %dma_start3A_33 = arith.constant 0 : i32
    %dma_start3A_34 = arith.constant 0 : i32
    %dma_start3A_35 = tpu.memref_slice %arg8[%dma_start3A_31, %dma_start3A_33, %dma_start3A_34] : memref<3x32x1024xf32, #tpu.memory_space<vmem>> -> memref<1x32x1024xf32, #tpu.memory_space<vmem>>
    %dma_start3A_36 = tpu.memref_squeeze %dma_start3A_35 : memref<1x32x1024xf32, #tpu.memory_space<vmem>> -> memref<32x1024xf32, #tpu.memory_space<vmem>>
    %dma_start3A_37 = arith.constant 0 : i32
    %dma_start3A_38 = tpu.memref_slice %arg6[%dma_start3A_30, %dma_start3A_37] : memref<128x32xi32, #tpu.memory_space<vmem>> -> memref<1x32xi32, #tpu.memory_space<vmem>>
    %dma_start3A_39 = tpu.memref_squeeze %dma_start3A_38 : memref<1x32xi32, #tpu.memory_space<vmem>> -> memref<32xi32, #tpu.memory_space<vmem>>
    %dma_start3A_40 = arith.constant 0 : i32
    %dma_start3A_41 = arith.constant 0 : i32
    %dma_start3A_42 = tpu.memref_slice %arg2[%dma_start3A_40, %dma_start3A_41] : memref<50000x1024xf32, #tpu.memory_space<hbm>> -> memref<50000x1024xf32, #tpu.memory_space<hbm>>
    %dma_start3A_43 = tpu.memref_slice %arg10[%dma_start3A_32] : memref<3x!tpu.dma_semaphore, #tpu.memory_space<semaphore_mem>> -> memref<1x!tpu.dma_semaphore, #tpu.memory_space<semaphore_mem>>
    %dma_start3A_44 = tpu.memref_squeeze %dma_start3A_43 : memref<1x!tpu.dma_semaphore, #tpu.memory_space<semaphore_mem>> -> memref<!tpu.dma_semaphore, #tpu.memory_space<semaphore_mem>>
    tpu.enqueue_indirect_dma source(%dma_start3A_42 : memref<50000x1024xf32, #tpu.memory_space<hbm>>) target(%dma_start3A_36 : memref<32x1024xf32, #tpu.memory_space<vmem>>) offsets(%dma_start3A_39 : memref<32xi32, #tpu.memory_space<vmem>>) semaphore(%dma_start3A_44 : memref<!tpu.dma_semaphore, #tpu.memory_space<semaphore_mem>>)
    %scan3A = arith.constant 0 : i32
    %scan3A_45 = arith.constant 0 : i32
    %scan3A_46 = arith.constant 42 : i32
    %scan3A_47 = arith.addi %scan3A_45, %scan3A_46 : i32
    %scan3A_48 = arith.constant 1 : i32
    scf.for %scan3A_450 = %scan3A_45 to %scan3A_47 step %scan3A_48  : i32 {
      %mul3A_451 = arith.constant 3 : i32
      %mul3A_452 = arith.muli %mul3A_451, %scan3A_450 : i32
      %add3A_453 = arith.constant 0 : i32
      %add3A_454 = arith.addi %mul3A_452, %add3A_453 : i32
      %dma_wait3A_455 = arith.constant 0 : i32
      %dma_wait3A_456 = arith.constant 0 : i32
      %dma_wait3A_457 = arith.constant 0 : i32
      %dma_wait3A_458 = arith.constant 0 : i32
      %dma_wait3A_459 = arith.constant 0 : i32
      %dma_wait3A_460 = tpu.memref_slice %arg8[%dma_wait3A_456, %dma_wait3A_458, %dma_wait3A_459] : memref<3x32x1024xf32, #tpu.memory_space<vmem>> -> memref<1x32x1024xf32, #tpu.memory_space<vmem>>
      %dma_wait3A_461 = tpu.memref_squeeze %dma_wait3A_460 : memref<1x32x1024xf32, #tpu.memory_space<vmem>> -> memref<32x1024xf32, #tpu.memory_space<vmem>>
      %dma_wait3A_462 = arith.constant 0 : i32
      %dma_wait3A_463 = tpu.memref_slice %arg6[%dma_wait3A_455, %dma_wait3A_462] : memref<128x32xi32, #tpu.memory_space<vmem>> -> memref<1x32xi32, #tpu.memory_space<vmem>>
      %dma_wait3A_464 = tpu.memref_squeeze %dma_wait3A_463 : memref<1x32xi32, #tpu.memory_space<vmem>> -> memref<32xi32, #tpu.memory_space<vmem>>
      %dma_wait3A_465 = arith.constant 0 : i32
      %dma_wait3A_466 = arith.constant 0 : i32
      %dma_wait3A_467 = tpu.memref_slice %arg2[%dma_wait3A_465, %dma_wait3A_466] : memref<50000x1024xf32, #tpu.memory_space<hbm>> -> memref<50000x1024xf32, #tpu.memory_space<hbm>>
      %dma_wait3A_468 = tpu.memref_slice %arg10[%dma_wait3A_457] : memref<3x!tpu.dma_semaphore, #tpu.memory_space<semaphore_mem>> -> memref<1x!tpu.dma_semaphore, #tpu.memory_space<semaphore_mem>>
      %dma_wait3A_469 = tpu.memref_squeeze %dma_wait3A_468 : memref<1x!tpu.dma_semaphore, #tpu.memory_space<semaphore_mem>> -> memref<!tpu.dma_semaphore, #tpu.memory_space<semaphore_mem>>
      tpu.wait_indirect_dma semaphore(%dma_wait3A_469 : memref<!tpu.dma_semaphore, #tpu.memory_space<semaphore_mem>>) src(%dma_wait3A_467 : memref<50000x1024xf32, #tpu.memory_space<hbm>>) dst(%dma_wait3A_461 : memref<32x1024xf32, #tpu.memory_space<vmem>>)
      %broadcast_in_dim3A_470 = arith.constant 0.000000e+00 : f32
      %broadcast_in_dim3A_471 = vector.broadcast %broadcast_in_dim3A_470 : f32 to vector<16xf32>
      %broadcast_in_dim3A_472 = arith.constant 0.000000e+00 : f32
      %broadcast_in_dim3A_473 = vector.broadcast %broadcast_in_dim3A_472 : f32 to vector<16xf32>
      %broadcast_in_dim3A_474 = arith.constant 0.000000e+00 : f32
      %broadcast_in_dim3A_475 = vector.broadcast %broadcast_in_dim3A_474 : f32 to vector<16xf32>
      %broadcast_in_dim3A_476 = arith.constant 0.000000e+00 : f32
      %broadcast_in_dim3A_477 = vector.broadcast %broadcast_in_dim3A_476 : f32 to vector<16xf32>
      %broadcast_in_dim3A_478 = arith.constant 0.000000e+00 : f32
      %broadcast_in_dim3A_479 = vector.broadcast %broadcast_in_dim3A_478 : f32 to vector<16xf32>
      %broadcast_in_dim3A_480 = arith.constant 0.000000e+00 : f32
      %broadcast_in_dim3A_481 = vector.broadcast %broadcast_in_dim3A_480 : f32 to vector<16xf32>
      %broadcast_in_dim3A_482 = arith.constant 0.000000e+00 : f32
      %broadcast_in_dim3A_483 = vector.broadcast %broadcast_in_dim3A_482 : f32 to vector<16xf32>
      %broadcast_in_dim3A_484 = arith.constant 0.000000e+00 : f32
      %broadcast_in_dim3A_485 = vector.broadcast %broadcast_in_dim3A_484 : f32 to vector<16xf32>
      %broadcast_in_dim3A_486 = arith.constant 0.000000e+00 : f32
      %broadcast_in_dim3A_487 = vector.broadcast %broadcast_in_dim3A_486 : f32 to vector<16xf32>
      %broadcast_in_dim3A_488 = arith.constant 0.000000e+00 : f32
      %broadcast_in_dim3A_489 = vector.broadcast %broadcast_in_dim3A_488 : f32 to vector<16xf32>
      %broadcast_in_dim3A_490 = arith.constant 0.000000e+00 : f32
      %broadcast_in_dim3A_491 = vector.broadcast %broadcast_in_dim3A_490 : f32 to vector<16xf32>
      %broadcast_in_dim3A_492 = arith.constant 0.000000e+00 : f32
      %broadcast_in_dim3A_493 = vector.broadcast %broadcast_in_dim3A_492 : f32 to vector<16xf32>
      %broadcast_in_dim3A_494 = arith.constant 0.000000e+00 : f32
      %broadcast_in_dim3A_495 = vector.broadcast %broadcast_in_dim3A_494 : f32 to vector<16xf32>
      %broadcast_in_dim3A_496 = arith.constant 0.000000e+00 : f32
      %broadcast_in_dim3A_497 = vector.broadcast %broadcast_in_dim3A_496 : f32 to vector<16xf32>
      %broadcast_in_dim3A_498 = arith.constant 0.000000e+00 : f32
      %broadcast_in_dim3A_499 = vector.broadcast %broadcast_in_dim3A_498 : f32 to vector<16xf32>
      %broadcast_in_dim3A_500 = arith.constant 0.000000e+00 : f32
      %broadcast_in_dim3A_501 = vector.broadcast %broadcast_in_dim3A_500 : f32 to vector<16xf32>
      %scan3A_502 = arith.constant 0 : i32
      %scan3A_503 = arith.constant 0 : i32
      %scan3A_504 = arith.constant 64 : i32
      %scan3A_505 = arith.addi %scan3A_503, %scan3A_504 : i32
      %scan3A_506 = arith.constant 1 : i32
      %scan3A_507:16 = scf.for %scan3A_1093 = %scan3A_503 to %scan3A_505 step %scan3A_506 iter_args(%scan3A_1094 = %broadcast_in_dim3A_471, %scan3A_1095 = %broadcast_in_dim3A_473, %scan3A_1096 = %broadcast_in_dim3A_475, %scan3A_1097 = %broadcast_in_dim3A_477, %scan3A_1098 = %broadcast_in_dim3A_479, %scan3A_1099 = %broadcast_in_dim3A_481, %scan3A_1100 = %broadcast_in_dim3A_483, %scan3A_1101 = %broadcast_in_dim3A_485, %scan3A_1102 = %broadcast_in_dim3A_487, %scan3A_1103 = %broadcast_in_dim3A_489, %scan3A_1104 = %broadcast_in_dim3A_491, %scan3A_1105 = %broadcast_in_dim3A_493, %scan3A_1106 = %broadcast_in_dim3A_495, %scan3A_1107 = %broadcast_in_dim3A_497, %scan3A_1108 = %broadcast_in_dim3A_499, %scan3A_1109 = %broadcast_in_dim3A_501) -> (vector<16xf32>, vector<16xf32>, vector<16xf32>, vector<16xf32>, vector<16xf32>, vector<16xf32>, vector<16xf32>, vector<16xf32>, vector<16xf32>, vector<16xf32>, vector<16xf32>, vector<16xf32>, vector<16xf32>, vector<16xf32>, vector<16xf32>, vector<16xf32>)  : i32 {
        %mul3A_1110 = arith.constant 16 : i32
        %mul3A_1111 = arith.muli %scan3A_1093, %mul3A_1110 : i32
        %get3A = arith.index_cast %mul3A_1111 : i32 to index
        %get3A_1112 = tpu.vector_load %arg7[%get3A] {strides = array<i32>} : memref<1024xf32, #tpu.memory_space<vmem>>, vector<16xf32>,
        %mul3A_1113 = arith.constant 16 : i32
        %mul3A_1114 = arith.muli %scan3A_1093, %mul3A_1113 : i32
        %get3A_1115 = arith.constant 0 : i32
        %get3A_1116 = arith.constant 0 : i32
        %get3A_1117 = arith.constant 0 : i32
        %get3A_1118 = tpu.memref_slice %arg8[%scan3A_502, %get3A_1116, %get3A_1117] : memref<3x32x1024xf32, #tpu.memory_space<vmem>> -> memref<1x32x1024xf32, #tpu.memory_space<vmem>>
        %get3A_1119 = tpu.memref_squeeze %get3A_1118 : memref<1x32x1024xf32, #tpu.memory_space<vmem>> -> memref<32x1024xf32, #tpu.memory_space<vmem>>
        %get3A_1120 = arith.index_cast %get3A_1115 : i32 to index
        %get3A_1121 = arith.index_cast %mul3A_1114 : i32 to index
        %get3A_1122 = tpu.vector_load %get3A_1119[%get3A_1120, %get3A_1121] {strides = array<i32>} : memref<32x1024xf32, #tpu.memory_space<vmem>>, vector<16xf32>,
        %mul3A_1123 = arith.mulf %get3A_1122, %get3A_1112 : vector<16xf32>
        %mul3A_1124 = arith.constant 16 : i32
        %mul3A_1125 = arith.muli %scan3A_1093, %mul3A_1124 : i32
        %get3A_1126 = arith.constant 16 : i32
        %get3A_1127 = arith.constant 0 : i32
        %get3A_1128 = arith.constant 0 : i32
        %get3A_1129 = tpu.memref_slice %arg8[%scan3A_502, %get3A_1127, %get3A_1128] : memref<3x32x1024xf32, #tpu.memory_space<vmem>> -> memref<1x32x1024xf32, #tpu.memory_space<vmem>>
        %get3A_1130 = tpu.memref_squeeze %get3A_1129 : memref<1x32x1024xf32, #tpu.memory_space<vmem>> -> memref<32x1024xf32, #tpu.memory_space<vmem>>
        %get3A_1131 = arith.index_cast %get3A_1126 : i32 to index
        %get3A_1132 = arith.index_cast %mul3A_1125 : i32 to index
        %get3A_1133 = tpu.vector_load %get3A_1130[%get3A_1131, %get3A_1132] {strides = array<i32>} : memref<32x1024xf32, #tpu.memory_space<vmem>>, vector<16xf32>,
        %mul3A_1134 = arith.mulf %mul3A_1123, %get3A_1133 : vector<16xf32>
        %add3A_1135 = arith.addf %scan3A_1094, %mul3A_1134 : vector<16xf32>
        %mul3A_1136 = arith.constant 16 : i32
        %mul3A_1137 = arith.muli %scan3A_1093, %mul3A_1136 : i32
        %get3A_1138 = arith.constant 1 : i32
        %get3A_1139 = arith.constant 0 : i32
        %get3A_1140 = arith.constant 0 : i32
        %get3A_1141 = tpu.memref_slice %arg8[%scan3A_502, %get3A_1139, %get3A_1140] : memref<3x32x1024xf32, #tpu.memory_space<vmem>> -> memref<1x32x1024xf32, #tpu.memory_space<vmem>>
        %get3A_1142 = tpu.memref_squeeze %get3A_1141 : memref<1x32x1024xf32, #tpu.memory_space<vmem>> -> memref<32x1024xf32, #tpu.memory_space<vmem>>
        %get3A_1143 = arith.index_cast %get3A_1138 : i32 to index
        %get3A_1144 = arith.index_cast %mul3A_1137 : i32 to index
        %get3A_1145 = tpu.vector_load %get3A_1142[%get3A_1143, %get3A_1144] {strides = array<i32>} : memref<32x1024xf32, #tpu.memory_space<vmem>>, vector<16xf32>,
        %mul3A_1146 = arith.mulf %get3A_1145, %get3A_1112 : vector<16xf32>
        %mul3A_1147 = arith.constant 16 : i32
        %mul3A_1148 = arith.muli %scan3A_1093, %mul3A_1147 : i32
        %get3A_1149 = arith.constant 17 : i32
        %get3A_1150 = arith.constant 0 : i32
        %get3A_1151 = arith.constant 0 : i32
        %get3A_1152 = tpu.memref_slice %arg8[%scan3A_502, %get3A_1150, %get3A_1151] : memref<3x32x1024xf32, #tpu.memory_space<vmem>> -> memref<1x32x1024xf32, #tpu.memory_space<vmem>>
        %get3A_1153 = tpu.memref_squeeze %get3A_1152 : memref<1x32x1024xf32, #tpu.memory_space<vmem>> -> memref<32x1024xf32, #tpu.memory_space<vmem>>
        %get3A_1154 = arith.index_cast %get3A_1149 : i32 to index
        %get3A_1155 = arith.index_cast %mul3A_1148 : i32 to index
        %get3A_1156 = tpu.vector_load %get3A_1153[%get3A_1154, %get3A_1155] {strides = array<i32>} : memref<32x1024xf32, #tpu.memory_space<vmem>>, vector<16xf32>,
        %mul3A_1157 = arith.mulf %mul3A_1146, %get3A_1156 : vector<16xf32>
        %add3A_1158 = arith.addf %scan3A_1095, %mul3A_1157 : vector<16xf32>
        %mul3A_1159 = arith.constant 16 : i32
        %mul3A_1160 = arith.muli %scan3A_1093, %mul3A_1159 : i32
        %get3A_1161 = arith.constant 2 : i32
        %get3A_1162 = arith.constant 0 : i32
        %get3A_1163 = arith.constant 0 : i32
        %get3A_1164 = tpu.memref_slice %arg8[%scan3A_502, %get3A_1162, %get3A_1163] : memref<3x32x1024xf32, #tpu.memory_space<vmem>> -> memref<1x32x1024xf32, #tpu.memory_space<vmem>>
        %get3A_1165 = tpu.memref_squeeze %get3A_1164 : memref<1x32x1024xf32, #tpu.memory_space<vmem>> -> memref<32x1024xf32, #tpu.memory_space<vmem>>
        %get3A_1166 = arith.index_cast %get3A_1161 : i32 to index
        %get3A_1167 = arith.index_cast %mul3A_1160 : i32 to index
        %get3A_1168 = tpu.vector_load %get3A_1165[%get3A_1166, %get3A_1167] {strides = array<i32>} : memref<32x1024xf32, #tpu.memory_space<vmem>>, vector<16xf32>,
        %mul3A_1169 = arith.mulf %get3A_1168, %get3A_1112 : vector<16xf32>
        %mul3A_1170 = arith.constant 16 : i32
        %mul3A_1171 = arith.muli %scan3A_1093, %mul3A_1170 : i32
        %get3A_1172 = arith.constant 18 : i32
        %get3A_1173 = arith.constant 0 : i32
        %get3A_1174 = arith.constant 0 : i32
        %get3A_1175 = tpu.memref_slice %arg8[%scan3A_502, %get3A_1173, %get3A_1174] : memref<3x32x1024xf32, #tpu.memory_space<vmem>> -> memref<1x32x1024xf32, #tpu.memory_space<vmem>>
        %get3A_1176 = tpu.memref_squeeze %get3A_1175 : memref<1x32x1024xf32, #tpu.memory_space<vmem>> -> memref<32x1024xf32, #tpu.memory_space<vmem>>
        %get3A_1177 = arith.index_cast %get3A_1172 : i32 to index
        %get3A_1178 = arith.index_cast %mul3A_1171 : i32 to index
        %get3A_1179 = tpu.vector_load %get3A_1176[%get3A_1177, %get3A_1178] {strides = array<i32>} : memref<32x1024xf32, #tpu.memory_space<vmem>>, vector<16xf32>,
        %mul3A_1180 = arith.mulf %mul3A_1169, %get3A_1179 : vector<16xf32>
        %add3A_1181 = arith.addf %scan3A_1096, %mul3A_1180 : vector<16xf32>
        %mul3A_1182 = arith.constant 16 : i32
        %mul3A_1183 = arith.muli %scan3A_1093, %mul3A_1182 : i32
        %get3A_1184 = arith.constant 3 : i32
        %get3A_1185 = arith.constant 0 : i32
        %get3A_1186 = arith.constant 0 : i32
        %get3A_1187 = tpu.memref_slice %arg8[%scan3A_502, %get3A_1185, %get3A_1186] : memref<3x32x1024xf32, #tpu.memory_space<vmem>> -> memref<1x32x1024xf32, #tpu.memory_space<vmem>>
        %get3A_1188 = tpu.memref_squeeze %get3A_1187 : memref<1x32x1024xf32, #tpu.memory_space<vmem>> -> memref<32x1024xf32, #tpu.memory_space<vmem>>
        %get3A_1189 = arith.index_cast %get3A_1184 : i32 to index
        %get3A_1190 = arith.index_cast %mul3A_1183 : i32 to index
        %get3A_1191 = tpu.vector_load %get3A_1188[%get3A_1189, %get3A_1190] {strides = array<i32>} : memref<32x1024xf32, #tpu.memory_space<vmem>>, vector<16xf32>,
        %mul3A_1192 = arith.mulf %get3A_1191, %get3A_1112 : vector<16xf32>
        %mul3A_1193 = arith.constant 16 : i32
        %mul3A_1194 = arith.muli %scan3A_1093, %mul3A_1193 : i32
        %get3A_1195 = arith.constant 19 : i32
        %get3A_1196 = arith.constant 0 : i32
        %get3A_1197 = arith.constant 0 : i32
        %get3A_1198 = tpu.memref_slice %arg8[%scan3A_502, %get3A_1196, %get3A_1197] : memref<3x32x1024xf32, #tpu.memory_space<vmem>> -> memref<1x32x1024xf32, #tpu.memory_space<vmem>>
        %get3A_1199 = tpu.memref_squeeze %get3A_1198 : memref<1x32x1024xf32, #tpu.memory_space<vmem>> -> memref<32x1024xf32, #tpu.memory_space<vmem>>
        %get3A_1200 = arith.index_cast %get3A_1195 : i32 to index
        %get3A_1201 = arith.index_cast %mul3A_1194 : i32 to index
        %get3A_1202 = tpu.vector_load %get3A_1199[%get3A_1200, %get3A_1201] {strides = array<i32>} : memref<32x1024xf32, #tpu.memory_space<vmem>>, vector<16xf32>,
        %mul3A_1203 = arith.mulf %mul3A_1192, %get3A_1202 : vector<16xf32>
        %add3A_1204 = arith.addf %scan3A_1097, %mul3A_1203 : vector<16xf32>
        %mul3A_1205 = arith.constant 16 : i32
        %mul3A_1206 = arith.muli %scan3A_1093, %mul3A_1205 : i32
        %get3A_1207 = arith.constant 4 : i32
        %get3A_1208 = arith.constant 0 : i32
        %get3A_1209 = arith.constant 0 : i32
        %get3A_1210 = tpu.memref_slice %arg8[%scan3A_502, %get3A_1208, %get3A_1209] : memref<3x32x1024xf32, #tpu.memory_space<vmem>> -> memref<1x32x1024xf32, #tpu.memory_space<vmem>>
        %get3A_1211 = tpu.memref_squeeze %get3A_1210 : memref<1x32x1024xf32, #tpu.memory_space<vmem>> -> memref<32x1024xf32, #tpu.memory_space<vmem>>
        %get3A_1212 = arith.index_cast %get3A_1207 : i32 to index
        %get3A_1213 = arith.index_cast %mul3A_1206 : i32 to index
        %get3A_1214 = tpu.vector_load %get3A_1211[%get3A_1212, %get3A_1213] {strides = array<i32>} : memref<32x1024xf32, #tpu.memory_space<vmem>>, vector<16xf32>,
        %mul3A_1215 = arith.mulf %get3A_1214, %get3A_1112 : vector<16xf32>
        %mul3A_1216 = arith.constant 16 : i32
        %mul3A_1217 = arith.muli %scan3A_1093, %mul3A_1216 : i32
        %get3A_1218 = arith.constant 20 : i32
        %get3A_1219 = arith.constant 0 : i32
        %get3A_1220 = arith.constant 0 : i32
        %get3A_1221 = tpu.memref_slice %arg8[%scan3A_502, %get3A_1219, %get3A_1220] : memref<3x32x1024xf32, #tpu.memory_space<vmem>> -> memref<1x32x1024xf32, #tpu.memory_space<vmem>>
        %get3A_1222 = tpu.memref_squeeze %get3A_1221 : memref<1x32x1024xf32, #tpu.memory_space<vmem>> -> memref<32x1024xf32, #tpu.memory_space<vmem>>
        %get3A_1223 = arith.index_cast %get3A_1218 : i32 to index
        %get3A_1224 = arith.index_cast %mul3A_1217 : i32 to index
        %get3A_1225 = tpu.vector_load %get3A_1222[%get3A_1223, %get3A_1224] {strides = array<i32>} : memref<32x1024xf32, #tpu.memory_space<vmem>>, vector<16xf32>,
        %mul3A_1226 = arith.mulf %mul3A_1215, %get3A_1225 : vector<16xf32>
        %add3A_1227 = arith.addf %scan3A_1098, %mul3A_1226 : vector<16xf32>
        %mul3A_1228 = arith.constant 16 : i32
        %mul3A_1229 = arith.muli %scan3A_1093, %mul3A_1228 : i32
        %get3A_1230 = arith.constant 5 : i32
        %get3A_1231 = arith.constant 0 : i32
        %get3A_1232 = arith.constant 0 : i32
        %get3A_1233 = tpu.memref_slice %arg8[%scan3A_502, %get3A_1231, %get3A_1232] : memref<3x32x1024xf32, #tpu.memory_space<vmem>> -> memref<1x32x1024xf32, #tpu.memory_space<vmem>>
        %get3A_1234 = tpu.memref_squeeze %get3A_1233 : memref<1x32x1024xf32, #tpu.memory_space<vmem>> -> memref<32x1024xf32, #tpu.memory_space<vmem>>
        %get3A_1235 = arith.index_cast %get3A_1230 : i32 to index
        %get3A_1236 = arith.index_cast %mul3A_1229 : i32 to index
        %get3A_1237 = tpu.vector_load %get3A_1234[%get3A_1235, %get3A_1236] {strides = array<i32>} : memref<32x1024xf32, #tpu.memory_space<vmem>>, vector<16xf32>,
        %mul3A_1238 = arith.mulf %get3A_1237, %get3A_1112 : vector<16xf32>
        %mul3A_1239 = arith.constant 16 : i32
        %mul3A_1240 = arith.muli %scan3A_1093, %mul3A_1239 : i32
        %get3A_1241 = arith.constant 21 : i32
        %get3A_1242 = arith.constant 0 : i32
        %get3A_1243 = arith.constant 0 : i32
        %get3A_1244 = tpu.memref_slice %arg8[%scan3A_502, %get3A_1242, %get3A_1243] : memref<3x32x1024xf32, #tpu.memory_space<vmem>> -> memref<1x32x1024xf32, #tpu.memory_space<vmem>>
        %get3A_1245 = tpu.memref_squeeze %get3A_1244 : memref<1x32x1024xf32, #tpu.memory_space<vmem>> -> memref<32x1024xf32, #tpu.memory_space<vmem>>
        %get3A_1246 = arith.index_cast %get3A_1241 : i32 to index
        %get3A_1247 = arith.index_cast %mul3A_1240 : i32 to index
        %get3A_1248 = tpu.vector_load %get3A_1245[%get3A_1246, %get3A_1247] {strides = array<i32>} : memref<32x1024xf32, #tpu.memory_space<vmem>>, vector<16xf32>,
        %mul3A_1249 = arith.mulf %mul3A_1238, %get3A_1248 : vector<16xf32>
        %add3A_1250 = arith.addf %scan3A_1099, %mul3A_1249 : vector<16xf32>
        %mul3A_1251 = arith.constant 16 : i32
        %mul3A_1252 = arith.muli %scan3A_1093, %mul3A_1251 : i32
        %get3A_1253 = arith.constant 6 : i32
        %get3A_1254 = arith.constant 0 : i32
        %get3A_1255 = arith.constant 0 : i32
        %get3A_1256 = tpu.memref_slice %arg8[%scan3A_502, %get3A_1254, %get3A_1255] : memref<3x32x1024xf32, #tpu.memory_space<vmem>> -> memref<1x32x1024xf32, #tpu.memory_space<vmem>>
        %get3A_1257 = tpu.memref_squeeze %get3A_1256 : memref<1x32x1024xf32, #tpu.memory_space<vmem>> -> memref<32x1024xf32, #tpu.memory_space<vmem>>
        %get3A_1258 = arith.index_cast %get3A_1253 : i32 to index
        %get3A_1259 = arith.index_cast %mul3A_1252 : i32 to index
        %get3A_1260 = tpu.vector_load %get3A_1257[%get3A_1258, %get3A_1259] {strides = array<i32>} : memref<32x1024xf32, #tpu.memory_space<vmem>>, vector<16xf32>,
        %mul3A_1261 = arith.mulf %get3A_1260, %get3A_1112 : vector<16xf32>
        %mul3A_1262 = arith.constant 16 : i32
        %mul3A_1263 = arith.muli %scan3A_1093, %mul3A_1262 : i32
        %get3A_1264 = arith.constant 22 : i32
        %get3A_1265 = arith.constant 0 : i32
        %get3A_1266 = arith.constant 0 : i32
        %get3A_1267 = tpu.memref_slice %arg8[%scan3A_502, %get3A_1265, %get3A_1266] : memref<3x32x1024xf32, #tpu.memory_space<vmem>> -> memref<1x32x1024xf32, #tpu.memory_space<vmem>>
        %get3A_1268 = tpu.memref_squeeze %get3A_1267 : memref<1x32x1024xf32, #tpu.memory_space<vmem>> -> memref<32x1024xf32, #tpu.memory_space<vmem>>
        %get3A_1269 = arith.index_cast %get3A_1264 : i32 to index
        %get3A_1270 = arith.index_cast %mul3A_1263 : i32 to index
        %get3A_1271 = tpu.vector_load %get3A_1268[%get3A_1269, %get3A_1270] {strides = array<i32>} : memref<32x1024xf32, #tpu.memory_space<vmem>>, vector<16xf32>,
        %mul3A_1272 = arith.mulf %mul3A_1261, %get3A_1271 : vector<16xf32>
        %add3A_1273 = arith.addf %scan3A_1100, %mul3A_1272 : vector<16xf32>
        %mul3A_1274 = arith.constant 16 : i32
        %mul3A_1275 = arith.muli %scan3A_1093, %mul3A_1274 : i32
        %get3A_1276 = arith.constant 7 : i32
        %get3A_1277 = arith.constant 0 : i32
        %get3A_1278 = arith.constant 0 : i32
        %get3A_1279 = tpu.memref_slice %arg8[%scan3A_502, %get3A_1277, %get3A_1278] : memref<3x32x1024xf32, #tpu.memory_space<vmem>> -> memref<1x32x1024xf32, #tpu.memory_space<vmem>>
        %get3A_1280 = tpu.memref_squeeze %get3A_1279 : memref<1x32x1024xf32, #tpu.memory_space<vmem>> -> memref<32x1024xf32, #tpu.memory_space<vmem>>
        %get3A_1281 = arith.index_cast %get3A_1276 : i32 to index
        %get3A_1282 = arith.index_cast %mul3A_1275 : i32 to index
        %get3A_1283 = tpu.vector_load %get3A_1280[%get3A_1281, %get3A_1282] {strides = array<i32>} : memref<32x1024xf32, #tpu.memory_space<vmem>>, vector<16xf32>,
        %mul3A_1284 = arith.mulf %get3A_1283, %get3A_1112 : vector<16xf32>
        %mul3A_1285 = arith.constant 16 : i32
        %mul3A_1286 = arith.muli %scan3A_1093, %mul3A_1285 : i32
        %get3A_1287 = arith.constant 23 : i32
        %get3A_1288 = arith.constant 0 : i32
        %get3A_1289 = arith.constant 0 : i32
        %get3A_1290 = tpu.memref_slice %arg8[%scan3A_502, %get3A_1288, %get3A_1289] : memref<3x32x1024xf32, #tpu.memory_space<vmem>> -> memref<1x32x1024xf32, #tpu.memory_space<vmem>>
        %get3A_1291 = tpu.memref_squeeze %get3A_1290 : memref<1x32x1024xf32, #tpu.memory_space<vmem>> -> memref<32x1024xf32, #tpu.memory_space<vmem>>
        %get3A_1292 = arith.index_cast %get3A_1287 : i32 to index
        %get3A_1293 = arith.index_cast %mul3A_1286 : i32 to index
        %get3A_1294 = tpu.vector_load %get3A_1291[%get3A_1292, %get3A_1293] {strides = array<i32>} : memref<32x1024xf32, #tpu.memory_space<vmem>>, vector<16xf32>,
        %mul3A_1295 = arith.mulf %mul3A_1284, %get3A_1294 : vector<16xf32>
        %add3A_1296 = arith.addf %scan3A_1101, %mul3A_1295 : vector<16xf32>
        %mul3A_1297 = arith.constant 16 : i32
        %mul3A_1298 = arith.muli %scan3A_1093, %mul3A_1297 : i32
        %get3A_1299 = arith.constant 8 : i32
        %get3A_1300 = arith.constant 0 : i32
        %get3A_1301 = arith.constant 0 : i32
        %get3A_1302 = tpu.memref_slice %arg8[%scan3A_502, %get3A_1300, %get3A_1301] : memref<3x32x1024xf32, #tpu.memory_space<vmem>> -> memref<1x32x1024xf32, #tpu.memory_space<vmem>>
        %get3A_1303 = tpu.memref_squeeze %get3A_1302 : memref<1x32x1024xf32, #tpu.memory_space<vmem>> -> memref<32x1024xf32, #tpu.memory_space<vmem>>
        %get3A_1304 = arith.index_cast %get3A_1299 : i32 to index
        %get3A_1305 = arith.index_cast %mul3A_1298 : i32 to index
        %get3A_1306 = tpu.vector_load %get3A_1303[%get3A_1304, %get3A_1305] {strides = array<i32>} : memref<32x1024xf32, #tpu.memory_space<vmem>>, vector<16xf32>,
        %mul3A_1307 = arith.mulf %get3A_1306, %get3A_1112 : vector<16xf32>
        %mul3A_1308 = arith.constant 16 : i32
        %mul3A_1309 = arith.muli %scan3A_1093, %mul3A_1308 : i32
        %get3A_1310 = arith.constant 24 : i32
        %get3A_1311 = arith.constant 0 : i32
        %get3A_1312 = arith.constant 0 : i32
        %get3A_1313 = tpu.memref_slice %arg8[%scan3A_502, %get3A_1311, %get3A_1312] : memref<3x32x1024xf32, #tpu.memory_space<vmem>> -> memref<1x32x1024xf32, #tpu.memory_space<vmem>>
        %get3A_1314 = tpu.memref_squeeze %get3A_1313 : memref<1x32x1024xf32, #tpu.memory_space<vmem>> -> memref<32x1024xf32, #tpu.memory_space<vmem>>
        %get3A_1315 = arith.index_cast %get3A_1310 : i32 to index
        %get3A_1316 = arith.index_cast %mul3A_1309 : i32 to index
        %get3A_1317 = tpu.vector_load %get3A_1314[%get3A_1315, %get3A_1316] {strides = array<i32>} : memref<32x1024xf32, #tpu.memory_space<vmem>>, vector<16xf32>,
        %mul3A_1318 = arith.mulf %mul3A_1307, %get3A_1317 : vector<16xf32>
        %add3A_1319 = arith.addf %scan3A_1102, %mul3A_1318 : vector<16xf32>
        %mul3A_1320 = arith.constant 16 : i32
        %mul3A_1321 = arith.muli %scan3A_1093, %mul3A_1320 : i32
        %get3A_1322 = arith.constant 9 : i32
        %get3A_1323 = arith.constant 0 : i32
        %get3A_1324 = arith.constant 0 : i32
        %get3A_1325 = tpu.memref_slice %arg8[%scan3A_502, %get3A_1323, %get3A_1324] : memref<3x32x1024xf32, #tpu.memory_space<vmem>> -> memref<1x32x1024xf32, #tpu.memory_space<vmem>>
        %get3A_1326 = tpu.memref_squeeze %get3A_1325 : memref<1x32x1024xf32, #tpu.memory_space<vmem>> -> memref<32x1024xf32, #tpu.memory_space<vmem>>
        %get3A_1327 = arith.index_cast %get3A_1322 : i32 to index
        %get3A_1328 = arith.index_cast %mul3A_1321 : i32 to index
        %get3A_1329 = tpu.vector_load %get3A_1326[%get3A_1327, %get3A_1328] {strides = array<i32>} : memref<32x1024xf32, #tpu.memory_space<vmem>>, vector<16xf32>,
        %mul3A_1330 = arith.mulf %get3A_1329, %get3A_1112 : vector<16xf32>
        %mul3A_1331 = arith.constant 16 : i32
        %mul3A_1332 = arith.muli %scan3A_1093, %mul3A_1331 : i32
        %get3A_1333 = arith.constant 25 : i32
        %get3A_1334 = arith.constant 0 : i32
        %get3A_1335 = arith.constant 0 : i32
        %get3A_1336 = tpu.memref_slice %arg8[%scan3A_502, %get3A_1334, %get3A_1335] : memref<3x32x1024xf32, #tpu.memory_space<vmem>> -> memref<1x32x1024xf32, #tpu.memory_space<vmem>>
        %get3A_1337 = tpu.memref_squeeze %get3A_1336 : memref<1x32x1024xf32, #tpu.memory_space<vmem>> -> memref<32x1024xf32, #tpu.memory_space<vmem>>
        %get3A_1338 = arith.index_cast %get3A_1333 : i32 to index
        %get3A_1339 = arith.index_cast %mul3A_1332 : i32 to index
        %get3A_1340 = tpu.vector_load %get3A_1337[%get3A_1338, %get3A_1339] {strides = array<i32>} : memref<32x1024xf32, #tpu.memory_space<vmem>>, vector<16xf32>,
        %mul3A_1341 = arith.mulf %mul3A_1330, %get3A_1340 : vector<16xf32>
        %add3A_1342 = arith.addf %scan3A_1103, %mul3A_1341 : vector<16xf32>
        %mul3A_1343 = arith.constant 16 : i32
        %mul3A_1344 = arith.muli %scan3A_1093, %mul3A_1343 : i32
        %get3A_1345 = arith.constant 10 : i32
        %get3A_1346 = arith.constant 0 : i32
        %get3A_1347 = arith.constant 0 : i32
        %get3A_1348 = tpu.memref_slice %arg8[%scan3A_502, %get3A_1346, %get3A_1347] : memref<3x32x1024xf32, #tpu.memory_space<vmem>> -> memref<1x32x1024xf32, #tpu.memory_space<vmem>>
        %get3A_1349 = tpu.memref_squeeze %get3A_1348 : memref<1x32x1024xf32, #tpu.memory_space<vmem>> -> memref<32x1024xf32, #tpu.memory_space<vmem>>
        %get3A_1350 = arith.index_cast %get3A_1345 : i32 to index
        %get3A_1351 = arith.index_cast %mul3A_1344 : i32 to index
        %get3A_1352 = tpu.vector_load %get3A_1349[%get3A_1350, %get3A_1351] {strides = array<i32>} : memref<32x1024xf32, #tpu.memory_space<vmem>>, vector<16xf32>,
        %mul3A_1353 = arith.mulf %get3A_1352, %get3A_1112 : vector<16xf32>
        %mul3A_1354 = arith.constant 16 : i32
        %mul3A_1355 = arith.muli %scan3A_1093, %mul3A_1354 : i32
        %get3A_1356 = arith.constant 26 : i32
        %get3A_1357 = arith.constant 0 : i32
        %get3A_1358 = arith.constant 0 : i32
        %get3A_1359 = tpu.memref_slice %arg8[%scan3A_502, %get3A_1357, %get3A_1358] : memref<3x32x1024xf32, #tpu.memory_space<vmem>> -> memref<1x32x1024xf32, #tpu.memory_space<vmem>>
        %get3A_1360 = tpu.memref_squeeze %get3A_1359 : memref<1x32x1024xf32, #tpu.memory_space<vmem>> -> memref<32x1024xf32, #tpu.memory_space<vmem>>
        %get3A_1361 = arith.index_cast %get3A_1356 : i32 to index
        %get3A_1362 = arith.index_cast %mul3A_1355 : i32 to index
        %get3A_1363 = tpu.vector_load %get3A_1360[%get3A_1361, %get3A_1362] {strides = array<i32>} : memref<32x1024xf32, #tpu.memory_space<vmem>>, vector<16xf32>,
        %mul3A_1364 = arith.mulf %mul3A_1353, %get3A_1363 : vector<16xf32>
        %add3A_1365 = arith.addf %scan3A_1104, %mul3A_1364 : vector<16xf32>
        %mul3A_1366 = arith.constant 16 : i32
        %mul3A_1367 = arith.muli %scan3A_1093, %mul3A_1366 : i32
        %get3A_1368 = arith.constant 11 : i32
        %get3A_1369 = arith.constant 0 : i32
        %get3A_1370 = arith.constant 0 : i32
        %get3A_1371 = tpu.memref_slice %arg8[%scan3A_502, %get3A_1369, %get3A_1370] : memref<3x32x1024xf32, #tpu.memory_space<vmem>> -> memref<1x32x1024xf32, #tpu.memory_space<vmem>>
        %get3A_1372 = tpu.memref_squeeze %get3A_1371 : memref<1x32x1024xf32, #tpu.memory_space<vmem>> -> memref<32x1024xf32, #tpu.memory_space<vmem>>
        %get3A_1373 = arith.index_cast %get3A_1368 : i32 to index
        %get3A_1374 = arith.index_cast %mul3A_1367 : i32 to index
        %get3A_1375 = tpu.vector_load %get3A_1372[%get3A_1373, %get3A_1374] {strides = array<i32>} : memref<32x1024xf32, #tpu.memory_space<vmem>>, vector<16xf32>,
        %mul3A_1376 = arith.mulf %get3A_1375, %get3A_1112 : vector<16xf32>
        %mul3A_1377 = arith.constant 16 : i32
        %mul3A_1378 = arith.muli %scan3A_1093, %mul3A_1377 : i32
        %get3A_1379 = arith.constant 27 : i32
        %get3A_1380 = arith.constant 0 : i32
        %get3A_1381 = arith.constant 0 : i32
        %get3A_1382 = tpu.memref_slice %arg8[%scan3A_502, %get3A_1380, %get3A_1381] : memref<3x32x1024xf32, #tpu.memory_space<vmem>> -> memref<1x32x1024xf32, #tpu.memory_space<vmem>>
        %get3A_1383 = tpu.memref_squeeze %get3A_1382 : memref<1x32x1024xf32, #tpu.memory_space<vmem>> -> memref<32x1024xf32, #tpu.memory_space<vmem>>
        %get3A_1384 = arith.index_cast %get3A_1379 : i32 to index
        %get3A_1385 = arith.index_cast %mul3A_1378 : i32 to index
        %get3A_1386 = tpu.vector_load %get3A_1383[%get3A_1384, %get3A_1385] {strides = array<i32>} : memref<32x1024xf32, #tpu.memory_space<vmem>>, vector<16xf32>,
        %mul3A_1387 = arith.mulf %mul3A_1376, %get3A_1386 : vector<16xf32>
        %add3A_1388 = arith.addf %scan3A_1105, %mul3A_1387 : vector<16xf32>
        %mul3A_1389 = arith.constant 16 : i32
        %mul3A_1390 = arith.muli %scan3A_1093, %mul3A_1389 : i32
        %get3A_1391 = arith.constant 12 : i32
        %get3A_1392 = arith.constant 0 : i32
        %get3A_1393 = arith.constant 0 : i32
        %get3A_1394 = tpu.memref_slice %arg8[%scan3A_502, %get3A_1392, %get3A_1393] : memref<3x32x1024xf32, #tpu.memory_space<vmem>> -> memref<1x32x1024xf32, #tpu.memory_space<vmem>>
        %get3A_1395 = tpu.memref_squeeze %get3A_1394 : memref<1x32x1024xf32, #tpu.memory_space<vmem>> -> memref<32x1024xf32, #tpu.memory_space<vmem>>
        %get3A_1396 = arith.index_cast %get3A_1391 : i32 to index
        %get3A_1397 = arith.index_cast %mul3A_1390 : i32 to index
        %get3A_1398 = tpu.vector_load %get3A_1395[%get3A_1396, %get3A_1397] {strides = array<i32>} : memref<32x1024xf32, #tpu.memory_space<vmem>>, vector<16xf32>,
        %mul3A_1399 = arith.mulf %get3A_1398, %get3A_1112 : vector<16xf32>
        %mul3A_1400 = arith.constant 16 : i32
        %mul3A_1401 = arith.muli %scan3A_1093, %mul3A_1400 : i32
        %get3A_1402 = arith.constant 28 : i32
        %get3A_1403 = arith.constant 0 : i32
        %get3A_1404 = arith.constant 0 : i32
        %get3A_1405 = tpu.memref_slice %arg8[%scan3A_502, %get3A_1403, %get3A_1404] : memref<3x32x1024xf32, #tpu.memory_space<vmem>> -> memref<1x32x1024xf32, #tpu.memory_space<vmem>>
        %get3A_1406 = tpu.memref_squeeze %get3A_1405 : memref<1x32x1024xf32, #tpu.memory_space<vmem>> -> memref<32x1024xf32, #tpu.memory_space<vmem>>
        %get3A_1407 = arith.index_cast %get3A_1402 : i32 to index
        %get3A_1408 = arith.index_cast %mul3A_1401 : i32 to index
        %get3A_1409 = tpu.vector_load %get3A_1406[%get3A_1407, %get3A_1408] {strides = array<i32>} : memref<32x1024xf32, #tpu.memory_space<vmem>>, vector<16xf32>,
        %mul3A_1410 = arith.mulf %mul3A_1399, %get3A_1409 : vector<16xf32>
        %add3A_1411 = arith.addf %scan3A_1106, %mul3A_1410 : vector<16xf32>
        %mul3A_1412 = arith.constant 16 : i32
        %mul3A_1413 = arith.muli %scan3A_1093, %mul3A_1412 : i32
        %get3A_1414 = arith.constant 13 : i32
        %get3A_1415 = arith.constant 0 : i32
        %get3A_1416 = arith.constant 0 : i32
        %get3A_1417 = tpu.memref_slice %arg8[%scan3A_502, %get3A_1415, %get3A_1416] : memref<3x32x1024xf32, #tpu.memory_space<vmem>> -> memref<1x32x1024xf32, #tpu.memory_space<vmem>>
        %get3A_1418 = tpu.memref_squeeze %get3A_1417 : memref<1x32x1024xf32, #tpu.memory_space<vmem>> -> memref<32x1024xf32, #tpu.memory_space<vmem>>
        %get3A_1419 = arith.index_cast %get3A_1414 : i32 to index
        %get3A_1420 = arith.index_cast %mul3A_1413 : i32 to index
        %get3A_1421 = tpu.vector_load %get3A_1418[%get3A_1419, %get3A_1420] {strides = array<i32>} : memref<32x1024xf32, #tpu.memory_space<vmem>>, vector<16xf32>,
        %mul3A_1422 = arith.mulf %get3A_1421, %get3A_1112 : vector<16xf32>
        %mul3A_1423 = arith.constant 16 : i32
        %mul3A_1424 = arith.muli %scan3A_1093, %mul3A_1423 : i32
        %get3A_1425 = arith.constant 29 : i32
        %get3A_1426 = arith.constant 0 : i32
        %get3A_1427 = arith.constant 0 : i32
        %get3A_1428 = tpu.memref_slice %arg8[%scan3A_502, %get3A_1426, %get3A_1427] : memref<3x32x1024xf32, #tpu.memory_space<vmem>> -> memref<1x32x1024xf32, #tpu.memory_space<vmem>>
        %get3A_1429 = tpu.memref_squeeze %get3A_1428 : memref<1x32x1024xf32, #tpu.memory_space<vmem>> -> memref<32x1024xf32, #tpu.memory_space<vmem>>
        %get3A_1430 = arith.index_cast %get3A_1425 : i32 to index
        %get3A_1431 = arith.index_cast %mul3A_1424 : i32 to index
        %get3A_1432 = tpu.vector_load %get3A_1429[%get3A_1430, %get3A_1431] {strides = array<i32>} : memref<32x1024xf32, #tpu.memory_space<vmem>>, vector<16xf32>,
        %mul3A_1433 = arith.mulf %mul3A_1422, %get3A_1432 : vector<16xf32>
        %add3A_1434 = arith.addf %scan3A_1107, %mul3A_1433 : vector<16xf32>
        %mul3A_1435 = arith.constant 16 : i32
        %mul3A_1436 = arith.muli %scan3A_1093, %mul3A_1435 : i32
        %get3A_1437 = arith.constant 14 : i32
        %get3A_1438 = arith.constant 0 : i32
        %get3A_1439 = arith.constant 0 : i32
        %get3A_1440 = tpu.memref_slice %arg8[%scan3A_502, %get3A_1438, %get3A_1439] : memref<3x32x1024xf32, #tpu.memory_space<vmem>> -> memref<1x32x1024xf32, #tpu.memory_space<vmem>>
        %get3A_1441 = tpu.memref_squeeze %get3A_1440 : memref<1x32x1024xf32, #tpu.memory_space<vmem>> -> memref<32x1024xf32, #tpu.memory_space<vmem>>
        %get3A_1442 = arith.index_cast %get3A_1437 : i32 to index
        %get3A_1443 = arith.index_cast %mul3A_1436 : i32 to index
        %get3A_1444 = tpu.vector_load %get3A_1441[%get3A_1442, %get3A_1443] {strides = array<i32>} : memref<32x1024xf32, #tpu.memory_space<vmem>>, vector<16xf32>,
        %mul3A_1445 = arith.mulf %get3A_1444, %get3A_1112 : vector<16xf32>
        %mul3A_1446 = arith.constant 16 : i32
        %mul3A_1447 = arith.muli %scan3A_1093, %mul3A_1446 : i32
        %get3A_1448 = arith.constant 30 : i32
        %get3A_1449 = arith.constant 0 : i32
        %get3A_1450 = arith.constant 0 : i32
        %get3A_1451 = tpu.memref_slice %arg8[%scan3A_502, %get3A_1449, %get3A_1450] : memref<3x32x1024xf32, #tpu.memory_space<vmem>> -> memref<1x32x1024xf32, #tpu.memory_space<vmem>>
        %get3A_1452 = tpu.memref_squeeze %get3A_1451 : memref<1x32x1024xf32, #tpu.memory_space<vmem>> -> memref<32x1024xf32, #tpu.memory_space<vmem>>
        %get3A_1453 = arith.index_cast %get3A_1448 : i32 to index
        %get3A_1454 = arith.index_cast %mul3A_1447 : i32 to index
        %get3A_1455 = tpu.vector_load %get3A_1452[%get3A_1453, %get3A_1454] {strides = array<i32>} : memref<32x1024xf32, #tpu.memory_space<vmem>>, vector<16xf32>,
        %mul3A_1456 = arith.mulf %mul3A_1445, %get3A_1455 : vector<16xf32>
        %add3A_1457 = arith.addf %scan3A_1108, %mul3A_1456 : vector<16xf32>
        %mul3A_1458 = arith.constant 16 : i32
        %mul3A_1459 = arith.muli %scan3A_1093, %mul3A_1458 : i32
        %get3A_1460 = arith.constant 15 : i32
        %get3A_1461 = arith.constant 0 : i32
        %get3A_1462 = arith.constant 0 : i32
        %get3A_1463 = tpu.memref_slice %arg8[%scan3A_502, %get3A_1461, %get3A_1462] : memref<3x32x1024xf32, #tpu.memory_space<vmem>> -> memref<1x32x1024xf32, #tpu.memory_space<vmem>>
        %get3A_1464 = tpu.memref_squeeze %get3A_1463 : memref<1x32x1024xf32, #tpu.memory_space<vmem>> -> memref<32x1024xf32, #tpu.memory_space<vmem>>
        %get3A_1465 = arith.index_cast %get3A_1460 : i32 to index
        %get3A_1466 = arith.index_cast %mul3A_1459 : i32 to index
        %get3A_1467 = tpu.vector_load %get3A_1464[%get3A_1465, %get3A_1466] {strides = array<i32>} : memref<32x1024xf32, #tpu.memory_space<vmem>>, vector<16xf32>,
        %mul3A_1468 = arith.mulf %get3A_1467, %get3A_1112 : vector<16xf32>
        %mul3A_1469 = arith.constant 16 : i32
        %mul3A_1470 = arith.muli %scan3A_1093, %mul3A_1469 : i32
        %get3A_1471 = arith.constant 31 : i32
        %get3A_1472 = arith.constant 0 : i32
        %get3A_1473 = arith.constant 0 : i32
        %get3A_1474 = tpu.memref_slice %arg8[%scan3A_502, %get3A_1472, %get3A_1473] : memref<3x32x1024xf32, #tpu.memory_space<vmem>> -> memref<1x32x1024xf32, #tpu.memory_space<vmem>>
        %get3A_1475 = tpu.memref_squeeze %get3A_1474 : memref<1x32x1024xf32, #tpu.memory_space<vmem>> -> memref<32x1024xf32, #tpu.memory_space<vmem>>
        %get3A_1476 = arith.index_cast %get3A_1471 : i32 to index
        %get3A_1477 = arith.index_cast %mul3A_1470 : i32 to index
        %get3A_1478 = tpu.vector_load %get3A_1475[%get3A_1476, %get3A_1477] {strides = array<i32>} : memref<32x1024xf32, #tpu.memory_space<vmem>>, vector<16xf32>,
        %mul3A_1479 = arith.mulf %mul3A_1468, %get3A_1478 : vector<16xf32>
        %add3A_1480 = arith.addf %scan3A_1109, %mul3A_1479 : vector<16xf32>
        scf.yield %add3A_1135, %add3A_1158, %add3A_1181, %add3A_1204, %add3A_1227, %add3A_1250, %add3A_1273, %add3A_1296, %add3A_1319, %add3A_1342, %add3A_1365, %add3A_1388, %add3A_1411, %add3A_1434, %add3A_1457, %add3A_1480 : vector<16xf32>, vector<16xf32>, vector<16xf32>, vector<16xf32>, vector<16xf32>, vector<16xf32>, vector<16xf32>, vector<16xf32>, vector<16xf32>, vector<16xf32>, vector<16xf32>, vector<16xf32>, vector<16xf32>, vector<16xf32>, vector<16xf32>, vector<16xf32>
      }
      %scan3A_508 = arith.constant 64 : i32
      %broadcast_in_dim3A_509 = arith.constant 0.000000e+00 : f32
      %broadcast_in_dim3A_510 = vector.broadcast %broadcast_in_dim3A_509 : f32 to vector<16xf32>
      %eq3A_511 = arith.constant 0 : i32
      %eq3A_512 = vector.broadcast %eq3A_511 : i32 to vector<16xi32>
      %eq3A_513 = arith.cmpi eq, %iota3A, %eq3A_512 : vector<16xi32>
      %reduce_sum3A_514 = arith.constant true
      %reduce_sum3A_515 = vector.broadcast %reduce_sum3A_514 : i1 to vector<16xi1>
      %reduce_sum3A_516 = tpu.scan <sum>, %scan3A_507#0 masked %reduce_sum3A_515 : vector<16xf32>, vector<16xi1> -> vector<16xf32>
      %reduce_sum3A_517 = vector.extract %reduce_sum3A_516[15] : f32 from vector<16xf32>
      %broadcast_in_dim3A_518 = vector.broadcast %reduce_sum3A_517 : f32 to vector<16xf32>
      %select_n3A_519 = arith.select %eq3A_513, %broadcast_in_dim3A_518, %broadcast_in_dim3A_510 : vector<16xi1>, vector<16xf32>
      %eq3A_520 = arith.constant 1 : i32
      %eq3A_521 = vector.broadcast %eq3A_520 : i32 to vector<16xi32>
      %eq3A_522 = arith.cmpi eq, %iota3A, %eq3A_521 : vector<16xi32>
      %reduce_sum3A_523 = arith.constant true
      %reduce_sum3A_524 = vector.broadcast %reduce_sum3A_523 : i1 to vector<16xi1>
      %reduce_sum3A_525 = tpu.scan <sum>, %scan3A_507#1 masked %reduce_sum3A_524 : vector<16xf32>, vector<16xi1> -> vector<16xf32>
      %reduce_sum3A_526 = vector.extract %reduce_sum3A_525[15] : f32 from vector<16xf32>
      %broadcast_in_dim3A_527 = vector.broadcast %reduce_sum3A_526 : f32 to vector<16xf32>
      %select_n3A_528 = arith.select %eq3A_522, %broadcast_in_dim3A_527, %select_n3A_519 : vector<16xi1>, vector<16xf32>
      %eq3A_529 = arith.constant 2 : i32
      %eq3A_530 = vector.broadcast %eq3A_529 : i32 to vector<16xi32>
      %eq3A_531 = arith.cmpi eq, %iota3A, %eq3A_530 : vector<16xi32>
      %reduce_sum3A_532 = arith.constant true
      %reduce_sum3A_533 = vector.broadcast %reduce_sum3A_532 : i1 to vector<16xi1>
      %reduce_sum3A_534 = tpu.scan <sum>, %scan3A_507#2 masked %reduce_sum3A_533 : vector<16xf32>, vector<16xi1> -> vector<16xf32>
      %reduce_sum3A_535 = vector.extract %reduce_sum3A_534[15] : f32 from vector<16xf32>
      %broadcast_in_dim3A_536 = vector.broadcast %reduce_sum3A_535 : f32 to vector<16xf32>
      %select_n3A_537 = arith.select %eq3A_531, %broadcast_in_dim3A_536, %select_n3A_528 : vector<16xi1>, vector<16xf32>
      %eq3A_538 = arith.constant 3 : i32
      %eq3A_539 = vector.broadcast %eq3A_538 : i32 to vector<16xi32>
      %eq3A_540 = arith.cmpi eq, %iota3A, %eq3A_539 : vector<16xi32>
      %reduce_sum3A_541 = arith.constant true
      %reduce_sum3A_542 = vector.broadcast %reduce_sum3A_541 : i1 to vector<16xi1>
      %reduce_sum3A_543 = tpu.scan <sum>, %scan3A_507#3 masked %reduce_sum3A_542 : vector<16xf32>, vector<16xi1> -> vector<16xf32>
      %reduce_sum3A_544 = vector.extract %reduce_sum3A_543[15] : f32 from vector<16xf32>
      %broadcast_in_dim3A_545 = vector.broadcast %reduce_sum3A_544 : f32 to vector<16xf32>
      %select_n3A_546 = arith.select %eq3A_540, %broadcast_in_dim3A_545, %select_n3A_537 : vector<16xi1>, vector<16xf32>
      %eq3A_547 = arith.constant 4 : i32
      %eq3A_548 = vector.broadcast %eq3A_547 : i32 to vector<16xi32>
      %eq3A_549 = arith.cmpi eq, %iota3A, %eq3A_548 : vector<16xi32>
      %reduce_sum3A_550 = arith.constant true
      %reduce_sum3A_551 = vector.broadcast %reduce_sum3A_550 : i1 to vector<16xi1>
      %reduce_sum3A_552 = tpu.scan <sum>, %scan3A_507#4 masked %reduce_sum3A_551 : vector<16xf32>, vector<16xi1> -> vector<16xf32>
      %reduce_sum3A_553 = vector.extract %reduce_sum3A_552[15] : f32 from vector<16xf32>
      %broadcast_in_dim3A_554 = vector.broadcast %reduce_sum3A_553 : f32 to vector<16xf32>
      %select_n3A_555 = arith.select %eq3A_549, %broadcast_in_dim3A_554, %select_n3A_546 : vector<16xi1>, vector<16xf32>
      %eq3A_556 = arith.constant 5 : i32
      %eq3A_557 = vector.broadcast %eq3A_556 : i32 to vector<16xi32>
      %eq3A_558 = arith.cmpi eq, %iota3A, %eq3A_557 : vector<16xi32>
      %reduce_sum3A_559 = arith.constant true
      %reduce_sum3A_560 = vector.broadcast %reduce_sum3A_559 : i1 to vector<16xi1>
      %reduce_sum3A_561 = tpu.scan <sum>, %scan3A_507#5 masked %reduce_sum3A_560 : vector<16xf32>, vector<16xi1> -> vector<16xf32>
      %reduce_sum3A_562 = vector.extract %reduce_sum3A_561[15] : f32 from vector<16xf32>
      %broadcast_in_dim3A_563 = vector.broadcast %reduce_sum3A_562 : f32 to vector<16xf32>
      %select_n3A_564 = arith.select %eq3A_558, %broadcast_in_dim3A_563, %select_n3A_555 : vector<16xi1>, vector<16xf32>
      %eq3A_565 = arith.constant 6 : i32
      %eq3A_566 = vector.broadcast %eq3A_565 : i32 to vector<16xi32>
      %eq3A_567 = arith.cmpi eq, %iota3A, %eq3A_566 : vector<16xi32>
      %reduce_sum3A_568 = arith.constant true
      %reduce_sum3A_569 = vector.broadcast %reduce_sum3A_568 : i1 to vector<16xi1>
      %reduce_sum3A_570 = tpu.scan <sum>, %scan3A_507#6 masked %reduce_sum3A_569 : vector<16xf32>, vector<16xi1> -> vector<16xf32>
      %reduce_sum3A_571 = vector.extract %reduce_sum3A_570[15] : f32 from vector<16xf32>
      %broadcast_in_dim3A_572 = vector.broadcast %reduce_sum3A_571 : f32 to vector<16xf32>
      %select_n3A_573 = arith.select %eq3A_567, %broadcast_in_dim3A_572, %select_n3A_564 : vector<16xi1>, vector<16xf32>
      %eq3A_574 = arith.constant 7 : i32
      %eq3A_575 = vector.broadcast %eq3A_574 : i32 to vector<16xi32>
      %eq3A_576 = arith.cmpi eq, %iota3A, %eq3A_575 : vector<16xi32>
      %reduce_sum3A_577 = arith.constant true
      %reduce_sum3A_578 = vector.broadcast %reduce_sum3A_577 : i1 to vector<16xi1>
      %reduce_sum3A_579 = tpu.scan <sum>, %scan3A_507#7 masked %reduce_sum3A_578 : vector<16xf32>, vector<16xi1> -> vector<16xf32>
      %reduce_sum3A_580 = vector.extract %reduce_sum3A_579[15] : f32 from vector<16xf32>
      %broadcast_in_dim3A_581 = vector.broadcast %reduce_sum3A_580 : f32 to vector<16xf32>
      %select_n3A_582 = arith.select %eq3A_576, %broadcast_in_dim3A_581, %select_n3A_573 : vector<16xi1>, vector<16xf32>
      %eq3A_583 = arith.constant 8 : i32
      %eq3A_584 = vector.broadcast %eq3A_583 : i32 to vector<16xi32>
      %eq3A_585 = arith.cmpi eq, %iota3A, %eq3A_584 : vector<16xi32>
      %reduce_sum3A_586 = arith.constant true
      %reduce_sum3A_587 = vector.broadcast %reduce_sum3A_586 : i1 to vector<16xi1>
      %reduce_sum3A_588 = tpu.scan <sum>, %scan3A_507#8 masked %reduce_sum3A_587 : vector<16xf32>, vector<16xi1> -> vector<16xf32>
      %reduce_sum3A_589 = vector.extract %reduce_sum3A_588[15] : f32 from vector<16xf32>
      %broadcast_in_dim3A_590 = vector.broadcast %reduce_sum3A_589 : f32 to vector<16xf32>
      %select_n3A_591 = arith.select %eq3A_585, %broadcast_in_dim3A_590, %select_n3A_582 : vector<16xi1>, vector<16xf32>
      %eq3A_592 = arith.constant 9 : i32
      %eq3A_593 = vector.broadcast %eq3A_592 : i32 to vector<16xi32>
      %eq3A_594 = arith.cmpi eq, %iota3A, %eq3A_593 : vector<16xi32>
      %reduce_sum3A_595 = arith.constant true
      %reduce_sum3A_596 = vector.broadcast %reduce_sum3A_595 : i1 to vector<16xi1>
      %reduce_sum3A_597 = tpu.scan <sum>, %scan3A_507#9 masked %reduce_sum3A_596 : vector<16xf32>, vector<16xi1> -> vector<16xf32>
      %reduce_sum3A_598 = vector.extract %reduce_sum3A_597[15] : f32 from vector<16xf32>
      %broadcast_in_dim3A_599 = vector.broadcast %reduce_sum3A_598 : f32 to vector<16xf32>
      %select_n3A_600 = arith.select %eq3A_594, %broadcast_in_dim3A_599, %select_n3A_591 : vector<16xi1>, vector<16xf32>
      %eq3A_601 = arith.constant 10 : i32
      %eq3A_602 = vector.broadcast %eq3A_601 : i32 to vector<16xi32>
      %eq3A_603 = arith.cmpi eq, %iota3A, %eq3A_602 : vector<16xi32>
      %reduce_sum3A_604 = arith.constant true
      %reduce_sum3A_605 = vector.broadcast %reduce_sum3A_604 : i1 to vector<16xi1>
      %reduce_sum3A_606 = tpu.scan <sum>, %scan3A_507#10 masked %reduce_sum3A_605 : vector<16xf32>, vector<16xi1> -> vector<16xf32>
      %reduce_sum3A_607 = vector.extract %reduce_sum3A_606[15] : f32 from vector<16xf32>
      %broadcast_in_dim3A_608 = vector.broadcast %reduce_sum3A_607 : f32 to vector<16xf32>
      %select_n3A_609 = arith.select %eq3A_603, %broadcast_in_dim3A_608, %select_n3A_600 : vector<16xi1>, vector<16xf32>
      %eq3A_610 = arith.constant 11 : i32
      %eq3A_611 = vector.broadcast %eq3A_610 : i32 to vector<16xi32>
      %eq3A_612 = arith.cmpi eq, %iota3A, %eq3A_611 : vector<16xi32>
      %reduce_sum3A_613 = arith.constant true
      %reduce_sum3A_614 = vector.broadcast %reduce_sum3A_613 : i1 to vector<16xi1>
      %reduce_sum3A_615 = tpu.scan <sum>, %scan3A_507#11 masked %reduce_sum3A_614 : vector<16xf32>, vector<16xi1> -> vector<16xf32>
      %reduce_sum3A_616 = vector.extract %reduce_sum3A_615[15] : f32 from vector<16xf32>
      %broadcast_in_dim3A_617 = vector.broadcast %reduce_sum3A_616 : f32 to vector<16xf32>
      %select_n3A_618 = arith.select %eq3A_612, %broadcast_in_dim3A_617, %select_n3A_609 : vector<16xi1>, vector<16xf32>
      %eq3A_619 = arith.constant 12 : i32
      %eq3A_620 = vector.broadcast %eq3A_619 : i32 to vector<16xi32>
      %eq3A_621 = arith.cmpi eq, %iota3A, %eq3A_620 : vector<16xi32>
      %reduce_sum3A_622 = arith.constant true
      %reduce_sum3A_623 = vector.broadcast %reduce_sum3A_622 : i1 to vector<16xi1>
      %reduce_sum3A_624 = tpu.scan <sum>, %scan3A_507#12 masked %reduce_sum3A_623 : vector<16xf32>, vector<16xi1> -> vector<16xf32>
      %reduce_sum3A_625 = vector.extract %reduce_sum3A_624[15] : f32 from vector<16xf32>
      %broadcast_in_dim3A_626 = vector.broadcast %reduce_sum3A_625 : f32 to vector<16xf32>
      %select_n3A_627 = arith.select %eq3A_621, %broadcast_in_dim3A_626, %select_n3A_618 : vector<16xi1>, vector<16xf32>
      %eq3A_628 = arith.constant 13 : i32
      %eq3A_629 = vector.broadcast %eq3A_628 : i32 to vector<16xi32>
      %eq3A_630 = arith.cmpi eq, %iota3A, %eq3A_629 : vector<16xi32>
      %reduce_sum3A_631 = arith.constant true
      %reduce_sum3A_632 = vector.broadcast %reduce_sum3A_631 : i1 to vector<16xi1>
      %reduce_sum3A_633 = tpu.scan <sum>, %scan3A_507#13 masked %reduce_sum3A_632 : vector<16xf32>, vector<16xi1> -> vector<16xf32>
      %reduce_sum3A_634 = vector.extract %reduce_sum3A_633[15] : f32 from vector<16xf32>
      %broadcast_in_dim3A_635 = vector.broadcast %reduce_sum3A_634 : f32 to vector<16xf32>
      %select_n3A_636 = arith.select %eq3A_630, %broadcast_in_dim3A_635, %select_n3A_627 : vector<16xi1>, vector<16xf32>
      %eq3A_637 = arith.constant 14 : i32
      %eq3A_638 = vector.broadcast %eq3A_637 : i32 to vector<16xi32>
      %eq3A_639 = arith.cmpi eq, %iota3A, %eq3A_638 : vector<16xi32>
      %reduce_sum3A_640 = arith.constant true
      %reduce_sum3A_641 = vector.broadcast %reduce_sum3A_640 : i1 to vector<16xi1>
      %reduce_sum3A_642 = tpu.scan <sum>, %scan3A_507#14 masked %reduce_sum3A_641 : vector<16xf32>, vector<16xi1> -> vector<16xf32>
      %reduce_sum3A_643 = vector.extract %reduce_sum3A_642[15] : f32 from vector<16xf32>
      %broadcast_in_dim3A_644 = vector.broadcast %reduce_sum3A_643 : f32 to vector<16xf32>
      %select_n3A_645 = arith.select %eq3A_639, %broadcast_in_dim3A_644, %select_n3A_636 : vector<16xi1>, vector<16xf32>
      %eq3A_646 = arith.constant 15 : i32
      %eq3A_647 = vector.broadcast %eq3A_646 : i32 to vector<16xi32>
      %eq3A_648 = arith.cmpi eq, %iota3A, %eq3A_647 : vector<16xi32>
      %reduce_sum3A_649 = arith.constant true
      %reduce_sum3A_650 = vector.broadcast %reduce_sum3A_649 : i1 to vector<16xi1>
      %reduce_sum3A_651 = tpu.scan <sum>, %scan3A_507#15 masked %reduce_sum3A_650 : vector<16xf32>, vector<16xi1> -> vector<16xf32>
      %reduce_sum3A_652 = vector.extract %reduce_sum3A_651[15] : f32 from vector<16xf32>
      %broadcast_in_dim3A_653 = vector.broadcast %reduce_sum3A_652 : f32 to vector<16xf32>
      %select_n3A_654 = arith.select %eq3A_648, %broadcast_in_dim3A_653, %select_n3A_645 : vector<16xi1>, vector<16xf32>
      %mul3A_655 = arith.constant 16 : i32
      %mul3A_656 = arith.muli %add3A_454, %mul3A_655 : i32
      %swap3A_657 = arith.index_cast %mul3A_656 : i32 to index
      %swap3A_658 = tpu.vector_load %arg9[%swap3A_657] {strides = array<i32>} : memref<2048xf32, #tpu.memory_space<vmem>>, vector<16xf32>,
      tpu.vector_store %arg9[%swap3A_657], %select_n3A_654 {strides = array<i32>} : memref<2048xf32, #tpu.memory_space<vmem>>, vector<16xf32>,
      %add3A_659 = arith.constant 3 : i32
      %add3A_660 = arith.addi %add3A_454, %add3A_659 : i32
      %lt3A = arith.constant 128 : i32
      %lt3A_661 = arith.cmpi slt, %add3A_660, %lt3A : i32
      %convert_element_type3A = arith.extui %lt3A_661 : i1 to i32
      %cond3A = arith.constant 0 : i32
      %cond3A_662 = arith.cmpi ne, %convert_element_type3A, %cond3A : i32
      scf.if %cond3A_662 {
        %add3A_1093 = arith.constant 3 : i32
        %add3A_1094 = arith.addi %add3A_454, %add3A_1093 : i32
        %dma_start3A_1095 = arith.constant 0 : i32
        %dma_start3A_1096 = arith.constant 0 : i32
        %dma_start3A_1097 = arith.constant 0 : i32
        %dma_start3A_1098 = arith.constant 0 : i32
        %dma_start3A_1099 = tpu.memref_slice %arg8[%dma_start3A_1095, %dma_start3A_1097, %dma_start3A_1098] : memref<3x32x1024xf32, #tpu.memory_space<vmem>> -> memref<1x32x1024xf32, #tpu.memory_space<vmem>>
        %dma_start3A_1100 = tpu.memref_squeeze %dma_start3A_1099 : memref<1x32x1024xf32, #tpu.memory_space<vmem>> -> memref<32x1024xf32, #tpu.memory_space<vmem>>
        %dma_start3A_1101 = arith.constant 0 : i32
        %dma_start3A_1102 = tpu.memref_slice %arg6[%add3A_1094, %dma_start3A_1101] : memref<128x32xi32, #tpu.memory_space<vmem>> -> memref<1x32xi32, #tpu.memory_space<vmem>>
        %dma_start3A_1103 = tpu.memref_squeeze %dma_start3A_1102 : memref<1x32xi32, #tpu.memory_space<vmem>> -> memref<32xi32, #tpu.memory_space<vmem>>
        %dma_start3A_1104 = arith.constant 0 : i32
        %dma_start3A_1105 = arith.constant 0 : i32
        %dma_start3A_1106 = tpu.memref_slice %arg2[%dma_start3A_1104, %dma_start3A_1105] : memref<50000x1024xf32, #tpu.memory_space<hbm>> -> memref<50000x1024xf32, #tpu.memory_space<hbm>>
        %dma_start3A_1107 = tpu.memref_slice %arg10[%dma_start3A_1096] : memref<3x!tpu.dma_semaphore, #tpu.memory_space<semaphore_mem>> -> memref<1x!tpu.dma_semaphore, #tpu.memory_space<semaphore_mem>>
        %dma_start3A_1108 = tpu.memref_squeeze %dma_start3A_1107 : memref<1x!tpu.dma_semaphore, #tpu.memory_space<semaphore_mem>> -> memref<!tpu.dma_semaphore, #tpu.memory_space<semaphore_mem>>
        tpu.enqueue_indirect_dma source(%dma_start3A_1106 : memref<50000x1024xf32, #tpu.memory_space<hbm>>) target(%dma_start3A_1100 : memref<32x1024xf32, #tpu.memory_space<vmem>>) offsets(%dma_start3A_1103 : memref<32xi32, #tpu.memory_space<vmem>>) semaphore(%dma_start3A_1108 : memref<!tpu.dma_semaphore, #tpu.memory_space<semaphore_mem>>)
      } else {
      }
      %mul3A_663 = arith.constant 3 : i32
      %mul3A_664 = arith.muli %mul3A_663, %scan3A_450 : i32
      %add3A_665 = arith.constant 1 : i32
      %add3A_666 = arith.addi %mul3A_664, %add3A_665 : i32
      %dma_wait3A_667 = arith.constant 0 : i32
      %dma_wait3A_668 = arith.constant 1 : i32
      %dma_wait3A_669 = arith.constant 1 : i32
      %dma_wait3A_670 = arith.constant 0 : i32
      %dma_wait3A_671 = arith.constant 0 : i32
      %dma_wait3A_672 = tpu.memref_slice %arg8[%dma_wait3A_668, %dma_wait3A_670, %dma_wait3A_671] : memref<3x32x1024xf32, #tpu.memory_space<vmem>> -> memref<1x32x1024xf32, #tpu.memory_space<vmem>>
      %dma_wait3A_673 = tpu.memref_squeeze %dma_wait3A_672 : memref<1x32x1024xf32, #tpu.memory_space<vmem>> -> memref<32x1024xf32, #tpu.memory_space<vmem>>
      %dma_wait3A_674 = arith.constant 0 : i32
      %dma_wait3A_675 = tpu.memref_slice %arg6[%dma_wait3A_667, %dma_wait3A_674] : memref<128x32xi32, #tpu.memory_space<vmem>> -> memref<1x32xi32, #tpu.memory_space<vmem>>
      %dma_wait3A_676 = tpu.memref_squeeze %dma_wait3A_675 : memref<1x32xi32, #tpu.memory_space<vmem>> -> memref<32xi32, #tpu.memory_space<vmem>>
      %dma_wait3A_677 = arith.constant 0 : i32
      %dma_wait3A_678 = arith.constant 0 : i32
      %dma_wait3A_679 = tpu.memref_slice %arg2[%dma_wait3A_677, %dma_wait3A_678] : memref<50000x1024xf32, #tpu.memory_space<hbm>> -> memref<50000x1024xf32, #tpu.memory_space<hbm>>
      %dma_wait3A_680 = tpu.memref_slice %arg10[%dma_wait3A_669] : memref<3x!tpu.dma_semaphore, #tpu.memory_space<semaphore_mem>> -> memref<1x!tpu.dma_semaphore, #tpu.memory_space<semaphore_mem>>
      %dma_wait3A_681 = tpu.memref_squeeze %dma_wait3A_680 : memref<1x!tpu.dma_semaphore, #tpu.memory_space<semaphore_mem>> -> memref<!tpu.dma_semaphore, #tpu.memory_space<semaphore_mem>>
      tpu.wait_indirect_dma semaphore(%dma_wait3A_681 : memref<!tpu.dma_semaphore, #tpu.memory_space<semaphore_mem>>) src(%dma_wait3A_679 : memref<50000x1024xf32, #tpu.memory_space<hbm>>) dst(%dma_wait3A_673 : memref<32x1024xf32, #tpu.memory_space<vmem>>)
      %broadcast_in_dim3A_682 = arith.constant 0.000000e+00 : f32
      %broadcast_in_dim3A_683 = vector.broadcast %broadcast_in_dim3A_682 : f32 to vector<16xf32>
      %broadcast_in_dim3A_684 = arith.constant 0.000000e+00 : f32
      %broadcast_in_dim3A_685 = vector.broadcast %broadcast_in_dim3A_684 : f32 to vector<16xf32>
      %broadcast_in_dim3A_686 = arith.constant 0.000000e+00 : f32
      %broadcast_in_dim3A_687 = vector.broadcast %broadcast_in_dim3A_686 : f32 to vector<16xf32>
      %broadcast_in_dim3A_688 = arith.constant 0.000000e+00 : f32
      %broadcast_in_dim3A_689 = vector.broadcast %broadcast_in_dim3A_688 : f32 to vector<16xf32>
      %broadcast_in_dim3A_690 = arith.constant 0.000000e+00 : f32
      %broadcast_in_dim3A_691 = vector.broadcast %broadcast_in_dim3A_690 : f32 to vector<16xf32>
      %broadcast_in_dim3A_692 = arith.constant 0.000000e+00 : f32
      %broadcast_in_dim3A_693 = vector.broadcast %broadcast_in_dim3A_692 : f32 to vector<16xf32>
      %broadcast_in_dim3A_694 = arith.constant 0.000000e+00 : f32
      %broadcast_in_dim3A_695 = vector.broadcast %broadcast_in_dim3A_694 : f32 to vector<16xf32>
      %broadcast_in_dim3A_696 = arith.constant 0.000000e+00 : f32
      %broadcast_in_dim3A_697 = vector.broadcast %broadcast_in_dim3A_696 : f32 to vector<16xf32>
      %broadcast_in_dim3A_698 = arith.constant 0.000000e+00 : f32
      %broadcast_in_dim3A_699 = vector.broadcast %broadcast_in_dim3A_698 : f32 to vector<16xf32>
      %broadcast_in_dim3A_700 = arith.constant 0.000000e+00 : f32
      %broadcast_in_dim3A_701 = vector.broadcast %broadcast_in_dim3A_700 : f32 to vector<16xf32>
      %broadcast_in_dim3A_702 = arith.constant 0.000000e+00 : f32
      %broadcast_in_dim3A_703 = vector.broadcast %broadcast_in_dim3A_702 : f32 to vector<16xf32>
      %broadcast_in_dim3A_704 = arith.constant 0.000000e+00 : f32
      %broadcast_in_dim3A_705 = vector.broadcast %broadcast_in_dim3A_704 : f32 to vector<16xf32>
      %broadcast_in_dim3A_706 = arith.constant 0.000000e+00 : f32
      %broadcast_in_dim3A_707 = vector.broadcast %broadcast_in_dim3A_706 : f32 to vector<16xf32>
      %broadcast_in_dim3A_708 = arith.constant 0.000000e+00 : f32
      %broadcast_in_dim3A_709 = vector.broadcast %broadcast_in_dim3A_708 : f32 to vector<16xf32>
      %broadcast_in_dim3A_710 = arith.constant 0.000000e+00 : f32
      %broadcast_in_dim3A_711 = vector.broadcast %broadcast_in_dim3A_710 : f32 to vector<16xf32>
      %broadcast_in_dim3A_712 = arith.constant 0.000000e+00 : f32
      %broadcast_in_dim3A_713 = vector.broadcast %broadcast_in_dim3A_712 : f32 to vector<16xf32>
      %scan3A_714 = arith.constant 1 : i32
      %scan3A_715 = arith.constant 0 : i32
      %scan3A_716 = arith.constant 64 : i32
      %scan3A_717 = arith.addi %scan3A_715, %scan3A_716 : i32
      %scan3A_718 = arith.constant 1 : i32
      %scan3A_719:16 = scf.for %scan3A_1093 = %scan3A_715 to %scan3A_717 step %scan3A_718 iter_args(%scan3A_1094 = %broadcast_in_dim3A_683, %scan3A_1095 = %broadcast_in_dim3A_685, %scan3A_1096 = %broadcast_in_dim3A_687, %scan3A_1097 = %broadcast_in_dim3A_689, %scan3A_1098 = %broadcast_in_dim3A_691, %scan3A_1099 = %broadcast_in_dim3A_693, %scan3A_1100 = %broadcast_in_dim3A_695, %scan3A_1101 = %broadcast_in_dim3A_697, %scan3A_1102 = %broadcast_in_dim3A_699, %scan3A_1103 = %broadcast_in_dim3A_701, %scan3A_1104 = %broadcast_in_dim3A_703, %scan3A_1105 = %broadcast_in_dim3A_705, %scan3A_1106 = %broadcast_in_dim3A_707, %scan3A_1107 = %broadcast_in_dim3A_709, %scan3A_1108 = %broadcast_in_dim3A_711, %scan3A_1109 = %broadcast_in_dim3A_713) -> (vector<16xf32>, vector<16xf32>, vector<16xf32>, vector<16xf32>, vector<16xf32>, vector<16xf32>, vector<16xf32>, vector<16xf32>, vector<16xf32>, vector<16xf32>, vector<16xf32>, vector<16xf32>, vector<16xf32>, vector<16xf32>, vector<16xf32>, vector<16xf32>)  : i32 {
        %mul3A_1110 = arith.constant 16 : i32
        %mul3A_1111 = arith.muli %scan3A_1093, %mul3A_1110 : i32
        %get3A = arith.index_cast %mul3A_1111 : i32 to index
        %get3A_1112 = tpu.vector_load %arg7[%get3A] {strides = array<i32>} : memref<1024xf32, #tpu.memory_space<vmem>>, vector<16xf32>,
        %mul3A_1113 = arith.constant 16 : i32
        %mul3A_1114 = arith.muli %scan3A_1093, %mul3A_1113 : i32
        %get3A_1115 = arith.constant 0 : i32
        %get3A_1116 = arith.constant 0 : i32
        %get3A_1117 = arith.constant 0 : i32
        %get3A_1118 = tpu.memref_slice %arg8[%scan3A_714, %get3A_1116, %get3A_1117] : memref<3x32x1024xf32, #tpu.memory_space<vmem>> -> memref<1x32x1024xf32, #tpu.memory_space<vmem>>
        %get3A_1119 = tpu.memref_squeeze %get3A_1118 : memref<1x32x1024xf32, #tpu.memory_space<vmem>> -> memref<32x1024xf32, #tpu.memory_space<vmem>>
        %get3A_1120 = arith.index_cast %get3A_1115 : i32 to index
        %get3A_1121 = arith.index_cast %mul3A_1114 : i32 to index
        %get3A_1122 = tpu.vector_load %get3A_1119[%get3A_1120, %get3A_1121] {strides = array<i32>} : memref<32x1024xf32, #tpu.memory_space<vmem>>, vector<16xf32>,
        %mul3A_1123 = arith.mulf %get3A_1122, %get3A_1112 : vector<16xf32>
        %mul3A_1124 = arith.constant 16 : i32
        %mul3A_1125 = arith.muli %scan3A_1093, %mul3A_1124 : i32
        %get3A_1126 = arith.constant 16 : i32
        %get3A_1127 = arith.constant 0 : i32
        %get3A_1128 = arith.constant 0 : i32
        %get3A_1129 = tpu.memref_slice %arg8[%scan3A_714, %get3A_1127, %get3A_1128] : memref<3x32x1024xf32, #tpu.memory_space<vmem>> -> memref<1x32x1024xf32, #tpu.memory_space<vmem>>
        %get3A_1130 = tpu.memref_squeeze %get3A_1129 : memref<1x32x1024xf32, #tpu.memory_space<vmem>> -> memref<32x1024xf32, #tpu.memory_space<vmem>>
        %get3A_1131 = arith.index_cast %get3A_1126 : i32 to index
        %get3A_1132 = arith.index_cast %mul3A_1125 : i32 to index
        %get3A_1133 = tpu.vector_load %get3A_1130[%get3A_1131, %get3A_1132] {strides = array<i32>} : memref<32x1024xf32, #tpu.memory_space<vmem>>, vector<16xf32>,
        %mul3A_1134 = arith.mulf %mul3A_1123, %get3A_1133 : vector<16xf32>
        %add3A_1135 = arith.addf %scan3A_1094, %mul3A_1134 : vector<16xf32>
        %mul3A_1136 = arith.constant 16 : i32
        %mul3A_1137 = arith.muli %scan3A_1093, %mul3A_1136 : i32
        %get3A_1138 = arith.constant 1 : i32
        %get3A_1139 = arith.constant 0 : i32
        %get3A_1140 = arith.constant 0 : i32
        %get3A_1141 = tpu.memref_slice %arg8[%scan3A_714, %get3A_1139, %get3A_1140] : memref<3x32x1024xf32, #tpu.memory_space<vmem>> -> memref<1x32x1024xf32, #tpu.memory_space<vmem>>
        %get3A_1142 = tpu.memref_squeeze %get3A_1141 : memref<1x32x1024xf32, #tpu.memory_space<vmem>> -> memref<32x1024xf32, #tpu.memory_space<vmem>>
        %get3A_1143 = arith.index_cast %get3A_1138 : i32 to index
        %get3A_1144 = arith.index_cast %mul3A_1137 : i32 to index
        %get3A_1145 = tpu.vector_load %get3A_1142[%get3A_1143, %get3A_1144] {strides = array<i32>} : memref<32x1024xf32, #tpu.memory_space<vmem>>, vector<16xf32>,
        %mul3A_1146 = arith.mulf %get3A_1145, %get3A_1112 : vector<16xf32>
        %mul3A_1147 = arith.constant 16 : i32
        %mul3A_1148 = arith.muli %scan3A_1093, %mul3A_1147 : i32
        %get3A_1149 = arith.constant 17 : i32
        %get3A_1150 = arith.constant 0 : i32
        %get3A_1151 = arith.constant 0 : i32
        %get3A_1152 = tpu.memref_slice %arg8[%scan3A_714, %get3A_1150, %get3A_1151] : memref<3x32x1024xf32, #tpu.memory_space<vmem>> -> memref<1x32x1024xf32, #tpu.memory_space<vmem>>
        %get3A_1153 = tpu.memref_squeeze %get3A_1152 : memref<1x32x1024xf32, #tpu.memory_space<vmem>> -> memref<32x1024xf32, #tpu.memory_space<vmem>>
        %get3A_1154 = arith.index_cast %get3A_1149 : i32 to index
        %get3A_1155 = arith.index_cast %mul3A_1148 : i32 to index
        %get3A_1156 = tpu.vector_load %get3A_1153[%get3A_1154, %get3A_1155] {strides = array<i32>} : memref<32x1024xf32, #tpu.memory_space<vmem>>, vector<16xf32>,
        %mul3A_1157 = arith.mulf %mul3A_1146, %get3A_1156 : vector<16xf32>
        %add3A_1158 = arith.addf %scan3A_1095, %mul3A_1157 : vector<16xf32>
        %mul3A_1159 = arith.constant 16 : i32
        %mul3A_1160 = arith.muli %scan3A_1093, %mul3A_1159 : i32
        %get3A_1161 = arith.constant 2 : i32
        %get3A_1162 = arith.constant 0 : i32
        %get3A_1163 = arith.constant 0 : i32
        %get3A_1164 = tpu.memref_slice %arg8[%scan3A_714, %get3A_1162, %get3A_1163] : memref<3x32x1024xf32, #tpu.memory_space<vmem>> -> memref<1x32x1024xf32, #tpu.memory_space<vmem>>
        %get3A_1165 = tpu.memref_squeeze %get3A_1164 : memref<1x32x1024xf32, #tpu.memory_space<vmem>> -> memref<32x1024xf32, #tpu.memory_space<vmem>>
        %get3A_1166 = arith.index_cast %get3A_1161 : i32 to index
        %get3A_1167 = arith.index_cast %mul3A_1160 : i32 to index
        %get3A_1168 = tpu.vector_load %get3A_1165[%get3A_1166, %get3A_1167] {strides = array<i32>} : memref<32x1024xf32, #tpu.memory_space<vmem>>, vector<16xf32>,
        %mul3A_1169 = arith.mulf %get3A_1168, %get3A_1112 : vector<16xf32>
        %mul3A_1170 = arith.constant 16 : i32
        %mul3A_1171 = arith.muli %scan3A_1093, %mul3A_1170 : i32
        %get3A_1172 = arith.constant 18 : i32
        %get3A_1173 = arith.constant 0 : i32
        %get3A_1174 = arith.constant 0 : i32
        %get3A_1175 = tpu.memref_slice %arg8[%scan3A_714, %get3A_1173, %get3A_1174] : memref<3x32x1024xf32, #tpu.memory_space<vmem>> -> memref<1x32x1024xf32, #tpu.memory_space<vmem>>
        %get3A_1176 = tpu.memref_squeeze %get3A_1175 : memref<1x32x1024xf32, #tpu.memory_space<vmem>> -> memref<32x1024xf32, #tpu.memory_space<vmem>>
        %get3A_1177 = arith.index_cast %get3A_1172 : i32 to index
        %get3A_1178 = arith.index_cast %mul3A_1171 : i32 to index
        %get3A_1179 = tpu.vector_load %get3A_1176[%get3A_1177, %get3A_1178] {strides = array<i32>} : memref<32x1024xf32, #tpu.memory_space<vmem>>, vector<16xf32>,
        %mul3A_1180 = arith.mulf %mul3A_1169, %get3A_1179 : vector<16xf32>
        %add3A_1181 = arith.addf %scan3A_1096, %mul3A_1180 : vector<16xf32>
        %mul3A_1182 = arith.constant 16 : i32
        %mul3A_1183 = arith.muli %scan3A_1093, %mul3A_1182 : i32
        %get3A_1184 = arith.constant 3 : i32
        %get3A_1185 = arith.constant 0 : i32
        %get3A_1186 = arith.constant 0 : i32
        %get3A_1187 = tpu.memref_slice %arg8[%scan3A_714, %get3A_1185, %get3A_1186] : memref<3x32x1024xf32, #tpu.memory_space<vmem>> -> memref<1x32x1024xf32, #tpu.memory_space<vmem>>
        %get3A_1188 = tpu.memref_squeeze %get3A_1187 : memref<1x32x1024xf32, #tpu.memory_space<vmem>> -> memref<32x1024xf32, #tpu.memory_space<vmem>>
        %get3A_1189 = arith.index_cast %get3A_1184 : i32 to index
        %get3A_1190 = arith.index_cast %mul3A_1183 : i32 to index
        %get3A_1191 = tpu.vector_load %get3A_1188[%get3A_1189, %get3A_1190] {strides = array<i32>} : memref<32x1024xf32, #tpu.memory_space<vmem>>, vector<16xf32>,
        %mul3A_1192 = arith.mulf %get3A_1191, %get3A_1112 : vector<16xf32>
        %mul3A_1193 = arith.constant 16 : i32
        %mul3A_1194 = arith.muli %scan3A_1093, %mul3A_1193 : i32
        %get3A_1195 = arith.constant 19 : i32
        %get3A_1196 = arith.constant 0 : i32
        %get3A_1197 = arith.constant 0 : i32
        %get3A_1198 = tpu.memref_slice %arg8[%scan3A_714, %get3A_1196, %get3A_1197] : memref<3x32x1024xf32, #tpu.memory_space<vmem>> -> memref<1x32x1024xf32, #tpu.memory_space<vmem>>
        %get3A_1199 = tpu.memref_squeeze %get3A_1198 : memref<1x32x1024xf32, #tpu.memory_space<vmem>> -> memref<32x1024xf32, #tpu.memory_space<vmem>>
        %get3A_1200 = arith.index_cast %get3A_1195 : i32 to index
        %get3A_1201 = arith.index_cast %mul3A_1194 : i32 to index
        %get3A_1202 = tpu.vector_load %get3A_1199[%get3A_1200, %get3A_1201] {strides = array<i32>} : memref<32x1024xf32, #tpu.memory_space<vmem>>, vector<16xf32>,
        %mul3A_1203 = arith.mulf %mul3A_1192, %get3A_1202 : vector<16xf32>
        %add3A_1204 = arith.addf %scan3A_1097, %mul3A_1203 : vector<16xf32>
        %mul3A_1205 = arith.constant 16 : i32
        %mul3A_1206 = arith.muli %scan3A_1093, %mul3A_1205 : i32
        %get3A_1207 = arith.constant 4 : i32
        %get3A_1208 = arith.constant 0 : i32
        %get3A_1209 = arith.constant 0 : i32
        %get3A_1210 = tpu.memref_slice %arg8[%scan3A_714, %get3A_1208, %get3A_1209] : memref<3x32x1024xf32, #tpu.memory_space<vmem>> -> memref<1x32x1024xf32, #tpu.memory_space<vmem>>
        %get3A_1211 = tpu.memref_squeeze %get3A_1210 : memref<1x32x1024xf32, #tpu.memory_space<vmem>> -> memref<32x1024xf32, #tpu.memory_space<vmem>>
        %get3A_1212 = arith.index_cast %get3A_1207 : i32 to index
        %get3A_1213 = arith.index_cast %mul3A_1206 : i32 to index
        %get3A_1214 = tpu.vector_load %get3A_1211[%get3A_1212, %get3A_1213] {strides = array<i32>} : memref<32x1024xf32, #tpu.memory_space<vmem>>, vector<16xf32>,
        %mul3A_1215 = arith.mulf %get3A_1214, %get3A_1112 : vector<16xf32>
        %mul3A_1216 = arith.constant 16 : i32
        %mul3A_1217 = arith.muli %scan3A_1093, %mul3A_1216 : i32
        %get3A_1218 = arith.constant 20 : i32
        %get3A_1219 = arith.constant 0 : i32
        %get3A_1220 = arith.constant 0 : i32
        %get3A_1221 = tpu.memref_slice %arg8[%scan3A_714, %get3A_1219, %get3A_1220] : memref<3x32x1024xf32, #tpu.memory_space<vmem>> -> memref<1x32x1024xf32, #tpu.memory_space<vmem>>
        %get3A_1222 = tpu.memref_squeeze %get3A_1221 : memref<1x32x1024xf32, #tpu.memory_space<vmem>> -> memref<32x1024xf32, #tpu.memory_space<vmem>>
        %get3A_1223 = arith.index_cast %get3A_1218 : i32 to index
        %get3A_1224 = arith.index_cast %mul3A_1217 : i32 to index
        %get3A_1225 = tpu.vector_load %get3A_1222[%get3A_1223, %get3A_1224] {strides = array<i32>} : memref<32x1024xf32, #tpu.memory_space<vmem>>, vector<16xf32>,
        %mul3A_1226 = arith.mulf %mul3A_1215, %get3A_1225 : vector<16xf32>
        %add3A_1227 = arith.addf %scan3A_1098, %mul3A_1226 : vector<16xf32>
        %mul3A_1228 = arith.constant 16 : i32
        %mul3A_1229 = arith.muli %scan3A_1093, %mul3A_1228 : i32
        %get3A_1230 = arith.constant 5 : i32
        %get3A_1231 = arith.constant 0 : i32
        %get3A_1232 = arith.constant 0 : i32
        %get3A_1233 = tpu.memref_slice %arg8[%scan3A_714, %get3A_1231, %get3A_1232] : memref<3x32x1024xf32, #tpu.memory_space<vmem>> -> memref<1x32x1024xf32, #tpu.memory_space<vmem>>
        %get3A_1234 = tpu.memref_squeeze %get3A_1233 : memref<1x32x1024xf32, #tpu.memory_space<vmem>> -> memref<32x1024xf32, #tpu.memory_space<vmem>>
        %get3A_1235 = arith.index_cast %get3A_1230 : i32 to index
        %get3A_1236 = arith.index_cast %mul3A_1229 : i32 to index
        %get3A_1237 = tpu.vector_load %get3A_1234[%get3A_1235, %get3A_1236] {strides = array<i32>} : memref<32x1024xf32, #tpu.memory_space<vmem>>, vector<16xf32>,
        %mul3A_1238 = arith.mulf %get3A_1237, %get3A_1112 : vector<16xf32>
        %mul3A_1239 = arith.constant 16 : i32
        %mul3A_1240 = arith.muli %scan3A_1093, %mul3A_1239 : i32
        %get3A_1241 = arith.constant 21 : i32
        %get3A_1242 = arith.constant 0 : i32
        %get3A_1243 = arith.constant 0 : i32
        %get3A_1244 = tpu.memref_slice %arg8[%scan3A_714, %get3A_1242, %get3A_1243] : memref<3x32x1024xf32, #tpu.memory_space<vmem>> -> memref<1x32x1024xf32, #tpu.memory_space<vmem>>
        %get3A_1245 = tpu.memref_squeeze %get3A_1244 : memref<1x32x1024xf32, #tpu.memory_space<vmem>> -> memref<32x1024xf32, #tpu.memory_space<vmem>>
        %get3A_1246 = arith.index_cast %get3A_1241 : i32 to index
        %get3A_1247 = arith.index_cast %mul3A_1240 : i32 to index
        %get3A_1248 = tpu.vector_load %get3A_1245[%get3A_1246, %get3A_1247] {strides = array<i32>} : memref<32x1024xf32, #tpu.memory_space<vmem>>, vector<16xf32>,
        %mul3A_1249 = arith.mulf %mul3A_1238, %get3A_1248 : vector<16xf32>
        %add3A_1250 = arith.addf %scan3A_1099, %mul3A_1249 : vector<16xf32>
        %mul3A_1251 = arith.constant 16 : i32
        %mul3A_1252 = arith.muli %scan3A_1093, %mul3A_1251 : i32
        %get3A_1253 = arith.constant 6 : i32
        %get3A_1254 = arith.constant 0 : i32
        %get3A_1255 = arith.constant 0 : i32
        %get3A_1256 = tpu.memref_slice %arg8[%scan3A_714, %get3A_1254, %get3A_1255] : memref<3x32x1024xf32, #tpu.memory_space<vmem>> -> memref<1x32x1024xf32, #tpu.memory_space<vmem>>
        %get3A_1257 = tpu.memref_squeeze %get3A_1256 : memref<1x32x1024xf32, #tpu.memory_space<vmem>> -> memref<32x1024xf32, #tpu.memory_space<vmem>>
        %get3A_1258 = arith.index_cast %get3A_1253 : i32 to index
        %get3A_1259 = arith.index_cast %mul3A_1252 : i32 to index
        %get3A_1260 = tpu.vector_load %get3A_1257[%get3A_1258, %get3A_1259] {strides = array<i32>} : memref<32x1024xf32, #tpu.memory_space<vmem>>, vector<16xf32>,
        %mul3A_1261 = arith.mulf %get3A_1260, %get3A_1112 : vector<16xf32>
        %mul3A_1262 = arith.constant 16 : i32
        %mul3A_1263 = arith.muli %scan3A_1093, %mul3A_1262 : i32
        %get3A_1264 = arith.constant 22 : i32
        %get3A_1265 = arith.constant 0 : i32
        %get3A_1266 = arith.constant 0 : i32
        %get3A_1267 = tpu.memref_slice %arg8[%scan3A_714, %get3A_1265, %get3A_1266] : memref<3x32x1024xf32, #tpu.memory_space<vmem>> -> memref<1x32x1024xf32, #tpu.memory_space<vmem>>
        %get3A_1268 = tpu.memref_squeeze %get3A_1267 : memref<1x32x1024xf32, #tpu.memory_space<vmem>> -> memref<32x1024xf32, #tpu.memory_space<vmem>>
        %get3A_1269 = arith.index_cast %get3A_1264 : i32 to index
        %get3A_1270 = arith.index_cast %mul3A_1263 : i32 to index
        %get3A_1271 = tpu.vector_load %get3A_1268[%get3A_1269, %get3A_1270] {strides = array<i32>} : memref<32x1024xf32, #tpu.memory_space<vmem>>, vector<16xf32>,
        %mul3A_1272 = arith.mulf %mul3A_1261, %get3A_1271 : vector<16xf32>
        %add3A_1273 = arith.addf %scan3A_1100, %mul3A_1272 : vector<16xf32>
        %mul3A_1274 = arith.constant 16 : i32
        %mul3A_1275 = arith.muli %scan3A_1093, %mul3A_1274 : i32
        %get3A_1276 = arith.constant 7 : i32
        %get3A_1277 = arith.constant 0 : i32
        %get3A_1278 = arith.constant 0 : i32
        %get3A_1279 = tpu.memref_slice %arg8[%scan3A_714, %get3A_1277, %get3A_1278] : memref<3x32x1024xf32, #tpu.memory_space<vmem>> -> memref<1x32x1024xf32, #tpu.memory_space<vmem>>
        %get3A_1280 = tpu.memref_squeeze %get3A_1279 : memref<1x32x1024xf32, #tpu.memory_space<vmem>> -> memref<32x1024xf32, #tpu.memory_space<vmem>>
        %get3A_1281 = arith.index_cast %get3A_1276 : i32 to index
        %get3A_1282 = arith.index_cast %mul3A_1275 : i32 to index
        %get3A_1283 = tpu.vector_load %get3A_1280[%get3A_1281, %get3A_1282] {strides = array<i32>} : memref<32x1024xf32, #tpu.memory_space<vmem>>, vector<16xf32>,
        %mul3A_1284 = arith.mulf %get3A_1283, %get3A_1112 : vector<16xf32>
        %mul3A_1285 = arith.constant 16 : i32
        %mul3A_1286 = arith.muli %scan3A_1093, %mul3A_1285 : i32
        %get3A_1287 = arith.constant 23 : i32
        %get3A_1288 = arith.constant 0 : i32
        %get3A_1289 = arith.constant 0 : i32
        %get3A_1290 = tpu.memref_slice %arg8[%scan3A_714, %get3A_1288, %get3A_1289] : memref<3x32x1024xf32, #tpu.memory_space<vmem>> -> memref<1x32x1024xf32, #tpu.memory_space<vmem>>
        %get3A_1291 = tpu.memref_squeeze %get3A_1290 : memref<1x32x1024xf32, #tpu.memory_space<vmem>> -> memref<32x1024xf32, #tpu.memory_space<vmem>>
        %get3A_1292 = arith.index_cast %get3A_1287 : i32 to index
        %get3A_1293 = arith.index_cast %mul3A_1286 : i32 to index
        %get3A_1294 = tpu.vector_load %get3A_1291[%get3A_1292, %get3A_1293] {strides = array<i32>} : memref<32x1024xf32, #tpu.memory_space<vmem>>, vector<16xf32>,
        %mul3A_1295 = arith.mulf %mul3A_1284, %get3A_1294 : vector<16xf32>
        %add3A_1296 = arith.addf %scan3A_1101, %mul3A_1295 : vector<16xf32>
        %mul3A_1297 = arith.constant 16 : i32
        %mul3A_1298 = arith.muli %scan3A_1093, %mul3A_1297 : i32
        %get3A_1299 = arith.constant 8 : i32
        %get3A_1300 = arith.constant 0 : i32
        %get3A_1301 = arith.constant 0 : i32
        %get3A_1302 = tpu.memref_slice %arg8[%scan3A_714, %get3A_1300, %get3A_1301] : memref<3x32x1024xf32, #tpu.memory_space<vmem>> -> memref<1x32x1024xf32, #tpu.memory_space<vmem>>
        %get3A_1303 = tpu.memref_squeeze %get3A_1302 : memref<1x32x1024xf32, #tpu.memory_space<vmem>> -> memref<32x1024xf32, #tpu.memory_space<vmem>>
        %get3A_1304 = arith.index_cast %get3A_1299 : i32 to index
        %get3A_1305 = arith.index_cast %mul3A_1298 : i32 to index
        %get3A_1306 = tpu.vector_load %get3A_1303[%get3A_1304, %get3A_1305] {strides = array<i32>} : memref<32x1024xf32, #tpu.memory_space<vmem>>, vector<16xf32>,
        %mul3A_1307 = arith.mulf %get3A_1306, %get3A_1112 : vector<16xf32>
        %mul3A_1308 = arith.constant 16 : i32
        %mul3A_1309 = arith.muli %scan3A_1093, %mul3A_1308 : i32
        %get3A_1310 = arith.constant 24 : i32
        %get3A_1311 = arith.constant 0 : i32
        %get3A_1312 = arith.constant 0 : i32
        %get3A_1313 = tpu.memref_slice %arg8[%scan3A_714, %get3A_1311, %get3A_1312] : memref<3x32x1024xf32, #tpu.memory_space<vmem>> -> memref<1x32x1024xf32, #tpu.memory_space<vmem>>
        %get3A_1314 = tpu.memref_squeeze %get3A_1313 : memref<1x32x1024xf32, #tpu.memory_space<vmem>> -> memref<32x1024xf32, #tpu.memory_space<vmem>>
        %get3A_1315 = arith.index_cast %get3A_1310 : i32 to index
        %get3A_1316 = arith.index_cast %mul3A_1309 : i32 to index
        %get3A_1317 = tpu.vector_load %get3A_1314[%get3A_1315, %get3A_1316] {strides = array<i32>} : memref<32x1024xf32, #tpu.memory_space<vmem>>, vector<16xf32>,
        %mul3A_1318 = arith.mulf %mul3A_1307, %get3A_1317 : vector<16xf32>
        %add3A_1319 = arith.addf %scan3A_1102, %mul3A_1318 : vector<16xf32>
        %mul3A_1320 = arith.constant 16 : i32
        %mul3A_1321 = arith.muli %scan3A_1093, %mul3A_1320 : i32
        %get3A_1322 = arith.constant 9 : i32
        %get3A_1323 = arith.constant 0 : i32
        %get3A_1324 = arith.constant 0 : i32
        %get3A_1325 = tpu.memref_slice %arg8[%scan3A_714, %get3A_1323, %get3A_1324] : memref<3x32x1024xf32, #tpu.memory_space<vmem>> -> memref<1x32x1024xf32, #tpu.memory_space<vmem>>
        %get3A_1326 = tpu.memref_squeeze %get3A_1325 : memref<1x32x1024xf32, #tpu.memory_space<vmem>> -> memref<32x1024xf32, #tpu.memory_space<vmem>>
        %get3A_1327 = arith.index_cast %get3A_1322 : i32 to index
        %get3A_1328 = arith.index_cast %mul3A_1321 : i32 to index
        %get3A_1329 = tpu.vector_load %get3A_1326[%get3A_1327, %get3A_1328] {strides = array<i32>} : memref<32x1024xf32, #tpu.memory_space<vmem>>, vector<16xf32>,
        %mul3A_1330 = arith.mulf %get3A_1329, %get3A_1112 : vector<16xf32>
        %mul3A_1331 = arith.constant 16 : i32
        %mul3A_1332 = arith.muli %scan3A_1093, %mul3A_1331 : i32
        %get3A_1333 = arith.constant 25 : i32
        %get3A_1334 = arith.constant 0 : i32
        %get3A_1335 = arith.constant 0 : i32
        %get3A_1336 = tpu.memref_slice %arg8[%scan3A_714, %get3A_1334, %get3A_1335] : memref<3x32x1024xf32, #tpu.memory_space<vmem>> -> memref<1x32x1024xf32, #tpu.memory_space<vmem>>
        %get3A_1337 = tpu.memref_squeeze %get3A_1336 : memref<1x32x1024xf32, #tpu.memory_space<vmem>> -> memref<32x1024xf32, #tpu.memory_space<vmem>>
        %get3A_1338 = arith.index_cast %get3A_1333 : i32 to index
        %get3A_1339 = arith.index_cast %mul3A_1332 : i32 to index
        %get3A_1340 = tpu.vector_load %get3A_1337[%get3A_1338, %get3A_1339] {strides = array<i32>} : memref<32x1024xf32, #tpu.memory_space<vmem>>, vector<16xf32>,
        %mul3A_1341 = arith.mulf %mul3A_1330, %get3A_1340 : vector<16xf32>
        %add3A_1342 = arith.addf %scan3A_1103, %mul3A_1341 : vector<16xf32>
        %mul3A_1343 = arith.constant 16 : i32
        %mul3A_1344 = arith.muli %scan3A_1093, %mul3A_1343 : i32
        %get3A_1345 = arith.constant 10 : i32
        %get3A_1346 = arith.constant 0 : i32
        %get3A_1347 = arith.constant 0 : i32
        %get3A_1348 = tpu.memref_slice %arg8[%scan3A_714, %get3A_1346, %get3A_1347] : memref<3x32x1024xf32, #tpu.memory_space<vmem>> -> memref<1x32x1024xf32, #tpu.memory_space<vmem>>
        %get3A_1349 = tpu.memref_squeeze %get3A_1348 : memref<1x32x1024xf32, #tpu.memory_space<vmem>> -> memref<32x1024xf32, #tpu.memory_space<vmem>>
        %get3A_1350 = arith.index_cast %get3A_1345 : i32 to index
        %get3A_1351 = arith.index_cast %mul3A_1344 : i32 to index
        %get3A_1352 = tpu.vector_load %get3A_1349[%get3A_1350, %get3A_1351] {strides = array<i32>} : memref<32x1024xf32, #tpu.memory_space<vmem>>, vector<16xf32>,
        %mul3A_1353 = arith.mulf %get3A_1352, %get3A_1112 : vector<16xf32>
        %mul3A_1354 = arith.constant 16 : i32
        %mul3A_1355 = arith.muli %scan3A_1093, %mul3A_1354 : i32
        %get3A_1356 = arith.constant 26 : i32
        %get3A_1357 = arith.constant 0 : i32
        %get3A_1358 = arith.constant 0 : i32
        %get3A_1359 = tpu.memref_slice %arg8[%scan3A_714, %get3A_1357, %get3A_1358] : memref<3x32x1024xf32, #tpu.memory_space<vmem>> -> memref<1x32x1024xf32, #tpu.memory_space<vmem>>
        %get3A_1360 = tpu.memref_squeeze %get3A_1359 : memref<1x32x1024xf32, #tpu.memory_space<vmem>> -> memref<32x1024xf32, #tpu.memory_space<vmem>>
        %get3A_1361 = arith.index_cast %get3A_1356 : i32 to index
        %get3A_1362 = arith.index_cast %mul3A_1355 : i32 to index
        %get3A_1363 = tpu.vector_load %get3A_1360[%get3A_1361, %get3A_1362] {strides = array<i32>} : memref<32x1024xf32, #tpu.memory_space<vmem>>, vector<16xf32>,
        %mul3A_1364 = arith.mulf %mul3A_1353, %get3A_1363 : vector<16xf32>
        %add3A_1365 = arith.addf %scan3A_1104, %mul3A_1364 : vector<16xf32>
        %mul3A_1366 = arith.constant 16 : i32
        %mul3A_1367 = arith.muli %scan3A_1093, %mul3A_1366 : i32
        %get3A_1368 = arith.constant 11 : i32
        %get3A_1369 = arith.constant 0 : i32
        %get3A_1370 = arith.constant 0 : i32
        %get3A_1371 = tpu.memref_slice %arg8[%scan3A_714, %get3A_1369, %get3A_1370] : memref<3x32x1024xf32, #tpu.memory_space<vmem>> -> memref<1x32x1024xf32, #tpu.memory_space<vmem>>
        %get3A_1372 = tpu.memref_squeeze %get3A_1371 : memref<1x32x1024xf32, #tpu.memory_space<vmem>> -> memref<32x1024xf32, #tpu.memory_space<vmem>>
        %get3A_1373 = arith.index_cast %get3A_1368 : i32 to index
        %get3A_1374 = arith.index_cast %mul3A_1367 : i32 to index
        %get3A_1375 = tpu.vector_load %get3A_1372[%get3A_1373, %get3A_1374] {strides = array<i32>} : memref<32x1024xf32, #tpu.memory_space<vmem>>, vector<16xf32>,
        %mul3A_1376 = arith.mulf %get3A_1375, %get3A_1112 : vector<16xf32>
        %mul3A_1377 = arith.constant 16 : i32
        %mul3A_1378 = arith.muli %scan3A_1093, %mul3A_1377 : i32
        %get3A_1379 = arith.constant 27 : i32
        %get3A_1380 = arith.constant 0 : i32
        %get3A_1381 = arith.constant 0 : i32
        %get3A_1382 = tpu.memref_slice %arg8[%scan3A_714, %get3A_1380, %get3A_1381] : memref<3x32x1024xf32, #tpu.memory_space<vmem>> -> memref<1x32x1024xf32, #tpu.memory_space<vmem>>
        %get3A_1383 = tpu.memref_squeeze %get3A_1382 : memref<1x32x1024xf32, #tpu.memory_space<vmem>> -> memref<32x1024xf32, #tpu.memory_space<vmem>>
        %get3A_1384 = arith.index_cast %get3A_1379 : i32 to index
        %get3A_1385 = arith.index_cast %mul3A_1378 : i32 to index
        %get3A_1386 = tpu.vector_load %get3A_1383[%get3A_1384, %get3A_1385] {strides = array<i32>} : memref<32x1024xf32, #tpu.memory_space<vmem>>, vector<16xf32>,
        %mul3A_1387 = arith.mulf %mul3A_1376, %get3A_1386 : vector<16xf32>
        %add3A_1388 = arith.addf %scan3A_1105, %mul3A_1387 : vector<16xf32>
        %mul3A_1389 = arith.constant 16 : i32
        %mul3A_1390 = arith.muli %scan3A_1093, %mul3A_1389 : i32
        %get3A_1391 = arith.constant 12 : i32
        %get3A_1392 = arith.constant 0 : i32
        %get3A_1393 = arith.constant 0 : i32
        %get3A_1394 = tpu.memref_slice %arg8[%scan3A_714, %get3A_1392, %get3A_1393] : memref<3x32x1024xf32, #tpu.memory_space<vmem>> -> memref<1x32x1024xf32, #tpu.memory_space<vmem>>
        %get3A_1395 = tpu.memref_squeeze %get3A_1394 : memref<1x32x1024xf32, #tpu.memory_space<vmem>> -> memref<32x1024xf32, #tpu.memory_space<vmem>>
        %get3A_1396 = arith.index_cast %get3A_1391 : i32 to index
        %get3A_1397 = arith.index_cast %mul3A_1390 : i32 to index
        %get3A_1398 = tpu.vector_load %get3A_1395[%get3A_1396, %get3A_1397] {strides = array<i32>} : memref<32x1024xf32, #tpu.memory_space<vmem>>, vector<16xf32>,
        %mul3A_1399 = arith.mulf %get3A_1398, %get3A_1112 : vector<16xf32>
        %mul3A_1400 = arith.constant 16 : i32
        %mul3A_1401 = arith.muli %scan3A_1093, %mul3A_1400 : i32
        %get3A_1402 = arith.constant 28 : i32
        %get3A_1403 = arith.constant 0 : i32
        %get3A_1404 = arith.constant 0 : i32
        %get3A_1405 = tpu.memref_slice %arg8[%scan3A_714, %get3A_1403, %get3A_1404] : memref<3x32x1024xf32, #tpu.memory_space<vmem>> -> memref<1x32x1024xf32, #tpu.memory_space<vmem>>
        %get3A_1406 = tpu.memref_squeeze %get3A_1405 : memref<1x32x1024xf32, #tpu.memory_space<vmem>> -> memref<32x1024xf32, #tpu.memory_space<vmem>>
        %get3A_1407 = arith.index_cast %get3A_1402 : i32 to index
        %get3A_1408 = arith.index_cast %mul3A_1401 : i32 to index
        %get3A_1409 = tpu.vector_load %get3A_1406[%get3A_1407, %get3A_1408] {strides = array<i32>} : memref<32x1024xf32, #tpu.memory_space<vmem>>, vector<16xf32>,
        %mul3A_1410 = arith.mulf %mul3A_1399, %get3A_1409 : vector<16xf32>
        %add3A_1411 = arith.addf %scan3A_1106, %mul3A_1410 : vector<16xf32>
        %mul3A_1412 = arith.constant 16 : i32
        %mul3A_1413 = arith.muli %scan3A_1093, %mul3A_1412 : i32
        %get3A_1414 = arith.constant 13 : i32
        %get3A_1415 = arith.constant 0 : i32
        %get3A_1416 = arith.constant 0 : i32
        %get3A_1417 = tpu.memref_slice %arg8[%scan3A_714, %get3A_1415, %get3A_1416] : memref<3x32x1024xf32, #tpu.memory_space<vmem>> -> memref<1x32x1024xf32, #tpu.memory_space<vmem>>
        %get3A_1418 = tpu.memref_squeeze %get3A_1417 : memref<1x32x1024xf32, #tpu.memory_space<vmem>> -> memref<32x1024xf32, #tpu.memory_space<vmem>>
        %get3A_1419 = arith.index_cast %get3A_1414 : i32 to index
        %get3A_1420 = arith.index_cast %mul3A_1413 : i32 to index
        %get3A_1421 = tpu.vector_load %get3A_1418[%get3A_1419, %get3A_1420] {strides = array<i32>} : memref<32x1024xf32, #tpu.memory_space<vmem>>, vector<16xf32>,
        %mul3A_1422 = arith.mulf %get3A_1421, %get3A_1112 : vector<16xf32>
        %mul3A_1423 = arith.constant 16 : i32
        %mul3A_1424 = arith.muli %scan3A_1093, %mul3A_1423 : i32
        %get3A_1425 = arith.constant 29 : i32
        %get3A_1426 = arith.constant 0 : i32
        %get3A_1427 = arith.constant 0 : i32
        %get3A_1428 = tpu.memref_slice %arg8[%scan3A_714, %get3A_1426, %get3A_1427] : memref<3x32x1024xf32, #tpu.memory_space<vmem>> -> memref<1x32x1024xf32, #tpu.memory_space<vmem>>
        %get3A_1429 = tpu.memref_squeeze %get3A_1428 : memref<1x32x1024xf32, #tpu.memory_space<vmem>> -> memref<32x1024xf32, #tpu.memory_space<vmem>>
        %get3A_1430 = arith.index_cast %get3A_1425 : i32 to index
        %get3A_1431 = arith.index_cast %mul3A_1424 : i32 to index
        %get3A_1432 = tpu.vector_load %get3A_1429[%get3A_1430, %get3A_1431] {strides = array<i32>} : memref<32x1024xf32, #tpu.memory_space<vmem>>, vector<16xf32>,
        %mul3A_1433 = arith.mulf %mul3A_1422, %get3A_1432 : vector<16xf32>
        %add3A_1434 = arith.addf %scan3A_1107, %mul3A_1433 : vector<16xf32>
        %mul3A_1435 = arith.constant 16 : i32
        %mul3A_1436 = arith.muli %scan3A_1093, %mul3A_1435 : i32
        %get3A_1437 = arith.constant 14 : i32
        %get3A_1438 = arith.constant 0 : i32
        %get3A_1439 = arith.constant 0 : i32
        %get3A_1440 = tpu.memref_slice %arg8[%scan3A_714, %get3A_1438, %get3A_1439] : memref<3x32x1024xf32, #tpu.memory_space<vmem>> -> memref<1x32x1024xf32, #tpu.memory_space<vmem>>
        %get3A_1441 = tpu.memref_squeeze %get3A_1440 : memref<1x32x1024xf32, #tpu.memory_space<vmem>> -> memref<32x1024xf32, #tpu.memory_space<vmem>>
        %get3A_1442 = arith.index_cast %get3A_1437 : i32 to index
        %get3A_1443 = arith.index_cast %mul3A_1436 : i32 to index
        %get3A_1444 = tpu.vector_load %get3A_1441[%get3A_1442, %get3A_1443] {strides = array<i32>} : memref<32x1024xf32, #tpu.memory_space<vmem>>, vector<16xf32>,
        %mul3A_1445 = arith.mulf %get3A_1444, %get3A_1112 : vector<16xf32>
        %mul3A_1446 = arith.constant 16 : i32
        %mul3A_1447 = arith.muli %scan3A_1093, %mul3A_1446 : i32
        %get3A_1448 = arith.constant 30 : i32
        %get3A_1449 = arith.constant 0 : i32
        %get3A_1450 = arith.constant 0 : i32
        %get3A_1451 = tpu.memref_slice %arg8[%scan3A_714, %get3A_1449, %get3A_1450] : memref<3x32x1024xf32, #tpu.memory_space<vmem>> -> memref<1x32x1024xf32, #tpu.memory_space<vmem>>
        %get3A_1452 = tpu.memref_squeeze %get3A_1451 : memref<1x32x1024xf32, #tpu.memory_space<vmem>> -> memref<32x1024xf32, #tpu.memory_space<vmem>>
        %get3A_1453 = arith.index_cast %get3A_1448 : i32 to index
        %get3A_1454 = arith.index_cast %mul3A_1447 : i32 to index
        %get3A_1455 = tpu.vector_load %get3A_1452[%get3A_1453, %get3A_1454] {strides = array<i32>} : memref<32x1024xf32, #tpu.memory_space<vmem>>, vector<16xf32>,
        %mul3A_1456 = arith.mulf %mul3A_1445, %get3A_1455 : vector<16xf32>
        %add3A_1457 = arith.addf %scan3A_1108, %mul3A_1456 : vector<16xf32>
        %mul3A_1458 = arith.constant 16 : i32
        %mul3A_1459 = arith.muli %scan3A_1093, %mul3A_1458 : i32
        %get3A_1460 = arith.constant 15 : i32
        %get3A_1461 = arith.constant 0 : i32
        %get3A_1462 = arith.constant 0 : i32
        %get3A_1463 = tpu.memref_slice %arg8[%scan3A_714, %get3A_1461, %get3A_1462] : memref<3x32x1024xf32, #tpu.memory_space<vmem>> -> memref<1x32x1024xf32, #tpu.memory_space<vmem>>
        %get3A_1464 = tpu.memref_squeeze %get3A_1463 : memref<1x32x1024xf32, #tpu.memory_space<vmem>> -> memref<32x1024xf32, #tpu.memory_space<vmem>>
        %get3A_1465 = arith.index_cast %get3A_1460 : i32 to index
        %get3A_1466 = arith.index_cast %mul3A_1459 : i32 to index
        %get3A_1467 = tpu.vector_load %get3A_1464[%get3A_1465, %get3A_1466] {strides = array<i32>} : memref<32x1024xf32, #tpu.memory_space<vmem>>, vector<16xf32>,
        %mul3A_1468 = arith.mulf %get3A_1467, %get3A_1112 : vector<16xf32>
        %mul3A_1469 = arith.constant 16 : i32
        %mul3A_1470 = arith.muli %scan3A_1093, %mul3A_1469 : i32
        %get3A_1471 = arith.constant 31 : i32
        %get3A_1472 = arith.constant 0 : i32
        %get3A_1473 = arith.constant 0 : i32
        %get3A_1474 = tpu.memref_slice %arg8[%scan3A_714, %get3A_1472, %get3A_1473] : memref<3x32x1024xf32, #tpu.memory_space<vmem>> -> memref<1x32x1024xf32, #tpu.memory_space<vmem>>
        %get3A_1475 = tpu.memref_squeeze %get3A_1474 : memref<1x32x1024xf32, #tpu.memory_space<vmem>> -> memref<32x1024xf32, #tpu.memory_space<vmem>>
        %get3A_1476 = arith.index_cast %get3A_1471 : i32 to index
        %get3A_1477 = arith.index_cast %mul3A_1470 : i32 to index
        %get3A_1478 = tpu.vector_load %get3A_1475[%get3A_1476, %get3A_1477] {strides = array<i32>} : memref<32x1024xf32, #tpu.memory_space<vmem>>, vector<16xf32>,
        %mul3A_1479 = arith.mulf %mul3A_1468, %get3A_1478 : vector<16xf32>
        %add3A_1480 = arith.addf %scan3A_1109, %mul3A_1479 : vector<16xf32>
        scf.yield %add3A_1135, %add3A_1158, %add3A_1181, %add3A_1204, %add3A_1227, %add3A_1250, %add3A_1273, %add3A_1296, %add3A_1319, %add3A_1342, %add3A_1365, %add3A_1388, %add3A_1411, %add3A_1434, %add3A_1457, %add3A_1480 : vector<16xf32>, vector<16xf32>, vector<16xf32>, vector<16xf32>, vector<16xf32>, vector<16xf32>, vector<16xf32>, vector<16xf32>, vector<16xf32>, vector<16xf32>, vector<16xf32>, vector<16xf32>, vector<16xf32>, vector<16xf32>, vector<16xf32>, vector<16xf32>
      }
      %scan3A_720 = arith.constant 64 : i32
      %broadcast_in_dim3A_721 = arith.constant 0.000000e+00 : f32
      %broadcast_in_dim3A_722 = vector.broadcast %broadcast_in_dim3A_721 : f32 to vector<16xf32>
      %eq3A_723 = arith.constant 0 : i32
      %eq3A_724 = vector.broadcast %eq3A_723 : i32 to vector<16xi32>
      %eq3A_725 = arith.cmpi eq, %iota3A, %eq3A_724 : vector<16xi32>
      %reduce_sum3A_726 = arith.constant true
      %reduce_sum3A_727 = vector.broadcast %reduce_sum3A_726 : i1 to vector<16xi1>
      %reduce_sum3A_728 = tpu.scan <sum>, %scan3A_719#0 masked %reduce_sum3A_727 : vector<16xf32>, vector<16xi1> -> vector<16xf32>
      %reduce_sum3A_729 = vector.extract %reduce_sum3A_728[15] : f32 from vector<16xf32>
      %broadcast_in_dim3A_730 = vector.broadcast %reduce_sum3A_729 : f32 to vector<16xf32>
      %select_n3A_731 = arith.select %eq3A_725, %broadcast_in_dim3A_730, %broadcast_in_dim3A_722 : vector<16xi1>, vector<16xf32>
      %eq3A_732 = arith.constant 1 : i32
      %eq3A_733 = vector.broadcast %eq3A_732 : i32 to vector<16xi32>
      %eq3A_734 = arith.cmpi eq, %iota3A, %eq3A_733 : vector<16xi32>
      %reduce_sum3A_735 = arith.constant true
      %reduce_sum3A_736 = vector.broadcast %reduce_sum3A_735 : i1 to vector<16xi1>
      %reduce_sum3A_737 = tpu.scan <sum>, %scan3A_719#1 masked %reduce_sum3A_736 : vector<16xf32>, vector<16xi1> -> vector<16xf32>
      %reduce_sum3A_738 = vector.extract %reduce_sum3A_737[15] : f32 from vector<16xf32>
      %broadcast_in_dim3A_739 = vector.broadcast %reduce_sum3A_738 : f32 to vector<16xf32>
      %select_n3A_740 = arith.select %eq3A_734, %broadcast_in_dim3A_739, %select_n3A_731 : vector<16xi1>, vector<16xf32>
      %eq3A_741 = arith.constant 2 : i32
      %eq3A_742 = vector.broadcast %eq3A_741 : i32 to vector<16xi32>
      %eq3A_743 = arith.cmpi eq, %iota3A, %eq3A_742 : vector<16xi32>
      %reduce_sum3A_744 = arith.constant true
      %reduce_sum3A_745 = vector.broadcast %reduce_sum3A_744 : i1 to vector<16xi1>
      %reduce_sum3A_746 = tpu.scan <sum>, %scan3A_719#2 masked %reduce_sum3A_745 : vector<16xf32>, vector<16xi1> -> vector<16xf32>
      %reduce_sum3A_747 = vector.extract %reduce_sum3A_746[15] : f32 from vector<16xf32>
      %broadcast_in_dim3A_748 = vector.broadcast %reduce_sum3A_747 : f32 to vector<16xf32>
      %select_n3A_749 = arith.select %eq3A_743, %broadcast_in_dim3A_748, %select_n3A_740 : vector<16xi1>, vector<16xf32>
      %eq3A_750 = arith.constant 3 : i32
      %eq3A_751 = vector.broadcast %eq3A_750 : i32 to vector<16xi32>
      %eq3A_752 = arith.cmpi eq, %iota3A, %eq3A_751 : vector<16xi32>
      %reduce_sum3A_753 = arith.constant true
      %reduce_sum3A_754 = vector.broadcast %reduce_sum3A_753 : i1 to vector<16xi1>
      %reduce_sum3A_755 = tpu.scan <sum>, %scan3A_719#3 masked %reduce_sum3A_754 : vector<16xf32>, vector<16xi1> -> vector<16xf32>
      %reduce_sum3A_756 = vector.extract %reduce_sum3A_755[15] : f32 from vector<16xf32>
      %broadcast_in_dim3A_757 = vector.broadcast %reduce_sum3A_756 : f32 to vector<16xf32>
      %select_n3A_758 = arith.select %eq3A_752, %broadcast_in_dim3A_757, %select_n3A_749 : vector<16xi1>, vector<16xf32>
      %eq3A_759 = arith.constant 4 : i32
      %eq3A_760 = vector.broadcast %eq3A_759 : i32 to vector<16xi32>
      %eq3A_761 = arith.cmpi eq, %iota3A, %eq3A_760 : vector<16xi32>
      %reduce_sum3A_762 = arith.constant true
      %reduce_sum3A_763 = vector.broadcast %reduce_sum3A_762 : i1 to vector<16xi1>
      %reduce_sum3A_764 = tpu.scan <sum>, %scan3A_719#4 masked %reduce_sum3A_763 : vector<16xf32>, vector<16xi1> -> vector<16xf32>
      %reduce_sum3A_765 = vector.extract %reduce_sum3A_764[15] : f32 from vector<16xf32>
      %broadcast_in_dim3A_766 = vector.broadcast %reduce_sum3A_765 : f32 to vector<16xf32>
      %select_n3A_767 = arith.select %eq3A_761, %broadcast_in_dim3A_766, %select_n3A_758 : vector<16xi1>, vector<16xf32>
      %eq3A_768 = arith.constant 5 : i32
      %eq3A_769 = vector.broadcast %eq3A_768 : i32 to vector<16xi32>
      %eq3A_770 = arith.cmpi eq, %iota3A, %eq3A_769 : vector<16xi32>
      %reduce_sum3A_771 = arith.constant true
      %reduce_sum3A_772 = vector.broadcast %reduce_sum3A_771 : i1 to vector<16xi1>
      %reduce_sum3A_773 = tpu.scan <sum>, %scan3A_719#5 masked %reduce_sum3A_772 : vector<16xf32>, vector<16xi1> -> vector<16xf32>
      %reduce_sum3A_774 = vector.extract %reduce_sum3A_773[15] : f32 from vector<16xf32>
      %broadcast_in_dim3A_775 = vector.broadcast %reduce_sum3A_774 : f32 to vector<16xf32>
      %select_n3A_776 = arith.select %eq3A_770, %broadcast_in_dim3A_775, %select_n3A_767 : vector<16xi1>, vector<16xf32>
      %eq3A_777 = arith.constant 6 : i32
      %eq3A_778 = vector.broadcast %eq3A_777 : i32 to vector<16xi32>
      %eq3A_779 = arith.cmpi eq, %iota3A, %eq3A_778 : vector<16xi32>
      %reduce_sum3A_780 = arith.constant true
      %reduce_sum3A_781 = vector.broadcast %reduce_sum3A_780 : i1 to vector<16xi1>
      %reduce_sum3A_782 = tpu.scan <sum>, %scan3A_719#6 masked %reduce_sum3A_781 : vector<16xf32>, vector<16xi1> -> vector<16xf32>
      %reduce_sum3A_783 = vector.extract %reduce_sum3A_782[15] : f32 from vector<16xf32>
      %broadcast_in_dim3A_784 = vector.broadcast %reduce_sum3A_783 : f32 to vector<16xf32>
      %select_n3A_785 = arith.select %eq3A_779, %broadcast_in_dim3A_784, %select_n3A_776 : vector<16xi1>, vector<16xf32>
      %eq3A_786 = arith.constant 7 : i32
      %eq3A_787 = vector.broadcast %eq3A_786 : i32 to vector<16xi32>
      %eq3A_788 = arith.cmpi eq, %iota3A, %eq3A_787 : vector<16xi32>
      %reduce_sum3A_789 = arith.constant true
      %reduce_sum3A_790 = vector.broadcast %reduce_sum3A_789 : i1 to vector<16xi1>
      %reduce_sum3A_791 = tpu.scan <sum>, %scan3A_719#7 masked %reduce_sum3A_790 : vector<16xf32>, vector<16xi1> -> vector<16xf32>
      %reduce_sum3A_792 = vector.extract %reduce_sum3A_791[15] : f32 from vector<16xf32>
      %broadcast_in_dim3A_793 = vector.broadcast %reduce_sum3A_792 : f32 to vector<16xf32>
      %select_n3A_794 = arith.select %eq3A_788, %broadcast_in_dim3A_793, %select_n3A_785 : vector<16xi1>, vector<16xf32>
      %eq3A_795 = arith.constant 8 : i32
      %eq3A_796 = vector.broadcast %eq3A_795 : i32 to vector<16xi32>
      %eq3A_797 = arith.cmpi eq, %iota3A, %eq3A_796 : vector<16xi32>
      %reduce_sum3A_798 = arith.constant true
      %reduce_sum3A_799 = vector.broadcast %reduce_sum3A_798 : i1 to vector<16xi1>
      %reduce_sum3A_800 = tpu.scan <sum>, %scan3A_719#8 masked %reduce_sum3A_799 : vector<16xf32>, vector<16xi1> -> vector<16xf32>
      %reduce_sum3A_801 = vector.extract %reduce_sum3A_800[15] : f32 from vector<16xf32>
      %broadcast_in_dim3A_802 = vector.broadcast %reduce_sum3A_801 : f32 to vector<16xf32>
      %select_n3A_803 = arith.select %eq3A_797, %broadcast_in_dim3A_802, %select_n3A_794 : vector<16xi1>, vector<16xf32>
      %eq3A_804 = arith.constant 9 : i32
      %eq3A_805 = vector.broadcast %eq3A_804 : i32 to vector<16xi32>
      %eq3A_806 = arith.cmpi eq, %iota3A, %eq3A_805 : vector<16xi32>
      %reduce_sum3A_807 = arith.constant true
      %reduce_sum3A_808 = vector.broadcast %reduce_sum3A_807 : i1 to vector<16xi1>
      %reduce_sum3A_809 = tpu.scan <sum>, %scan3A_719#9 masked %reduce_sum3A_808 : vector<16xf32>, vector<16xi1> -> vector<16xf32>
      %reduce_sum3A_810 = vector.extract %reduce_sum3A_809[15] : f32 from vector<16xf32>
      %broadcast_in_dim3A_811 = vector.broadcast %reduce_sum3A_810 : f32 to vector<16xf32>
      %select_n3A_812 = arith.select %eq3A_806, %broadcast_in_dim3A_811, %select_n3A_803 : vector<16xi1>, vector<16xf32>
      %eq3A_813 = arith.constant 10 : i32
      %eq3A_814 = vector.broadcast %eq3A_813 : i32 to vector<16xi32>
      %eq3A_815 = arith.cmpi eq, %iota3A, %eq3A_814 : vector<16xi32>
      %reduce_sum3A_816 = arith.constant true
      %reduce_sum3A_817 = vector.broadcast %reduce_sum3A_816 : i1 to vector<16xi1>
      %reduce_sum3A_818 = tpu.scan <sum>, %scan3A_719#10 masked %reduce_sum3A_817 : vector<16xf32>, vector<16xi1> -> vector<16xf32>
      %reduce_sum3A_819 = vector.extract %reduce_sum3A_818[15] : f32 from vector<16xf32>
      %broadcast_in_dim3A_820 = vector.broadcast %reduce_sum3A_819 : f32 to vector<16xf32>
      %select_n3A_821 = arith.select %eq3A_815, %broadcast_in_dim3A_820, %select_n3A_812 : vector<16xi1>, vector<16xf32>
      %eq3A_822 = arith.constant 11 : i32
      %eq3A_823 = vector.broadcast %eq3A_822 : i32 to vector<16xi32>
      %eq3A_824 = arith.cmpi eq, %iota3A, %eq3A_823 : vector<16xi32>
      %reduce_sum3A_825 = arith.constant true
      %reduce_sum3A_826 = vector.broadcast %reduce_sum3A_825 : i1 to vector<16xi1>
      %reduce_sum3A_827 = tpu.scan <sum>, %scan3A_719#11 masked %reduce_sum3A_826 : vector<16xf32>, vector<16xi1> -> vector<16xf32>
      %reduce_sum3A_828 = vector.extract %reduce_sum3A_827[15] : f32 from vector<16xf32>
      %broadcast_in_dim3A_829 = vector.broadcast %reduce_sum3A_828 : f32 to vector<16xf32>
      %select_n3A_830 = arith.select %eq3A_824, %broadcast_in_dim3A_829, %select_n3A_821 : vector<16xi1>, vector<16xf32>
      %eq3A_831 = arith.constant 12 : i32
      %eq3A_832 = vector.broadcast %eq3A_831 : i32 to vector<16xi32>
      %eq3A_833 = arith.cmpi eq, %iota3A, %eq3A_832 : vector<16xi32>
      %reduce_sum3A_834 = arith.constant true
      %reduce_sum3A_835 = vector.broadcast %reduce_sum3A_834 : i1 to vector<16xi1>
      %reduce_sum3A_836 = tpu.scan <sum>, %scan3A_719#12 masked %reduce_sum3A_835 : vector<16xf32>, vector<16xi1> -> vector<16xf32>
      %reduce_sum3A_837 = vector.extract %reduce_sum3A_836[15] : f32 from vector<16xf32>
      %broadcast_in_dim3A_838 = vector.broadcast %reduce_sum3A_837 : f32 to vector<16xf32>
      %select_n3A_839 = arith.select %eq3A_833, %broadcast_in_dim3A_838, %select_n3A_830 : vector<16xi1>, vector<16xf32>
      %eq3A_840 = arith.constant 13 : i32
      %eq3A_841 = vector.broadcast %eq3A_840 : i32 to vector<16xi32>
      %eq3A_842 = arith.cmpi eq, %iota3A, %eq3A_841 : vector<16xi32>
      %reduce_sum3A_843 = arith.constant true
      %reduce_sum3A_844 = vector.broadcast %reduce_sum3A_843 : i1 to vector<16xi1>
      %reduce_sum3A_845 = tpu.scan <sum>, %scan3A_719#13 masked %reduce_sum3A_844 : vector<16xf32>, vector<16xi1> -> vector<16xf32>
      %reduce_sum3A_846 = vector.extract %reduce_sum3A_845[15] : f32 from vector<16xf32>
      %broadcast_in_dim3A_847 = vector.broadcast %reduce_sum3A_846 : f32 to vector<16xf32>
      %select_n3A_848 = arith.select %eq3A_842, %broadcast_in_dim3A_847, %select_n3A_839 : vector<16xi1>, vector<16xf32>
      %eq3A_849 = arith.constant 14 : i32
      %eq3A_850 = vector.broadcast %eq3A_849 : i32 to vector<16xi32>
      %eq3A_851 = arith.cmpi eq, %iota3A, %eq3A_850 : vector<16xi32>
      %reduce_sum3A_852 = arith.constant true
      %reduce_sum3A_853 = vector.broadcast %reduce_sum3A_852 : i1 to vector<16xi1>
      %reduce_sum3A_854 = tpu.scan <sum>, %scan3A_719#14 masked %reduce_sum3A_853 : vector<16xf32>, vector<16xi1> -> vector<16xf32>
      %reduce_sum3A_855 = vector.extract %reduce_sum3A_854[15] : f32 from vector<16xf32>
      %broadcast_in_dim3A_856 = vector.broadcast %reduce_sum3A_855 : f32 to vector<16xf32>
      %select_n3A_857 = arith.select %eq3A_851, %broadcast_in_dim3A_856, %select_n3A_848 : vector<16xi1>, vector<16xf32>
      %eq3A_858 = arith.constant 15 : i32
      %eq3A_859 = vector.broadcast %eq3A_858 : i32 to vector<16xi32>
      %eq3A_860 = arith.cmpi eq, %iota3A, %eq3A_859 : vector<16xi32>
      %reduce_sum3A_861 = arith.constant true
      %reduce_sum3A_862 = vector.broadcast %reduce_sum3A_861 : i1 to vector<16xi1>
      %reduce_sum3A_863 = tpu.scan <sum>, %scan3A_719#15 masked %reduce_sum3A_862 : vector<16xf32>, vector<16xi1> -> vector<16xf32>
      %reduce_sum3A_864 = vector.extract %reduce_sum3A_863[15] : f32 from vector<16xf32>
      %broadcast_in_dim3A_865 = vector.broadcast %reduce_sum3A_864 : f32 to vector<16xf32>
      %select_n3A_866 = arith.select %eq3A_860, %broadcast_in_dim3A_865, %select_n3A_857 : vector<16xi1>, vector<16xf32>
      %mul3A_867 = arith.constant 16 : i32
      %mul3A_868 = arith.muli %add3A_666, %mul3A_867 : i32
      %swap3A_869 = arith.index_cast %mul3A_868 : i32 to index
      %swap3A_870 = tpu.vector_load %arg9[%swap3A_869] {strides = array<i32>} : memref<2048xf32, #tpu.memory_space<vmem>>, vector<16xf32>,
      tpu.vector_store %arg9[%swap3A_869], %select_n3A_866 {strides = array<i32>} : memref<2048xf32, #tpu.memory_space<vmem>>, vector<16xf32>,
      %add3A_871 = arith.constant 3 : i32
      %add3A_872 = arith.addi %add3A_666, %add3A_871 : i32
      %lt3A_873 = arith.constant 128 : i32
      %lt3A_874 = arith.cmpi slt, %add3A_872, %lt3A_873 : i32
      %convert_element_type3A_875 = arith.extui %lt3A_874 : i1 to i32
      %cond3A_876 = arith.constant 0 : i32
      %cond3A_877 = arith.cmpi ne, %convert_element_type3A_875, %cond3A_876 : i32
      scf.if %cond3A_877 {
        %add3A_1093 = arith.constant 3 : i32
        %add3A_1094 = arith.addi %add3A_666, %add3A_1093 : i32
        %dma_start3A_1095 = arith.constant 1 : i32
        %dma_start3A_1096 = arith.constant 1 : i32
        %dma_start3A_1097 = arith.constant 0 : i32
        %dma_start3A_1098 = arith.constant 0 : i32
        %dma_start3A_1099 = tpu.memref_slice %arg8[%dma_start3A_1095, %dma_start3A_1097, %dma_start3A_1098] : memref<3x32x1024xf32, #tpu.memory_space<vmem>> -> memref<1x32x1024xf32, #tpu.memory_space<vmem>>
        %dma_start3A_1100 = tpu.memref_squeeze %dma_start3A_1099 : memref<1x32x1024xf32, #tpu.memory_space<vmem>> -> memref<32x1024xf32, #tpu.memory_space<vmem>>
        %dma_start3A_1101 = arith.constant 0 : i32
        %dma_start3A_1102 = tpu.memref_slice %arg6[%add3A_1094, %dma_start3A_1101] : memref<128x32xi32, #tpu.memory_space<vmem>> -> memref<1x32xi32, #tpu.memory_space<vmem>>
        %dma_start3A_1103 = tpu.memref_squeeze %dma_start3A_1102 : memref<1x32xi32, #tpu.memory_space<vmem>> -> memref<32xi32, #tpu.memory_space<vmem>>
        %dma_start3A_1104 = arith.constant 0 : i32
        %dma_start3A_1105 = arith.constant 0 : i32
        %dma_start3A_1106 = tpu.memref_slice %arg2[%dma_start3A_1104, %dma_start3A_1105] : memref<50000x1024xf32, #tpu.memory_space<hbm>> -> memref<50000x1024xf32, #tpu.memory_space<hbm>>
        %dma_start3A_1107 = tpu.memref_slice %arg10[%dma_start3A_1096] : memref<3x!tpu.dma_semaphore, #tpu.memory_space<semaphore_mem>> -> memref<1x!tpu.dma_semaphore, #tpu.memory_space<semaphore_mem>>
        %dma_start3A_1108 = tpu.memref_squeeze %dma_start3A_1107 : memref<1x!tpu.dma_semaphore, #tpu.memory_space<semaphore_mem>> -> memref<!tpu.dma_semaphore, #tpu.memory_space<semaphore_mem>>
        tpu.enqueue_indirect_dma source(%dma_start3A_1106 : memref<50000x1024xf32, #tpu.memory_space<hbm>>) target(%dma_start3A_1100 : memref<32x1024xf32, #tpu.memory_space<vmem>>) offsets(%dma_start3A_1103 : memref<32xi32, #tpu.memory_space<vmem>>) semaphore(%dma_start3A_1108 : memref<!tpu.dma_semaphore, #tpu.memory_space<semaphore_mem>>)
      } else {
      }
      %mul3A_878 = arith.constant 3 : i32
      %mul3A_879 = arith.muli %mul3A_878, %scan3A_450 : i32
      %add3A_880 = arith.constant 2 : i32
      %add3A_881 = arith.addi %mul3A_879, %add3A_880 : i32
      %dma_wait3A_882 = arith.constant 0 : i32
      %dma_wait3A_883 = arith.constant 2 : i32
      %dma_wait3A_884 = arith.constant 2 : i32
      %dma_wait3A_885 = arith.constant 0 : i32
      %dma_wait3A_886 = arith.constant 0 : i32
      %dma_wait3A_887 = tpu.memref_slice %arg8[%dma_wait3A_883, %dma_wait3A_885, %dma_wait3A_886] : memref<3x32x1024xf32, #tpu.memory_space<vmem>> -> memref<1x32x1024xf32, #tpu.memory_space<vmem>>
      %dma_wait3A_888 = tpu.memref_squeeze %dma_wait3A_887 : memref<1x32x1024xf32, #tpu.memory_space<vmem>> -> memref<32x1024xf32, #tpu.memory_space<vmem>>
      %dma_wait3A_889 = arith.constant 0 : i32
      %dma_wait3A_890 = tpu.memref_slice %arg6[%dma_wait3A_882, %dma_wait3A_889] : memref<128x32xi32, #tpu.memory_space<vmem>> -> memref<1x32xi32, #tpu.memory_space<vmem>>
      %dma_wait3A_891 = tpu.memref_squeeze %dma_wait3A_890 : memref<1x32xi32, #tpu.memory_space<vmem>> -> memref<32xi32, #tpu.memory_space<vmem>>
      %dma_wait3A_892 = arith.constant 0 : i32
      %dma_wait3A_893 = arith.constant 0 : i32
      %dma_wait3A_894 = tpu.memref_slice %arg2[%dma_wait3A_892, %dma_wait3A_893] : memref<50000x1024xf32, #tpu.memory_space<hbm>> -> memref<50000x1024xf32, #tpu.memory_space<hbm>>
      %dma_wait3A_895 = tpu.memref_slice %arg10[%dma_wait3A_884] : memref<3x!tpu.dma_semaphore, #tpu.memory_space<semaphore_mem>> -> memref<1x!tpu.dma_semaphore, #tpu.memory_space<semaphore_mem>>
      %dma_wait3A_896 = tpu.memref_squeeze %dma_wait3A_895 : memref<1x!tpu.dma_semaphore, #tpu.memory_space<semaphore_mem>> -> memref<!tpu.dma_semaphore, #tpu.memory_space<semaphore_mem>>
      tpu.wait_indirect_dma semaphore(%dma_wait3A_896 : memref<!tpu.dma_semaphore, #tpu.memory_space<semaphore_mem>>) src(%dma_wait3A_894 : memref<50000x1024xf32, #tpu.memory_space<hbm>>) dst(%dma_wait3A_888 : memref<32x1024xf32, #tpu.memory_space<vmem>>)
      %broadcast_in_dim3A_897 = arith.constant 0.000000e+00 : f32
      %broadcast_in_dim3A_898 = vector.broadcast %broadcast_in_dim3A_897 : f32 to vector<16xf32>
      %broadcast_in_dim3A_899 = arith.constant 0.000000e+00 : f32
      %broadcast_in_dim3A_900 = vector.broadcast %broadcast_in_dim3A_899 : f32 to vector<16xf32>
      %broadcast_in_dim3A_901 = arith.constant 0.000000e+00 : f32
      %broadcast_in_dim3A_902 = vector.broadcast %broadcast_in_dim3A_901 : f32 to vector<16xf32>
      %broadcast_in_dim3A_903 = arith.constant 0.000000e+00 : f32
      %broadcast_in_dim3A_904 = vector.broadcast %broadcast_in_dim3A_903 : f32 to vector<16xf32>
      %broadcast_in_dim3A_905 = arith.constant 0.000000e+00 : f32
      %broadcast_in_dim3A_906 = vector.broadcast %broadcast_in_dim3A_905 : f32 to vector<16xf32>
      %broadcast_in_dim3A_907 = arith.constant 0.000000e+00 : f32
      %broadcast_in_dim3A_908 = vector.broadcast %broadcast_in_dim3A_907 : f32 to vector<16xf32>
      %broadcast_in_dim3A_909 = arith.constant 0.000000e+00 : f32
      %broadcast_in_dim3A_910 = vector.broadcast %broadcast_in_dim3A_909 : f32 to vector<16xf32>
      %broadcast_in_dim3A_911 = arith.constant 0.000000e+00 : f32
      %broadcast_in_dim3A_912 = vector.broadcast %broadcast_in_dim3A_911 : f32 to vector<16xf32>
      %broadcast_in_dim3A_913 = arith.constant 0.000000e+00 : f32
      %broadcast_in_dim3A_914 = vector.broadcast %broadcast_in_dim3A_913 : f32 to vector<16xf32>
      %broadcast_in_dim3A_915 = arith.constant 0.000000e+00 : f32
      %broadcast_in_dim3A_916 = vector.broadcast %broadcast_in_dim3A_915 : f32 to vector<16xf32>
      %broadcast_in_dim3A_917 = arith.constant 0.000000e+00 : f32
      %broadcast_in_dim3A_918 = vector.broadcast %broadcast_in_dim3A_917 : f32 to vector<16xf32>
      %broadcast_in_dim3A_919 = arith.constant 0.000000e+00 : f32
      %broadcast_in_dim3A_920 = vector.broadcast %broadcast_in_dim3A_919 : f32 to vector<16xf32>
      %broadcast_in_dim3A_921 = arith.constant 0.000000e+00 : f32
      %broadcast_in_dim3A_922 = vector.broadcast %broadcast_in_dim3A_921 : f32 to vector<16xf32>
      %broadcast_in_dim3A_923 = arith.constant 0.000000e+00 : f32
      %broadcast_in_dim3A_924 = vector.broadcast %broadcast_in_dim3A_923 : f32 to vector<16xf32>
      %broadcast_in_dim3A_925 = arith.constant 0.000000e+00 : f32
      %broadcast_in_dim3A_926 = vector.broadcast %broadcast_in_dim3A_925 : f32 to vector<16xf32>
      %broadcast_in_dim3A_927 = arith.constant 0.000000e+00 : f32
      %broadcast_in_dim3A_928 = vector.broadcast %broadcast_in_dim3A_927 : f32 to vector<16xf32>
      %scan3A_929 = arith.constant 2 : i32
      %scan3A_930 = arith.constant 0 : i32
      %scan3A_931 = arith.constant 64 : i32
      %scan3A_932 = arith.addi %scan3A_930, %scan3A_931 : i32
      %scan3A_933 = arith.constant 1 : i32
      %scan3A_934:16 = scf.for %scan3A_1093 = %scan3A_930 to %scan3A_932 step %scan3A_933 iter_args(%scan3A_1094 = %broadcast_in_dim3A_898, %scan3A_1095 = %broadcast_in_dim3A_900, %scan3A_1096 = %broadcast_in_dim3A_902, %scan3A_1097 = %broadcast_in_dim3A_904, %scan3A_1098 = %broadcast_in_dim3A_906, %scan3A_1099 = %broadcast_in_dim3A_908, %scan3A_1100 = %broadcast_in_dim3A_910, %scan3A_1101 = %broadcast_in_dim3A_912, %scan3A_1102 = %broadcast_in_dim3A_914, %scan3A_1103 = %broadcast_in_dim3A_916, %scan3A_1104 = %broadcast_in_dim3A_918, %scan3A_1105 = %broadcast_in_dim3A_920, %scan3A_1106 = %broadcast_in_dim3A_922, %scan3A_1107 = %broadcast_in_dim3A_924, %scan3A_1108 = %broadcast_in_dim3A_926, %scan3A_1109 = %broadcast_in_dim3A_928) -> (vector<16xf32>, vector<16xf32>, vector<16xf32>, vector<16xf32>, vector<16xf32>, vector<16xf32>, vector<16xf32>, vector<16xf32>, vector<16xf32>, vector<16xf32>, vector<16xf32>, vector<16xf32>, vector<16xf32>, vector<16xf32>, vector<16xf32>, vector<16xf32>)  : i32 {
        %mul3A_1110 = arith.constant 16 : i32
        %mul3A_1111 = arith.muli %scan3A_1093, %mul3A_1110 : i32
        %get3A = arith.index_cast %mul3A_1111 : i32 to index
        %get3A_1112 = tpu.vector_load %arg7[%get3A] {strides = array<i32>} : memref<1024xf32, #tpu.memory_space<vmem>>, vector<16xf32>,
        %mul3A_1113 = arith.constant 16 : i32
        %mul3A_1114 = arith.muli %scan3A_1093, %mul3A_1113 : i32
        %get3A_1115 = arith.constant 0 : i32
        %get3A_1116 = arith.constant 0 : i32
        %get3A_1117 = arith.constant 0 : i32
        %get3A_1118 = tpu.memref_slice %arg8[%scan3A_929, %get3A_1116, %get3A_1117] : memref<3x32x1024xf32, #tpu.memory_space<vmem>> -> memref<1x32x1024xf32, #tpu.memory_space<vmem>>
        %get3A_1119 = tpu.memref_squeeze %get3A_1118 : memref<1x32x1024xf32, #tpu.memory_space<vmem>> -> memref<32x1024xf32, #tpu.memory_space<vmem>>
        %get3A_1120 = arith.index_cast %get3A_1115 : i32 to index
        %get3A_1121 = arith.index_cast %mul3A_1114 : i32 to index
        %get3A_1122 = tpu.vector_load %get3A_1119[%get3A_1120, %get3A_1121] {strides = array<i32>} : memref<32x1024xf32, #tpu.memory_space<vmem>>, vector<16xf32>,
        %mul3A_1123 = arith.mulf %get3A_1122, %get3A_1112 : vector<16xf32>
        %mul3A_1124 = arith.constant 16 : i32
        %mul3A_1125 = arith.muli %scan3A_1093, %mul3A_1124 : i32
        %get3A_1126 = arith.constant 16 : i32
        %get3A_1127 = arith.constant 0 : i32
        %get3A_1128 = arith.constant 0 : i32
        %get3A_1129 = tpu.memref_slice %arg8[%scan3A_929, %get3A_1127, %get3A_1128] : memref<3x32x1024xf32, #tpu.memory_space<vmem>> -> memref<1x32x1024xf32, #tpu.memory_space<vmem>>
        %get3A_1130 = tpu.memref_squeeze %get3A_1129 : memref<1x32x1024xf32, #tpu.memory_space<vmem>> -> memref<32x1024xf32, #tpu.memory_space<vmem>>
        %get3A_1131 = arith.index_cast %get3A_1126 : i32 to index
        %get3A_1132 = arith.index_cast %mul3A_1125 : i32 to index
        %get3A_1133 = tpu.vector_load %get3A_1130[%get3A_1131, %get3A_1132] {strides = array<i32>} : memref<32x1024xf32, #tpu.memory_space<vmem>>, vector<16xf32>,
        %mul3A_1134 = arith.mulf %mul3A_1123, %get3A_1133 : vector<16xf32>
        %add3A_1135 = arith.addf %scan3A_1094, %mul3A_1134 : vector<16xf32>
        %mul3A_1136 = arith.constant 16 : i32
        %mul3A_1137 = arith.muli %scan3A_1093, %mul3A_1136 : i32
        %get3A_1138 = arith.constant 1 : i32
        %get3A_1139 = arith.constant 0 : i32
        %get3A_1140 = arith.constant 0 : i32
        %get3A_1141 = tpu.memref_slice %arg8[%scan3A_929, %get3A_1139, %get3A_1140] : memref<3x32x1024xf32, #tpu.memory_space<vmem>> -> memref<1x32x1024xf32, #tpu.memory_space<vmem>>
        %get3A_1142 = tpu.memref_squeeze %get3A_1141 : memref<1x32x1024xf32, #tpu.memory_space<vmem>> -> memref<32x1024xf32, #tpu.memory_space<vmem>>
        %get3A_1143 = arith.index_cast %get3A_1138 : i32 to index
        %get3A_1144 = arith.index_cast %mul3A_1137 : i32 to index
        %get3A_1145 = tpu.vector_load %get3A_1142[%get3A_1143, %get3A_1144] {strides = array<i32>} : memref<32x1024xf32, #tpu.memory_space<vmem>>, vector<16xf32>,
        %mul3A_1146 = arith.mulf %get3A_1145, %get3A_1112 : vector<16xf32>
        %mul3A_1147 = arith.constant 16 : i32
        %mul3A_1148 = arith.muli %scan3A_1093, %mul3A_1147 : i32
        %get3A_1149 = arith.constant 17 : i32
        %get3A_1150 = arith.constant 0 : i32
        %get3A_1151 = arith.constant 0 : i32
        %get3A_1152 = tpu.memref_slice %arg8[%scan3A_929, %get3A_1150, %get3A_1151] : memref<3x32x1024xf32, #tpu.memory_space<vmem>> -> memref<1x32x1024xf32, #tpu.memory_space<vmem>>
        %get3A_1153 = tpu.memref_squeeze %get3A_1152 : memref<1x32x1024xf32, #tpu.memory_space<vmem>> -> memref<32x1024xf32, #tpu.memory_space<vmem>>
        %get3A_1154 = arith.index_cast %get3A_1149 : i32 to index
        %get3A_1155 = arith.index_cast %mul3A_1148 : i32 to index
        %get3A_1156 = tpu.vector_load %get3A_1153[%get3A_1154, %get3A_1155] {strides = array<i32>} : memref<32x1024xf32, #tpu.memory_space<vmem>>, vector<16xf32>,
        %mul3A_1157 = arith.mulf %mul3A_1146, %get3A_1156 : vector<16xf32>
        %add3A_1158 = arith.addf %scan3A_1095, %mul3A_1157 : vector<16xf32>
        %mul3A_1159 = arith.constant 16 : i32
        %mul3A_1160 = arith.muli %scan3A_1093, %mul3A_1159 : i32
        %get3A_1161 = arith.constant 2 : i32
        %get3A_1162 = arith.constant 0 : i32
        %get3A_1163 = arith.constant 0 : i32
        %get3A_1164 = tpu.memref_slice %arg8[%scan3A_929, %get3A_1162, %get3A_1163] : memref<3x32x1024xf32, #tpu.memory_space<vmem>> -> memref<1x32x1024xf32, #tpu.memory_space<vmem>>
        %get3A_1165 = tpu.memref_squeeze %get3A_1164 : memref<1x32x1024xf32, #tpu.memory_space<vmem>> -> memref<32x1024xf32, #tpu.memory_space<vmem>>
        %get3A_1166 = arith.index_cast %get3A_1161 : i32 to index
        %get3A_1167 = arith.index_cast %mul3A_1160 : i32 to index
        %get3A_1168 = tpu.vector_load %get3A_1165[%get3A_1166, %get3A_1167] {strides = array<i32>} : memref<32x1024xf32, #tpu.memory_space<vmem>>, vector<16xf32>,
        %mul3A_1169 = arith.mulf %get3A_1168, %get3A_1112 : vector<16xf32>
        %mul3A_1170 = arith.constant 16 : i32
        %mul3A_1171 = arith.muli %scan3A_1093, %mul3A_1170 : i32
        %get3A_1172 = arith.constant 18 : i32
        %get3A_1173 = arith.constant 0 : i32
        %get3A_1174 = arith.constant 0 : i32
        %get3A_1175 = tpu.memref_slice %arg8[%scan3A_929, %get3A_1173, %get3A_1174] : memref<3x32x1024xf32, #tpu.memory_space<vmem>> -> memref<1x32x1024xf32, #tpu.memory_space<vmem>>
        %get3A_1176 = tpu.memref_squeeze %get3A_1175 : memref<1x32x1024xf32, #tpu.memory_space<vmem>> -> memref<32x1024xf32, #tpu.memory_space<vmem>>
        %get3A_1177 = arith.index_cast %get3A_1172 : i32 to index
        %get3A_1178 = arith.index_cast %mul3A_1171 : i32 to index
        %get3A_1179 = tpu.vector_load %get3A_1176[%get3A_1177, %get3A_1178] {strides = array<i32>} : memref<32x1024xf32, #tpu.memory_space<vmem>>, vector<16xf32>,
        %mul3A_1180 = arith.mulf %mul3A_1169, %get3A_1179 : vector<16xf32>
        %add3A_1181 = arith.addf %scan3A_1096, %mul3A_1180 : vector<16xf32>
        %mul3A_1182 = arith.constant 16 : i32
        %mul3A_1183 = arith.muli %scan3A_1093, %mul3A_1182 : i32
        %get3A_1184 = arith.constant 3 : i32
        %get3A_1185 = arith.constant 0 : i32
        %get3A_1186 = arith.constant 0 : i32
        %get3A_1187 = tpu.memref_slice %arg8[%scan3A_929, %get3A_1185, %get3A_1186] : memref<3x32x1024xf32, #tpu.memory_space<vmem>> -> memref<1x32x1024xf32, #tpu.memory_space<vmem>>
        %get3A_1188 = tpu.memref_squeeze %get3A_1187 : memref<1x32x1024xf32, #tpu.memory_space<vmem>> -> memref<32x1024xf32, #tpu.memory_space<vmem>>
        %get3A_1189 = arith.index_cast %get3A_1184 : i32 to index
        %get3A_1190 = arith.index_cast %mul3A_1183 : i32 to index
        %get3A_1191 = tpu.vector_load %get3A_1188[%get3A_1189, %get3A_1190] {strides = array<i32>} : memref<32x1024xf32, #tpu.memory_space<vmem>>, vector<16xf32>,
        %mul3A_1192 = arith.mulf %get3A_1191, %get3A_1112 : vector<16xf32>
        %mul3A_1193 = arith.constant 16 : i32
        %mul3A_1194 = arith.muli %scan3A_1093, %mul3A_1193 : i32
        %get3A_1195 = arith.constant 19 : i32
        %get3A_1196 = arith.constant 0 : i32
        %get3A_1197 = arith.constant 0 : i32
        %get3A_1198 = tpu.memref_slice %arg8[%scan3A_929, %get3A_1196, %get3A_1197] : memref<3x32x1024xf32, #tpu.memory_space<vmem>> -> memref<1x32x1024xf32, #tpu.memory_space<vmem>>
        %get3A_1199 = tpu.memref_squeeze %get3A_1198 : memref<1x32x1024xf32, #tpu.memory_space<vmem>> -> memref<32x1024xf32, #tpu.memory_space<vmem>>
        %get3A_1200 = arith.index_cast %get3A_1195 : i32 to index
        %get3A_1201 = arith.index_cast %mul3A_1194 : i32 to index
        %get3A_1202 = tpu.vector_load %get3A_1199[%get3A_1200, %get3A_1201] {strides = array<i32>} : memref<32x1024xf32, #tpu.memory_space<vmem>>, vector<16xf32>,
        %mul3A_1203 = arith.mulf %mul3A_1192, %get3A_1202 : vector<16xf32>
        %add3A_1204 = arith.addf %scan3A_1097, %mul3A_1203 : vector<16xf32>
        %mul3A_1205 = arith.constant 16 : i32
        %mul3A_1206 = arith.muli %scan3A_1093, %mul3A_1205 : i32
        %get3A_1207 = arith.constant 4 : i32
        %get3A_1208 = arith.constant 0 : i32
        %get3A_1209 = arith.constant 0 : i32
        %get3A_1210 = tpu.memref_slice %arg8[%scan3A_929, %get3A_1208, %get3A_1209] : memref<3x32x1024xf32, #tpu.memory_space<vmem>> -> memref<1x32x1024xf32, #tpu.memory_space<vmem>>
        %get3A_1211 = tpu.memref_squeeze %get3A_1210 : memref<1x32x1024xf32, #tpu.memory_space<vmem>> -> memref<32x1024xf32, #tpu.memory_space<vmem>>
        %get3A_1212 = arith.index_cast %get3A_1207 : i32 to index
        %get3A_1213 = arith.index_cast %mul3A_1206 : i32 to index
        %get3A_1214 = tpu.vector_load %get3A_1211[%get3A_1212, %get3A_1213] {strides = array<i32>} : memref<32x1024xf32, #tpu.memory_space<vmem>>, vector<16xf32>,
        %mul3A_1215 = arith.mulf %get3A_1214, %get3A_1112 : vector<16xf32>
        %mul3A_1216 = arith.constant 16 : i32
        %mul3A_1217 = arith.muli %scan3A_1093, %mul3A_1216 : i32
        %get3A_1218 = arith.constant 20 : i32
        %get3A_1219 = arith.constant 0 : i32
        %get3A_1220 = arith.constant 0 : i32
        %get3A_1221 = tpu.memref_slice %arg8[%scan3A_929, %get3A_1219, %get3A_1220] : memref<3x32x1024xf32, #tpu.memory_space<vmem>> -> memref<1x32x1024xf32, #tpu.memory_space<vmem>>
        %get3A_1222 = tpu.memref_squeeze %get3A_1221 : memref<1x32x1024xf32, #tpu.memory_space<vmem>> -> memref<32x1024xf32, #tpu.memory_space<vmem>>
        %get3A_1223 = arith.index_cast %get3A_1218 : i32 to index
        %get3A_1224 = arith.index_cast %mul3A_1217 : i32 to index
        %get3A_1225 = tpu.vector_load %get3A_1222[%get3A_1223, %get3A_1224] {strides = array<i32>} : memref<32x1024xf32, #tpu.memory_space<vmem>>, vector<16xf32>,
        %mul3A_1226 = arith.mulf %mul3A_1215, %get3A_1225 : vector<16xf32>
        %add3A_1227 = arith.addf %scan3A_1098, %mul3A_1226 : vector<16xf32>
        %mul3A_1228 = arith.constant 16 : i32
        %mul3A_1229 = arith.muli %scan3A_1093, %mul3A_1228 : i32
        %get3A_1230 = arith.constant 5 : i32
        %get3A_1231 = arith.constant 0 : i32
        %get3A_1232 = arith.constant 0 : i32
        %get3A_1233 = tpu.memref_slice %arg8[%scan3A_929, %get3A_1231, %get3A_1232] : memref<3x32x1024xf32, #tpu.memory_space<vmem>> -> memref<1x32x1024xf32, #tpu.memory_space<vmem>>
        %get3A_1234 = tpu.memref_squeeze %get3A_1233 : memref<1x32x1024xf32, #tpu.memory_space<vmem>> -> memref<32x1024xf32, #tpu.memory_space<vmem>>
        %get3A_1235 = arith.index_cast %get3A_1230 : i32 to index
        %get3A_1236 = arith.index_cast %mul3A_1229 : i32 to index
        %get3A_1237 = tpu.vector_load %get3A_1234[%get3A_1235, %get3A_1236] {strides = array<i32>} : memref<32x1024xf32, #tpu.memory_space<vmem>>, vector<16xf32>,
        %mul3A_1238 = arith.mulf %get3A_1237, %get3A_1112 : vector<16xf32>
        %mul3A_1239 = arith.constant 16 : i32
        %mul3A_1240 = arith.muli %scan3A_1093, %mul3A_1239 : i32
        %get3A_1241 = arith.constant 21 : i32
        %get3A_1242 = arith.constant 0 : i32
        %get3A_1243 = arith.constant 0 : i32
        %get3A_1244 = tpu.memref_slice %arg8[%scan3A_929, %get3A_1242, %get3A_1243] : memref<3x32x1024xf32, #tpu.memory_space<vmem>> -> memref<1x32x1024xf32, #tpu.memory_space<vmem>>
        %get3A_1245 = tpu.memref_squeeze %get3A_1244 : memref<1x32x1024xf32, #tpu.memory_space<vmem>> -> memref<32x1024xf32, #tpu.memory_space<vmem>>
        %get3A_1246 = arith.index_cast %get3A_1241 : i32 to index
        %get3A_1247 = arith.index_cast %mul3A_1240 : i32 to index
        %get3A_1248 = tpu.vector_load %get3A_1245[%get3A_1246, %get3A_1247] {strides = array<i32>} : memref<32x1024xf32, #tpu.memory_space<vmem>>, vector<16xf32>,
        %mul3A_1249 = arith.mulf %mul3A_1238, %get3A_1248 : vector<16xf32>
        %add3A_1250 = arith.addf %scan3A_1099, %mul3A_1249 : vector<16xf32>
        %mul3A_1251 = arith.constant 16 : i32
        %mul3A_1252 = arith.muli %scan3A_1093, %mul3A_1251 : i32
        %get3A_1253 = arith.constant 6 : i32
        %get3A_1254 = arith.constant 0 : i32
        %get3A_1255 = arith.constant 0 : i32
        %get3A_1256 = tpu.memref_slice %arg8[%scan3A_929, %get3A_1254, %get3A_1255] : memref<3x32x1024xf32, #tpu.memory_space<vmem>> -> memref<1x32x1024xf32, #tpu.memory_space<vmem>>
        %get3A_1257 = tpu.memref_squeeze %get3A_1256 : memref<1x32x1024xf32, #tpu.memory_space<vmem>> -> memref<32x1024xf32, #tpu.memory_space<vmem>>
        %get3A_1258 = arith.index_cast %get3A_1253 : i32 to index
        %get3A_1259 = arith.index_cast %mul3A_1252 : i32 to index
        %get3A_1260 = tpu.vector_load %get3A_1257[%get3A_1258, %get3A_1259] {strides = array<i32>} : memref<32x1024xf32, #tpu.memory_space<vmem>>, vector<16xf32>,
        %mul3A_1261 = arith.mulf %get3A_1260, %get3A_1112 : vector<16xf32>
        %mul3A_1262 = arith.constant 16 : i32
        %mul3A_1263 = arith.muli %scan3A_1093, %mul3A_1262 : i32
        %get3A_1264 = arith.constant 22 : i32
        %get3A_1265 = arith.constant 0 : i32
        %get3A_1266 = arith.constant 0 : i32
        %get3A_1267 = tpu.memref_slice %arg8[%scan3A_929, %get3A_1265, %get3A_1266] : memref<3x32x1024xf32, #tpu.memory_space<vmem>> -> memref<1x32x1024xf32, #tpu.memory_space<vmem>>
        %get3A_1268 = tpu.memref_squeeze %get3A_1267 : memref<1x32x1024xf32, #tpu.memory_space<vmem>> -> memref<32x1024xf32, #tpu.memory_space<vmem>>
        %get3A_1269 = arith.index_cast %get3A_1264 : i32 to index
        %get3A_1270 = arith.index_cast %mul3A_1263 : i32 to index
        %get3A_1271 = tpu.vector_load %get3A_1268[%get3A_1269, %get3A_1270] {strides = array<i32>} : memref<32x1024xf32, #tpu.memory_space<vmem>>, vector<16xf32>,
        %mul3A_1272 = arith.mulf %mul3A_1261, %get3A_1271 : vector<16xf32>
        %add3A_1273 = arith.addf %scan3A_1100, %mul3A_1272 : vector<16xf32>
        %mul3A_1274 = arith.constant 16 : i32
        %mul3A_1275 = arith.muli %scan3A_1093, %mul3A_1274 : i32
        %get3A_1276 = arith.constant 7 : i32
        %get3A_1277 = arith.constant 0 : i32
        %get3A_1278 = arith.constant 0 : i32
        %get3A_1279 = tpu.memref_slice %arg8[%scan3A_929, %get3A_1277, %get3A_1278] : memref<3x32x1024xf32, #tpu.memory_space<vmem>> -> memref<1x32x1024xf32, #tpu.memory_space<vmem>>
        %get3A_1280 = tpu.memref_squeeze %get3A_1279 : memref<1x32x1024xf32, #tpu.memory_space<vmem>> -> memref<32x1024xf32, #tpu.memory_space<vmem>>
        %get3A_1281 = arith.index_cast %get3A_1276 : i32 to index
        %get3A_1282 = arith.index_cast %mul3A_1275 : i32 to index
        %get3A_1283 = tpu.vector_load %get3A_1280[%get3A_1281, %get3A_1282] {strides = array<i32>} : memref<32x1024xf32, #tpu.memory_space<vmem>>, vector<16xf32>,
        %mul3A_1284 = arith.mulf %get3A_1283, %get3A_1112 : vector<16xf32>
        %mul3A_1285 = arith.constant 16 : i32
        %mul3A_1286 = arith.muli %scan3A_1093, %mul3A_1285 : i32
        %get3A_1287 = arith.constant 23 : i32
        %get3A_1288 = arith.constant 0 : i32
        %get3A_1289 = arith.constant 0 : i32
        %get3A_1290 = tpu.memref_slice %arg8[%scan3A_929, %get3A_1288, %get3A_1289] : memref<3x32x1024xf32, #tpu.memory_space<vmem>> -> memref<1x32x1024xf32, #tpu.memory_space<vmem>>
        %get3A_1291 = tpu.memref_squeeze %get3A_1290 : memref<1x32x1024xf32, #tpu.memory_space<vmem>> -> memref<32x1024xf32, #tpu.memory_space<vmem>>
        %get3A_1292 = arith.index_cast %get3A_1287 : i32 to index
        %get3A_1293 = arith.index_cast %mul3A_1286 : i32 to index
        %get3A_1294 = tpu.vector_load %get3A_1291[%get3A_1292, %get3A_1293] {strides = array<i32>} : memref<32x1024xf32, #tpu.memory_space<vmem>>, vector<16xf32>,
        %mul3A_1295 = arith.mulf %mul3A_1284, %get3A_1294 : vector<16xf32>
        %add3A_1296 = arith.addf %scan3A_1101, %mul3A_1295 : vector<16xf32>
        %mul3A_1297 = arith.constant 16 : i32
        %mul3A_1298 = arith.muli %scan3A_1093, %mul3A_1297 : i32
        %get3A_1299 = arith.constant 8 : i32
        %get3A_1300 = arith.constant 0 : i32
        %get3A_1301 = arith.constant 0 : i32
        %get3A_1302 = tpu.memref_slice %arg8[%scan3A_929, %get3A_1300, %get3A_1301] : memref<3x32x1024xf32, #tpu.memory_space<vmem>> -> memref<1x32x1024xf32, #tpu.memory_space<vmem>>
        %get3A_1303 = tpu.memref_squeeze %get3A_1302 : memref<1x32x1024xf32, #tpu.memory_space<vmem>> -> memref<32x1024xf32, #tpu.memory_space<vmem>>
        %get3A_1304 = arith.index_cast %get3A_1299 : i32 to index
        %get3A_1305 = arith.index_cast %mul3A_1298 : i32 to index
        %get3A_1306 = tpu.vector_load %get3A_1303[%get3A_1304, %get3A_1305] {strides = array<i32>} : memref<32x1024xf32, #tpu.memory_space<vmem>>, vector<16xf32>,
        %mul3A_1307 = arith.mulf %get3A_1306, %get3A_1112 : vector<16xf32>
        %mul3A_1308 = arith.constant 16 : i32
        %mul3A_1309 = arith.muli %scan3A_1093, %mul3A_1308 : i32
        %get3A_1310 = arith.constant 24 : i32
        %get3A_1311 = arith.constant 0 : i32
        %get3A_1312 = arith.constant 0 : i32
        %get3A_1313 = tpu.memref_slice %arg8[%scan3A_929, %get3A_1311, %get3A_1312] : memref<3x32x1024xf32, #tpu.memory_space<vmem>> -> memref<1x32x1024xf32, #tpu.memory_space<vmem>>
        %get3A_1314 = tpu.memref_squeeze %get3A_1313 : memref<1x32x1024xf32, #tpu.memory_space<vmem>> -> memref<32x1024xf32, #tpu.memory_space<vmem>>
        %get3A_1315 = arith.index_cast %get3A_1310 : i32 to index
        %get3A_1316 = arith.index_cast %mul3A_1309 : i32 to index
        %get3A_1317 = tpu.vector_load %get3A_1314[%get3A_1315, %get3A_1316] {strides = array<i32>} : memref<32x1024xf32, #tpu.memory_space<vmem>>, vector<16xf32>,
        %mul3A_1318 = arith.mulf %mul3A_1307, %get3A_1317 : vector<16xf32>
        %add3A_1319 = arith.addf %scan3A_1102, %mul3A_1318 : vector<16xf32>
        %mul3A_1320 = arith.constant 16 : i32
        %mul3A_1321 = arith.muli %scan3A_1093, %mul3A_1320 : i32
        %get3A_1322 = arith.constant 9 : i32
        %get3A_1323 = arith.constant 0 : i32
        %get3A_1324 = arith.constant 0 : i32
        %get3A_1325 = tpu.memref_slice %arg8[%scan3A_929, %get3A_1323, %get3A_1324] : memref<3x32x1024xf32, #tpu.memory_space<vmem>> -> memref<1x32x1024xf32, #tpu.memory_space<vmem>>
        %get3A_1326 = tpu.memref_squeeze %get3A_1325 : memref<1x32x1024xf32, #tpu.memory_space<vmem>> -> memref<32x1024xf32, #tpu.memory_space<vmem>>
        %get3A_1327 = arith.index_cast %get3A_1322 : i32 to index
        %get3A_1328 = arith.index_cast %mul3A_1321 : i32 to index
        %get3A_1329 = tpu.vector_load %get3A_1326[%get3A_1327, %get3A_1328] {strides = array<i32>} : memref<32x1024xf32, #tpu.memory_space<vmem>>, vector<16xf32>,
        %mul3A_1330 = arith.mulf %get3A_1329, %get3A_1112 : vector<16xf32>
        %mul3A_1331 = arith.constant 16 : i32
        %mul3A_1332 = arith.muli %scan3A_1093, %mul3A_1331 : i32
        %get3A_1333 = arith.constant 25 : i32
        %get3A_1334 = arith.constant 0 : i32
        %get3A_1335 = arith.constant 0 : i32
        %get3A_1336 = tpu.memref_slice %arg8[%scan3A_929, %get3A_1334, %get3A_1335] : memref<3x32x1024xf32, #tpu.memory_space<vmem>> -> memref<1x32x1024xf32, #tpu.memory_space<vmem>>
        %get3A_1337 = tpu.memref_squeeze %get3A_1336 : memref<1x32x1024xf32, #tpu.memory_space<vmem>> -> memref<32x1024xf32, #tpu.memory_space<vmem>>
        %get3A_1338 = arith.index_cast %get3A_1333 : i32 to index
        %get3A_1339 = arith.index_cast %mul3A_1332 : i32 to index
        %get3A_1340 = tpu.vector_load %get3A_1337[%get3A_1338, %get3A_1339] {strides = array<i32>} : memref<32x1024xf32, #tpu.memory_space<vmem>>, vector<16xf32>,
        %mul3A_1341 = arith.mulf %mul3A_1330, %get3A_1340 : vector<16xf32>
        %add3A_1342 = arith.addf %scan3A_1103, %mul3A_1341 : vector<16xf32>
        %mul3A_1343 = arith.constant 16 : i32
        %mul3A_1344 = arith.muli %scan3A_1093, %mul3A_1343 : i32
        %get3A_1345 = arith.constant 10 : i32
        %get3A_1346 = arith.constant 0 : i32
        %get3A_1347 = arith.constant 0 : i32
        %get3A_1348 = tpu.memref_slice %arg8[%scan3A_929, %get3A_1346, %get3A_1347] : memref<3x32x1024xf32, #tpu.memory_space<vmem>> -> memref<1x32x1024xf32, #tpu.memory_space<vmem>>
        %get3A_1349 = tpu.memref_squeeze %get3A_1348 : memref<1x32x1024xf32, #tpu.memory_space<vmem>> -> memref<32x1024xf32, #tpu.memory_space<vmem>>
        %get3A_1350 = arith.index_cast %get3A_1345 : i32 to index
        %get3A_1351 = arith.index_cast %mul3A_1344 : i32 to index
        %get3A_1352 = tpu.vector_load %get3A_1349[%get3A_1350, %get3A_1351] {strides = array<i32>} : memref<32x1024xf32, #tpu.memory_space<vmem>>, vector<16xf32>,
        %mul3A_1353 = arith.mulf %get3A_1352, %get3A_1112 : vector<16xf32>
        %mul3A_1354 = arith.constant 16 : i32
        %mul3A_1355 = arith.muli %scan3A_1093, %mul3A_1354 : i32
        %get3A_1356 = arith.constant 26 : i32
        %get3A_1357 = arith.constant 0 : i32
        %get3A_1358 = arith.constant 0 : i32
        %get3A_1359 = tpu.memref_slice %arg8[%scan3A_929, %get3A_1357, %get3A_1358] : memref<3x32x1024xf32, #tpu.memory_space<vmem>> -> memref<1x32x1024xf32, #tpu.memory_space<vmem>>
        %get3A_1360 = tpu.memref_squeeze %get3A_1359 : memref<1x32x1024xf32, #tpu.memory_space<vmem>> -> memref<32x1024xf32, #tpu.memory_space<vmem>>
        %get3A_1361 = arith.index_cast %get3A_1356 : i32 to index
        %get3A_1362 = arith.index_cast %mul3A_1355 : i32 to index
        %get3A_1363 = tpu.vector_load %get3A_1360[%get3A_1361, %get3A_1362] {strides = array<i32>} : memref<32x1024xf32, #tpu.memory_space<vmem>>, vector<16xf32>,
        %mul3A_1364 = arith.mulf %mul3A_1353, %get3A_1363 : vector<16xf32>
        %add3A_1365 = arith.addf %scan3A_1104, %mul3A_1364 : vector<16xf32>
        %mul3A_1366 = arith.constant 16 : i32
        %mul3A_1367 = arith.muli %scan3A_1093, %mul3A_1366 : i32
        %get3A_1368 = arith.constant 11 : i32
        %get3A_1369 = arith.constant 0 : i32
        %get3A_1370 = arith.constant 0 : i32
        %get3A_1371 = tpu.memref_slice %arg8[%scan3A_929, %get3A_1369, %get3A_1370] : memref<3x32x1024xf32, #tpu.memory_space<vmem>> -> memref<1x32x1024xf32, #tpu.memory_space<vmem>>
        %get3A_1372 = tpu.memref_squeeze %get3A_1371 : memref<1x32x1024xf32, #tpu.memory_space<vmem>> -> memref<32x1024xf32, #tpu.memory_space<vmem>>
        %get3A_1373 = arith.index_cast %get3A_1368 : i32 to index
        %get3A_1374 = arith.index_cast %mul3A_1367 : i32 to index
        %get3A_1375 = tpu.vector_load %get3A_1372[%get3A_1373, %get3A_1374] {strides = array<i32>} : memref<32x1024xf32, #tpu.memory_space<vmem>>, vector<16xf32>,
        %mul3A_1376 = arith.mulf %get3A_1375, %get3A_1112 : vector<16xf32>
        %mul3A_1377 = arith.constant 16 : i32
        %mul3A_1378 = arith.muli %scan3A_1093, %mul3A_1377 : i32
        %get3A_1379 = arith.constant 27 : i32
        %get3A_1380 = arith.constant 0 : i32
        %get3A_1381 = arith.constant 0 : i32
        %get3A_1382 = tpu.memref_slice %arg8[%scan3A_929, %get3A_1380, %get3A_1381] : memref<3x32x1024xf32, #tpu.memory_space<vmem>> -> memref<1x32x1024xf32, #tpu.memory_space<vmem>>
        %get3A_1383 = tpu.memref_squeeze %get3A_1382 : memref<1x32x1024xf32, #tpu.memory_space<vmem>> -> memref<32x1024xf32, #tpu.memory_space<vmem>>
        %get3A_1384 = arith.index_cast %get3A_1379 : i32 to index
        %get3A_1385 = arith.index_cast %mul3A_1378 : i32 to index
        %get3A_1386 = tpu.vector_load %get3A_1383[%get3A_1384, %get3A_1385] {strides = array<i32>} : memref<32x1024xf32, #tpu.memory_space<vmem>>, vector<16xf32>,
        %mul3A_1387 = arith.mulf %mul3A_1376, %get3A_1386 : vector<16xf32>
        %add3A_1388 = arith.addf %scan3A_1105, %mul3A_1387 : vector<16xf32>
        %mul3A_1389 = arith.constant 16 : i32
        %mul3A_1390 = arith.muli %scan3A_1093, %mul3A_1389 : i32
        %get3A_1391 = arith.constant 12 : i32
        %get3A_1392 = arith.constant 0 : i32
        %get3A_1393 = arith.constant 0 : i32
        %get3A_1394 = tpu.memref_slice %arg8[%scan3A_929, %get3A_1392, %get3A_1393] : memref<3x32x1024xf32, #tpu.memory_space<vmem>> -> memref<1x32x1024xf32, #tpu.memory_space<vmem>>
        %get3A_1395 = tpu.memref_squeeze %get3A_1394 : memref<1x32x1024xf32, #tpu.memory_space<vmem>> -> memref<32x1024xf32, #tpu.memory_space<vmem>>
        %get3A_1396 = arith.index_cast %get3A_1391 : i32 to index
        %get3A_1397 = arith.index_cast %mul3A_1390 : i32 to index
        %get3A_1398 = tpu.vector_load %get3A_1395[%get3A_1396, %get3A_1397] {strides = array<i32>} : memref<32x1024xf32, #tpu.memory_space<vmem>>, vector<16xf32>,
        %mul3A_1399 = arith.mulf %get3A_1398, %get3A_1112 : vector<16xf32>
        %mul3A_1400 = arith.constant 16 : i32
        %mul3A_1401 = arith.muli %scan3A_1093, %mul3A_1400 : i32
        %get3A_1402 = arith.constant 28 : i32
        %get3A_1403 = arith.constant 0 : i32
        %get3A_1404 = arith.constant 0 : i32
        %get3A_1405 = tpu.memref_slice %arg8[%scan3A_929, %get3A_1403, %get3A_1404] : memref<3x32x1024xf32, #tpu.memory_space<vmem>> -> memref<1x32x1024xf32, #tpu.memory_space<vmem>>
        %get3A_1406 = tpu.memref_squeeze %get3A_1405 : memref<1x32x1024xf32, #tpu.memory_space<vmem>> -> memref<32x1024xf32, #tpu.memory_space<vmem>>
        %get3A_1407 = arith.index_cast %get3A_1402 : i32 to index
        %get3A_1408 = arith.index_cast %mul3A_1401 : i32 to index
        %get3A_1409 = tpu.vector_load %get3A_1406[%get3A_1407, %get3A_1408] {strides = array<i32>} : memref<32x1024xf32, #tpu.memory_space<vmem>>, vector<16xf32>,
        %mul3A_1410 = arith.mulf %mul3A_1399, %get3A_1409 : vector<16xf32>
        %add3A_1411 = arith.addf %scan3A_1106, %mul3A_1410 : vector<16xf32>
        %mul3A_1412 = arith.constant 16 : i32
        %mul3A_1413 = arith.muli %scan3A_1093, %mul3A_1412 : i32
        %get3A_1414 = arith.constant 13 : i32
        %get3A_1415 = arith.constant 0 : i32
        %get3A_1416 = arith.constant 0 : i32
        %get3A_1417 = tpu.memref_slice %arg8[%scan3A_929, %get3A_1415, %get3A_1416] : memref<3x32x1024xf32, #tpu.memory_space<vmem>> -> memref<1x32x1024xf32, #tpu.memory_space<vmem>>
        %get3A_1418 = tpu.memref_squeeze %get3A_1417 : memref<1x32x1024xf32, #tpu.memory_space<vmem>> -> memref<32x1024xf32, #tpu.memory_space<vmem>>
        %get3A_1419 = arith.index_cast %get3A_1414 : i32 to index
        %get3A_1420 = arith.index_cast %mul3A_1413 : i32 to index
        %get3A_1421 = tpu.vector_load %get3A_1418[%get3A_1419, %get3A_1420] {strides = array<i32>} : memref<32x1024xf32, #tpu.memory_space<vmem>>, vector<16xf32>,
        %mul3A_1422 = arith.mulf %get3A_1421, %get3A_1112 : vector<16xf32>
        %mul3A_1423 = arith.constant 16 : i32
        %mul3A_1424 = arith.muli %scan3A_1093, %mul3A_1423 : i32
        %get3A_1425 = arith.constant 29 : i32
        %get3A_1426 = arith.constant 0 : i32
        %get3A_1427 = arith.constant 0 : i32
        %get3A_1428 = tpu.memref_slice %arg8[%scan3A_929, %get3A_1426, %get3A_1427] : memref<3x32x1024xf32, #tpu.memory_space<vmem>> -> memref<1x32x1024xf32, #tpu.memory_space<vmem>>
        %get3A_1429 = tpu.memref_squeeze %get3A_1428 : memref<1x32x1024xf32, #tpu.memory_space<vmem>> -> memref<32x1024xf32, #tpu.memory_space<vmem>>
        %get3A_1430 = arith.index_cast %get3A_1425 : i32 to index
        %get3A_1431 = arith.index_cast %mul3A_1424 : i32 to index
        %get3A_1432 = tpu.vector_load %get3A_1429[%get3A_1430, %get3A_1431] {strides = array<i32>} : memref<32x1024xf32, #tpu.memory_space<vmem>>, vector<16xf32>,
        %mul3A_1433 = arith.mulf %mul3A_1422, %get3A_1432 : vector<16xf32>
        %add3A_1434 = arith.addf %scan3A_1107, %mul3A_1433 : vector<16xf32>
        %mul3A_1435 = arith.constant 16 : i32
        %mul3A_1436 = arith.muli %scan3A_1093, %mul3A_1435 : i32
        %get3A_1437 = arith.constant 14 : i32
        %get3A_1438 = arith.constant 0 : i32
        %get3A_1439 = arith.constant 0 : i32
        %get3A_1440 = tpu.memref_slice %arg8[%scan3A_929, %get3A_1438, %get3A_1439] : memref<3x32x1024xf32, #tpu.memory_space<vmem>> -> memref<1x32x1024xf32, #tpu.memory_space<vmem>>
        %get3A_1441 = tpu.memref_squeeze %get3A_1440 : memref<1x32x1024xf32, #tpu.memory_space<vmem>> -> memref<32x1024xf32, #tpu.memory_space<vmem>>
        %get3A_1442 = arith.index_cast %get3A_1437 : i32 to index
        %get3A_1443 = arith.index_cast %mul3A_1436 : i32 to index
        %get3A_1444 = tpu.vector_load %get3A_1441[%get3A_1442, %get3A_1443] {strides = array<i32>} : memref<32x1024xf32, #tpu.memory_space<vmem>>, vector<16xf32>,
        %mul3A_1445 = arith.mulf %get3A_1444, %get3A_1112 : vector<16xf32>
        %mul3A_1446 = arith.constant 16 : i32
        %mul3A_1447 = arith.muli %scan3A_1093, %mul3A_1446 : i32
        %get3A_1448 = arith.constant 30 : i32
        %get3A_1449 = arith.constant 0 : i32
        %get3A_1450 = arith.constant 0 : i32
        %get3A_1451 = tpu.memref_slice %arg8[%scan3A_929, %get3A_1449, %get3A_1450] : memref<3x32x1024xf32, #tpu.memory_space<vmem>> -> memref<1x32x1024xf32, #tpu.memory_space<vmem>>
        %get3A_1452 = tpu.memref_squeeze %get3A_1451 : memref<1x32x1024xf32, #tpu.memory_space<vmem>> -> memref<32x1024xf32, #tpu.memory_space<vmem>>
        %get3A_1453 = arith.index_cast %get3A_1448 : i32 to index
        %get3A_1454 = arith.index_cast %mul3A_1447 : i32 to index
        %get3A_1455 = tpu.vector_load %get3A_1452[%get3A_1453, %get3A_1454] {strides = array<i32>} : memref<32x1024xf32, #tpu.memory_space<vmem>>, vector<16xf32>,
        %mul3A_1456 = arith.mulf %mul3A_1445, %get3A_1455 : vector<16xf32>
        %add3A_1457 = arith.addf %scan3A_1108, %mul3A_1456 : vector<16xf32>
        %mul3A_1458 = arith.constant 16 : i32
        %mul3A_1459 = arith.muli %scan3A_1093, %mul3A_1458 : i32
        %get3A_1460 = arith.constant 15 : i32
        %get3A_1461 = arith.constant 0 : i32
        %get3A_1462 = arith.constant 0 : i32
        %get3A_1463 = tpu.memref_slice %arg8[%scan3A_929, %get3A_1461, %get3A_1462] : memref<3x32x1024xf32, #tpu.memory_space<vmem>> -> memref<1x32x1024xf32, #tpu.memory_space<vmem>>
        %get3A_1464 = tpu.memref_squeeze %get3A_1463 : memref<1x32x1024xf32, #tpu.memory_space<vmem>> -> memref<32x1024xf32, #tpu.memory_space<vmem>>
        %get3A_1465 = arith.index_cast %get3A_1460 : i32 to index
        %get3A_1466 = arith.index_cast %mul3A_1459 : i32 to index
        %get3A_1467 = tpu.vector_load %get3A_1464[%get3A_1465, %get3A_1466] {strides = array<i32>} : memref<32x1024xf32, #tpu.memory_space<vmem>>, vector<16xf32>,
        %mul3A_1468 = arith.mulf %get3A_1467, %get3A_1112 : vector<16xf32>
        %mul3A_1469 = arith.constant 16 : i32
        %mul3A_1470 = arith.muli %scan3A_1093, %mul3A_1469 : i32
        %get3A_1471 = arith.constant 31 : i32
        %get3A_1472 = arith.constant 0 : i32
        %get3A_1473 = arith.constant 0 : i32
        %get3A_1474 = tpu.memref_slice %arg8[%scan3A_929, %get3A_1472, %get3A_1473] : memref<3x32x1024xf32, #tpu.memory_space<vmem>> -> memref<1x32x1024xf32, #tpu.memory_space<vmem>>
        %get3A_1475 = tpu.memref_squeeze %get3A_1474 : memref<1x32x1024xf32, #tpu.memory_space<vmem>> -> memref<32x1024xf32, #tpu.memory_space<vmem>>
        %get3A_1476 = arith.index_cast %get3A_1471 : i32 to index
        %get3A_1477 = arith.index_cast %mul3A_1470 : i32 to index
        %get3A_1478 = tpu.vector_load %get3A_1475[%get3A_1476, %get3A_1477] {strides = array<i32>} : memref<32x1024xf32, #tpu.memory_space<vmem>>, vector<16xf32>,
        %mul3A_1479 = arith.mulf %mul3A_1468, %get3A_1478 : vector<16xf32>
        %add3A_1480 = arith.addf %scan3A_1109, %mul3A_1479 : vector<16xf32>
        scf.yield %add3A_1135, %add3A_1158, %add3A_1181, %add3A_1204, %add3A_1227, %add3A_1250, %add3A_1273, %add3A_1296, %add3A_1319, %add3A_1342, %add3A_1365, %add3A_1388, %add3A_1411, %add3A_1434, %add3A_1457, %add3A_1480 : vector<16xf32>, vector<16xf32>, vector<16xf32>, vector<16xf32>, vector<16xf32>, vector<16xf32>, vector<16xf32>, vector<16xf32>, vector<16xf32>, vector<16xf32>, vector<16xf32>, vector<16xf32>, vector<16xf32>, vector<16xf32>, vector<16xf32>, vector<16xf32>
      }
      %scan3A_935 = arith.constant 64 : i32
      %broadcast_in_dim3A_936 = arith.constant 0.000000e+00 : f32
      %broadcast_in_dim3A_937 = vector.broadcast %broadcast_in_dim3A_936 : f32 to vector<16xf32>
      %eq3A_938 = arith.constant 0 : i32
      %eq3A_939 = vector.broadcast %eq3A_938 : i32 to vector<16xi32>
      %eq3A_940 = arith.cmpi eq, %iota3A, %eq3A_939 : vector<16xi32>
      %reduce_sum3A_941 = arith.constant true
      %reduce_sum3A_942 = vector.broadcast %reduce_sum3A_941 : i1 to vector<16xi1>
      %reduce_sum3A_943 = tpu.scan <sum>, %scan3A_934#0 masked %reduce_sum3A_942 : vector<16xf32>, vector<16xi1> -> vector<16xf32>
      %reduce_sum3A_944 = vector.extract %reduce_sum3A_943[15] : f32 from vector<16xf32>
      %broadcast_in_dim3A_945 = vector.broadcast %reduce_sum3A_944 : f32 to vector<16xf32>
      %select_n3A_946 = arith.select %eq3A_940, %broadcast_in_dim3A_945, %broadcast_in_dim3A_937 : vector<16xi1>, vector<16xf32>
      %eq3A_947 = arith.constant 1 : i32
      %eq3A_948 = vector.broadcast %eq3A_947 : i32 to vector<16xi32>
      %eq3A_949 = arith.cmpi eq, %iota3A, %eq3A_948 : vector<16xi32>
      %reduce_sum3A_950 = arith.constant true
      %reduce_sum3A_951 = vector.broadcast %reduce_sum3A_950 : i1 to vector<16xi1>
      %reduce_sum3A_952 = tpu.scan <sum>, %scan3A_934#1 masked %reduce_sum3A_951 : vector<16xf32>, vector<16xi1> -> vector<16xf32>
      %reduce_sum3A_953 = vector.extract %reduce_sum3A_952[15] : f32 from vector<16xf32>
      %broadcast_in_dim3A_954 = vector.broadcast %reduce_sum3A_953 : f32 to vector<16xf32>
      %select_n3A_955 = arith.select %eq3A_949, %broadcast_in_dim3A_954, %select_n3A_946 : vector<16xi1>, vector<16xf32>
      %eq3A_956 = arith.constant 2 : i32
      %eq3A_957 = vector.broadcast %eq3A_956 : i32 to vector<16xi32>
      %eq3A_958 = arith.cmpi eq, %iota3A, %eq3A_957 : vector<16xi32>
      %reduce_sum3A_959 = arith.constant true
      %reduce_sum3A_960 = vector.broadcast %reduce_sum3A_959 : i1 to vector<16xi1>
      %reduce_sum3A_961 = tpu.scan <sum>, %scan3A_934#2 masked %reduce_sum3A_960 : vector<16xf32>, vector<16xi1> -> vector<16xf32>
      %reduce_sum3A_962 = vector.extract %reduce_sum3A_961[15] : f32 from vector<16xf32>
      %broadcast_in_dim3A_963 = vector.broadcast %reduce_sum3A_962 : f32 to vector<16xf32>
      %select_n3A_964 = arith.select %eq3A_958, %broadcast_in_dim3A_963, %select_n3A_955 : vector<16xi1>, vector<16xf32>
      %eq3A_965 = arith.constant 3 : i32
      %eq3A_966 = vector.broadcast %eq3A_965 : i32 to vector<16xi32>
      %eq3A_967 = arith.cmpi eq, %iota3A, %eq3A_966 : vector<16xi32>
      %reduce_sum3A_968 = arith.constant true
      %reduce_sum3A_969 = vector.broadcast %reduce_sum3A_968 : i1 to vector<16xi1>
      %reduce_sum3A_970 = tpu.scan <sum>, %scan3A_934#3 masked %reduce_sum3A_969 : vector<16xf32>, vector<16xi1> -> vector<16xf32>
      %reduce_sum3A_971 = vector.extract %reduce_sum3A_970[15] : f32 from vector<16xf32>
      %broadcast_in_dim3A_972 = vector.broadcast %reduce_sum3A_971 : f32 to vector<16xf32>
      %select_n3A_973 = arith.select %eq3A_967, %broadcast_in_dim3A_972, %select_n3A_964 : vector<16xi1>, vector<16xf32>
      %eq3A_974 = arith.constant 4 : i32
      %eq3A_975 = vector.broadcast %eq3A_974 : i32 to vector<16xi32>
      %eq3A_976 = arith.cmpi eq, %iota3A, %eq3A_975 : vector<16xi32>
      %reduce_sum3A_977 = arith.constant true
      %reduce_sum3A_978 = vector.broadcast %reduce_sum3A_977 : i1 to vector<16xi1>
      %reduce_sum3A_979 = tpu.scan <sum>, %scan3A_934#4 masked %reduce_sum3A_978 : vector<16xf32>, vector<16xi1> -> vector<16xf32>
      %reduce_sum3A_980 = vector.extract %reduce_sum3A_979[15] : f32 from vector<16xf32>
      %broadcast_in_dim3A_981 = vector.broadcast %reduce_sum3A_980 : f32 to vector<16xf32>
      %select_n3A_982 = arith.select %eq3A_976, %broadcast_in_dim3A_981, %select_n3A_973 : vector<16xi1>, vector<16xf32>
      %eq3A_983 = arith.constant 5 : i32
      %eq3A_984 = vector.broadcast %eq3A_983 : i32 to vector<16xi32>
      %eq3A_985 = arith.cmpi eq, %iota3A, %eq3A_984 : vector<16xi32>
      %reduce_sum3A_986 = arith.constant true
      %reduce_sum3A_987 = vector.broadcast %reduce_sum3A_986 : i1 to vector<16xi1>
      %reduce_sum3A_988 = tpu.scan <sum>, %scan3A_934#5 masked %reduce_sum3A_987 : vector<16xf32>, vector<16xi1> -> vector<16xf32>
      %reduce_sum3A_989 = vector.extract %reduce_sum3A_988[15] : f32 from vector<16xf32>
      %broadcast_in_dim3A_990 = vector.broadcast %reduce_sum3A_989 : f32 to vector<16xf32>
      %select_n3A_991 = arith.select %eq3A_985, %broadcast_in_dim3A_990, %select_n3A_982 : vector<16xi1>, vector<16xf32>
      %eq3A_992 = arith.constant 6 : i32
      %eq3A_993 = vector.broadcast %eq3A_992 : i32 to vector<16xi32>
      %eq3A_994 = arith.cmpi eq, %iota3A, %eq3A_993 : vector<16xi32>
      %reduce_sum3A_995 = arith.constant true
      %reduce_sum3A_996 = vector.broadcast %reduce_sum3A_995 : i1 to vector<16xi1>
      %reduce_sum3A_997 = tpu.scan <sum>, %scan3A_934#6 masked %reduce_sum3A_996 : vector<16xf32>, vector<16xi1> -> vector<16xf32>
      %reduce_sum3A_998 = vector.extract %reduce_sum3A_997[15] : f32 from vector<16xf32>
      %broadcast_in_dim3A_999 = vector.broadcast %reduce_sum3A_998 : f32 to vector<16xf32>
      %select_n3A_1000 = arith.select %eq3A_994, %broadcast_in_dim3A_999, %select_n3A_991 : vector<16xi1>, vector<16xf32>
      %eq3A_1001 = arith.constant 7 : i32
      %eq3A_1002 = vector.broadcast %eq3A_1001 : i32 to vector<16xi32>
      %eq3A_1003 = arith.cmpi eq, %iota3A, %eq3A_1002 : vector<16xi32>
      %reduce_sum3A_1004 = arith.constant true
      %reduce_sum3A_1005 = vector.broadcast %reduce_sum3A_1004 : i1 to vector<16xi1>
      %reduce_sum3A_1006 = tpu.scan <sum>, %scan3A_934#7 masked %reduce_sum3A_1005 : vector<16xf32>, vector<16xi1> -> vector<16xf32>
      %reduce_sum3A_1007 = vector.extract %reduce_sum3A_1006[15] : f32 from vector<16xf32>
      %broadcast_in_dim3A_1008 = vector.broadcast %reduce_sum3A_1007 : f32 to vector<16xf32>
      %select_n3A_1009 = arith.select %eq3A_1003, %broadcast_in_dim3A_1008, %select_n3A_1000 : vector<16xi1>, vector<16xf32>
      %eq3A_1010 = arith.constant 8 : i32
      %eq3A_1011 = vector.broadcast %eq3A_1010 : i32 to vector<16xi32>
      %eq3A_1012 = arith.cmpi eq, %iota3A, %eq3A_1011 : vector<16xi32>
      %reduce_sum3A_1013 = arith.constant true
      %reduce_sum3A_1014 = vector.broadcast %reduce_sum3A_1013 : i1 to vector<16xi1>
      %reduce_sum3A_1015 = tpu.scan <sum>, %scan3A_934#8 masked %reduce_sum3A_1014 : vector<16xf32>, vector<16xi1> -> vector<16xf32>
      %reduce_sum3A_1016 = vector.extract %reduce_sum3A_1015[15] : f32 from vector<16xf32>
      %broadcast_in_dim3A_1017 = vector.broadcast %reduce_sum3A_1016 : f32 to vector<16xf32>
      %select_n3A_1018 = arith.select %eq3A_1012, %broadcast_in_dim3A_1017, %select_n3A_1009 : vector<16xi1>, vector<16xf32>
      %eq3A_1019 = arith.constant 9 : i32
      %eq3A_1020 = vector.broadcast %eq3A_1019 : i32 to vector<16xi32>
      %eq3A_1021 = arith.cmpi eq, %iota3A, %eq3A_1020 : vector<16xi32>
      %reduce_sum3A_1022 = arith.constant true
      %reduce_sum3A_1023 = vector.broadcast %reduce_sum3A_1022 : i1 to vector<16xi1>
      %reduce_sum3A_1024 = tpu.scan <sum>, %scan3A_934#9 masked %reduce_sum3A_1023 : vector<16xf32>, vector<16xi1> -> vector<16xf32>
      %reduce_sum3A_1025 = vector.extract %reduce_sum3A_1024[15] : f32 from vector<16xf32>
      %broadcast_in_dim3A_1026 = vector.broadcast %reduce_sum3A_1025 : f32 to vector<16xf32>
      %select_n3A_1027 = arith.select %eq3A_1021, %broadcast_in_dim3A_1026, %select_n3A_1018 : vector<16xi1>, vector<16xf32>
      %eq3A_1028 = arith.constant 10 : i32
      %eq3A_1029 = vector.broadcast %eq3A_1028 : i32 to vector<16xi32>
      %eq3A_1030 = arith.cmpi eq, %iota3A, %eq3A_1029 : vector<16xi32>
      %reduce_sum3A_1031 = arith.constant true
      %reduce_sum3A_1032 = vector.broadcast %reduce_sum3A_1031 : i1 to vector<16xi1>
      %reduce_sum3A_1033 = tpu.scan <sum>, %scan3A_934#10 masked %reduce_sum3A_1032 : vector<16xf32>, vector<16xi1> -> vector<16xf32>
      %reduce_sum3A_1034 = vector.extract %reduce_sum3A_1033[15] : f32 from vector<16xf32>
      %broadcast_in_dim3A_1035 = vector.broadcast %reduce_sum3A_1034 : f32 to vector<16xf32>
      %select_n3A_1036 = arith.select %eq3A_1030, %broadcast_in_dim3A_1035, %select_n3A_1027 : vector<16xi1>, vector<16xf32>
      %eq3A_1037 = arith.constant 11 : i32
      %eq3A_1038 = vector.broadcast %eq3A_1037 : i32 to vector<16xi32>
      %eq3A_1039 = arith.cmpi eq, %iota3A, %eq3A_1038 : vector<16xi32>
      %reduce_sum3A_1040 = arith.constant true
      %reduce_sum3A_1041 = vector.broadcast %reduce_sum3A_1040 : i1 to vector<16xi1>
      %reduce_sum3A_1042 = tpu.scan <sum>, %scan3A_934#11 masked %reduce_sum3A_1041 : vector<16xf32>, vector<16xi1> -> vector<16xf32>
      %reduce_sum3A_1043 = vector.extract %reduce_sum3A_1042[15] : f32 from vector<16xf32>
      %broadcast_in_dim3A_1044 = vector.broadcast %reduce_sum3A_1043 : f32 to vector<16xf32>
      %select_n3A_1045 = arith.select %eq3A_1039, %broadcast_in_dim3A_1044, %select_n3A_1036 : vector<16xi1>, vector<16xf32>
      %eq3A_1046 = arith.constant 12 : i32
      %eq3A_1047 = vector.broadcast %eq3A_1046 : i32 to vector<16xi32>
      %eq3A_1048 = arith.cmpi eq, %iota3A, %eq3A_1047 : vector<16xi32>
      %reduce_sum3A_1049 = arith.constant true
      %reduce_sum3A_1050 = vector.broadcast %reduce_sum3A_1049 : i1 to vector<16xi1>
      %reduce_sum3A_1051 = tpu.scan <sum>, %scan3A_934#12 masked %reduce_sum3A_1050 : vector<16xf32>, vector<16xi1> -> vector<16xf32>
      %reduce_sum3A_1052 = vector.extract %reduce_sum3A_1051[15] : f32 from vector<16xf32>
      %broadcast_in_dim3A_1053 = vector.broadcast %reduce_sum3A_1052 : f32 to vector<16xf32>
      %select_n3A_1054 = arith.select %eq3A_1048, %broadcast_in_dim3A_1053, %select_n3A_1045 : vector<16xi1>, vector<16xf32>
      %eq3A_1055 = arith.constant 13 : i32
      %eq3A_1056 = vector.broadcast %eq3A_1055 : i32 to vector<16xi32>
      %eq3A_1057 = arith.cmpi eq, %iota3A, %eq3A_1056 : vector<16xi32>
      %reduce_sum3A_1058 = arith.constant true
      %reduce_sum3A_1059 = vector.broadcast %reduce_sum3A_1058 : i1 to vector<16xi1>
      %reduce_sum3A_1060 = tpu.scan <sum>, %scan3A_934#13 masked %reduce_sum3A_1059 : vector<16xf32>, vector<16xi1> -> vector<16xf32>
      %reduce_sum3A_1061 = vector.extract %reduce_sum3A_1060[15] : f32 from vector<16xf32>
      %broadcast_in_dim3A_1062 = vector.broadcast %reduce_sum3A_1061 : f32 to vector<16xf32>
      %select_n3A_1063 = arith.select %eq3A_1057, %broadcast_in_dim3A_1062, %select_n3A_1054 : vector<16xi1>, vector<16xf32>
      %eq3A_1064 = arith.constant 14 : i32
      %eq3A_1065 = vector.broadcast %eq3A_1064 : i32 to vector<16xi32>
      %eq3A_1066 = arith.cmpi eq, %iota3A, %eq3A_1065 : vector<16xi32>
      %reduce_sum3A_1067 = arith.constant true
      %reduce_sum3A_1068 = vector.broadcast %reduce_sum3A_1067 : i1 to vector<16xi1>
      %reduce_sum3A_1069 = tpu.scan <sum>, %scan3A_934#14 masked %reduce_sum3A_1068 : vector<16xf32>, vector<16xi1> -> vector<16xf32>
      %reduce_sum3A_1070 = vector.extract %reduce_sum3A_1069[15] : f32 from vector<16xf32>
      %broadcast_in_dim3A_1071 = vector.broadcast %reduce_sum3A_1070 : f32 to vector<16xf32>
      %select_n3A_1072 = arith.select %eq3A_1066, %broadcast_in_dim3A_1071, %select_n3A_1063 : vector<16xi1>, vector<16xf32>
      %eq3A_1073 = arith.constant 15 : i32
      %eq3A_1074 = vector.broadcast %eq3A_1073 : i32 to vector<16xi32>
      %eq3A_1075 = arith.cmpi eq, %iota3A, %eq3A_1074 : vector<16xi32>
      %reduce_sum3A_1076 = arith.constant true
      %reduce_sum3A_1077 = vector.broadcast %reduce_sum3A_1076 : i1 to vector<16xi1>
      %reduce_sum3A_1078 = tpu.scan <sum>, %scan3A_934#15 masked %reduce_sum3A_1077 : vector<16xf32>, vector<16xi1> -> vector<16xf32>
      %reduce_sum3A_1079 = vector.extract %reduce_sum3A_1078[15] : f32 from vector<16xf32>
      %broadcast_in_dim3A_1080 = vector.broadcast %reduce_sum3A_1079 : f32 to vector<16xf32>
      %select_n3A_1081 = arith.select %eq3A_1075, %broadcast_in_dim3A_1080, %select_n3A_1072 : vector<16xi1>, vector<16xf32>
      %mul3A_1082 = arith.constant 16 : i32
      %mul3A_1083 = arith.muli %add3A_881, %mul3A_1082 : i32
      %swap3A_1084 = arith.index_cast %mul3A_1083 : i32 to index
      %swap3A_1085 = tpu.vector_load %arg9[%swap3A_1084] {strides = array<i32>} : memref<2048xf32, #tpu.memory_space<vmem>>, vector<16xf32>,
      tpu.vector_store %arg9[%swap3A_1084], %select_n3A_1081 {strides = array<i32>} : memref<2048xf32, #tpu.memory_space<vmem>>, vector<16xf32>,
      %add3A_1086 = arith.constant 3 : i32
      %add3A_1087 = arith.addi %add3A_881, %add3A_1086 : i32
      %lt3A_1088 = arith.constant 128 : i32
      %lt3A_1089 = arith.cmpi slt, %add3A_1087, %lt3A_1088 : i32
      %convert_element_type3A_1090 = arith.extui %lt3A_1089 : i1 to i32
      %cond3A_1091 = arith.constant 0 : i32
      %cond3A_1092 = arith.cmpi ne, %convert_element_type3A_1090, %cond3A_1091 : i32
      scf.if %cond3A_1092 {
        %add3A_1093 = arith.constant 3 : i32
        %add3A_1094 = arith.addi %add3A_881, %add3A_1093 : i32
        %dma_start3A_1095 = arith.constant 2 : i32
        %dma_start3A_1096 = arith.constant 2 : i32
        %dma_start3A_1097 = arith.constant 0 : i32
        %dma_start3A_1098 = arith.constant 0 : i32
        %dma_start3A_1099 = tpu.memref_slice %arg8[%dma_start3A_1095, %dma_start3A_1097, %dma_start3A_1098] : memref<3x32x1024xf32, #tpu.memory_space<vmem>> -> memref<1x32x1024xf32, #tpu.memory_space<vmem>>
        %dma_start3A_1100 = tpu.memref_squeeze %dma_start3A_1099 : memref<1x32x1024xf32, #tpu.memory_space<vmem>> -> memref<32x1024xf32, #tpu.memory_space<vmem>>
        %dma_start3A_1101 = arith.constant 0 : i32
        %dma_start3A_1102 = tpu.memref_slice %arg6[%add3A_1094, %dma_start3A_1101] : memref<128x32xi32, #tpu.memory_space<vmem>> -> memref<1x32xi32, #tpu.memory_space<vmem>>
        %dma_start3A_1103 = tpu.memref_squeeze %dma_start3A_1102 : memref<1x32xi32, #tpu.memory_space<vmem>> -> memref<32xi32, #tpu.memory_space<vmem>>
        %dma_start3A_1104 = arith.constant 0 : i32
        %dma_start3A_1105 = arith.constant 0 : i32
        %dma_start3A_1106 = tpu.memref_slice %arg2[%dma_start3A_1104, %dma_start3A_1105] : memref<50000x1024xf32, #tpu.memory_space<hbm>> -> memref<50000x1024xf32, #tpu.memory_space<hbm>>
        %dma_start3A_1107 = tpu.memref_slice %arg10[%dma_start3A_1096] : memref<3x!tpu.dma_semaphore, #tpu.memory_space<semaphore_mem>> -> memref<1x!tpu.dma_semaphore, #tpu.memory_space<semaphore_mem>>
        %dma_start3A_1108 = tpu.memref_squeeze %dma_start3A_1107 : memref<1x!tpu.dma_semaphore, #tpu.memory_space<semaphore_mem>> -> memref<!tpu.dma_semaphore, #tpu.memory_space<semaphore_mem>>
        tpu.enqueue_indirect_dma source(%dma_start3A_1106 : memref<50000x1024xf32, #tpu.memory_space<hbm>>) target(%dma_start3A_1100 : memref<32x1024xf32, #tpu.memory_space<vmem>>) offsets(%dma_start3A_1103 : memref<32xi32, #tpu.memory_space<vmem>>) semaphore(%dma_start3A_1108 : memref<!tpu.dma_semaphore, #tpu.memory_space<semaphore_mem>>)
      } else {
      }
    }
    %scan3A_49 = arith.constant 42 : i32
    %dma_wait3A = arith.constant 0 : i32
    %dma_wait3A_50 = arith.constant 0 : i32
    %dma_wait3A_51 = arith.constant 0 : i32
    %dma_wait3A_52 = arith.constant 0 : i32
    %dma_wait3A_53 = arith.constant 0 : i32
    %dma_wait3A_54 = tpu.memref_slice %arg8[%dma_wait3A_50, %dma_wait3A_52, %dma_wait3A_53] : memref<3x32x1024xf32, #tpu.memory_space<vmem>> -> memref<1x32x1024xf32, #tpu.memory_space<vmem>>
    %dma_wait3A_55 = tpu.memref_squeeze %dma_wait3A_54 : memref<1x32x1024xf32, #tpu.memory_space<vmem>> -> memref<32x1024xf32, #tpu.memory_space<vmem>>
    %dma_wait3A_56 = arith.constant 0 : i32
    %dma_wait3A_57 = tpu.memref_slice %arg6[%dma_wait3A, %dma_wait3A_56] : memref<128x32xi32, #tpu.memory_space<vmem>> -> memref<1x32xi32, #tpu.memory_space<vmem>>
    %dma_wait3A_58 = tpu.memref_squeeze %dma_wait3A_57 : memref<1x32xi32, #tpu.memory_space<vmem>> -> memref<32xi32, #tpu.memory_space<vmem>>
    %dma_wait3A_59 = arith.constant 0 : i32
    %dma_wait3A_60 = arith.constant 0 : i32
    %dma_wait3A_61 = tpu.memref_slice %arg2[%dma_wait3A_59, %dma_wait3A_60] : memref<50000x1024xf32, #tpu.memory_space<hbm>> -> memref<50000x1024xf32, #tpu.memory_space<hbm>>
    %dma_wait3A_62 = tpu.memref_slice %arg10[%dma_wait3A_51] : memref<3x!tpu.dma_semaphore, #tpu.memory_space<semaphore_mem>> -> memref<1x!tpu.dma_semaphore, #tpu.memory_space<semaphore_mem>>
    %dma_wait3A_63 = tpu.memref_squeeze %dma_wait3A_62 : memref<1x!tpu.dma_semaphore, #tpu.memory_space<semaphore_mem>> -> memref<!tpu.dma_semaphore, #tpu.memory_space<semaphore_mem>>
    tpu.wait_indirect_dma semaphore(%dma_wait3A_63 : memref<!tpu.dma_semaphore, #tpu.memory_space<semaphore_mem>>) src(%dma_wait3A_61 : memref<50000x1024xf32, #tpu.memory_space<hbm>>) dst(%dma_wait3A_55 : memref<32x1024xf32, #tpu.memory_space<vmem>>)
    %broadcast_in_dim3A = arith.constant 0.000000e+00 : f32
    %broadcast_in_dim3A_64 = vector.broadcast %broadcast_in_dim3A : f32 to vector<16xf32>
    %broadcast_in_dim3A_65 = arith.constant 0.000000e+00 : f32
    %broadcast_in_dim3A_66 = vector.broadcast %broadcast_in_dim3A_65 : f32 to vector<16xf32>
    %broadcast_in_dim3A_67 = arith.constant 0.000000e+00 : f32
    %broadcast_in_dim3A_68 = vector.broadcast %broadcast_in_dim3A_67 : f32 to vector<16xf32>
    %broadcast_in_dim3A_69 = arith.constant 0.000000e+00 : f32
    %broadcast_in_dim3A_70 = vector.broadcast %broadcast_in_dim3A_69 : f32 to vector<16xf32>
    %broadcast_in_dim3A_71 = arith.constant 0.000000e+00 : f32
    %broadcast_in_dim3A_72 = vector.broadcast %broadcast_in_dim3A_71 : f32 to vector<16xf32>
    %broadcast_in_dim3A_73 = arith.constant 0.000000e+00 : f32
    %broadcast_in_dim3A_74 = vector.broadcast %broadcast_in_dim3A_73 : f32 to vector<16xf32>
    %broadcast_in_dim3A_75 = arith.constant 0.000000e+00 : f32
    %broadcast_in_dim3A_76 = vector.broadcast %broadcast_in_dim3A_75 : f32 to vector<16xf32>
    %broadcast_in_dim3A_77 = arith.constant 0.000000e+00 : f32
    %broadcast_in_dim3A_78 = vector.broadcast %broadcast_in_dim3A_77 : f32 to vector<16xf32>
    %broadcast_in_dim3A_79 = arith.constant 0.000000e+00 : f32
    %broadcast_in_dim3A_80 = vector.broadcast %broadcast_in_dim3A_79 : f32 to vector<16xf32>
    %broadcast_in_dim3A_81 = arith.constant 0.000000e+00 : f32
    %broadcast_in_dim3A_82 = vector.broadcast %broadcast_in_dim3A_81 : f32 to vector<16xf32>
    %broadcast_in_dim3A_83 = arith.constant 0.000000e+00 : f32
    %broadcast_in_dim3A_84 = vector.broadcast %broadcast_in_dim3A_83 : f32 to vector<16xf32>
    %broadcast_in_dim3A_85 = arith.constant 0.000000e+00 : f32
    %broadcast_in_dim3A_86 = vector.broadcast %broadcast_in_dim3A_85 : f32 to vector<16xf32>
    %broadcast_in_dim3A_87 = arith.constant 0.000000e+00 : f32
    %broadcast_in_dim3A_88 = vector.broadcast %broadcast_in_dim3A_87 : f32 to vector<16xf32>
    %broadcast_in_dim3A_89 = arith.constant 0.000000e+00 : f32
    %broadcast_in_dim3A_90 = vector.broadcast %broadcast_in_dim3A_89 : f32 to vector<16xf32>
    %broadcast_in_dim3A_91 = arith.constant 0.000000e+00 : f32
    %broadcast_in_dim3A_92 = vector.broadcast %broadcast_in_dim3A_91 : f32 to vector<16xf32>
    %broadcast_in_dim3A_93 = arith.constant 0.000000e+00 : f32
    %broadcast_in_dim3A_94 = vector.broadcast %broadcast_in_dim3A_93 : f32 to vector<16xf32>
    %scan3A_95 = arith.constant 0 : i32
    %scan3A_96 = arith.constant 0 : i32
    %scan3A_97 = arith.constant 64 : i32
    %scan3A_98 = arith.addi %scan3A_96, %scan3A_97 : i32
    %scan3A_99 = arith.constant 1 : i32
    %scan3A_100:16 = scf.for %scan3A_450 = %scan3A_96 to %scan3A_98 step %scan3A_99 iter_args(%scan3A_451 = %broadcast_in_dim3A_64, %scan3A_452 = %broadcast_in_dim3A_66, %scan3A_453 = %broadcast_in_dim3A_68, %scan3A_454 = %broadcast_in_dim3A_70, %scan3A_455 = %broadcast_in_dim3A_72, %scan3A_456 = %broadcast_in_dim3A_74, %scan3A_457 = %broadcast_in_dim3A_76, %scan3A_458 = %broadcast_in_dim3A_78, %scan3A_459 = %broadcast_in_dim3A_80, %scan3A_460 = %broadcast_in_dim3A_82, %scan3A_461 = %broadcast_in_dim3A_84, %scan3A_462 = %broadcast_in_dim3A_86, %scan3A_463 = %broadcast_in_dim3A_88, %scan3A_464 = %broadcast_in_dim3A_90, %scan3A_465 = %broadcast_in_dim3A_92, %scan3A_466 = %broadcast_in_dim3A_94) -> (vector<16xf32>, vector<16xf32>, vector<16xf32>, vector<16xf32>, vector<16xf32>, vector<16xf32>, vector<16xf32>, vector<16xf32>, vector<16xf32>, vector<16xf32>, vector<16xf32>, vector<16xf32>, vector<16xf32>, vector<16xf32>, vector<16xf32>, vector<16xf32>)  : i32 {
      %mul3A_467 = arith.constant 16 : i32
      %mul3A_468 = arith.muli %scan3A_450, %mul3A_467 : i32
      %get3A = arith.index_cast %mul3A_468 : i32 to index
      %get3A_469 = tpu.vector_load %arg7[%get3A] {strides = array<i32>} : memref<1024xf32, #tpu.memory_space<vmem>>, vector<16xf32>,
      %mul3A_470 = arith.constant 16 : i32
      %mul3A_471 = arith.muli %scan3A_450, %mul3A_470 : i32
      %get3A_472 = arith.constant 0 : i32
      %get3A_473 = arith.constant 0 : i32
      %get3A_474 = arith.constant 0 : i32
      %get3A_475 = tpu.memref_slice %arg8[%scan3A_95, %get3A_473, %get3A_474] : memref<3x32x1024xf32, #tpu.memory_space<vmem>> -> memref<1x32x1024xf32, #tpu.memory_space<vmem>>
      %get3A_476 = tpu.memref_squeeze %get3A_475 : memref<1x32x1024xf32, #tpu.memory_space<vmem>> -> memref<32x1024xf32, #tpu.memory_space<vmem>>
      %get3A_477 = arith.index_cast %get3A_472 : i32 to index
      %get3A_478 = arith.index_cast %mul3A_471 : i32 to index
      %get3A_479 = tpu.vector_load %get3A_476[%get3A_477, %get3A_478] {strides = array<i32>} : memref<32x1024xf32, #tpu.memory_space<vmem>>, vector<16xf32>,
      %mul3A_480 = arith.mulf %get3A_479, %get3A_469 : vector<16xf32>
      %mul3A_481 = arith.constant 16 : i32
      %mul3A_482 = arith.muli %scan3A_450, %mul3A_481 : i32
      %get3A_483 = arith.constant 16 : i32
      %get3A_484 = arith.constant 0 : i32
      %get3A_485 = arith.constant 0 : i32
      %get3A_486 = tpu.memref_slice %arg8[%scan3A_95, %get3A_484, %get3A_485] : memref<3x32x1024xf32, #tpu.memory_space<vmem>> -> memref<1x32x1024xf32, #tpu.memory_space<vmem>>
      %get3A_487 = tpu.memref_squeeze %get3A_486 : memref<1x32x1024xf32, #tpu.memory_space<vmem>> -> memref<32x1024xf32, #tpu.memory_space<vmem>>
      %get3A_488 = arith.index_cast %get3A_483 : i32 to index
      %get3A_489 = arith.index_cast %mul3A_482 : i32 to index
      %get3A_490 = tpu.vector_load %get3A_487[%get3A_488, %get3A_489] {strides = array<i32>} : memref<32x1024xf32, #tpu.memory_space<vmem>>, vector<16xf32>,
      %mul3A_491 = arith.mulf %mul3A_480, %get3A_490 : vector<16xf32>
      %add3A_492 = arith.addf %scan3A_451, %mul3A_491 : vector<16xf32>
      %mul3A_493 = arith.constant 16 : i32
      %mul3A_494 = arith.muli %scan3A_450, %mul3A_493 : i32
      %get3A_495 = arith.constant 1 : i32
      %get3A_496 = arith.constant 0 : i32
      %get3A_497 = arith.constant 0 : i32
      %get3A_498 = tpu.memref_slice %arg8[%scan3A_95, %get3A_496, %get3A_497] : memref<3x32x1024xf32, #tpu.memory_space<vmem>> -> memref<1x32x1024xf32, #tpu.memory_space<vmem>>
      %get3A_499 = tpu.memref_squeeze %get3A_498 : memref<1x32x1024xf32, #tpu.memory_space<vmem>> -> memref<32x1024xf32, #tpu.memory_space<vmem>>
      %get3A_500 = arith.index_cast %get3A_495 : i32 to index
      %get3A_501 = arith.index_cast %mul3A_494 : i32 to index
      %get3A_502 = tpu.vector_load %get3A_499[%get3A_500, %get3A_501] {strides = array<i32>} : memref<32x1024xf32, #tpu.memory_space<vmem>>, vector<16xf32>,
      %mul3A_503 = arith.mulf %get3A_502, %get3A_469 : vector<16xf32>
      %mul3A_504 = arith.constant 16 : i32
      %mul3A_505 = arith.muli %scan3A_450, %mul3A_504 : i32
      %get3A_506 = arith.constant 17 : i32
      %get3A_507 = arith.constant 0 : i32
      %get3A_508 = arith.constant 0 : i32
      %get3A_509 = tpu.memref_slice %arg8[%scan3A_95, %get3A_507, %get3A_508] : memref<3x32x1024xf32, #tpu.memory_space<vmem>> -> memref<1x32x1024xf32, #tpu.memory_space<vmem>>
      %get3A_510 = tpu.memref_squeeze %get3A_509 : memref<1x32x1024xf32, #tpu.memory_space<vmem>> -> memref<32x1024xf32, #tpu.memory_space<vmem>>
      %get3A_511 = arith.index_cast %get3A_506 : i32 to index
      %get3A_512 = arith.index_cast %mul3A_505 : i32 to index
      %get3A_513 = tpu.vector_load %get3A_510[%get3A_511, %get3A_512] {strides = array<i32>} : memref<32x1024xf32, #tpu.memory_space<vmem>>, vector<16xf32>,
      %mul3A_514 = arith.mulf %mul3A_503, %get3A_513 : vector<16xf32>
      %add3A_515 = arith.addf %scan3A_452, %mul3A_514 : vector<16xf32>
      %mul3A_516 = arith.constant 16 : i32
      %mul3A_517 = arith.muli %scan3A_450, %mul3A_516 : i32
      %get3A_518 = arith.constant 2 : i32
      %get3A_519 = arith.constant 0 : i32
      %get3A_520 = arith.constant 0 : i32
      %get3A_521 = tpu.memref_slice %arg8[%scan3A_95, %get3A_519, %get3A_520] : memref<3x32x1024xf32, #tpu.memory_space<vmem>> -> memref<1x32x1024xf32, #tpu.memory_space<vmem>>
      %get3A_522 = tpu.memref_squeeze %get3A_521 : memref<1x32x1024xf32, #tpu.memory_space<vmem>> -> memref<32x1024xf32, #tpu.memory_space<vmem>>
      %get3A_523 = arith.index_cast %get3A_518 : i32 to index
      %get3A_524 = arith.index_cast %mul3A_517 : i32 to index
      %get3A_525 = tpu.vector_load %get3A_522[%get3A_523, %get3A_524] {strides = array<i32>} : memref<32x1024xf32, #tpu.memory_space<vmem>>, vector<16xf32>,
      %mul3A_526 = arith.mulf %get3A_525, %get3A_469 : vector<16xf32>
      %mul3A_527 = arith.constant 16 : i32
      %mul3A_528 = arith.muli %scan3A_450, %mul3A_527 : i32
      %get3A_529 = arith.constant 18 : i32
      %get3A_530 = arith.constant 0 : i32
      %get3A_531 = arith.constant 0 : i32
      %get3A_532 = tpu.memref_slice %arg8[%scan3A_95, %get3A_530, %get3A_531] : memref<3x32x1024xf32, #tpu.memory_space<vmem>> -> memref<1x32x1024xf32, #tpu.memory_space<vmem>>
      %get3A_533 = tpu.memref_squeeze %get3A_532 : memref<1x32x1024xf32, #tpu.memory_space<vmem>> -> memref<32x1024xf32, #tpu.memory_space<vmem>>
      %get3A_534 = arith.index_cast %get3A_529 : i32 to index
      %get3A_535 = arith.index_cast %mul3A_528 : i32 to index
      %get3A_536 = tpu.vector_load %get3A_533[%get3A_534, %get3A_535] {strides = array<i32>} : memref<32x1024xf32, #tpu.memory_space<vmem>>, vector<16xf32>,
      %mul3A_537 = arith.mulf %mul3A_526, %get3A_536 : vector<16xf32>
      %add3A_538 = arith.addf %scan3A_453, %mul3A_537 : vector<16xf32>
      %mul3A_539 = arith.constant 16 : i32
      %mul3A_540 = arith.muli %scan3A_450, %mul3A_539 : i32
      %get3A_541 = arith.constant 3 : i32
      %get3A_542 = arith.constant 0 : i32
      %get3A_543 = arith.constant 0 : i32
      %get3A_544 = tpu.memref_slice %arg8[%scan3A_95, %get3A_542, %get3A_543] : memref<3x32x1024xf32, #tpu.memory_space<vmem>> -> memref<1x32x1024xf32, #tpu.memory_space<vmem>>
      %get3A_545 = tpu.memref_squeeze %get3A_544 : memref<1x32x1024xf32, #tpu.memory_space<vmem>> -> memref<32x1024xf32, #tpu.memory_space<vmem>>
      %get3A_546 = arith.index_cast %get3A_541 : i32 to index
      %get3A_547 = arith.index_cast %mul3A_540 : i32 to index
      %get3A_548 = tpu.vector_load %get3A_545[%get3A_546, %get3A_547] {strides = array<i32>} : memref<32x1024xf32, #tpu.memory_space<vmem>>, vector<16xf32>,
      %mul3A_549 = arith.mulf %get3A_548, %get3A_469 : vector<16xf32>
      %mul3A_550 = arith.constant 16 : i32
      %mul3A_551 = arith.muli %scan3A_450, %mul3A_550 : i32
      %get3A_552 = arith.constant 19 : i32
      %get3A_553 = arith.constant 0 : i32
      %get3A_554 = arith.constant 0 : i32
      %get3A_555 = tpu.memref_slice %arg8[%scan3A_95, %get3A_553, %get3A_554] : memref<3x32x1024xf32, #tpu.memory_space<vmem>> -> memref<1x32x1024xf32, #tpu.memory_space<vmem>>
      %get3A_556 = tpu.memref_squeeze %get3A_555 : memref<1x32x1024xf32, #tpu.memory_space<vmem>> -> memref<32x1024xf32, #tpu.memory_space<vmem>>
      %get3A_557 = arith.index_cast %get3A_552 : i32 to index
      %get3A_558 = arith.index_cast %mul3A_551 : i32 to index
      %get3A_559 = tpu.vector_load %get3A_556[%get3A_557, %get3A_558] {strides = array<i32>} : memref<32x1024xf32, #tpu.memory_space<vmem>>, vector<16xf32>,
      %mul3A_560 = arith.mulf %mul3A_549, %get3A_559 : vector<16xf32>
      %add3A_561 = arith.addf %scan3A_454, %mul3A_560 : vector<16xf32>
      %mul3A_562 = arith.constant 16 : i32
      %mul3A_563 = arith.muli %scan3A_450, %mul3A_562 : i32
      %get3A_564 = arith.constant 4 : i32
      %get3A_565 = arith.constant 0 : i32
      %get3A_566 = arith.constant 0 : i32
      %get3A_567 = tpu.memref_slice %arg8[%scan3A_95, %get3A_565, %get3A_566] : memref<3x32x1024xf32, #tpu.memory_space<vmem>> -> memref<1x32x1024xf32, #tpu.memory_space<vmem>>
      %get3A_568 = tpu.memref_squeeze %get3A_567 : memref<1x32x1024xf32, #tpu.memory_space<vmem>> -> memref<32x1024xf32, #tpu.memory_space<vmem>>
      %get3A_569 = arith.index_cast %get3A_564 : i32 to index
      %get3A_570 = arith.index_cast %mul3A_563 : i32 to index
      %get3A_571 = tpu.vector_load %get3A_568[%get3A_569, %get3A_570] {strides = array<i32>} : memref<32x1024xf32, #tpu.memory_space<vmem>>, vector<16xf32>,
      %mul3A_572 = arith.mulf %get3A_571, %get3A_469 : vector<16xf32>
      %mul3A_573 = arith.constant 16 : i32
      %mul3A_574 = arith.muli %scan3A_450, %mul3A_573 : i32
      %get3A_575 = arith.constant 20 : i32
      %get3A_576 = arith.constant 0 : i32
      %get3A_577 = arith.constant 0 : i32
      %get3A_578 = tpu.memref_slice %arg8[%scan3A_95, %get3A_576, %get3A_577] : memref<3x32x1024xf32, #tpu.memory_space<vmem>> -> memref<1x32x1024xf32, #tpu.memory_space<vmem>>
      %get3A_579 = tpu.memref_squeeze %get3A_578 : memref<1x32x1024xf32, #tpu.memory_space<vmem>> -> memref<32x1024xf32, #tpu.memory_space<vmem>>
      %get3A_580 = arith.index_cast %get3A_575 : i32 to index
      %get3A_581 = arith.index_cast %mul3A_574 : i32 to index
      %get3A_582 = tpu.vector_load %get3A_579[%get3A_580, %get3A_581] {strides = array<i32>} : memref<32x1024xf32, #tpu.memory_space<vmem>>, vector<16xf32>,
      %mul3A_583 = arith.mulf %mul3A_572, %get3A_582 : vector<16xf32>
      %add3A_584 = arith.addf %scan3A_455, %mul3A_583 : vector<16xf32>
      %mul3A_585 = arith.constant 16 : i32
      %mul3A_586 = arith.muli %scan3A_450, %mul3A_585 : i32
      %get3A_587 = arith.constant 5 : i32
      %get3A_588 = arith.constant 0 : i32
      %get3A_589 = arith.constant 0 : i32
      %get3A_590 = tpu.memref_slice %arg8[%scan3A_95, %get3A_588, %get3A_589] : memref<3x32x1024xf32, #tpu.memory_space<vmem>> -> memref<1x32x1024xf32, #tpu.memory_space<vmem>>
      %get3A_591 = tpu.memref_squeeze %get3A_590 : memref<1x32x1024xf32, #tpu.memory_space<vmem>> -> memref<32x1024xf32, #tpu.memory_space<vmem>>
      %get3A_592 = arith.index_cast %get3A_587 : i32 to index
      %get3A_593 = arith.index_cast %mul3A_586 : i32 to index
      %get3A_594 = tpu.vector_load %get3A_591[%get3A_592, %get3A_593] {strides = array<i32>} : memref<32x1024xf32, #tpu.memory_space<vmem>>, vector<16xf32>,
      %mul3A_595 = arith.mulf %get3A_594, %get3A_469 : vector<16xf32>
      %mul3A_596 = arith.constant 16 : i32
      %mul3A_597 = arith.muli %scan3A_450, %mul3A_596 : i32
      %get3A_598 = arith.constant 21 : i32
      %get3A_599 = arith.constant 0 : i32
      %get3A_600 = arith.constant 0 : i32
      %get3A_601 = tpu.memref_slice %arg8[%scan3A_95, %get3A_599, %get3A_600] : memref<3x32x1024xf32, #tpu.memory_space<vmem>> -> memref<1x32x1024xf32, #tpu.memory_space<vmem>>
      %get3A_602 = tpu.memref_squeeze %get3A_601 : memref<1x32x1024xf32, #tpu.memory_space<vmem>> -> memref<32x1024xf32, #tpu.memory_space<vmem>>
      %get3A_603 = arith.index_cast %get3A_598 : i32 to index
      %get3A_604 = arith.index_cast %mul3A_597 : i32 to index
      %get3A_605 = tpu.vector_load %get3A_602[%get3A_603, %get3A_604] {strides = array<i32>} : memref<32x1024xf32, #tpu.memory_space<vmem>>, vector<16xf32>,
      %mul3A_606 = arith.mulf %mul3A_595, %get3A_605 : vector<16xf32>
      %add3A_607 = arith.addf %scan3A_456, %mul3A_606 : vector<16xf32>
      %mul3A_608 = arith.constant 16 : i32
      %mul3A_609 = arith.muli %scan3A_450, %mul3A_608 : i32
      %get3A_610 = arith.constant 6 : i32
      %get3A_611 = arith.constant 0 : i32
      %get3A_612 = arith.constant 0 : i32
      %get3A_613 = tpu.memref_slice %arg8[%scan3A_95, %get3A_611, %get3A_612] : memref<3x32x1024xf32, #tpu.memory_space<vmem>> -> memref<1x32x1024xf32, #tpu.memory_space<vmem>>
      %get3A_614 = tpu.memref_squeeze %get3A_613 : memref<1x32x1024xf32, #tpu.memory_space<vmem>> -> memref<32x1024xf32, #tpu.memory_space<vmem>>
      %get3A_615 = arith.index_cast %get3A_610 : i32 to index
      %get3A_616 = arith.index_cast %mul3A_609 : i32 to index
      %get3A_617 = tpu.vector_load %get3A_614[%get3A_615, %get3A_616] {strides = array<i32>} : memref<32x1024xf32, #tpu.memory_space<vmem>>, vector<16xf32>,
      %mul3A_618 = arith.mulf %get3A_617, %get3A_469 : vector<16xf32>
      %mul3A_619 = arith.constant 16 : i32
      %mul3A_620 = arith.muli %scan3A_450, %mul3A_619 : i32
      %get3A_621 = arith.constant 22 : i32
      %get3A_622 = arith.constant 0 : i32
      %get3A_623 = arith.constant 0 : i32
      %get3A_624 = tpu.memref_slice %arg8[%scan3A_95, %get3A_622, %get3A_623] : memref<3x32x1024xf32, #tpu.memory_space<vmem>> -> memref<1x32x1024xf32, #tpu.memory_space<vmem>>
      %get3A_625 = tpu.memref_squeeze %get3A_624 : memref<1x32x1024xf32, #tpu.memory_space<vmem>> -> memref<32x1024xf32, #tpu.memory_space<vmem>>
      %get3A_626 = arith.index_cast %get3A_621 : i32 to index
      %get3A_627 = arith.index_cast %mul3A_620 : i32 to index
      %get3A_628 = tpu.vector_load %get3A_625[%get3A_626, %get3A_627] {strides = array<i32>} : memref<32x1024xf32, #tpu.memory_space<vmem>>, vector<16xf32>,
      %mul3A_629 = arith.mulf %mul3A_618, %get3A_628 : vector<16xf32>
      %add3A_630 = arith.addf %scan3A_457, %mul3A_629 : vector<16xf32>
      %mul3A_631 = arith.constant 16 : i32
      %mul3A_632 = arith.muli %scan3A_450, %mul3A_631 : i32
      %get3A_633 = arith.constant 7 : i32
      %get3A_634 = arith.constant 0 : i32
      %get3A_635 = arith.constant 0 : i32
      %get3A_636 = tpu.memref_slice %arg8[%scan3A_95, %get3A_634, %get3A_635] : memref<3x32x1024xf32, #tpu.memory_space<vmem>> -> memref<1x32x1024xf32, #tpu.memory_space<vmem>>
      %get3A_637 = tpu.memref_squeeze %get3A_636 : memref<1x32x1024xf32, #tpu.memory_space<vmem>> -> memref<32x1024xf32, #tpu.memory_space<vmem>>
      %get3A_638 = arith.index_cast %get3A_633 : i32 to index
      %get3A_639 = arith.index_cast %mul3A_632 : i32 to index
      %get3A_640 = tpu.vector_load %get3A_637[%get3A_638, %get3A_639] {strides = array<i32>} : memref<32x1024xf32, #tpu.memory_space<vmem>>, vector<16xf32>,
      %mul3A_641 = arith.mulf %get3A_640, %get3A_469 : vector<16xf32>
      %mul3A_642 = arith.constant 16 : i32
      %mul3A_643 = arith.muli %scan3A_450, %mul3A_642 : i32
      %get3A_644 = arith.constant 23 : i32
      %get3A_645 = arith.constant 0 : i32
      %get3A_646 = arith.constant 0 : i32
      %get3A_647 = tpu.memref_slice %arg8[%scan3A_95, %get3A_645, %get3A_646] : memref<3x32x1024xf32, #tpu.memory_space<vmem>> -> memref<1x32x1024xf32, #tpu.memory_space<vmem>>
      %get3A_648 = tpu.memref_squeeze %get3A_647 : memref<1x32x1024xf32, #tpu.memory_space<vmem>> -> memref<32x1024xf32, #tpu.memory_space<vmem>>
      %get3A_649 = arith.index_cast %get3A_644 : i32 to index
      %get3A_650 = arith.index_cast %mul3A_643 : i32 to index
      %get3A_651 = tpu.vector_load %get3A_648[%get3A_649, %get3A_650] {strides = array<i32>} : memref<32x1024xf32, #tpu.memory_space<vmem>>, vector<16xf32>,
      %mul3A_652 = arith.mulf %mul3A_641, %get3A_651 : vector<16xf32>
      %add3A_653 = arith.addf %scan3A_458, %mul3A_652 : vector<16xf32>
      %mul3A_654 = arith.constant 16 : i32
      %mul3A_655 = arith.muli %scan3A_450, %mul3A_654 : i32
      %get3A_656 = arith.constant 8 : i32
      %get3A_657 = arith.constant 0 : i32
      %get3A_658 = arith.constant 0 : i32
      %get3A_659 = tpu.memref_slice %arg8[%scan3A_95, %get3A_657, %get3A_658] : memref<3x32x1024xf32, #tpu.memory_space<vmem>> -> memref<1x32x1024xf32, #tpu.memory_space<vmem>>
      %get3A_660 = tpu.memref_squeeze %get3A_659 : memref<1x32x1024xf32, #tpu.memory_space<vmem>> -> memref<32x1024xf32, #tpu.memory_space<vmem>>
      %get3A_661 = arith.index_cast %get3A_656 : i32 to index
      %get3A_662 = arith.index_cast %mul3A_655 : i32 to index
      %get3A_663 = tpu.vector_load %get3A_660[%get3A_661, %get3A_662] {strides = array<i32>} : memref<32x1024xf32, #tpu.memory_space<vmem>>, vector<16xf32>,
      %mul3A_664 = arith.mulf %get3A_663, %get3A_469 : vector<16xf32>
      %mul3A_665 = arith.constant 16 : i32
      %mul3A_666 = arith.muli %scan3A_450, %mul3A_665 : i32
      %get3A_667 = arith.constant 24 : i32
      %get3A_668 = arith.constant 0 : i32
      %get3A_669 = arith.constant 0 : i32
      %get3A_670 = tpu.memref_slice %arg8[%scan3A_95, %get3A_668, %get3A_669] : memref<3x32x1024xf32, #tpu.memory_space<vmem>> -> memref<1x32x1024xf32, #tpu.memory_space<vmem>>
      %get3A_671 = tpu.memref_squeeze %get3A_670 : memref<1x32x1024xf32, #tpu.memory_space<vmem>> -> memref<32x1024xf32, #tpu.memory_space<vmem>>
      %get3A_672 = arith.index_cast %get3A_667 : i32 to index
      %get3A_673 = arith.index_cast %mul3A_666 : i32 to index
      %get3A_674 = tpu.vector_load %get3A_671[%get3A_672, %get3A_673] {strides = array<i32>} : memref<32x1024xf32, #tpu.memory_space<vmem>>, vector<16xf32>,
      %mul3A_675 = arith.mulf %mul3A_664, %get3A_674 : vector<16xf32>
      %add3A_676 = arith.addf %scan3A_459, %mul3A_675 : vector<16xf32>
      %mul3A_677 = arith.constant 16 : i32
      %mul3A_678 = arith.muli %scan3A_450, %mul3A_677 : i32
      %get3A_679 = arith.constant 9 : i32
      %get3A_680 = arith.constant 0 : i32
      %get3A_681 = arith.constant 0 : i32
      %get3A_682 = tpu.memref_slice %arg8[%scan3A_95, %get3A_680, %get3A_681] : memref<3x32x1024xf32, #tpu.memory_space<vmem>> -> memref<1x32x1024xf32, #tpu.memory_space<vmem>>
      %get3A_683 = tpu.memref_squeeze %get3A_682 : memref<1x32x1024xf32, #tpu.memory_space<vmem>> -> memref<32x1024xf32, #tpu.memory_space<vmem>>
      %get3A_684 = arith.index_cast %get3A_679 : i32 to index
      %get3A_685 = arith.index_cast %mul3A_678 : i32 to index
      %get3A_686 = tpu.vector_load %get3A_683[%get3A_684, %get3A_685] {strides = array<i32>} : memref<32x1024xf32, #tpu.memory_space<vmem>>, vector<16xf32>,
      %mul3A_687 = arith.mulf %get3A_686, %get3A_469 : vector<16xf32>
      %mul3A_688 = arith.constant 16 : i32
      %mul3A_689 = arith.muli %scan3A_450, %mul3A_688 : i32
      %get3A_690 = arith.constant 25 : i32
      %get3A_691 = arith.constant 0 : i32
      %get3A_692 = arith.constant 0 : i32
      %get3A_693 = tpu.memref_slice %arg8[%scan3A_95, %get3A_691, %get3A_692] : memref<3x32x1024xf32, #tpu.memory_space<vmem>> -> memref<1x32x1024xf32, #tpu.memory_space<vmem>>
      %get3A_694 = tpu.memref_squeeze %get3A_693 : memref<1x32x1024xf32, #tpu.memory_space<vmem>> -> memref<32x1024xf32, #tpu.memory_space<vmem>>
      %get3A_695 = arith.index_cast %get3A_690 : i32 to index
      %get3A_696 = arith.index_cast %mul3A_689 : i32 to index
      %get3A_697 = tpu.vector_load %get3A_694[%get3A_695, %get3A_696] {strides = array<i32>} : memref<32x1024xf32, #tpu.memory_space<vmem>>, vector<16xf32>,
      %mul3A_698 = arith.mulf %mul3A_687, %get3A_697 : vector<16xf32>
      %add3A_699 = arith.addf %scan3A_460, %mul3A_698 : vector<16xf32>
      %mul3A_700 = arith.constant 16 : i32
      %mul3A_701 = arith.muli %scan3A_450, %mul3A_700 : i32
      %get3A_702 = arith.constant 10 : i32
      %get3A_703 = arith.constant 0 : i32
      %get3A_704 = arith.constant 0 : i32
      %get3A_705 = tpu.memref_slice %arg8[%scan3A_95, %get3A_703, %get3A_704] : memref<3x32x1024xf32, #tpu.memory_space<vmem>> -> memref<1x32x1024xf32, #tpu.memory_space<vmem>>
      %get3A_706 = tpu.memref_squeeze %get3A_705 : memref<1x32x1024xf32, #tpu.memory_space<vmem>> -> memref<32x1024xf32, #tpu.memory_space<vmem>>
      %get3A_707 = arith.index_cast %get3A_702 : i32 to index
      %get3A_708 = arith.index_cast %mul3A_701 : i32 to index
      %get3A_709 = tpu.vector_load %get3A_706[%get3A_707, %get3A_708] {strides = array<i32>} : memref<32x1024xf32, #tpu.memory_space<vmem>>, vector<16xf32>,
      %mul3A_710 = arith.mulf %get3A_709, %get3A_469 : vector<16xf32>
      %mul3A_711 = arith.constant 16 : i32
      %mul3A_712 = arith.muli %scan3A_450, %mul3A_711 : i32
      %get3A_713 = arith.constant 26 : i32
      %get3A_714 = arith.constant 0 : i32
      %get3A_715 = arith.constant 0 : i32
      %get3A_716 = tpu.memref_slice %arg8[%scan3A_95, %get3A_714, %get3A_715] : memref<3x32x1024xf32, #tpu.memory_space<vmem>> -> memref<1x32x1024xf32, #tpu.memory_space<vmem>>
      %get3A_717 = tpu.memref_squeeze %get3A_716 : memref<1x32x1024xf32, #tpu.memory_space<vmem>> -> memref<32x1024xf32, #tpu.memory_space<vmem>>
      %get3A_718 = arith.index_cast %get3A_713 : i32 to index
      %get3A_719 = arith.index_cast %mul3A_712 : i32 to index
      %get3A_720 = tpu.vector_load %get3A_717[%get3A_718, %get3A_719] {strides = array<i32>} : memref<32x1024xf32, #tpu.memory_space<vmem>>, vector<16xf32>,
      %mul3A_721 = arith.mulf %mul3A_710, %get3A_720 : vector<16xf32>
      %add3A_722 = arith.addf %scan3A_461, %mul3A_721 : vector<16xf32>
      %mul3A_723 = arith.constant 16 : i32
      %mul3A_724 = arith.muli %scan3A_450, %mul3A_723 : i32
      %get3A_725 = arith.constant 11 : i32
      %get3A_726 = arith.constant 0 : i32
      %get3A_727 = arith.constant 0 : i32
      %get3A_728 = tpu.memref_slice %arg8[%scan3A_95, %get3A_726, %get3A_727] : memref<3x32x1024xf32, #tpu.memory_space<vmem>> -> memref<1x32x1024xf32, #tpu.memory_space<vmem>>
      %get3A_729 = tpu.memref_squeeze %get3A_728 : memref<1x32x1024xf32, #tpu.memory_space<vmem>> -> memref<32x1024xf32, #tpu.memory_space<vmem>>
      %get3A_730 = arith.index_cast %get3A_725 : i32 to index
      %get3A_731 = arith.index_cast %mul3A_724 : i32 to index
      %get3A_732 = tpu.vector_load %get3A_729[%get3A_730, %get3A_731] {strides = array<i32>} : memref<32x1024xf32, #tpu.memory_space<vmem>>, vector<16xf32>,
      %mul3A_733 = arith.mulf %get3A_732, %get3A_469 : vector<16xf32>
      %mul3A_734 = arith.constant 16 : i32
      %mul3A_735 = arith.muli %scan3A_450, %mul3A_734 : i32
      %get3A_736 = arith.constant 27 : i32
      %get3A_737 = arith.constant 0 : i32
      %get3A_738 = arith.constant 0 : i32
      %get3A_739 = tpu.memref_slice %arg8[%scan3A_95, %get3A_737, %get3A_738] : memref<3x32x1024xf32, #tpu.memory_space<vmem>> -> memref<1x32x1024xf32, #tpu.memory_space<vmem>>
      %get3A_740 = tpu.memref_squeeze %get3A_739 : memref<1x32x1024xf32, #tpu.memory_space<vmem>> -> memref<32x1024xf32, #tpu.memory_space<vmem>>
      %get3A_741 = arith.index_cast %get3A_736 : i32 to index
      %get3A_742 = arith.index_cast %mul3A_735 : i32 to index
      %get3A_743 = tpu.vector_load %get3A_740[%get3A_741, %get3A_742] {strides = array<i32>} : memref<32x1024xf32, #tpu.memory_space<vmem>>, vector<16xf32>,
      %mul3A_744 = arith.mulf %mul3A_733, %get3A_743 : vector<16xf32>
      %add3A_745 = arith.addf %scan3A_462, %mul3A_744 : vector<16xf32>
      %mul3A_746 = arith.constant 16 : i32
      %mul3A_747 = arith.muli %scan3A_450, %mul3A_746 : i32
      %get3A_748 = arith.constant 12 : i32
      %get3A_749 = arith.constant 0 : i32
      %get3A_750 = arith.constant 0 : i32
      %get3A_751 = tpu.memref_slice %arg8[%scan3A_95, %get3A_749, %get3A_750] : memref<3x32x1024xf32, #tpu.memory_space<vmem>> -> memref<1x32x1024xf32, #tpu.memory_space<vmem>>
      %get3A_752 = tpu.memref_squeeze %get3A_751 : memref<1x32x1024xf32, #tpu.memory_space<vmem>> -> memref<32x1024xf32, #tpu.memory_space<vmem>>
      %get3A_753 = arith.index_cast %get3A_748 : i32 to index
      %get3A_754 = arith.index_cast %mul3A_747 : i32 to index
      %get3A_755 = tpu.vector_load %get3A_752[%get3A_753, %get3A_754] {strides = array<i32>} : memref<32x1024xf32, #tpu.memory_space<vmem>>, vector<16xf32>,
      %mul3A_756 = arith.mulf %get3A_755, %get3A_469 : vector<16xf32>
      %mul3A_757 = arith.constant 16 : i32
      %mul3A_758 = arith.muli %scan3A_450, %mul3A_757 : i32
      %get3A_759 = arith.constant 28 : i32
      %get3A_760 = arith.constant 0 : i32
      %get3A_761 = arith.constant 0 : i32
      %get3A_762 = tpu.memref_slice %arg8[%scan3A_95, %get3A_760, %get3A_761] : memref<3x32x1024xf32, #tpu.memory_space<vmem>> -> memref<1x32x1024xf32, #tpu.memory_space<vmem>>
      %get3A_763 = tpu.memref_squeeze %get3A_762 : memref<1x32x1024xf32, #tpu.memory_space<vmem>> -> memref<32x1024xf32, #tpu.memory_space<vmem>>
      %get3A_764 = arith.index_cast %get3A_759 : i32 to index
      %get3A_765 = arith.index_cast %mul3A_758 : i32 to index
      %get3A_766 = tpu.vector_load %get3A_763[%get3A_764, %get3A_765] {strides = array<i32>} : memref<32x1024xf32, #tpu.memory_space<vmem>>, vector<16xf32>,
      %mul3A_767 = arith.mulf %mul3A_756, %get3A_766 : vector<16xf32>
      %add3A_768 = arith.addf %scan3A_463, %mul3A_767 : vector<16xf32>
      %mul3A_769 = arith.constant 16 : i32
      %mul3A_770 = arith.muli %scan3A_450, %mul3A_769 : i32
      %get3A_771 = arith.constant 13 : i32
      %get3A_772 = arith.constant 0 : i32
      %get3A_773 = arith.constant 0 : i32
      %get3A_774 = tpu.memref_slice %arg8[%scan3A_95, %get3A_772, %get3A_773] : memref<3x32x1024xf32, #tpu.memory_space<vmem>> -> memref<1x32x1024xf32, #tpu.memory_space<vmem>>
      %get3A_775 = tpu.memref_squeeze %get3A_774 : memref<1x32x1024xf32, #tpu.memory_space<vmem>> -> memref<32x1024xf32, #tpu.memory_space<vmem>>
      %get3A_776 = arith.index_cast %get3A_771 : i32 to index
      %get3A_777 = arith.index_cast %mul3A_770 : i32 to index
      %get3A_778 = tpu.vector_load %get3A_775[%get3A_776, %get3A_777] {strides = array<i32>} : memref<32x1024xf32, #tpu.memory_space<vmem>>, vector<16xf32>,
      %mul3A_779 = arith.mulf %get3A_778, %get3A_469 : vector<16xf32>
      %mul3A_780 = arith.constant 16 : i32
      %mul3A_781 = arith.muli %scan3A_450, %mul3A_780 : i32
      %get3A_782 = arith.constant 29 : i32
      %get3A_783 = arith.constant 0 : i32
      %get3A_784 = arith.constant 0 : i32
      %get3A_785 = tpu.memref_slice %arg8[%scan3A_95, %get3A_783, %get3A_784] : memref<3x32x1024xf32, #tpu.memory_space<vmem>> -> memref<1x32x1024xf32, #tpu.memory_space<vmem>>
      %get3A_786 = tpu.memref_squeeze %get3A_785 : memref<1x32x1024xf32, #tpu.memory_space<vmem>> -> memref<32x1024xf32, #tpu.memory_space<vmem>>
      %get3A_787 = arith.index_cast %get3A_782 : i32 to index
      %get3A_788 = arith.index_cast %mul3A_781 : i32 to index
      %get3A_789 = tpu.vector_load %get3A_786[%get3A_787, %get3A_788] {strides = array<i32>} : memref<32x1024xf32, #tpu.memory_space<vmem>>, vector<16xf32>,
      %mul3A_790 = arith.mulf %mul3A_779, %get3A_789 : vector<16xf32>
      %add3A_791 = arith.addf %scan3A_464, %mul3A_790 : vector<16xf32>
      %mul3A_792 = arith.constant 16 : i32
      %mul3A_793 = arith.muli %scan3A_450, %mul3A_792 : i32
      %get3A_794 = arith.constant 14 : i32
      %get3A_795 = arith.constant 0 : i32
      %get3A_796 = arith.constant 0 : i32
      %get3A_797 = tpu.memref_slice %arg8[%scan3A_95, %get3A_795, %get3A_796] : memref<3x32x1024xf32, #tpu.memory_space<vmem>> -> memref<1x32x1024xf32, #tpu.memory_space<vmem>>
      %get3A_798 = tpu.memref_squeeze %get3A_797 : memref<1x32x1024xf32, #tpu.memory_space<vmem>> -> memref<32x1024xf32, #tpu.memory_space<vmem>>
      %get3A_799 = arith.index_cast %get3A_794 : i32 to index
      %get3A_800 = arith.index_cast %mul3A_793 : i32 to index
      %get3A_801 = tpu.vector_load %get3A_798[%get3A_799, %get3A_800] {strides = array<i32>} : memref<32x1024xf32, #tpu.memory_space<vmem>>, vector<16xf32>,
      %mul3A_802 = arith.mulf %get3A_801, %get3A_469 : vector<16xf32>
      %mul3A_803 = arith.constant 16 : i32
      %mul3A_804 = arith.muli %scan3A_450, %mul3A_803 : i32
      %get3A_805 = arith.constant 30 : i32
      %get3A_806 = arith.constant 0 : i32
      %get3A_807 = arith.constant 0 : i32
      %get3A_808 = tpu.memref_slice %arg8[%scan3A_95, %get3A_806, %get3A_807] : memref<3x32x1024xf32, #tpu.memory_space<vmem>> -> memref<1x32x1024xf32, #tpu.memory_space<vmem>>
      %get3A_809 = tpu.memref_squeeze %get3A_808 : memref<1x32x1024xf32, #tpu.memory_space<vmem>> -> memref<32x1024xf32, #tpu.memory_space<vmem>>
      %get3A_810 = arith.index_cast %get3A_805 : i32 to index
      %get3A_811 = arith.index_cast %mul3A_804 : i32 to index
      %get3A_812 = tpu.vector_load %get3A_809[%get3A_810, %get3A_811] {strides = array<i32>} : memref<32x1024xf32, #tpu.memory_space<vmem>>, vector<16xf32>,
      %mul3A_813 = arith.mulf %mul3A_802, %get3A_812 : vector<16xf32>
      %add3A_814 = arith.addf %scan3A_465, %mul3A_813 : vector<16xf32>
      %mul3A_815 = arith.constant 16 : i32
      %mul3A_816 = arith.muli %scan3A_450, %mul3A_815 : i32
      %get3A_817 = arith.constant 15 : i32
      %get3A_818 = arith.constant 0 : i32
      %get3A_819 = arith.constant 0 : i32
      %get3A_820 = tpu.memref_slice %arg8[%scan3A_95, %get3A_818, %get3A_819] : memref<3x32x1024xf32, #tpu.memory_space<vmem>> -> memref<1x32x1024xf32, #tpu.memory_space<vmem>>
      %get3A_821 = tpu.memref_squeeze %get3A_820 : memref<1x32x1024xf32, #tpu.memory_space<vmem>> -> memref<32x1024xf32, #tpu.memory_space<vmem>>
      %get3A_822 = arith.index_cast %get3A_817 : i32 to index
      %get3A_823 = arith.index_cast %mul3A_816 : i32 to index
      %get3A_824 = tpu.vector_load %get3A_821[%get3A_822, %get3A_823] {strides = array<i32>} : memref<32x1024xf32, #tpu.memory_space<vmem>>, vector<16xf32>,
      %mul3A_825 = arith.mulf %get3A_824, %get3A_469 : vector<16xf32>
      %mul3A_826 = arith.constant 16 : i32
      %mul3A_827 = arith.muli %scan3A_450, %mul3A_826 : i32
      %get3A_828 = arith.constant 31 : i32
      %get3A_829 = arith.constant 0 : i32
      %get3A_830 = arith.constant 0 : i32
      %get3A_831 = tpu.memref_slice %arg8[%scan3A_95, %get3A_829, %get3A_830] : memref<3x32x1024xf32, #tpu.memory_space<vmem>> -> memref<1x32x1024xf32, #tpu.memory_space<vmem>>
      %get3A_832 = tpu.memref_squeeze %get3A_831 : memref<1x32x1024xf32, #tpu.memory_space<vmem>> -> memref<32x1024xf32, #tpu.memory_space<vmem>>
      %get3A_833 = arith.index_cast %get3A_828 : i32 to index
      %get3A_834 = arith.index_cast %mul3A_827 : i32 to index
      %get3A_835 = tpu.vector_load %get3A_832[%get3A_833, %get3A_834] {strides = array<i32>} : memref<32x1024xf32, #tpu.memory_space<vmem>>, vector<16xf32>,
      %mul3A_836 = arith.mulf %mul3A_825, %get3A_835 : vector<16xf32>
      %add3A_837 = arith.addf %scan3A_466, %mul3A_836 : vector<16xf32>
      scf.yield %add3A_492, %add3A_515, %add3A_538, %add3A_561, %add3A_584, %add3A_607, %add3A_630, %add3A_653, %add3A_676, %add3A_699, %add3A_722, %add3A_745, %add3A_768, %add3A_791, %add3A_814, %add3A_837 : vector<16xf32>, vector<16xf32>, vector<16xf32>, vector<16xf32>, vector<16xf32>, vector<16xf32>, vector<16xf32>, vector<16xf32>, vector<16xf32>, vector<16xf32>, vector<16xf32>, vector<16xf32>, vector<16xf32>, vector<16xf32>, vector<16xf32>, vector<16xf32>
    }
    %scan3A_101 = arith.constant 64 : i32
    %broadcast_in_dim3A_102 = arith.constant 0.000000e+00 : f32
    %broadcast_in_dim3A_103 = vector.broadcast %broadcast_in_dim3A_102 : f32 to vector<16xf32>
    %eq3A = arith.constant 0 : i32
    %eq3A_104 = vector.broadcast %eq3A : i32 to vector<16xi32>
    %eq3A_105 = arith.cmpi eq, %iota3A, %eq3A_104 : vector<16xi32>
    %reduce_sum3A = arith.constant true
    %reduce_sum3A_106 = vector.broadcast %reduce_sum3A : i1 to vector<16xi1>
    %reduce_sum3A_107 = tpu.scan <sum>, %scan3A_100#0 masked %reduce_sum3A_106 : vector<16xf32>, vector<16xi1> -> vector<16xf32>
    %reduce_sum3A_108 = vector.extract %reduce_sum3A_107[15] : f32 from vector<16xf32>
    %broadcast_in_dim3A_109 = vector.broadcast %reduce_sum3A_108 : f32 to vector<16xf32>
    %select_n3A = arith.select %eq3A_105, %broadcast_in_dim3A_109, %broadcast_in_dim3A_103 : vector<16xi1>, vector<16xf32>
    %eq3A_110 = arith.constant 1 : i32
    %eq3A_111 = vector.broadcast %eq3A_110 : i32 to vector<16xi32>
    %eq3A_112 = arith.cmpi eq, %iota3A, %eq3A_111 : vector<16xi32>
    %reduce_sum3A_113 = arith.constant true
    %reduce_sum3A_114 = vector.broadcast %reduce_sum3A_113 : i1 to vector<16xi1>
    %reduce_sum3A_115 = tpu.scan <sum>, %scan3A_100#1 masked %reduce_sum3A_114 : vector<16xf32>, vector<16xi1> -> vector<16xf32>
    %reduce_sum3A_116 = vector.extract %reduce_sum3A_115[15] : f32 from vector<16xf32>
    %broadcast_in_dim3A_117 = vector.broadcast %reduce_sum3A_116 : f32 to vector<16xf32>
    %select_n3A_118 = arith.select %eq3A_112, %broadcast_in_dim3A_117, %select_n3A : vector<16xi1>, vector<16xf32>
    %eq3A_119 = arith.constant 2 : i32
    %eq3A_120 = vector.broadcast %eq3A_119 : i32 to vector<16xi32>
    %eq3A_121 = arith.cmpi eq, %iota3A, %eq3A_120 : vector<16xi32>
    %reduce_sum3A_122 = arith.constant true
    %reduce_sum3A_123 = vector.broadcast %reduce_sum3A_122 : i1 to vector<16xi1>
    %reduce_sum3A_124 = tpu.scan <sum>, %scan3A_100#2 masked %reduce_sum3A_123 : vector<16xf32>, vector<16xi1> -> vector<16xf32>
    %reduce_sum3A_125 = vector.extract %reduce_sum3A_124[15] : f32 from vector<16xf32>
    %broadcast_in_dim3A_126 = vector.broadcast %reduce_sum3A_125 : f32 to vector<16xf32>
    %select_n3A_127 = arith.select %eq3A_121, %broadcast_in_dim3A_126, %select_n3A_118 : vector<16xi1>, vector<16xf32>
    %eq3A_128 = arith.constant 3 : i32
    %eq3A_129 = vector.broadcast %eq3A_128 : i32 to vector<16xi32>
    %eq3A_130 = arith.cmpi eq, %iota3A, %eq3A_129 : vector<16xi32>
    %reduce_sum3A_131 = arith.constant true
    %reduce_sum3A_132 = vector.broadcast %reduce_sum3A_131 : i1 to vector<16xi1>
    %reduce_sum3A_133 = tpu.scan <sum>, %scan3A_100#3 masked %reduce_sum3A_132 : vector<16xf32>, vector<16xi1> -> vector<16xf32>
    %reduce_sum3A_134 = vector.extract %reduce_sum3A_133[15] : f32 from vector<16xf32>
    %broadcast_in_dim3A_135 = vector.broadcast %reduce_sum3A_134 : f32 to vector<16xf32>
    %select_n3A_136 = arith.select %eq3A_130, %broadcast_in_dim3A_135, %select_n3A_127 : vector<16xi1>, vector<16xf32>
    %eq3A_137 = arith.constant 4 : i32
    %eq3A_138 = vector.broadcast %eq3A_137 : i32 to vector<16xi32>
    %eq3A_139 = arith.cmpi eq, %iota3A, %eq3A_138 : vector<16xi32>
    %reduce_sum3A_140 = arith.constant true
    %reduce_sum3A_141 = vector.broadcast %reduce_sum3A_140 : i1 to vector<16xi1>
    %reduce_sum3A_142 = tpu.scan <sum>, %scan3A_100#4 masked %reduce_sum3A_141 : vector<16xf32>, vector<16xi1> -> vector<16xf32>
    %reduce_sum3A_143 = vector.extract %reduce_sum3A_142[15] : f32 from vector<16xf32>
    %broadcast_in_dim3A_144 = vector.broadcast %reduce_sum3A_143 : f32 to vector<16xf32>
    %select_n3A_145 = arith.select %eq3A_139, %broadcast_in_dim3A_144, %select_n3A_136 : vector<16xi1>, vector<16xf32>
    %eq3A_146 = arith.constant 5 : i32
    %eq3A_147 = vector.broadcast %eq3A_146 : i32 to vector<16xi32>
    %eq3A_148 = arith.cmpi eq, %iota3A, %eq3A_147 : vector<16xi32>
    %reduce_sum3A_149 = arith.constant true
    %reduce_sum3A_150 = vector.broadcast %reduce_sum3A_149 : i1 to vector<16xi1>
    %reduce_sum3A_151 = tpu.scan <sum>, %scan3A_100#5 masked %reduce_sum3A_150 : vector<16xf32>, vector<16xi1> -> vector<16xf32>
    %reduce_sum3A_152 = vector.extract %reduce_sum3A_151[15] : f32 from vector<16xf32>
    %broadcast_in_dim3A_153 = vector.broadcast %reduce_sum3A_152 : f32 to vector<16xf32>
    %select_n3A_154 = arith.select %eq3A_148, %broadcast_in_dim3A_153, %select_n3A_145 : vector<16xi1>, vector<16xf32>
    %eq3A_155 = arith.constant 6 : i32
    %eq3A_156 = vector.broadcast %eq3A_155 : i32 to vector<16xi32>
    %eq3A_157 = arith.cmpi eq, %iota3A, %eq3A_156 : vector<16xi32>
    %reduce_sum3A_158 = arith.constant true
    %reduce_sum3A_159 = vector.broadcast %reduce_sum3A_158 : i1 to vector<16xi1>
    %reduce_sum3A_160 = tpu.scan <sum>, %scan3A_100#6 masked %reduce_sum3A_159 : vector<16xf32>, vector<16xi1> -> vector<16xf32>
    %reduce_sum3A_161 = vector.extract %reduce_sum3A_160[15] : f32 from vector<16xf32>
    %broadcast_in_dim3A_162 = vector.broadcast %reduce_sum3A_161 : f32 to vector<16xf32>
    %select_n3A_163 = arith.select %eq3A_157, %broadcast_in_dim3A_162, %select_n3A_154 : vector<16xi1>, vector<16xf32>
    %eq3A_164 = arith.constant 7 : i32
    %eq3A_165 = vector.broadcast %eq3A_164 : i32 to vector<16xi32>
    %eq3A_166 = arith.cmpi eq, %iota3A, %eq3A_165 : vector<16xi32>
    %reduce_sum3A_167 = arith.constant true
    %reduce_sum3A_168 = vector.broadcast %reduce_sum3A_167 : i1 to vector<16xi1>
    %reduce_sum3A_169 = tpu.scan <sum>, %scan3A_100#7 masked %reduce_sum3A_168 : vector<16xf32>, vector<16xi1> -> vector<16xf32>
    %reduce_sum3A_170 = vector.extract %reduce_sum3A_169[15] : f32 from vector<16xf32>
    %broadcast_in_dim3A_171 = vector.broadcast %reduce_sum3A_170 : f32 to vector<16xf32>
    %select_n3A_172 = arith.select %eq3A_166, %broadcast_in_dim3A_171, %select_n3A_163 : vector<16xi1>, vector<16xf32>
    %eq3A_173 = arith.constant 8 : i32
    %eq3A_174 = vector.broadcast %eq3A_173 : i32 to vector<16xi32>
    %eq3A_175 = arith.cmpi eq, %iota3A, %eq3A_174 : vector<16xi32>
    %reduce_sum3A_176 = arith.constant true
    %reduce_sum3A_177 = vector.broadcast %reduce_sum3A_176 : i1 to vector<16xi1>
    %reduce_sum3A_178 = tpu.scan <sum>, %scan3A_100#8 masked %reduce_sum3A_177 : vector<16xf32>, vector<16xi1> -> vector<16xf32>
    %reduce_sum3A_179 = vector.extract %reduce_sum3A_178[15] : f32 from vector<16xf32>
    %broadcast_in_dim3A_180 = vector.broadcast %reduce_sum3A_179 : f32 to vector<16xf32>
    %select_n3A_181 = arith.select %eq3A_175, %broadcast_in_dim3A_180, %select_n3A_172 : vector<16xi1>, vector<16xf32>
    %eq3A_182 = arith.constant 9 : i32
    %eq3A_183 = vector.broadcast %eq3A_182 : i32 to vector<16xi32>
    %eq3A_184 = arith.cmpi eq, %iota3A, %eq3A_183 : vector<16xi32>
    %reduce_sum3A_185 = arith.constant true
    %reduce_sum3A_186 = vector.broadcast %reduce_sum3A_185 : i1 to vector<16xi1>
    %reduce_sum3A_187 = tpu.scan <sum>, %scan3A_100#9 masked %reduce_sum3A_186 : vector<16xf32>, vector<16xi1> -> vector<16xf32>
    %reduce_sum3A_188 = vector.extract %reduce_sum3A_187[15] : f32 from vector<16xf32>
    %broadcast_in_dim3A_189 = vector.broadcast %reduce_sum3A_188 : f32 to vector<16xf32>
    %select_n3A_190 = arith.select %eq3A_184, %broadcast_in_dim3A_189, %select_n3A_181 : vector<16xi1>, vector<16xf32>
    %eq3A_191 = arith.constant 10 : i32
    %eq3A_192 = vector.broadcast %eq3A_191 : i32 to vector<16xi32>
    %eq3A_193 = arith.cmpi eq, %iota3A, %eq3A_192 : vector<16xi32>
    %reduce_sum3A_194 = arith.constant true
    %reduce_sum3A_195 = vector.broadcast %reduce_sum3A_194 : i1 to vector<16xi1>
    %reduce_sum3A_196 = tpu.scan <sum>, %scan3A_100#10 masked %reduce_sum3A_195 : vector<16xf32>, vector<16xi1> -> vector<16xf32>
    %reduce_sum3A_197 = vector.extract %reduce_sum3A_196[15] : f32 from vector<16xf32>
    %broadcast_in_dim3A_198 = vector.broadcast %reduce_sum3A_197 : f32 to vector<16xf32>
    %select_n3A_199 = arith.select %eq3A_193, %broadcast_in_dim3A_198, %select_n3A_190 : vector<16xi1>, vector<16xf32>
    %eq3A_200 = arith.constant 11 : i32
    %eq3A_201 = vector.broadcast %eq3A_200 : i32 to vector<16xi32>
    %eq3A_202 = arith.cmpi eq, %iota3A, %eq3A_201 : vector<16xi32>
    %reduce_sum3A_203 = arith.constant true
    %reduce_sum3A_204 = vector.broadcast %reduce_sum3A_203 : i1 to vector<16xi1>
    %reduce_sum3A_205 = tpu.scan <sum>, %scan3A_100#11 masked %reduce_sum3A_204 : vector<16xf32>, vector<16xi1> -> vector<16xf32>
    %reduce_sum3A_206 = vector.extract %reduce_sum3A_205[15] : f32 from vector<16xf32>
    %broadcast_in_dim3A_207 = vector.broadcast %reduce_sum3A_206 : f32 to vector<16xf32>
    %select_n3A_208 = arith.select %eq3A_202, %broadcast_in_dim3A_207, %select_n3A_199 : vector<16xi1>, vector<16xf32>
    %eq3A_209 = arith.constant 12 : i32
    %eq3A_210 = vector.broadcast %eq3A_209 : i32 to vector<16xi32>
    %eq3A_211 = arith.cmpi eq, %iota3A, %eq3A_210 : vector<16xi32>
    %reduce_sum3A_212 = arith.constant true
    %reduce_sum3A_213 = vector.broadcast %reduce_sum3A_212 : i1 to vector<16xi1>
    %reduce_sum3A_214 = tpu.scan <sum>, %scan3A_100#12 masked %reduce_sum3A_213 : vector<16xf32>, vector<16xi1> -> vector<16xf32>
    %reduce_sum3A_215 = vector.extract %reduce_sum3A_214[15] : f32 from vector<16xf32>
    %broadcast_in_dim3A_216 = vector.broadcast %reduce_sum3A_215 : f32 to vector<16xf32>
    %select_n3A_217 = arith.select %eq3A_211, %broadcast_in_dim3A_216, %select_n3A_208 : vector<16xi1>, vector<16xf32>
    %eq3A_218 = arith.constant 13 : i32
    %eq3A_219 = vector.broadcast %eq3A_218 : i32 to vector<16xi32>
    %eq3A_220 = arith.cmpi eq, %iota3A, %eq3A_219 : vector<16xi32>
    %reduce_sum3A_221 = arith.constant true
    %reduce_sum3A_222 = vector.broadcast %reduce_sum3A_221 : i1 to vector<16xi1>
    %reduce_sum3A_223 = tpu.scan <sum>, %scan3A_100#13 masked %reduce_sum3A_222 : vector<16xf32>, vector<16xi1> -> vector<16xf32>
    %reduce_sum3A_224 = vector.extract %reduce_sum3A_223[15] : f32 from vector<16xf32>
    %broadcast_in_dim3A_225 = vector.broadcast %reduce_sum3A_224 : f32 to vector<16xf32>
    %select_n3A_226 = arith.select %eq3A_220, %broadcast_in_dim3A_225, %select_n3A_217 : vector<16xi1>, vector<16xf32>
    %eq3A_227 = arith.constant 14 : i32
    %eq3A_228 = vector.broadcast %eq3A_227 : i32 to vector<16xi32>
    %eq3A_229 = arith.cmpi eq, %iota3A, %eq3A_228 : vector<16xi32>
    %reduce_sum3A_230 = arith.constant true
    %reduce_sum3A_231 = vector.broadcast %reduce_sum3A_230 : i1 to vector<16xi1>
    %reduce_sum3A_232 = tpu.scan <sum>, %scan3A_100#14 masked %reduce_sum3A_231 : vector<16xf32>, vector<16xi1> -> vector<16xf32>
    %reduce_sum3A_233 = vector.extract %reduce_sum3A_232[15] : f32 from vector<16xf32>
    %broadcast_in_dim3A_234 = vector.broadcast %reduce_sum3A_233 : f32 to vector<16xf32>
    %select_n3A_235 = arith.select %eq3A_229, %broadcast_in_dim3A_234, %select_n3A_226 : vector<16xi1>, vector<16xf32>
    %eq3A_236 = arith.constant 15 : i32
    %eq3A_237 = vector.broadcast %eq3A_236 : i32 to vector<16xi32>
    %eq3A_238 = arith.cmpi eq, %iota3A, %eq3A_237 : vector<16xi32>
    %reduce_sum3A_239 = arith.constant true
    %reduce_sum3A_240 = vector.broadcast %reduce_sum3A_239 : i1 to vector<16xi1>
    %reduce_sum3A_241 = tpu.scan <sum>, %scan3A_100#15 masked %reduce_sum3A_240 : vector<16xf32>, vector<16xi1> -> vector<16xf32>
    %reduce_sum3A_242 = vector.extract %reduce_sum3A_241[15] : f32 from vector<16xf32>
    %broadcast_in_dim3A_243 = vector.broadcast %reduce_sum3A_242 : f32 to vector<16xf32>
    %select_n3A_244 = arith.select %eq3A_238, %broadcast_in_dim3A_243, %select_n3A_235 : vector<16xi1>, vector<16xf32>
    %swap3A = arith.constant 2016 : index
    %swap3A_245 = tpu.vector_load %arg9[%swap3A] {strides = array<i32>} : memref<2048xf32, #tpu.memory_space<vmem>>, vector<16xf32>,
    tpu.vector_store %arg9[%swap3A], %select_n3A_244 {strides = array<i32>} : memref<2048xf32, #tpu.memory_space<vmem>>, vector<16xf32>,
    %dma_wait3A_246 = arith.constant 0 : i32
    %dma_wait3A_247 = arith.constant 1 : i32
    %dma_wait3A_248 = arith.constant 1 : i32
    %dma_wait3A_249 = arith.constant 0 : i32
    %dma_wait3A_250 = arith.constant 0 : i32
    %dma_wait3A_251 = tpu.memref_slice %arg8[%dma_wait3A_247, %dma_wait3A_249, %dma_wait3A_250] : memref<3x32x1024xf32, #tpu.memory_space<vmem>> -> memref<1x32x1024xf32, #tpu.memory_space<vmem>>
    %dma_wait3A_252 = tpu.memref_squeeze %dma_wait3A_251 : memref<1x32x1024xf32, #tpu.memory_space<vmem>> -> memref<32x1024xf32, #tpu.memory_space<vmem>>
    %dma_wait3A_253 = arith.constant 0 : i32
    %dma_wait3A_254 = tpu.memref_slice %arg6[%dma_wait3A_246, %dma_wait3A_253] : memref<128x32xi32, #tpu.memory_space<vmem>> -> memref<1x32xi32, #tpu.memory_space<vmem>>
    %dma_wait3A_255 = tpu.memref_squeeze %dma_wait3A_254 : memref<1x32xi32, #tpu.memory_space<vmem>> -> memref<32xi32, #tpu.memory_space<vmem>>
    %dma_wait3A_256 = arith.constant 0 : i32
    %dma_wait3A_257 = arith.constant 0 : i32
    %dma_wait3A_258 = tpu.memref_slice %arg2[%dma_wait3A_256, %dma_wait3A_257] : memref<50000x1024xf32, #tpu.memory_space<hbm>> -> memref<50000x1024xf32, #tpu.memory_space<hbm>>
    %dma_wait3A_259 = tpu.memref_slice %arg10[%dma_wait3A_248] : memref<3x!tpu.dma_semaphore, #tpu.memory_space<semaphore_mem>> -> memref<1x!tpu.dma_semaphore, #tpu.memory_space<semaphore_mem>>
    %dma_wait3A_260 = tpu.memref_squeeze %dma_wait3A_259 : memref<1x!tpu.dma_semaphore, #tpu.memory_space<semaphore_mem>> -> memref<!tpu.dma_semaphore, #tpu.memory_space<semaphore_mem>>
    tpu.wait_indirect_dma semaphore(%dma_wait3A_260 : memref<!tpu.dma_semaphore, #tpu.memory_space<semaphore_mem>>) src(%dma_wait3A_258 : memref<50000x1024xf32, #tpu.memory_space<hbm>>) dst(%dma_wait3A_252 : memref<32x1024xf32, #tpu.memory_space<vmem>>)
    %broadcast_in_dim3A_261 = arith.constant 0.000000e+00 : f32
    %broadcast_in_dim3A_262 = vector.broadcast %broadcast_in_dim3A_261 : f32 to vector<16xf32>
    %broadcast_in_dim3A_263 = arith.constant 0.000000e+00 : f32
    %broadcast_in_dim3A_264 = vector.broadcast %broadcast_in_dim3A_263 : f32 to vector<16xf32>
    %broadcast_in_dim3A_265 = arith.constant 0.000000e+00 : f32
    %broadcast_in_dim3A_266 = vector.broadcast %broadcast_in_dim3A_265 : f32 to vector<16xf32>
    %broadcast_in_dim3A_267 = arith.constant 0.000000e+00 : f32
    %broadcast_in_dim3A_268 = vector.broadcast %broadcast_in_dim3A_267 : f32 to vector<16xf32>
    %broadcast_in_dim3A_269 = arith.constant 0.000000e+00 : f32
    %broadcast_in_dim3A_270 = vector.broadcast %broadcast_in_dim3A_269 : f32 to vector<16xf32>
    %broadcast_in_dim3A_271 = arith.constant 0.000000e+00 : f32
    %broadcast_in_dim3A_272 = vector.broadcast %broadcast_in_dim3A_271 : f32 to vector<16xf32>
    %broadcast_in_dim3A_273 = arith.constant 0.000000e+00 : f32
    %broadcast_in_dim3A_274 = vector.broadcast %broadcast_in_dim3A_273 : f32 to vector<16xf32>
    %broadcast_in_dim3A_275 = arith.constant 0.000000e+00 : f32
    %broadcast_in_dim3A_276 = vector.broadcast %broadcast_in_dim3A_275 : f32 to vector<16xf32>
    %broadcast_in_dim3A_277 = arith.constant 0.000000e+00 : f32
    %broadcast_in_dim3A_278 = vector.broadcast %broadcast_in_dim3A_277 : f32 to vector<16xf32>
    %broadcast_in_dim3A_279 = arith.constant 0.000000e+00 : f32
    %broadcast_in_dim3A_280 = vector.broadcast %broadcast_in_dim3A_279 : f32 to vector<16xf32>
    %broadcast_in_dim3A_281 = arith.constant 0.000000e+00 : f32
    %broadcast_in_dim3A_282 = vector.broadcast %broadcast_in_dim3A_281 : f32 to vector<16xf32>
    %broadcast_in_dim3A_283 = arith.constant 0.000000e+00 : f32
    %broadcast_in_dim3A_284 = vector.broadcast %broadcast_in_dim3A_283 : f32 to vector<16xf32>
    %broadcast_in_dim3A_285 = arith.constant 0.000000e+00 : f32
    %broadcast_in_dim3A_286 = vector.broadcast %broadcast_in_dim3A_285 : f32 to vector<16xf32>
    %broadcast_in_dim3A_287 = arith.constant 0.000000e+00 : f32
    %broadcast_in_dim3A_288 = vector.broadcast %broadcast_in_dim3A_287 : f32 to vector<16xf32>
    %broadcast_in_dim3A_289 = arith.constant 0.000000e+00 : f32
    %broadcast_in_dim3A_290 = vector.broadcast %broadcast_in_dim3A_289 : f32 to vector<16xf32>
    %broadcast_in_dim3A_291 = arith.constant 0.000000e+00 : f32
    %broadcast_in_dim3A_292 = vector.broadcast %broadcast_in_dim3A_291 : f32 to vector<16xf32>
    %scan3A_293 = arith.constant 1 : i32
    %scan3A_294 = arith.constant 0 : i32
    %scan3A_295 = arith.constant 64 : i32
    %scan3A_296 = arith.addi %scan3A_294, %scan3A_295 : i32
    %scan3A_297 = arith.constant 1 : i32
    %scan3A_298:16 = scf.for %scan3A_450 = %scan3A_294 to %scan3A_296 step %scan3A_297 iter_args(%scan3A_451 = %broadcast_in_dim3A_262, %scan3A_452 = %broadcast_in_dim3A_264, %scan3A_453 = %broadcast_in_dim3A_266, %scan3A_454 = %broadcast_in_dim3A_268, %scan3A_455 = %broadcast_in_dim3A_270, %scan3A_456 = %broadcast_in_dim3A_272, %scan3A_457 = %broadcast_in_dim3A_274, %scan3A_458 = %broadcast_in_dim3A_276, %scan3A_459 = %broadcast_in_dim3A_278, %scan3A_460 = %broadcast_in_dim3A_280, %scan3A_461 = %broadcast_in_dim3A_282, %scan3A_462 = %broadcast_in_dim3A_284, %scan3A_463 = %broadcast_in_dim3A_286, %scan3A_464 = %broadcast_in_dim3A_288, %scan3A_465 = %broadcast_in_dim3A_290, %scan3A_466 = %broadcast_in_dim3A_292) -> (vector<16xf32>, vector<16xf32>, vector<16xf32>, vector<16xf32>, vector<16xf32>, vector<16xf32>, vector<16xf32>, vector<16xf32>, vector<16xf32>, vector<16xf32>, vector<16xf32>, vector<16xf32>, vector<16xf32>, vector<16xf32>, vector<16xf32>, vector<16xf32>)  : i32 {
      %mul3A_467 = arith.constant 16 : i32
      %mul3A_468 = arith.muli %scan3A_450, %mul3A_467 : i32
      %get3A = arith.index_cast %mul3A_468 : i32 to index
      %get3A_469 = tpu.vector_load %arg7[%get3A] {strides = array<i32>} : memref<1024xf32, #tpu.memory_space<vmem>>, vector<16xf32>,
      %mul3A_470 = arith.constant 16 : i32
      %mul3A_471 = arith.muli %scan3A_450, %mul3A_470 : i32
      %get3A_472 = arith.constant 0 : i32
      %get3A_473 = arith.constant 0 : i32
      %get3A_474 = arith.constant 0 : i32
      %get3A_475 = tpu.memref_slice %arg8[%scan3A_293, %get3A_473, %get3A_474] : memref<3x32x1024xf32, #tpu.memory_space<vmem>> -> memref<1x32x1024xf32, #tpu.memory_space<vmem>>
      %get3A_476 = tpu.memref_squeeze %get3A_475 : memref<1x32x1024xf32, #tpu.memory_space<vmem>> -> memref<32x1024xf32, #tpu.memory_space<vmem>>
      %get3A_477 = arith.index_cast %get3A_472 : i32 to index
      %get3A_478 = arith.index_cast %mul3A_471 : i32 to index
      %get3A_479 = tpu.vector_load %get3A_476[%get3A_477, %get3A_478] {strides = array<i32>} : memref<32x1024xf32, #tpu.memory_space<vmem>>, vector<16xf32>,
      %mul3A_480 = arith.mulf %get3A_479, %get3A_469 : vector<16xf32>
      %mul3A_481 = arith.constant 16 : i32
      %mul3A_482 = arith.muli %scan3A_450, %mul3A_481 : i32
      %get3A_483 = arith.constant 16 : i32
      %get3A_484 = arith.constant 0 : i32
      %get3A_485 = arith.constant 0 : i32
      %get3A_486 = tpu.memref_slice %arg8[%scan3A_293, %get3A_484, %get3A_485] : memref<3x32x1024xf32, #tpu.memory_space<vmem>> -> memref<1x32x1024xf32, #tpu.memory_space<vmem>>
      %get3A_487 = tpu.memref_squeeze %get3A_486 : memref<1x32x1024xf32, #tpu.memory_space<vmem>> -> memref<32x1024xf32, #tpu.memory_space<vmem>>
      %get3A_488 = arith.index_cast %get3A_483 : i32 to index
      %get3A_489 = arith.index_cast %mul3A_482 : i32 to index
      %get3A_490 = tpu.vector_load %get3A_487[%get3A_488, %get3A_489] {strides = array<i32>} : memref<32x1024xf32, #tpu.memory_space<vmem>>, vector<16xf32>,
      %mul3A_491 = arith.mulf %mul3A_480, %get3A_490 : vector<16xf32>
      %add3A_492 = arith.addf %scan3A_451, %mul3A_491 : vector<16xf32>
      %mul3A_493 = arith.constant 16 : i32
      %mul3A_494 = arith.muli %scan3A_450, %mul3A_493 : i32
      %get3A_495 = arith.constant 1 : i32
      %get3A_496 = arith.constant 0 : i32
      %get3A_497 = arith.constant 0 : i32
      %get3A_498 = tpu.memref_slice %arg8[%scan3A_293, %get3A_496, %get3A_497] : memref<3x32x1024xf32, #tpu.memory_space<vmem>> -> memref<1x32x1024xf32, #tpu.memory_space<vmem>>
      %get3A_499 = tpu.memref_squeeze %get3A_498 : memref<1x32x1024xf32, #tpu.memory_space<vmem>> -> memref<32x1024xf32, #tpu.memory_space<vmem>>
      %get3A_500 = arith.index_cast %get3A_495 : i32 to index
      %get3A_501 = arith.index_cast %mul3A_494 : i32 to index
      %get3A_502 = tpu.vector_load %get3A_499[%get3A_500, %get3A_501] {strides = array<i32>} : memref<32x1024xf32, #tpu.memory_space<vmem>>, vector<16xf32>,
      %mul3A_503 = arith.mulf %get3A_502, %get3A_469 : vector<16xf32>
      %mul3A_504 = arith.constant 16 : i32
      %mul3A_505 = arith.muli %scan3A_450, %mul3A_504 : i32
      %get3A_506 = arith.constant 17 : i32
      %get3A_507 = arith.constant 0 : i32
      %get3A_508 = arith.constant 0 : i32
      %get3A_509 = tpu.memref_slice %arg8[%scan3A_293, %get3A_507, %get3A_508] : memref<3x32x1024xf32, #tpu.memory_space<vmem>> -> memref<1x32x1024xf32, #tpu.memory_space<vmem>>
      %get3A_510 = tpu.memref_squeeze %get3A_509 : memref<1x32x1024xf32, #tpu.memory_space<vmem>> -> memref<32x1024xf32, #tpu.memory_space<vmem>>
      %get3A_511 = arith.index_cast %get3A_506 : i32 to index
      %get3A_512 = arith.index_cast %mul3A_505 : i32 to index
      %get3A_513 = tpu.vector_load %get3A_510[%get3A_511, %get3A_512] {strides = array<i32>} : memref<32x1024xf32, #tpu.memory_space<vmem>>, vector<16xf32>,
      %mul3A_514 = arith.mulf %mul3A_503, %get3A_513 : vector<16xf32>
      %add3A_515 = arith.addf %scan3A_452, %mul3A_514 : vector<16xf32>
      %mul3A_516 = arith.constant 16 : i32
      %mul3A_517 = arith.muli %scan3A_450, %mul3A_516 : i32
      %get3A_518 = arith.constant 2 : i32
      %get3A_519 = arith.constant 0 : i32
      %get3A_520 = arith.constant 0 : i32
      %get3A_521 = tpu.memref_slice %arg8[%scan3A_293, %get3A_519, %get3A_520] : memref<3x32x1024xf32, #tpu.memory_space<vmem>> -> memref<1x32x1024xf32, #tpu.memory_space<vmem>>
      %get3A_522 = tpu.memref_squeeze %get3A_521 : memref<1x32x1024xf32, #tpu.memory_space<vmem>> -> memref<32x1024xf32, #tpu.memory_space<vmem>>
      %get3A_523 = arith.index_cast %get3A_518 : i32 to index
      %get3A_524 = arith.index_cast %mul3A_517 : i32 to index
      %get3A_525 = tpu.vector_load %get3A_522[%get3A_523, %get3A_524] {strides = array<i32>} : memref<32x1024xf32, #tpu.memory_space<vmem>>, vector<16xf32>,
      %mul3A_526 = arith.mulf %get3A_525, %get3A_469 : vector<16xf32>
      %mul3A_527 = arith.constant 16 : i32
      %mul3A_528 = arith.muli %scan3A_450, %mul3A_527 : i32
      %get3A_529 = arith.constant 18 : i32
      %get3A_530 = arith.constant 0 : i32
      %get3A_531 = arith.constant 0 : i32
      %get3A_532 = tpu.memref_slice %arg8[%scan3A_293, %get3A_530, %get3A_531] : memref<3x32x1024xf32, #tpu.memory_space<vmem>> -> memref<1x32x1024xf32, #tpu.memory_space<vmem>>
      %get3A_533 = tpu.memref_squeeze %get3A_532 : memref<1x32x1024xf32, #tpu.memory_space<vmem>> -> memref<32x1024xf32, #tpu.memory_space<vmem>>
      %get3A_534 = arith.index_cast %get3A_529 : i32 to index
      %get3A_535 = arith.index_cast %mul3A_528 : i32 to index
      %get3A_536 = tpu.vector_load %get3A_533[%get3A_534, %get3A_535] {strides = array<i32>} : memref<32x1024xf32, #tpu.memory_space<vmem>>, vector<16xf32>,
      %mul3A_537 = arith.mulf %mul3A_526, %get3A_536 : vector<16xf32>
      %add3A_538 = arith.addf %scan3A_453, %mul3A_537 : vector<16xf32>
      %mul3A_539 = arith.constant 16 : i32
      %mul3A_540 = arith.muli %scan3A_450, %mul3A_539 : i32
      %get3A_541 = arith.constant 3 : i32
      %get3A_542 = arith.constant 0 : i32
      %get3A_543 = arith.constant 0 : i32
      %get3A_544 = tpu.memref_slice %arg8[%scan3A_293, %get3A_542, %get3A_543] : memref<3x32x1024xf32, #tpu.memory_space<vmem>> -> memref<1x32x1024xf32, #tpu.memory_space<vmem>>
      %get3A_545 = tpu.memref_squeeze %get3A_544 : memref<1x32x1024xf32, #tpu.memory_space<vmem>> -> memref<32x1024xf32, #tpu.memory_space<vmem>>
      %get3A_546 = arith.index_cast %get3A_541 : i32 to index
      %get3A_547 = arith.index_cast %mul3A_540 : i32 to index
      %get3A_548 = tpu.vector_load %get3A_545[%get3A_546, %get3A_547] {strides = array<i32>} : memref<32x1024xf32, #tpu.memory_space<vmem>>, vector<16xf32>,
      %mul3A_549 = arith.mulf %get3A_548, %get3A_469 : vector<16xf32>
      %mul3A_550 = arith.constant 16 : i32
      %mul3A_551 = arith.muli %scan3A_450, %mul3A_550 : i32
      %get3A_552 = arith.constant 19 : i32
      %get3A_553 = arith.constant 0 : i32
      %get3A_554 = arith.constant 0 : i32
      %get3A_555 = tpu.memref_slice %arg8[%scan3A_293, %get3A_553, %get3A_554] : memref<3x32x1024xf32, #tpu.memory_space<vmem>> -> memref<1x32x1024xf32, #tpu.memory_space<vmem>>
      %get3A_556 = tpu.memref_squeeze %get3A_555 : memref<1x32x1024xf32, #tpu.memory_space<vmem>> -> memref<32x1024xf32, #tpu.memory_space<vmem>>
      %get3A_557 = arith.index_cast %get3A_552 : i32 to index
      %get3A_558 = arith.index_cast %mul3A_551 : i32 to index
      %get3A_559 = tpu.vector_load %get3A_556[%get3A_557, %get3A_558] {strides = array<i32>} : memref<32x1024xf32, #tpu.memory_space<vmem>>, vector<16xf32>,
      %mul3A_560 = arith.mulf %mul3A_549, %get3A_559 : vector<16xf32>
      %add3A_561 = arith.addf %scan3A_454, %mul3A_560 : vector<16xf32>
      %mul3A_562 = arith.constant 16 : i32
      %mul3A_563 = arith.muli %scan3A_450, %mul3A_562 : i32
      %get3A_564 = arith.constant 4 : i32
      %get3A_565 = arith.constant 0 : i32
      %get3A_566 = arith.constant 0 : i32
      %get3A_567 = tpu.memref_slice %arg8[%scan3A_293, %get3A_565, %get3A_566] : memref<3x32x1024xf32, #tpu.memory_space<vmem>> -> memref<1x32x1024xf32, #tpu.memory_space<vmem>>
      %get3A_568 = tpu.memref_squeeze %get3A_567 : memref<1x32x1024xf32, #tpu.memory_space<vmem>> -> memref<32x1024xf32, #tpu.memory_space<vmem>>
      %get3A_569 = arith.index_cast %get3A_564 : i32 to index
      %get3A_570 = arith.index_cast %mul3A_563 : i32 to index
      %get3A_571 = tpu.vector_load %get3A_568[%get3A_569, %get3A_570] {strides = array<i32>} : memref<32x1024xf32, #tpu.memory_space<vmem>>, vector<16xf32>,
      %mul3A_572 = arith.mulf %get3A_571, %get3A_469 : vector<16xf32>
      %mul3A_573 = arith.constant 16 : i32
      %mul3A_574 = arith.muli %scan3A_450, %mul3A_573 : i32
      %get3A_575 = arith.constant 20 : i32
      %get3A_576 = arith.constant 0 : i32
      %get3A_577 = arith.constant 0 : i32
      %get3A_578 = tpu.memref_slice %arg8[%scan3A_293, %get3A_576, %get3A_577] : memref<3x32x1024xf32, #tpu.memory_space<vmem>> -> memref<1x32x1024xf32, #tpu.memory_space<vmem>>
      %get3A_579 = tpu.memref_squeeze %get3A_578 : memref<1x32x1024xf32, #tpu.memory_space<vmem>> -> memref<32x1024xf32, #tpu.memory_space<vmem>>
      %get3A_580 = arith.index_cast %get3A_575 : i32 to index
      %get3A_581 = arith.index_cast %mul3A_574 : i32 to index
      %get3A_582 = tpu.vector_load %get3A_579[%get3A_580, %get3A_581] {strides = array<i32>} : memref<32x1024xf32, #tpu.memory_space<vmem>>, vector<16xf32>,
      %mul3A_583 = arith.mulf %mul3A_572, %get3A_582 : vector<16xf32>
      %add3A_584 = arith.addf %scan3A_455, %mul3A_583 : vector<16xf32>
      %mul3A_585 = arith.constant 16 : i32
      %mul3A_586 = arith.muli %scan3A_450, %mul3A_585 : i32
      %get3A_587 = arith.constant 5 : i32
      %get3A_588 = arith.constant 0 : i32
      %get3A_589 = arith.constant 0 : i32
      %get3A_590 = tpu.memref_slice %arg8[%scan3A_293, %get3A_588, %get3A_589] : memref<3x32x1024xf32, #tpu.memory_space<vmem>> -> memref<1x32x1024xf32, #tpu.memory_space<vmem>>
      %get3A_591 = tpu.memref_squeeze %get3A_590 : memref<1x32x1024xf32, #tpu.memory_space<vmem>> -> memref<32x1024xf32, #tpu.memory_space<vmem>>
      %get3A_592 = arith.index_cast %get3A_587 : i32 to index
      %get3A_593 = arith.index_cast %mul3A_586 : i32 to index
      %get3A_594 = tpu.vector_load %get3A_591[%get3A_592, %get3A_593] {strides = array<i32>} : memref<32x1024xf32, #tpu.memory_space<vmem>>, vector<16xf32>,
      %mul3A_595 = arith.mulf %get3A_594, %get3A_469 : vector<16xf32>
      %mul3A_596 = arith.constant 16 : i32
      %mul3A_597 = arith.muli %scan3A_450, %mul3A_596 : i32
      %get3A_598 = arith.constant 21 : i32
      %get3A_599 = arith.constant 0 : i32
      %get3A_600 = arith.constant 0 : i32
      %get3A_601 = tpu.memref_slice %arg8[%scan3A_293, %get3A_599, %get3A_600] : memref<3x32x1024xf32, #tpu.memory_space<vmem>> -> memref<1x32x1024xf32, #tpu.memory_space<vmem>>
      %get3A_602 = tpu.memref_squeeze %get3A_601 : memref<1x32x1024xf32, #tpu.memory_space<vmem>> -> memref<32x1024xf32, #tpu.memory_space<vmem>>
      %get3A_603 = arith.index_cast %get3A_598 : i32 to index
      %get3A_604 = arith.index_cast %mul3A_597 : i32 to index
      %get3A_605 = tpu.vector_load %get3A_602[%get3A_603, %get3A_604] {strides = array<i32>} : memref<32x1024xf32, #tpu.memory_space<vmem>>, vector<16xf32>,
      %mul3A_606 = arith.mulf %mul3A_595, %get3A_605 : vector<16xf32>
      %add3A_607 = arith.addf %scan3A_456, %mul3A_606 : vector<16xf32>
      %mul3A_608 = arith.constant 16 : i32
      %mul3A_609 = arith.muli %scan3A_450, %mul3A_608 : i32
      %get3A_610 = arith.constant 6 : i32
      %get3A_611 = arith.constant 0 : i32
      %get3A_612 = arith.constant 0 : i32
      %get3A_613 = tpu.memref_slice %arg8[%scan3A_293, %get3A_611, %get3A_612] : memref<3x32x1024xf32, #tpu.memory_space<vmem>> -> memref<1x32x1024xf32, #tpu.memory_space<vmem>>
      %get3A_614 = tpu.memref_squeeze %get3A_613 : memref<1x32x1024xf32, #tpu.memory_space<vmem>> -> memref<32x1024xf32, #tpu.memory_space<vmem>>
      %get3A_615 = arith.index_cast %get3A_610 : i32 to index
      %get3A_616 = arith.index_cast %mul3A_609 : i32 to index
      %get3A_617 = tpu.vector_load %get3A_614[%get3A_615, %get3A_616] {strides = array<i32>} : memref<32x1024xf32, #tpu.memory_space<vmem>>, vector<16xf32>,
      %mul3A_618 = arith.mulf %get3A_617, %get3A_469 : vector<16xf32>
      %mul3A_619 = arith.constant 16 : i32
      %mul3A_620 = arith.muli %scan3A_450, %mul3A_619 : i32
      %get3A_621 = arith.constant 22 : i32
      %get3A_622 = arith.constant 0 : i32
      %get3A_623 = arith.constant 0 : i32
      %get3A_624 = tpu.memref_slice %arg8[%scan3A_293, %get3A_622, %get3A_623] : memref<3x32x1024xf32, #tpu.memory_space<vmem>> -> memref<1x32x1024xf32, #tpu.memory_space<vmem>>
      %get3A_625 = tpu.memref_squeeze %get3A_624 : memref<1x32x1024xf32, #tpu.memory_space<vmem>> -> memref<32x1024xf32, #tpu.memory_space<vmem>>
      %get3A_626 = arith.index_cast %get3A_621 : i32 to index
      %get3A_627 = arith.index_cast %mul3A_620 : i32 to index
      %get3A_628 = tpu.vector_load %get3A_625[%get3A_626, %get3A_627] {strides = array<i32>} : memref<32x1024xf32, #tpu.memory_space<vmem>>, vector<16xf32>,
      %mul3A_629 = arith.mulf %mul3A_618, %get3A_628 : vector<16xf32>
      %add3A_630 = arith.addf %scan3A_457, %mul3A_629 : vector<16xf32>
      %mul3A_631 = arith.constant 16 : i32
      %mul3A_632 = arith.muli %scan3A_450, %mul3A_631 : i32
      %get3A_633 = arith.constant 7 : i32
      %get3A_634 = arith.constant 0 : i32
      %get3A_635 = arith.constant 0 : i32
      %get3A_636 = tpu.memref_slice %arg8[%scan3A_293, %get3A_634, %get3A_635] : memref<3x32x1024xf32, #tpu.memory_space<vmem>> -> memref<1x32x1024xf32, #tpu.memory_space<vmem>>
      %get3A_637 = tpu.memref_squeeze %get3A_636 : memref<1x32x1024xf32, #tpu.memory_space<vmem>> -> memref<32x1024xf32, #tpu.memory_space<vmem>>
      %get3A_638 = arith.index_cast %get3A_633 : i32 to index
      %get3A_639 = arith.index_cast %mul3A_632 : i32 to index
      %get3A_640 = tpu.vector_load %get3A_637[%get3A_638, %get3A_639] {strides = array<i32>} : memref<32x1024xf32, #tpu.memory_space<vmem>>, vector<16xf32>,
      %mul3A_641 = arith.mulf %get3A_640, %get3A_469 : vector<16xf32>
      %mul3A_642 = arith.constant 16 : i32
      %mul3A_643 = arith.muli %scan3A_450, %mul3A_642 : i32
      %get3A_644 = arith.constant 23 : i32
      %get3A_645 = arith.constant 0 : i32
      %get3A_646 = arith.constant 0 : i32
      %get3A_647 = tpu.memref_slice %arg8[%scan3A_293, %get3A_645, %get3A_646] : memref<3x32x1024xf32, #tpu.memory_space<vmem>> -> memref<1x32x1024xf32, #tpu.memory_space<vmem>>
      %get3A_648 = tpu.memref_squeeze %get3A_647 : memref<1x32x1024xf32, #tpu.memory_space<vmem>> -> memref<32x1024xf32, #tpu.memory_space<vmem>>
      %get3A_649 = arith.index_cast %get3A_644 : i32 to index
      %get3A_650 = arith.index_cast %mul3A_643 : i32 to index
      %get3A_651 = tpu.vector_load %get3A_648[%get3A_649, %get3A_650] {strides = array<i32>} : memref<32x1024xf32, #tpu.memory_space<vmem>>, vector<16xf32>,
      %mul3A_652 = arith.mulf %mul3A_641, %get3A_651 : vector<16xf32>
      %add3A_653 = arith.addf %scan3A_458, %mul3A_652 : vector<16xf32>
      %mul3A_654 = arith.constant 16 : i32
      %mul3A_655 = arith.muli %scan3A_450, %mul3A_654 : i32
      %get3A_656 = arith.constant 8 : i32
      %get3A_657 = arith.constant 0 : i32
      %get3A_658 = arith.constant 0 : i32
      %get3A_659 = tpu.memref_slice %arg8[%scan3A_293, %get3A_657, %get3A_658] : memref<3x32x1024xf32, #tpu.memory_space<vmem>> -> memref<1x32x1024xf32, #tpu.memory_space<vmem>>
      %get3A_660 = tpu.memref_squeeze %get3A_659 : memref<1x32x1024xf32, #tpu.memory_space<vmem>> -> memref<32x1024xf32, #tpu.memory_space<vmem>>
      %get3A_661 = arith.index_cast %get3A_656 : i32 to index
      %get3A_662 = arith.index_cast %mul3A_655 : i32 to index
      %get3A_663 = tpu.vector_load %get3A_660[%get3A_661, %get3A_662] {strides = array<i32>} : memref<32x1024xf32, #tpu.memory_space<vmem>>, vector<16xf32>,
      %mul3A_664 = arith.mulf %get3A_663, %get3A_469 : vector<16xf32>
      %mul3A_665 = arith.constant 16 : i32
      %mul3A_666 = arith.muli %scan3A_450, %mul3A_665 : i32
      %get3A_667 = arith.constant 24 : i32
      %get3A_668 = arith.constant 0 : i32
      %get3A_669 = arith.constant 0 : i32
      %get3A_670 = tpu.memref_slice %arg8[%scan3A_293, %get3A_668, %get3A_669] : memref<3x32x1024xf32, #tpu.memory_space<vmem>> -> memref<1x32x1024xf32, #tpu.memory_space<vmem>>
      %get3A_671 = tpu.memref_squeeze %get3A_670 : memref<1x32x1024xf32, #tpu.memory_space<vmem>> -> memref<32x1024xf32, #tpu.memory_space<vmem>>
      %get3A_672 = arith.index_cast %get3A_667 : i32 to index
      %get3A_673 = arith.index_cast %mul3A_666 : i32 to index
      %get3A_674 = tpu.vector_load %get3A_671[%get3A_672, %get3A_673] {strides = array<i32>} : memref<32x1024xf32, #tpu.memory_space<vmem>>, vector<16xf32>,
      %mul3A_675 = arith.mulf %mul3A_664, %get3A_674 : vector<16xf32>
      %add3A_676 = arith.addf %scan3A_459, %mul3A_675 : vector<16xf32>
      %mul3A_677 = arith.constant 16 : i32
      %mul3A_678 = arith.muli %scan3A_450, %mul3A_677 : i32
      %get3A_679 = arith.constant 9 : i32
      %get3A_680 = arith.constant 0 : i32
      %get3A_681 = arith.constant 0 : i32
      %get3A_682 = tpu.memref_slice %arg8[%scan3A_293, %get3A_680, %get3A_681] : memref<3x32x1024xf32, #tpu.memory_space<vmem>> -> memref<1x32x1024xf32, #tpu.memory_space<vmem>>
      %get3A_683 = tpu.memref_squeeze %get3A_682 : memref<1x32x1024xf32, #tpu.memory_space<vmem>> -> memref<32x1024xf32, #tpu.memory_space<vmem>>
      %get3A_684 = arith.index_cast %get3A_679 : i32 to index
      %get3A_685 = arith.index_cast %mul3A_678 : i32 to index
      %get3A_686 = tpu.vector_load %get3A_683[%get3A_684, %get3A_685] {strides = array<i32>} : memref<32x1024xf32, #tpu.memory_space<vmem>>, vector<16xf32>,
      %mul3A_687 = arith.mulf %get3A_686, %get3A_469 : vector<16xf32>
      %mul3A_688 = arith.constant 16 : i32
      %mul3A_689 = arith.muli %scan3A_450, %mul3A_688 : i32
      %get3A_690 = arith.constant 25 : i32
      %get3A_691 = arith.constant 0 : i32
      %get3A_692 = arith.constant 0 : i32
      %get3A_693 = tpu.memref_slice %arg8[%scan3A_293, %get3A_691, %get3A_692] : memref<3x32x1024xf32, #tpu.memory_space<vmem>> -> memref<1x32x1024xf32, #tpu.memory_space<vmem>>
      %get3A_694 = tpu.memref_squeeze %get3A_693 : memref<1x32x1024xf32, #tpu.memory_space<vmem>> -> memref<32x1024xf32, #tpu.memory_space<vmem>>
      %get3A_695 = arith.index_cast %get3A_690 : i32 to index
      %get3A_696 = arith.index_cast %mul3A_689 : i32 to index
      %get3A_697 = tpu.vector_load %get3A_694[%get3A_695, %get3A_696] {strides = array<i32>} : memref<32x1024xf32, #tpu.memory_space<vmem>>, vector<16xf32>,
      %mul3A_698 = arith.mulf %mul3A_687, %get3A_697 : vector<16xf32>
      %add3A_699 = arith.addf %scan3A_460, %mul3A_698 : vector<16xf32>
      %mul3A_700 = arith.constant 16 : i32
      %mul3A_701 = arith.muli %scan3A_450, %mul3A_700 : i32
      %get3A_702 = arith.constant 10 : i32
      %get3A_703 = arith.constant 0 : i32
      %get3A_704 = arith.constant 0 : i32
      %get3A_705 = tpu.memref_slice %arg8[%scan3A_293, %get3A_703, %get3A_704] : memref<3x32x1024xf32, #tpu.memory_space<vmem>> -> memref<1x32x1024xf32, #tpu.memory_space<vmem>>
      %get3A_706 = tpu.memref_squeeze %get3A_705 : memref<1x32x1024xf32, #tpu.memory_space<vmem>> -> memref<32x1024xf32, #tpu.memory_space<vmem>>
      %get3A_707 = arith.index_cast %get3A_702 : i32 to index
      %get3A_708 = arith.index_cast %mul3A_701 : i32 to index
      %get3A_709 = tpu.vector_load %get3A_706[%get3A_707, %get3A_708] {strides = array<i32>} : memref<32x1024xf32, #tpu.memory_space<vmem>>, vector<16xf32>,
      %mul3A_710 = arith.mulf %get3A_709, %get3A_469 : vector<16xf32>
      %mul3A_711 = arith.constant 16 : i32
      %mul3A_712 = arith.muli %scan3A_450, %mul3A_711 : i32
      %get3A_713 = arith.constant 26 : i32
      %get3A_714 = arith.constant 0 : i32
      %get3A_715 = arith.constant 0 : i32
      %get3A_716 = tpu.memref_slice %arg8[%scan3A_293, %get3A_714, %get3A_715] : memref<3x32x1024xf32, #tpu.memory_space<vmem>> -> memref<1x32x1024xf32, #tpu.memory_space<vmem>>
      %get3A_717 = tpu.memref_squeeze %get3A_716 : memref<1x32x1024xf32, #tpu.memory_space<vmem>> -> memref<32x1024xf32, #tpu.memory_space<vmem>>
      %get3A_718 = arith.index_cast %get3A_713 : i32 to index
      %get3A_719 = arith.index_cast %mul3A_712 : i32 to index
      %get3A_720 = tpu.vector_load %get3A_717[%get3A_718, %get3A_719] {strides = array<i32>} : memref<32x1024xf32, #tpu.memory_space<vmem>>, vector<16xf32>,
      %mul3A_721 = arith.mulf %mul3A_710, %get3A_720 : vector<16xf32>
      %add3A_722 = arith.addf %scan3A_461, %mul3A_721 : vector<16xf32>
      %mul3A_723 = arith.constant 16 : i32
      %mul3A_724 = arith.muli %scan3A_450, %mul3A_723 : i32
      %get3A_725 = arith.constant 11 : i32
      %get3A_726 = arith.constant 0 : i32
      %get3A_727 = arith.constant 0 : i32
      %get3A_728 = tpu.memref_slice %arg8[%scan3A_293, %get3A_726, %get3A_727] : memref<3x32x1024xf32, #tpu.memory_space<vmem>> -> memref<1x32x1024xf32, #tpu.memory_space<vmem>>
      %get3A_729 = tpu.memref_squeeze %get3A_728 : memref<1x32x1024xf32, #tpu.memory_space<vmem>> -> memref<32x1024xf32, #tpu.memory_space<vmem>>
      %get3A_730 = arith.index_cast %get3A_725 : i32 to index
      %get3A_731 = arith.index_cast %mul3A_724 : i32 to index
      %get3A_732 = tpu.vector_load %get3A_729[%get3A_730, %get3A_731] {strides = array<i32>} : memref<32x1024xf32, #tpu.memory_space<vmem>>, vector<16xf32>,
      %mul3A_733 = arith.mulf %get3A_732, %get3A_469 : vector<16xf32>
      %mul3A_734 = arith.constant 16 : i32
      %mul3A_735 = arith.muli %scan3A_450, %mul3A_734 : i32
      %get3A_736 = arith.constant 27 : i32
      %get3A_737 = arith.constant 0 : i32
      %get3A_738 = arith.constant 0 : i32
      %get3A_739 = tpu.memref_slice %arg8[%scan3A_293, %get3A_737, %get3A_738] : memref<3x32x1024xf32, #tpu.memory_space<vmem>> -> memref<1x32x1024xf32, #tpu.memory_space<vmem>>
      %get3A_740 = tpu.memref_squeeze %get3A_739 : memref<1x32x1024xf32, #tpu.memory_space<vmem>> -> memref<32x1024xf32, #tpu.memory_space<vmem>>
      %get3A_741 = arith.index_cast %get3A_736 : i32 to index
      %get3A_742 = arith.index_cast %mul3A_735 : i32 to index
      %get3A_743 = tpu.vector_load %get3A_740[%get3A_741, %get3A_742] {strides = array<i32>} : memref<32x1024xf32, #tpu.memory_space<vmem>>, vector<16xf32>,
      %mul3A_744 = arith.mulf %mul3A_733, %get3A_743 : vector<16xf32>
      %add3A_745 = arith.addf %scan3A_462, %mul3A_744 : vector<16xf32>
      %mul3A_746 = arith.constant 16 : i32
      %mul3A_747 = arith.muli %scan3A_450, %mul3A_746 : i32
      %get3A_748 = arith.constant 12 : i32
      %get3A_749 = arith.constant 0 : i32
      %get3A_750 = arith.constant 0 : i32
      %get3A_751 = tpu.memref_slice %arg8[%scan3A_293, %get3A_749, %get3A_750] : memref<3x32x1024xf32, #tpu.memory_space<vmem>> -> memref<1x32x1024xf32, #tpu.memory_space<vmem>>
      %get3A_752 = tpu.memref_squeeze %get3A_751 : memref<1x32x1024xf32, #tpu.memory_space<vmem>> -> memref<32x1024xf32, #tpu.memory_space<vmem>>
      %get3A_753 = arith.index_cast %get3A_748 : i32 to index
      %get3A_754 = arith.index_cast %mul3A_747 : i32 to index
      %get3A_755 = tpu.vector_load %get3A_752[%get3A_753, %get3A_754] {strides = array<i32>} : memref<32x1024xf32, #tpu.memory_space<vmem>>, vector<16xf32>,
      %mul3A_756 = arith.mulf %get3A_755, %get3A_469 : vector<16xf32>
      %mul3A_757 = arith.constant 16 : i32
      %mul3A_758 = arith.muli %scan3A_450, %mul3A_757 : i32
      %get3A_759 = arith.constant 28 : i32
      %get3A_760 = arith.constant 0 : i32
      %get3A_761 = arith.constant 0 : i32
      %get3A_762 = tpu.memref_slice %arg8[%scan3A_293, %get3A_760, %get3A_761] : memref<3x32x1024xf32, #tpu.memory_space<vmem>> -> memref<1x32x1024xf32, #tpu.memory_space<vmem>>
      %get3A_763 = tpu.memref_squeeze %get3A_762 : memref<1x32x1024xf32, #tpu.memory_space<vmem>> -> memref<32x1024xf32, #tpu.memory_space<vmem>>
      %get3A_764 = arith.index_cast %get3A_759 : i32 to index
      %get3A_765 = arith.index_cast %mul3A_758 : i32 to index
      %get3A_766 = tpu.vector_load %get3A_763[%get3A_764, %get3A_765] {strides = array<i32>} : memref<32x1024xf32, #tpu.memory_space<vmem>>, vector<16xf32>,
      %mul3A_767 = arith.mulf %mul3A_756, %get3A_766 : vector<16xf32>
      %add3A_768 = arith.addf %scan3A_463, %mul3A_767 : vector<16xf32>
      %mul3A_769 = arith.constant 16 : i32
      %mul3A_770 = arith.muli %scan3A_450, %mul3A_769 : i32
      %get3A_771 = arith.constant 13 : i32
      %get3A_772 = arith.constant 0 : i32
      %get3A_773 = arith.constant 0 : i32
      %get3A_774 = tpu.memref_slice %arg8[%scan3A_293, %get3A_772, %get3A_773] : memref<3x32x1024xf32, #tpu.memory_space<vmem>> -> memref<1x32x1024xf32, #tpu.memory_space<vmem>>
      %get3A_775 = tpu.memref_squeeze %get3A_774 : memref<1x32x1024xf32, #tpu.memory_space<vmem>> -> memref<32x1024xf32, #tpu.memory_space<vmem>>
      %get3A_776 = arith.index_cast %get3A_771 : i32 to index
      %get3A_777 = arith.index_cast %mul3A_770 : i32 to index
      %get3A_778 = tpu.vector_load %get3A_775[%get3A_776, %get3A_777] {strides = array<i32>} : memref<32x1024xf32, #tpu.memory_space<vmem>>, vector<16xf32>,
      %mul3A_779 = arith.mulf %get3A_778, %get3A_469 : vector<16xf32>
      %mul3A_780 = arith.constant 16 : i32
      %mul3A_781 = arith.muli %scan3A_450, %mul3A_780 : i32
      %get3A_782 = arith.constant 29 : i32
      %get3A_783 = arith.constant 0 : i32
      %get3A_784 = arith.constant 0 : i32
      %get3A_785 = tpu.memref_slice %arg8[%scan3A_293, %get3A_783, %get3A_784] : memref<3x32x1024xf32, #tpu.memory_space<vmem>> -> memref<1x32x1024xf32, #tpu.memory_space<vmem>>
      %get3A_786 = tpu.memref_squeeze %get3A_785 : memref<1x32x1024xf32, #tpu.memory_space<vmem>> -> memref<32x1024xf32, #tpu.memory_space<vmem>>
      %get3A_787 = arith.index_cast %get3A_782 : i32 to index
      %get3A_788 = arith.index_cast %mul3A_781 : i32 to index
      %get3A_789 = tpu.vector_load %get3A_786[%get3A_787, %get3A_788] {strides = array<i32>} : memref<32x1024xf32, #tpu.memory_space<vmem>>, vector<16xf32>,
      %mul3A_790 = arith.mulf %mul3A_779, %get3A_789 : vector<16xf32>
      %add3A_791 = arith.addf %scan3A_464, %mul3A_790 : vector<16xf32>
      %mul3A_792 = arith.constant 16 : i32
      %mul3A_793 = arith.muli %scan3A_450, %mul3A_792 : i32
      %get3A_794 = arith.constant 14 : i32
      %get3A_795 = arith.constant 0 : i32
      %get3A_796 = arith.constant 0 : i32
      %get3A_797 = tpu.memref_slice %arg8[%scan3A_293, %get3A_795, %get3A_796] : memref<3x32x1024xf32, #tpu.memory_space<vmem>> -> memref<1x32x1024xf32, #tpu.memory_space<vmem>>
      %get3A_798 = tpu.memref_squeeze %get3A_797 : memref<1x32x1024xf32, #tpu.memory_space<vmem>> -> memref<32x1024xf32, #tpu.memory_space<vmem>>
      %get3A_799 = arith.index_cast %get3A_794 : i32 to index
      %get3A_800 = arith.index_cast %mul3A_793 : i32 to index
      %get3A_801 = tpu.vector_load %get3A_798[%get3A_799, %get3A_800] {strides = array<i32>} : memref<32x1024xf32, #tpu.memory_space<vmem>>, vector<16xf32>,
      %mul3A_802 = arith.mulf %get3A_801, %get3A_469 : vector<16xf32>
      %mul3A_803 = arith.constant 16 : i32
      %mul3A_804 = arith.muli %scan3A_450, %mul3A_803 : i32
      %get3A_805 = arith.constant 30 : i32
      %get3A_806 = arith.constant 0 : i32
      %get3A_807 = arith.constant 0 : i32
      %get3A_808 = tpu.memref_slice %arg8[%scan3A_293, %get3A_806, %get3A_807] : memref<3x32x1024xf32, #tpu.memory_space<vmem>> -> memref<1x32x1024xf32, #tpu.memory_space<vmem>>
      %get3A_809 = tpu.memref_squeeze %get3A_808 : memref<1x32x1024xf32, #tpu.memory_space<vmem>> -> memref<32x1024xf32, #tpu.memory_space<vmem>>
      %get3A_810 = arith.index_cast %get3A_805 : i32 to index
      %get3A_811 = arith.index_cast %mul3A_804 : i32 to index
      %get3A_812 = tpu.vector_load %get3A_809[%get3A_810, %get3A_811] {strides = array<i32>} : memref<32x1024xf32, #tpu.memory_space<vmem>>, vector<16xf32>,
      %mul3A_813 = arith.mulf %mul3A_802, %get3A_812 : vector<16xf32>
      %add3A_814 = arith.addf %scan3A_465, %mul3A_813 : vector<16xf32>
      %mul3A_815 = arith.constant 16 : i32
      %mul3A_816 = arith.muli %scan3A_450, %mul3A_815 : i32
      %get3A_817 = arith.constant 15 : i32
      %get3A_818 = arith.constant 0 : i32
      %get3A_819 = arith.constant 0 : i32
      %get3A_820 = tpu.memref_slice %arg8[%scan3A_293, %get3A_818, %get3A_819] : memref<3x32x1024xf32, #tpu.memory_space<vmem>> -> memref<1x32x1024xf32, #tpu.memory_space<vmem>>
      %get3A_821 = tpu.memref_squeeze %get3A_820 : memref<1x32x1024xf32, #tpu.memory_space<vmem>> -> memref<32x1024xf32, #tpu.memory_space<vmem>>
      %get3A_822 = arith.index_cast %get3A_817 : i32 to index
      %get3A_823 = arith.index_cast %mul3A_816 : i32 to index
      %get3A_824 = tpu.vector_load %get3A_821[%get3A_822, %get3A_823] {strides = array<i32>} : memref<32x1024xf32, #tpu.memory_space<vmem>>, vector<16xf32>,
      %mul3A_825 = arith.mulf %get3A_824, %get3A_469 : vector<16xf32>
      %mul3A_826 = arith.constant 16 : i32
      %mul3A_827 = arith.muli %scan3A_450, %mul3A_826 : i32
      %get3A_828 = arith.constant 31 : i32
      %get3A_829 = arith.constant 0 : i32
      %get3A_830 = arith.constant 0 : i32
      %get3A_831 = tpu.memref_slice %arg8[%scan3A_293, %get3A_829, %get3A_830] : memref<3x32x1024xf32, #tpu.memory_space<vmem>> -> memref<1x32x1024xf32, #tpu.memory_space<vmem>>
      %get3A_832 = tpu.memref_squeeze %get3A_831 : memref<1x32x1024xf32, #tpu.memory_space<vmem>> -> memref<32x1024xf32, #tpu.memory_space<vmem>>
      %get3A_833 = arith.index_cast %get3A_828 : i32 to index
      %get3A_834 = arith.index_cast %mul3A_827 : i32 to index
      %get3A_835 = tpu.vector_load %get3A_832[%get3A_833, %get3A_834] {strides = array<i32>} : memref<32x1024xf32, #tpu.memory_space<vmem>>, vector<16xf32>,
      %mul3A_836 = arith.mulf %mul3A_825, %get3A_835 : vector<16xf32>
      %add3A_837 = arith.addf %scan3A_466, %mul3A_836 : vector<16xf32>
      scf.yield %add3A_492, %add3A_515, %add3A_538, %add3A_561, %add3A_584, %add3A_607, %add3A_630, %add3A_653, %add3A_676, %add3A_699, %add3A_722, %add3A_745, %add3A_768, %add3A_791, %add3A_814, %add3A_837 : vector<16xf32>, vector<16xf32>, vector<16xf32>, vector<16xf32>, vector<16xf32>, vector<16xf32>, vector<16xf32>, vector<16xf32>, vector<16xf32>, vector<16xf32>, vector<16xf32>, vector<16xf32>, vector<16xf32>, vector<16xf32>, vector<16xf32>, vector<16xf32>
    }
    %scan3A_299 = arith.constant 64 : i32
    %broadcast_in_dim3A_300 = arith.constant 0.000000e+00 : f32
    %broadcast_in_dim3A_301 = vector.broadcast %broadcast_in_dim3A_300 : f32 to vector<16xf32>
    %eq3A_302 = arith.constant 0 : i32
    %eq3A_303 = vector.broadcast %eq3A_302 : i32 to vector<16xi32>
    %eq3A_304 = arith.cmpi eq, %iota3A, %eq3A_303 : vector<16xi32>
    %reduce_sum3A_305 = arith.constant true
    %reduce_sum3A_306 = vector.broadcast %reduce_sum3A_305 : i1 to vector<16xi1>
    %reduce_sum3A_307 = tpu.scan <sum>, %scan3A_298#0 masked %reduce_sum3A_306 : vector<16xf32>, vector<16xi1> -> vector<16xf32>
    %reduce_sum3A_308 = vector.extract %reduce_sum3A_307[15] : f32 from vector<16xf32>
    %broadcast_in_dim3A_309 = vector.broadcast %reduce_sum3A_308 : f32 to vector<16xf32>
    %select_n3A_310 = arith.select %eq3A_304, %broadcast_in_dim3A_309, %broadcast_in_dim3A_301 : vector<16xi1>, vector<16xf32>
    %eq3A_311 = arith.constant 1 : i32
    %eq3A_312 = vector.broadcast %eq3A_311 : i32 to vector<16xi32>
    %eq3A_313 = arith.cmpi eq, %iota3A, %eq3A_312 : vector<16xi32>
    %reduce_sum3A_314 = arith.constant true
    %reduce_sum3A_315 = vector.broadcast %reduce_sum3A_314 : i1 to vector<16xi1>
    %reduce_sum3A_316 = tpu.scan <sum>, %scan3A_298#1 masked %reduce_sum3A_315 : vector<16xf32>, vector<16xi1> -> vector<16xf32>
    %reduce_sum3A_317 = vector.extract %reduce_sum3A_316[15] : f32 from vector<16xf32>
    %broadcast_in_dim3A_318 = vector.broadcast %reduce_sum3A_317 : f32 to vector<16xf32>
    %select_n3A_319 = arith.select %eq3A_313, %broadcast_in_dim3A_318, %select_n3A_310 : vector<16xi1>, vector<16xf32>
    %eq3A_320 = arith.constant 2 : i32
    %eq3A_321 = vector.broadcast %eq3A_320 : i32 to vector<16xi32>
    %eq3A_322 = arith.cmpi eq, %iota3A, %eq3A_321 : vector<16xi32>
    %reduce_sum3A_323 = arith.constant true
    %reduce_sum3A_324 = vector.broadcast %reduce_sum3A_323 : i1 to vector<16xi1>
    %reduce_sum3A_325 = tpu.scan <sum>, %scan3A_298#2 masked %reduce_sum3A_324 : vector<16xf32>, vector<16xi1> -> vector<16xf32>
    %reduce_sum3A_326 = vector.extract %reduce_sum3A_325[15] : f32 from vector<16xf32>
    %broadcast_in_dim3A_327 = vector.broadcast %reduce_sum3A_326 : f32 to vector<16xf32>
    %select_n3A_328 = arith.select %eq3A_322, %broadcast_in_dim3A_327, %select_n3A_319 : vector<16xi1>, vector<16xf32>
    %eq3A_329 = arith.constant 3 : i32
    %eq3A_330 = vector.broadcast %eq3A_329 : i32 to vector<16xi32>
    %eq3A_331 = arith.cmpi eq, %iota3A, %eq3A_330 : vector<16xi32>
    %reduce_sum3A_332 = arith.constant true
    %reduce_sum3A_333 = vector.broadcast %reduce_sum3A_332 : i1 to vector<16xi1>
    %reduce_sum3A_334 = tpu.scan <sum>, %scan3A_298#3 masked %reduce_sum3A_333 : vector<16xf32>, vector<16xi1> -> vector<16xf32>
    %reduce_sum3A_335 = vector.extract %reduce_sum3A_334[15] : f32 from vector<16xf32>
    %broadcast_in_dim3A_336 = vector.broadcast %reduce_sum3A_335 : f32 to vector<16xf32>
    %select_n3A_337 = arith.select %eq3A_331, %broadcast_in_dim3A_336, %select_n3A_328 : vector<16xi1>, vector<16xf32>
    %eq3A_338 = arith.constant 4 : i32
    %eq3A_339 = vector.broadcast %eq3A_338 : i32 to vector<16xi32>
    %eq3A_340 = arith.cmpi eq, %iota3A, %eq3A_339 : vector<16xi32>
    %reduce_sum3A_341 = arith.constant true
    %reduce_sum3A_342 = vector.broadcast %reduce_sum3A_341 : i1 to vector<16xi1>
    %reduce_sum3A_343 = tpu.scan <sum>, %scan3A_298#4 masked %reduce_sum3A_342 : vector<16xf32>, vector<16xi1> -> vector<16xf32>
    %reduce_sum3A_344 = vector.extract %reduce_sum3A_343[15] : f32 from vector<16xf32>
    %broadcast_in_dim3A_345 = vector.broadcast %reduce_sum3A_344 : f32 to vector<16xf32>
    %select_n3A_346 = arith.select %eq3A_340, %broadcast_in_dim3A_345, %select_n3A_337 : vector<16xi1>, vector<16xf32>
    %eq3A_347 = arith.constant 5 : i32
    %eq3A_348 = vector.broadcast %eq3A_347 : i32 to vector<16xi32>
    %eq3A_349 = arith.cmpi eq, %iota3A, %eq3A_348 : vector<16xi32>
    %reduce_sum3A_350 = arith.constant true
    %reduce_sum3A_351 = vector.broadcast %reduce_sum3A_350 : i1 to vector<16xi1>
    %reduce_sum3A_352 = tpu.scan <sum>, %scan3A_298#5 masked %reduce_sum3A_351 : vector<16xf32>, vector<16xi1> -> vector<16xf32>
    %reduce_sum3A_353 = vector.extract %reduce_sum3A_352[15] : f32 from vector<16xf32>
    %broadcast_in_dim3A_354 = vector.broadcast %reduce_sum3A_353 : f32 to vector<16xf32>
    %select_n3A_355 = arith.select %eq3A_349, %broadcast_in_dim3A_354, %select_n3A_346 : vector<16xi1>, vector<16xf32>
    %eq3A_356 = arith.constant 6 : i32
    %eq3A_357 = vector.broadcast %eq3A_356 : i32 to vector<16xi32>
    %eq3A_358 = arith.cmpi eq, %iota3A, %eq3A_357 : vector<16xi32>
    %reduce_sum3A_359 = arith.constant true
    %reduce_sum3A_360 = vector.broadcast %reduce_sum3A_359 : i1 to vector<16xi1>
    %reduce_sum3A_361 = tpu.scan <sum>, %scan3A_298#6 masked %reduce_sum3A_360 : vector<16xf32>, vector<16xi1> -> vector<16xf32>
    %reduce_sum3A_362 = vector.extract %reduce_sum3A_361[15] : f32 from vector<16xf32>
    %broadcast_in_dim3A_363 = vector.broadcast %reduce_sum3A_362 : f32 to vector<16xf32>
    %select_n3A_364 = arith.select %eq3A_358, %broadcast_in_dim3A_363, %select_n3A_355 : vector<16xi1>, vector<16xf32>
    %eq3A_365 = arith.constant 7 : i32
    %eq3A_366 = vector.broadcast %eq3A_365 : i32 to vector<16xi32>
    %eq3A_367 = arith.cmpi eq, %iota3A, %eq3A_366 : vector<16xi32>
    %reduce_sum3A_368 = arith.constant true
    %reduce_sum3A_369 = vector.broadcast %reduce_sum3A_368 : i1 to vector<16xi1>
    %reduce_sum3A_370 = tpu.scan <sum>, %scan3A_298#7 masked %reduce_sum3A_369 : vector<16xf32>, vector<16xi1> -> vector<16xf32>
    %reduce_sum3A_371 = vector.extract %reduce_sum3A_370[15] : f32 from vector<16xf32>
    %broadcast_in_dim3A_372 = vector.broadcast %reduce_sum3A_371 : f32 to vector<16xf32>
    %select_n3A_373 = arith.select %eq3A_367, %broadcast_in_dim3A_372, %select_n3A_364 : vector<16xi1>, vector<16xf32>
    %eq3A_374 = arith.constant 8 : i32
    %eq3A_375 = vector.broadcast %eq3A_374 : i32 to vector<16xi32>
    %eq3A_376 = arith.cmpi eq, %iota3A, %eq3A_375 : vector<16xi32>
    %reduce_sum3A_377 = arith.constant true
    %reduce_sum3A_378 = vector.broadcast %reduce_sum3A_377 : i1 to vector<16xi1>
    %reduce_sum3A_379 = tpu.scan <sum>, %scan3A_298#8 masked %reduce_sum3A_378 : vector<16xf32>, vector<16xi1> -> vector<16xf32>
    %reduce_sum3A_380 = vector.extract %reduce_sum3A_379[15] : f32 from vector<16xf32>
    %broadcast_in_dim3A_381 = vector.broadcast %reduce_sum3A_380 : f32 to vector<16xf32>
    %select_n3A_382 = arith.select %eq3A_376, %broadcast_in_dim3A_381, %select_n3A_373 : vector<16xi1>, vector<16xf32>
    %eq3A_383 = arith.constant 9 : i32
    %eq3A_384 = vector.broadcast %eq3A_383 : i32 to vector<16xi32>
    %eq3A_385 = arith.cmpi eq, %iota3A, %eq3A_384 : vector<16xi32>
    %reduce_sum3A_386 = arith.constant true
    %reduce_sum3A_387 = vector.broadcast %reduce_sum3A_386 : i1 to vector<16xi1>
    %reduce_sum3A_388 = tpu.scan <sum>, %scan3A_298#9 masked %reduce_sum3A_387 : vector<16xf32>, vector<16xi1> -> vector<16xf32>
    %reduce_sum3A_389 = vector.extract %reduce_sum3A_388[15] : f32 from vector<16xf32>
    %broadcast_in_dim3A_390 = vector.broadcast %reduce_sum3A_389 : f32 to vector<16xf32>
    %select_n3A_391 = arith.select %eq3A_385, %broadcast_in_dim3A_390, %select_n3A_382 : vector<16xi1>, vector<16xf32>
    %eq3A_392 = arith.constant 10 : i32
    %eq3A_393 = vector.broadcast %eq3A_392 : i32 to vector<16xi32>
    %eq3A_394 = arith.cmpi eq, %iota3A, %eq3A_393 : vector<16xi32>
    %reduce_sum3A_395 = arith.constant true
    %reduce_sum3A_396 = vector.broadcast %reduce_sum3A_395 : i1 to vector<16xi1>
    %reduce_sum3A_397 = tpu.scan <sum>, %scan3A_298#10 masked %reduce_sum3A_396 : vector<16xf32>, vector<16xi1> -> vector<16xf32>
    %reduce_sum3A_398 = vector.extract %reduce_sum3A_397[15] : f32 from vector<16xf32>
    %broadcast_in_dim3A_399 = vector.broadcast %reduce_sum3A_398 : f32 to vector<16xf32>
    %select_n3A_400 = arith.select %eq3A_394, %broadcast_in_dim3A_399, %select_n3A_391 : vector<16xi1>, vector<16xf32>
    %eq3A_401 = arith.constant 11 : i32
    %eq3A_402 = vector.broadcast %eq3A_401 : i32 to vector<16xi32>
    %eq3A_403 = arith.cmpi eq, %iota3A, %eq3A_402 : vector<16xi32>
    %reduce_sum3A_404 = arith.constant true
    %reduce_sum3A_405 = vector.broadcast %reduce_sum3A_404 : i1 to vector<16xi1>
    %reduce_sum3A_406 = tpu.scan <sum>, %scan3A_298#11 masked %reduce_sum3A_405 : vector<16xf32>, vector<16xi1> -> vector<16xf32>
    %reduce_sum3A_407 = vector.extract %reduce_sum3A_406[15] : f32 from vector<16xf32>
    %broadcast_in_dim3A_408 = vector.broadcast %reduce_sum3A_407 : f32 to vector<16xf32>
    %select_n3A_409 = arith.select %eq3A_403, %broadcast_in_dim3A_408, %select_n3A_400 : vector<16xi1>, vector<16xf32>
    %eq3A_410 = arith.constant 12 : i32
    %eq3A_411 = vector.broadcast %eq3A_410 : i32 to vector<16xi32>
    %eq3A_412 = arith.cmpi eq, %iota3A, %eq3A_411 : vector<16xi32>
    %reduce_sum3A_413 = arith.constant true
    %reduce_sum3A_414 = vector.broadcast %reduce_sum3A_413 : i1 to vector<16xi1>
    %reduce_sum3A_415 = tpu.scan <sum>, %scan3A_298#12 masked %reduce_sum3A_414 : vector<16xf32>, vector<16xi1> -> vector<16xf32>
    %reduce_sum3A_416 = vector.extract %reduce_sum3A_415[15] : f32 from vector<16xf32>
    %broadcast_in_dim3A_417 = vector.broadcast %reduce_sum3A_416 : f32 to vector<16xf32>
    %select_n3A_418 = arith.select %eq3A_412, %broadcast_in_dim3A_417, %select_n3A_409 : vector<16xi1>, vector<16xf32>
    %eq3A_419 = arith.constant 13 : i32
    %eq3A_420 = vector.broadcast %eq3A_419 : i32 to vector<16xi32>
    %eq3A_421 = arith.cmpi eq, %iota3A, %eq3A_420 : vector<16xi32>
    %reduce_sum3A_422 = arith.constant true
    %reduce_sum3A_423 = vector.broadcast %reduce_sum3A_422 : i1 to vector<16xi1>
    %reduce_sum3A_424 = tpu.scan <sum>, %scan3A_298#13 masked %reduce_sum3A_423 : vector<16xf32>, vector<16xi1> -> vector<16xf32>
    %reduce_sum3A_425 = vector.extract %reduce_sum3A_424[15] : f32 from vector<16xf32>
    %broadcast_in_dim3A_426 = vector.broadcast %reduce_sum3A_425 : f32 to vector<16xf32>
    %select_n3A_427 = arith.select %eq3A_421, %broadcast_in_dim3A_426, %select_n3A_418 : vector<16xi1>, vector<16xf32>
    %eq3A_428 = arith.constant 14 : i32
    %eq3A_429 = vector.broadcast %eq3A_428 : i32 to vector<16xi32>
    %eq3A_430 = arith.cmpi eq, %iota3A, %eq3A_429 : vector<16xi32>
    %reduce_sum3A_431 = arith.constant true
    %reduce_sum3A_432 = vector.broadcast %reduce_sum3A_431 : i1 to vector<16xi1>
    %reduce_sum3A_433 = tpu.scan <sum>, %scan3A_298#14 masked %reduce_sum3A_432 : vector<16xf32>, vector<16xi1> -> vector<16xf32>
    %reduce_sum3A_434 = vector.extract %reduce_sum3A_433[15] : f32 from vector<16xf32>
    %broadcast_in_dim3A_435 = vector.broadcast %reduce_sum3A_434 : f32 to vector<16xf32>
    %select_n3A_436 = arith.select %eq3A_430, %broadcast_in_dim3A_435, %select_n3A_427 : vector<16xi1>, vector<16xf32>
    %eq3A_437 = arith.constant 15 : i32
    %eq3A_438 = vector.broadcast %eq3A_437 : i32 to vector<16xi32>
    %eq3A_439 = arith.cmpi eq, %iota3A, %eq3A_438 : vector<16xi32>
    %reduce_sum3A_440 = arith.constant true
    %reduce_sum3A_441 = vector.broadcast %reduce_sum3A_440 : i1 to vector<16xi1>
    %reduce_sum3A_442 = tpu.scan <sum>, %scan3A_298#15 masked %reduce_sum3A_441 : vector<16xf32>, vector<16xi1> -> vector<16xf32>
    %reduce_sum3A_443 = vector.extract %reduce_sum3A_442[15] : f32 from vector<16xf32>
    %broadcast_in_dim3A_444 = vector.broadcast %reduce_sum3A_443 : f32 to vector<16xf32>
    %select_n3A_445 = arith.select %eq3A_439, %broadcast_in_dim3A_444, %select_n3A_436 : vector<16xi1>, vector<16xf32>
    %swap3A_446 = arith.constant 2032 : index
    %swap3A_447 = tpu.vector_load %arg9[%swap3A_446] {strides = array<i32>} : memref<2048xf32, #tpu.memory_space<vmem>>, vector<16xf32>,
    tpu.vector_store %arg9[%swap3A_446], %select_n3A_445 {strides = array<i32>} : memref<2048xf32, #tpu.memory_space<vmem>>, vector<16xf32>,
    %mul3A_448 = arith.constant 2048 : i32
    %mul3A_449 = arith.muli %add3A, %mul3A_448 : i32
    "tpu.region"() ({
      %run_scoped3A = tpu.sem_alloc : memref<!tpu.dma_semaphore, #tpu.memory_space<semaphore_mem>>
      %dma_start3A_450 = tpu.memref_slice %arg5[%mul3A_449] : memref<65536xf32, #tpu.memory_space<hbm>> -> memref<2048xf32, #tpu.memory_space<hbm>>
      %dma_start3A_451 = tpu.memref_slice %arg5[%mul3A_449] : memref<65536xf32, #tpu.memory_space<hbm>> -> memref<2048xf32, #tpu.memory_space<hbm>>
      tpu.enqueue_dma source(%arg9 : memref<2048xf32, #tpu.memory_space<vmem>>) target(%dma_start3A_451 : memref<2048xf32, #tpu.memory_space<hbm>>) target_semaphore(%run_scoped3A : memref<!tpu.dma_semaphore, #tpu.memory_space<semaphore_mem>>)
      %dma_wait3A_452 = tpu.memref_slice %arg5[%mul3A_449] : memref<65536xf32, #tpu.memory_space<hbm>> -> memref<2048xf32, #tpu.memory_space<hbm>>
      %dma_wait3A_453 = tpu.memref_slice %arg5[%mul3A_449] : memref<65536xf32, #tpu.memory_space<hbm>> -> memref<2048xf32, #tpu.memory_space<hbm>>
      tpu.wait_dma2 semaphore(%run_scoped3A : memref<!tpu.dma_semaphore, #tpu.memory_space<semaphore_mem>>) src(%arg9 : memref<2048xf32, #tpu.memory_space<vmem>>) dst(%dma_wait3A_453 : memref<2048xf32, #tpu.memory_space<hbm>>)
      tpu.yield
    }) : () -> ()
    return
  }
}

</mosaic_0001>

<sc_bundles>
// kernel: kernel.3.cloned.1.call-start
scs
__scs_entry_jumppad:
0x0: {  	(pc) =	sbr.rel $0x88, $3  }
0x1: {  	(tag) =	ssettag $0x0;
	lr =	simm.s32 $0x1  }
0x2: {  	[smem:$0x3F9E] =	sst lr;
	_ =	strace $0xD0000000  }
0x3: {  	_ = 	snop  }
0x4: {  	_ = 	snop  }
0x5: {  	_ = 	snop  }
0x6: {  	_ = 	snop  }
0x7: {  	_ = 	snop  }
__scs_overlays_trampoline_lowered:
0x8: {  	[smem:$0x3FAD] =	sst s0  }
0x9: {  	[smem:$0x3FAE] =	sst s1  }
0xa: {  	[smem:$0x3FAF] =	sst s2  }
0xb: {  	[smem:$0x3FB0] =	sst s3  }
0xc: {  	[smem:$0x3FB1] =	sst s4  }
0xd: {  	[smem:$0x3FB2] =	sst s5  }
0xe: {  	[smem:$0x3FB3] =	sst s6  }
0xf: {  	[smem:$0x3FB4] =	sst s7  }
0x10: {  	[smem:$0x3FB5] =	sst s8  }
0x11: {  	[smem:$0x3FB6] =	sst s9;
	s0 =	simm.s32 @!p0 $0x0  }
0x12: {  	s1 =	sld [smem:$0x3F9C];
	s0 =	simm.s32 @p0 $0x1  }
0x13: {  	[smem:$0x3FB7] =	sst s0;
	s0 =	simm.s32 @!p1 $0x0  }
0x14: {  	s2 =	sld [smem:$0x3F9B];
	s0 =	simm.s32 @p1 $0x1  }
0x15: {  	[smem:$0x3FB8] =	sst s0;
	s0 =	simm.s32 @!p2 $0x0  }
0x16: {  	s3 =	sld [smem:$0x3FDB];
	s0 =	simm.s32 @p2 $0x1  }
0x17: {  	s4 =	simm.s32 $0x1BF5;
	[smem:$0x3FBA] =	sst s0  }
0x18: {  	s0 =	sld [smem:$0x3F9D];
	_ =	swait.ge [sflag:s4], $0x0  }
0x19: {  	s7 =	sld [smem:$0x3F9E]  }
0x1a: {  	s8 =	sadd.s32 $0xFFFFE003, lr  }
0x1b: {  	s9 =	sadd.s32 $0xFFFFFEF7, lr;
	s5 =	simm.s32 $0xFFFFFFFF;
	p2 =	slt.u32 s8, $0xFFFFF086  }
0x1c: {  	p1 =	slt.u32 s9, $0xF7A;
	s5 =	simm.s32 @!p2 $0x0  }
0x1d: {  	s5 =	simm.s32 @p1 $0x1;
	p0 =	seq.s32 s7, s2  }
0x1e: {  	s7 =	smul.u32 @!p0 $0xF7A, s2;
	p2 =	seq.s32 @!p0 s5, $0x0  }
0x1f: {  	s9 =	smul.u32 $0xF7A, s1;
	s8 =	simm.s32 @!p0 $0x1BF5;
	p2 =	por !p2, p0  }
0x20: {  	[sflag:s8] =	ssyncset.s32 @!p0 $0xFFFFF086;
	s6 =	sadd.s32 @!p0 s3, s7;
	s7 =	simm.s32 @!p0 $0x108  }
0x21: {  	s3 =	sadd.s32 s3, s9;
	s6 =	sadd.s32 @!p0 $0x88, s6;
	s7 =	simm.s32 @p2 $0x1082  }
0x22: {  	[simem:s7], [sflag:s8] =	dma.local @!p0 [hbm:s6], $0xF7A  }
0x23: {  	s9 =	sor.u32 $0xD0000000, s2;
	s6 =	simm.s32 $0x108;
	_ =	swait.ge @!p0 [sflag:s8], $0x0  }
0x24: {  	s3 =	sadd.s32 $0x88, s3;
	s6 =	simm.s32 @!p1 $0x1082;
	[sflag:s4] =	ssyncset.s32 $0xFFFFF086  }
0x25: {  	[simem:s6], [sflag:s4] =	dma.local [hbm:s3], $0xF7A  }
0x26: {  	[smem:$0x3F9E] =	sst s1;
	(tag) =	ssettag s2;
	_ =	strace s9  }
0x27: {  	s1 =	sld [smem:$0x3FAE]  }
0x28: {  	s2 =	sld [smem:$0x3FAF]  }
0x29: {  	s4 =	sld [smem:$0x3FB1]  }
0x2a: {  	p0 =	seq.s32 s5, $0x0;
	s5 =	sld [smem:$0x3FB2]  }
0x2b: {  	s6 =	sld [smem:$0x3FB3]  }
0x2c: {  	s7 =	sld [smem:$0x3FB4]  }
0x2d: {  	s3 =	simm.s32 $0x108;
	s8 =	sld [smem:$0x3FB5]  }
0x2e: {  	s3 =	simm.s32 @!p0 $0x1082;
	s9 =	sld [smem:$0x3FB6]  }
0x2f: {  	lr =	sadd.s32 s0, s3;
	s0 =	sld [smem:$0x3FAD]  }
0x30: {  	s3 =	sld [smem:$0x3FB0]  }
0x31: {  	[smem:$0x3FB9] =	sst s10  }
0x32: {  	s10 =	sld [smem:$0x3FB7];
	_ =	sdelay $0x3  }
0x33: {  	p0 =	seq.s32 s10, $0x1;
	s10 =	sld [smem:$0x3FB9];
	_ =	sdelay $0x3  }
0x34: {  	[smem:$0x3FB9] =	sst s10  }
0x35: {  	s10 =	sld [smem:$0x3FB8];
	_ =	sdelay $0x3  }
0x36: {  	p1 =	seq.s32 s10, $0x1;
	s10 =	sld [smem:$0x3FB9];
	_ =	sdelay $0x3  }
0x37: {  	[smem:$0x3FB9] =	sst s10  }
0x38: {  	s10 =	sld [smem:$0x3FBA]  }
0x39: {  	_ = 	snop;
	(pc) =	sbr.ind lr, $3  }
0x3a: {  	_ = 	snop  }
0x3b: {  	_ = 	snop  }
0x3c: {  	p2 =	seq.s32 s10, $0x1;
	s10 =	sld [smem:$0x3FB9]  }
0x3d: {  	_ =	shalt  }
0x3e: {  	_ =	shalt  }
0x3f: {  	_ =	shalt  }
0x40: {  	_ =	shalt  }
0x41: {  	_ =	shalt  }
0x42: {  	_ =	shalt  }
0x43: {  	_ =	shalt  }
0x44: {  	_ =	shalt  }
0x45: {  	_ =	shalt  }
0x46: {  	_ =	shalt  }
0x47: {  	_ =	shalt  }
0x48: {  	_ =	shalt  }
0x49: {  	_ =	shalt  }
0x4a: {  	_ =	shalt  }
0x4b: {  	_ =	shalt  }
0x4c: {  	_ =	shalt  }
0x4d: {  	_ =	shalt  }
0x4e: {  	_ =	shalt  }
0x4f: {  	_ =	shalt  }
0x50: {  	_ =	shalt  }
0x51: {  	_ =	shalt  }
0x52: {  	_ =	shalt  }
0x53: {  	_ =	shalt  }
0x54: {  	_ =	shalt  }
0x55: {  	_ =	shalt  }
0x56: {  	_ =	shalt  }
0x57: {  	_ =	shalt  }
0x58: {  	_ =	shalt  }
0x59: {  	_ =	shalt  }
0x5a: {  	_ =	shalt  }
0x5b: {  	_ =	shalt  }
0x5c: {  	_ =	shalt  }
0x5d: {  	_ =	shalt  }
0x5e: {  	_ =	shalt  }
0x5f: {  	_ =	shalt  }
0x60: {  	_ =	shalt  }
0x61: {  	_ =	shalt  }
0x62: {  	_ =	shalt  }
0x63: {  	_ =	shalt  }
0x64: {  	_ =	shalt  }
0x65: {  	_ =	shalt  }
0x66: {  	_ =	shalt  }
0x67: {  	_ =	shalt  }
0x68: {  	_ =	shalt  }
0x69: {  	_ =	shalt  }
0x6a: {  	_ =	shalt  }
0x6b: {  	_ =	shalt  }
0x6c: {  	_ =	shalt  }
0x6d: {  	_ =	shalt  }
0x6e: {  	_ =	shalt  }
0x6f: {  	_ =	shalt  }
0x70: {  	_ =	shalt  }
0x71: {  	_ =	shalt  }
0x72: {  	_ =	shalt  }
0x73: {  	_ =	shalt  }
0x74: {  	_ =	shalt  }
0x75: {  	_ =	shalt  }
0x76: {  	_ =	shalt  }
0x77: {  	_ =	shalt  }
0x78: {  	_ =	shalt  }
0x79: {  	_ =	shalt  }
0x7a: {  	_ =	shalt  }
0x7b: {  	_ =	shalt  }
0x7c: {  	_ =	shalt  }
0x7d: {  	_ =	shalt  }
0x7e: {  	_ =	shalt  }
0x7f: {  	_ =	shalt  }
0x80: {  	_ =	shalt  }
0x81: {  	_ =	shalt  }
0x82: {  	_ =	shalt  }
0x83: {  	_ =	shalt  }
0x84: {  	_ =	shalt  }
0x85: {  	_ =	shalt  }
0x86: {  	_ =	shalt  }
0x87: {  	_ =	shalt  }
.Lfunc_end0:
.L_simem_size_0:
called_computation_lowered:
.L_overlay_start_0:
0x88: {  	s2 =	sld [smem:$0x3FD9]  }
0x89: {  	s3 =	sld [smem:$0x3FFE];
	_ =	sdelay $0x1  }
0x8a: {  	s1 =	srdreg.scid  }
0x8b: {  	s0 =	sand.u32 $0x1, s1  }
0x8c: {  	s17 =	sshll.u32 s0, $0xA;
	s2 =	sadd.s32 s3, s2  }
0x8d: {  	s2 =	sadd.s32 s2, s17  }
0x8e: {  	[smem:$0x3FC5] =	sst s2  }
0x8f: {  	_ = 	snop  }
0x90: {  	s2 =	sld [smem:$0x3FC9]  }
0x91: {  	s18 =	sld [smem:$0x3FC7]  }
0x92: {  	s4 =	sld [smem:$0x3FD0];
	(tm) =	ssettm $0x1  }
0x93: {  	s5 =	sld [smem:$0x3FFB];
	_ =	sdelay $0x3  }
0x94: {  	_ =	strace s5  }
0x95: {  	s5 =	sld [smem:$0x3FFC];
	_ =	sdelay $0x3  }
0x96: {  	_ =	strace s5  }
0x97: {  	s5 =	sld [smem:$0x3FFD];
	_ =	sdelay $0x3  }
0x98: {  	_ =	strace s5  }
0x99: {  	_ =	strace $0x8FFFFFFF  }
0x9a: {  	s19 =	sld [smem:$0x3FDB];
	_ =	sdelay $0x1  }
0x9b: {  	s6 =	simm.s32 $_scs_section_size  }
0x9c: {  	s7 =	simm.s32 $_size__tile_overlayer_lowered;
	s8 =	simm.s32 $_tile_overlayer_lowered  }
0x9d: {  	s22 =	simm.s32 $0x1BFF;
	s21 =	sshll.u32 s8, $0x1;
	s5 =	sadd.s32 s6, s19  }
0x9e: {  	s9 =	simm.s32 $0x0;
	s20 =	sshll.u32 s7, $0x1;
	s7 =	sadd.s32 s21, s5  }
0x9f: {  	[timem:s9], [sflag:s22] =	dma.local [hbm:s7], s20  }
0xa0: {  	_ =	swait.ge [sflag:s22], s20  }
0xa1: {  	s6 =	ssub.s32 $0x0, s20;
	[sflag:s22] =	ssyncset.done $0x0  }
0xa2: {  	[sflag:s22] =	ssyncadd.s32 s6;
	_ =	sdelay $0x1  }
0xa3: {  	s23 =	simm.s32 $0x1B8B  }
0xa4: {  	_ =	swait.ge [sflag:s23], $0x1  }
0xa5: {  	[sflag:s23] =	ssyncset.done $0x0  }
0xa6: {  	s25 =	simm.s32 $0x1B8E;
	s24 =	sld [smem:$0x3FFE];
	[sflag:s23] =	ssyncadd.s32 $0xFFFFFFFF  }
0xa7: {  	s26 =	simm.s32 $execute0_lowered;
	[smem:$0x3FD2] =	sst s25  }
0xa8: {  	s7 =	sshll.u32 s26, $0x1;
	_ =	strace $0x80000046;
	[dreg:$0x1] =	wrdreg $0xFFFFFFFF  }
0xa9: {  	s28 =	simm.s32 $_size_execute0_lowered;
	s5 =	sadd.s32 s5, s7;
	[dreg:$0x0] =	wrdreg $0x0  }
0xaa: {  	s7 =	sshll.u32 s28, $0x1;
	[dreg:$0x2] =	wrdreg s5  }
0xab: {  	[dreg:$0x3] =	wrdreg s7  }
0xac: {  	[dreg:$0x4] =	wrdreg $0xC0  }
0xad: {  	_ =	task [dreg:s9], $0x5FFFF  }
0xae: {  	[dreg:$0x1] =	wrdreg $0xFFFFFFFF  }
0xaf: {  	[dreg:$0x0] =	wrdreg $0x60  }
0xb0: {  	[dreg:$0x2] =	wrdreg s2  }
0xb1: {  	[dreg:$0x3] =	wrdreg s24  }
0xb2: {  	[dreg:$0x4] =	wrdreg s18  }
0xb3: {  	[dreg:$0x5] =	wrdreg s4  }
0xb4: {  	[dreg:$0x6] =	wrdreg $0x9  }
0xb5: {  	_ =	task.clear_ibuf [dreg:s9], $0x7FFFF;
	_ =	strace $0x90000046  }
0xb6: {  	s29 =	simm.s32 $0x9;
	_ =	strace $0x80000048  }
0xb7: {  	_ =	swait.ge [sflag:s29], $0x1  }
0xb8: {  	[sflag:s29] =	ssyncadd.s32 $0xFFFFFFFF  }
0xb9: {  	_ =	strace $0x90000048  }
0xba: {  	_ =	sfence  }
0xbb: {  	s30 =	sld [smem:$0x0];
	_ =	sdelay $0x2  }
0xbc: {  	s31 =	sshll.u32 s1, $0xD;
	s1 =	sshrl.u32 s1, $0x2  }
0xbd: {  	s3 =	sand.u32 $0x4000, s31;
	s1 =	sadd.s32 s1, s30  }
0xbe: {  	s0 =	sor.u32 s3, s0;
	s1 =	sshll.u32 s1, $0x11  }
0xbf: {  	s0 =	sor.u32 s1, s0  }
0xc0: {  	s0 =	sadd.s32 $0x8F2B, s0  }
0xc1: {  	[sflag:s0] =	ssyncadd.remote.s32 $0x1  }
0xc2: {  	_ =	sfence.sel $0xFFFF  }
0xc3: {  	[dreg:$0x0] =	wrdreg $0xFFFFFFFF;
	(pc) =	sbr.abs _section_cstart, $3  }
0xc4: {  	[dreg:$0x1] =	wrdreg $0xFFFFFFFF  }
0xc5: {  	_ =	task.clear_ibuf [dreg:s9], $0x2FFFF;
	_ =	strace $0x9FFFFFFF  }
0xc6: {  	(tm) =	ssettm $0x7FFFFFFF  }
0xc7: {  	_ =	shalt  }
tec
execute0_lowered:
.L_overlay_start_1:
0x0: {  	(tag) =	ssettag $0x1  }
0x1: {  	s1 =	rddreg [dreg:$0x0]  }
0x2: {  	s0 =	rddreg [dreg:$0x1];
	s2 =	srdreg.scid  }
0x3: {  	s4 =	stileid.u32;
	s3 =	rddreg [dreg:$0x3]  }
0x4: {  	s22 =	simm.s32 $0x4;
	s12 =	simm.s32 $0xEC00;
	s9 =	simm.s32 $0xFC00  }
0x5: {  	s10 =	simm.s32 $0x10400;
	s11 =	simm.s32 $0x10C00;
	s13 =	simm.s32 $0x11400  }
0x6: {  	s14 =	simm.s32 $0x11C00;
	s15 =	simm.s32 $0x12400;
	s16 =	simm.s32 $0x12C00  }
0x7: {  	s17 =	simm.s32 $0x13400;
	s18 =	simm.s32 $0x13C00;
	s19 =	simm.s32 $0x1  }
0x8: {  	s20 =	simm.s32 $0x2;
	s21 =	simm.s32 $0x3;
	s23 =	simm.s32 $0x0  }
0x9: {  	s2 =	sand.u32 $0x1, s2;
	s5 =	sshll.u32 s4, $0x1;
	s4 =	simm.s32 $0x0  }
0xa: {  	v2 =	vlaneseq.u32;
	vm0 =	vmmov $0xffff;
	vm1 =	vmmov $0x1;
	s7 =	sadd.s32 $0x200, s1;
	s8 =	sadd.s32 $0x300, s1;
	s5 =	sor.u32 s2, s5  }
0xb: {  	vm2 =	vmmov $0x3;
	vm3 =	vmmov $0x7;
	vm4 =	vmmov $0xf;
	[smem:$0x7FF] =	sst s4;
	s2 =	ssub.s32 $0x2, s2;
	s6 =	sshll.u32 s5, $0xB  }
0xc: {  	vm5 =	vmmov $0x1f;
	vm6 =	vmmov $0x3f;
	vm7 =	vmmov $0x7f;
	_ =	strace $0x80000047;
	s29 =	sshrl.u32 s2, $0x1;
	s0 =	sadd.s32 s6, s0  }
0xd: {  	vm8 =	vmmov $0xff;
	vm9 =	vmmov $0x1ff;
	vm10 =	vmmov $0x3ff;
	s30 =	sshll.u32 s5, $0x8;
	s2 =	ssub.s32 s2, s29;
	s0 =	sadd.s32 $0x200, s0  }
0xe: {  	vm11 =	vmmov $0x7ff;
	vm12 =	vmmov $0xfff;
	vm13 =	vmmov $0x1fff;
	s5 =	simm.s32 $0xF400;
	s31 =	smax.u32 s2, $0x1;
	[dreg:$0x5] =	wrdreg s0  }
0xf: {  	vm14 =	vmmov $0x3fff;
	vm15 =	vmmov $0x7fff;
	v1 =	vshrl.u32 v2, $0x3;
	s6 =	sadd.s32 $0x100, s1;
	s0 =	sadd.s32 s3, s30;
	[dreg:$0x7] =	wrdreg s31  }
0x10: {  	v0 =	vand.u32 $0x7, v2;
	v2 =	vor.u32 $0x8, v2;
	v1 =	vmul.u32 $0x8, v1;
	s3 =	simm.s32 $0xE400;
	[dreg:$0x6] =	wrdreg s0;
	s0 =	simm.s32 $0xDC00  }
.LBB2_1:
0x11: {  	[dreg:$0x8] =	wrdreg s23  }
0x12: {  	s2 =	rddreg [dreg:$0x5]  }
0x13: {  	[tilespmem:s4], [sflag:$0x4] =	stream.linear.gather [hbm4b:s2+s4], $0x4000, $0x38;
	[tilespmem:$0x1CC00] =	vst v63  }
0x14: {  	_ =	swait.ge [sflag:s22], $0x4000  }
0x15: {  	[sflag:s22] =	ssyncset.done $0x0  }
0x16: {  	[sflag:s22] =	ssyncadd.s32 $0xFFFFC000  }
0x17: {  	s31 =	simm.s32 $0x4000;
	s30 =	rddreg [dreg:$0x2]  }
0x18: {  	[tilespmem:s31], [sflag:$0x4] =	stream.linear.gather [hbm4b:s30+s4], $0x400, $0x38;
	[tilespmem:$0x1CC00] =	vst v63  }
0x19: {  	_ =	swait.ge [sflag:s22], $0x400  }
0x1a: {  	[sflag:s22] =	ssyncset.done $0x0  }
0x1b: {  	[sflag:s22] =	ssyncadd.s32 $0xFFFFFC00  }
0x1c: {  	v3 =	vld [tilespmem:$0x0];
	_ =	sdelay $0x4  }
0x1d: {  	v4 =	vshll.u32 v3, $0x3  }
0x1e: {  	v3 =	vand.u32 $0x7, v3;
	v4 =	vand.u32 $0xFFFFFFC0, v4  }
0x1f: {  	v3 =	vor.u32 v3, v4  }
0x20: {  	v4 =	vperm.xlane v3, v0;
	_ =	sdelay $0x1  }
0x21: {  	v4 =	vadd.s32 v1, v4;
	_ =	sdelay $0x3  }
0x22: {  	s23 =	simm.s32 $0x4400  }
0x23: {  	[tilespmem:s23], [sflag:$0x1] =	stream.indirect_vreg.gather [hbm4b:s1+s4], $0x80, v4, vm0, $0xb8;
	[tilespmem:$0x1CC00] =	vst v63  }
0x24: {  	s24 =	simm.s32 $0x4C00;
	v3 =	vperm.xlane v3, v2  }
0x25: {  	[tilespmem:s24], [sflag:$0x1] =	stream.indirect_vreg.gather [hbm4b:s6+s4], $0x80, v4, vm0, $0xb8;
	[tilespmem:$0x1CC00] =	vst v63  }
0x26: {  	s25 =	simm.s32 $0x5400;
	v3 =	vadd.s32 v1, v3  }
0x27: {  	[tilespmem:s25], [sflag:$0x1] =	stream.indirect_vreg.gather [hbm4b:s7+s4], $0x80, v4, vm0, $0xb8;
	[tilespmem:$0x1CC00] =	vst v63  }
0x28: {  	s26 =	simm.s32 $0x5C00  }
0x29: {  	[tilespmem:s26], [sflag:$0x1] =	stream.indirect_vreg.gather [hbm4b:s8+s4], $0x80, v4, vm0, $0xb8;
	[tilespmem:$0x1CC00] =	vst v63  }
0x2a: {  	s28 =	simm.s32 $0x6400  }
0x2b: {  	[tilespmem:s28], [sflag:$0x1] =	stream.indirect_vreg.gather [hbm4b:s1+s4], $0x80, v3, vm0, $0xb8;
	[tilespmem:$0x1CC00] =	vst v63  }
0x2c: {  	s29 =	simm.s32 $0x6C00  }
0x2d: {  	[tilespmem:s29], [sflag:$0x1] =	stream.indirect_vreg.gather [hbm4b:s6+s4], $0x80, v3, vm0, $0xb8;
	[tilespmem:$0x1CC00] =	vst v63  }
0x2e: {  	s30 =	simm.s32 $0x7400  }
0x2f: {  	[tilespmem:s30], [sflag:$0x1] =	stream.indirect_vreg.gather [hbm4b:s7+s4], $0x80, v3, vm0, $0xb8;
	[tilespmem:$0x1CC00] =	vst v63  }
0x30: {  	s31 =	simm.s32 $0x7C00  }
0x31: {  	[tilespmem:s31], [sflag:$0x1] =	stream.indirect_vreg.gather [hbm4b:s8+s4], $0x80, v3, vm0, $0xb8;
	[tilespmem:$0x1CC00] =	vst v63  }
0x32: {  	v3 =	vld [tilespmem:$0x10];
	_ =	sdelay $0x4  }
0x33: {  	v59 =	vshll.u32 v3, $0x3  }
0x34: {  	v3 =	vand.u32 $0x7, v3;
	v4 =	vand.u32 $0xFFFFFFC0, v59  }
0x35: {  	v3 =	vor.u32 v3, v4  }
0x36: {  	v4 =	vperm.xlane v3, v0;
	_ =	sdelay $0x1  }
0x37: {  	v4 =	vadd.s32 v1, v4;
	_ =	sdelay $0x3  }
0x38: {  	s22 =	simm.s32 $0x8400  }
0x39: {  	[tilespmem:s22], [sflag:$0x1] =	stream.indirect_vreg.gather [hbm4b:s1+s4], $0x80, v4, vm0, $0xb8;
	[tilespmem:$0x1CC00] =	vst v63  }
0x3a: {  	s23 =	simm.s32 $0x8C00;
	v3 =	vperm.xlane v3, v2  }
0x3b: {  	[tilespmem:s23], [sflag:$0x1] =	stream.indirect_vreg.gather [hbm4b:s6+s4], $0x80, v4, vm0, $0xb8;
	[tilespmem:$0x1CC00] =	vst v63  }
0x3c: {  	s24 =	simm.s32 $0x9400;
	v3 =	vadd.s32 v1, v3  }
0x3d: {  	[tilespmem:s24], [sflag:$0x1] =	stream.indirect_vreg.gather [hbm4b:s7+s4], $0x80, v4, vm0, $0xb8;
	[tilespmem:$0x1CC00] =	vst v63  }
0x3e: {  	s25 =	simm.s32 $0x9C00  }
0x3f: {  	[tilespmem:s25], [sflag:$0x1] =	stream.indirect_vreg.gather [hbm4b:s8+s4], $0x80, v4, vm0, $0xb8;
	[tilespmem:$0x1CC00] =	vst v63  }
0x40: {  	s26 =	simm.s32 $0xA400  }
0x41: {  	[tilespmem:s26], [sflag:$0x1] =	stream.indirect_vreg.gather [hbm4b:s1+s4], $0x80, v3, vm0, $0xb8;
	[tilespmem:$0x1CC00] =	vst v63  }
0x42: {  	s28 =	simm.s32 $0xAC00  }
0x43: {  	[tilespmem:s28], [sflag:$0x1] =	stream.indirect_vreg.gather [hbm4b:s6+s4], $0x80, v3, vm0, $0xb8;
	[tilespmem:$0x1CC00] =	vst v63  }
0x44: {  	s29 =	simm.s32 $0xB400  }
0x45: {  	[tilespmem:s29], [sflag:$0x1] =	stream.indirect_vreg.gather [hbm4b:s7+s4], $0x80, v3, vm0, $0xb8;
	[tilespmem:$0x1CC00] =	vst v63  }
0x46: {  	s30 =	simm.s32 $0xBC00  }
0x47: {  	[tilespmem:s30], [sflag:$0x1] =	stream.indirect_vreg.gather [hbm4b:s8+s4], $0x80, v3, vm0, $0xb8;
	[tilespmem:$0x1CC00] =	vst v63  }
0x48: {  	v3 =	vld [tilespmem:$0x80];
	_ =	sdelay $0x4  }
0x49: {  	v60 =	vshll.u32 v3, $0x3  }
0x4a: {  	v3 =	vand.u32 $0x7, v3;
	v4 =	vand.u32 $0xFFFFFFC0, v60  }
0x4b: {  	v3 =	vor.u32 v3, v4  }
0x4c: {  	v4 =	vperm.xlane v3, v0;
	_ =	sdelay $0x1  }
0x4d: {  	v4 =	vadd.s32 v1, v4;
	_ =	sdelay $0x3  }
0x4e: {  	s31 =	simm.s32 $0xC400  }
0x4f: {  	[tilespmem:s31], [sflag:$0x2] =	stream.indirect_vreg.gather [hbm4b:s1+s4], $0x80, v4, vm0, $0xb8;
	[tilespmem:$0x1CC00] =	vst v63  }
0x50: {  	s22 =	simm.s32 $0xCC00;
	v3 =	vperm.xlane v3, v2  }
0x51: {  	[tilespmem:s22], [sflag:$0x2] =	stream.indirect_vreg.gather [hbm4b:s6+s4], $0x80, v4, vm0, $0xb8;
	[tilespmem:$0x1CC00] =	vst v63  }
0x52: {  	s23 =	simm.s32 $0xD400;
	v3 =	vadd.s32 v1, v3  }
0x53: {  	[tilespmem:s23], [sflag:$0x2] =	stream.indirect_vreg.gather [hbm4b:s7+s4], $0x80, v4, vm0, $0xb8;
	[tilespmem:$0x1CC00] =	vst v63  }
0x54: {  	_ = 	snop  }
0x55: {  	[tilespmem:s0], [sflag:$0x2] =	stream.indirect_vreg.gather [hbm4b:s8+s4], $0x80, v4, vm0, $0xb8;
	[tilespmem:$0x1CC00] =	vst v63  }
0x56: {  	_ = 	snop  }
0x57: {  	[tilespmem:s3], [sflag:$0x2] =	stream.indirect_vreg.gather [hbm4b:s1+s4], $0x80, v3, vm0, $0xb8;
	[tilespmem:$0x1CC00] =	vst v63  }
0x58: {  	_ = 	snop  }
0x59: {  	[tilespmem:s12], [sflag:$0x2] =	stream.indirect_vreg.gather [hbm4b:s6+s4], $0x80, v3, vm0, $0xb8;
	[tilespmem:$0x1CC00] =	vst v63  }
0x5a: {  	_ = 	snop  }
0x5b: {  	[tilespmem:s5], [sflag:$0x2] =	stream.indirect_vreg.gather [hbm4b:s7+s4], $0x80, v3, vm0, $0xb8;
	[tilespmem:$0x1CC00] =	vst v63  }
0x5c: {  	_ = 	snop  }
0x5d: {  	[tilespmem:s9], [sflag:$0x2] =	stream.indirect_vreg.gather [hbm4b:s8+s4], $0x80, v3, vm0, $0xb8;
	[tilespmem:$0x1CC00] =	vst v63  }
0x5e: {  	v3 =	vld [tilespmem:$0x90];
	_ =	sdelay $0x4  }
0x5f: {  	v61 =	vshll.u32 v3, $0x3  }
0x60: {  	v3 =	vand.u32 $0x7, v3;
	v4 =	vand.u32 $0xFFFFFFC0, v61  }
0x61: {  	v3 =	vor.u32 v3, v4  }
0x62: {  	v4 =	vperm.xlane v3, v0;
	_ =	sdelay $0x1  }
0x63: {  	v4 =	vadd.s32 v1, v4;
	_ =	sdelay $0x4  }
0x64: {  	[tilespmem:s10], [sflag:$0x2] =	stream.indirect_vreg.gather [hbm4b:s1+s4], $0x80, v4, vm0, $0xb8;
	[tilespmem:$0x1CC00] =	vst v63  }
0x65: {  	v3 =	vperm.xlane v3, v2  }
0x66: {  	[tilespmem:s11], [sflag:$0x2] =	stream.indirect_vreg.gather [hbm4b:s6+s4], $0x80, v4, vm0, $0xb8;
	[tilespmem:$0x1CC00] =	vst v63  }
0x67: {  	v3 =	vadd.s32 v1, v3  }
0x68: {  	[tilespmem:s13], [sflag:$0x2] =	stream.indirect_vreg.gather [hbm4b:s7+s4], $0x80, v4, vm0, $0xb8;
	[tilespmem:$0x1CC00] =	vst v63  }
0x69: {  	_ = 	snop  }
0x6a: {  	[tilespmem:s14], [sflag:$0x2] =	stream.indirect_vreg.gather [hbm4b:s8+s4], $0x80, v4, vm0, $0xb8;
	[tilespmem:$0x1CC00] =	vst v63  }
0x6b: {  	_ = 	snop  }
0x6c: {  	[tilespmem:s15], [sflag:$0x2] =	stream.indirect_vreg.gather [hbm4b:s1+s4], $0x80, v3, vm0, $0xb8;
	[tilespmem:$0x1CC00] =	vst v63  }
0x6d: {  	_ = 	snop  }
0x6e: {  	[tilespmem:s16], [sflag:$0x2] =	stream.indirect_vreg.gather [hbm4b:s6+s4], $0x80, v3, vm0, $0xb8;
	[tilespmem:$0x1CC00] =	vst v63  }
0x6f: {  	_ = 	snop  }
0x70: {  	[tilespmem:s17], [sflag:$0x2] =	stream.indirect_vreg.gather [hbm4b:s7+s4], $0x80, v3, vm0, $0xb8;
	[tilespmem:$0x1CC00] =	vst v63  }
0x71: {  	_ = 	snop  }
0x72: {  	[tilespmem:s18], [sflag:$0x2] =	stream.indirect_vreg.gather [hbm4b:s8+s4], $0x80, v3, vm0, $0xb8;
	[tilespmem:$0x1CC00] =	vst v63  }
0x73: {  	v3 =	vld [tilespmem:$0x100];
	_ =	sdelay $0x4  }
0x74: {  	v62 =	vshll.u32 v3, $0x3  }
0x75: {  	v3 =	vand.u32 $0x7, v3;
	v4 =	vand.u32 $0xFFFFFFC0, v62  }
0x76: {  	v3 =	vor.u32 v3, v4  }
0x77: {  	v4 =	vperm.xlane v3, v0;
	_ =	sdelay $0x1  }
0x78: {  	v4 =	vadd.s32 v1, v4;
	_ =	sdelay $0x3  }
0x79: {  	s24 =	simm.s32 $0x14400  }
0x7a: {  	[tilespmem:s24], [sflag:$0x3] =	stream.indirect_vreg.gather [hbm4b:s1+s4], $0x80, v4, vm0, $0xb8;
	[tilespmem:$0x1CC00] =	vst v63  }
0x7b: {  	s25 =	simm.s32 $0x14C00;
	v3 =	vperm.xlane v3, v2  }
0x7c: {  	[tilespmem:s25], [sflag:$0x3] =	stream.indirect_vreg.gather [hbm4b:s6+s4], $0x80, v4, vm0, $0xb8;
	[tilespmem:$0x1CC00] =	vst v63  }
0x7d: {  	s26 =	simm.s32 $0x15400;
	v3 =	vadd.s32 v1, v3  }
0x7e: {  	[tilespmem:s26], [sflag:$0x3] =	stream.indirect_vreg.gather [hbm4b:s7+s4], $0x80, v4, vm0, $0xb8;
	[tilespmem:$0x1CC00] =	vst v63  }
0x7f: {  	s28 =	simm.s32 $0x15C00  }
0x80: {  	[tilespmem:s28], [sflag:$0x3] =	stream.indirect_vreg.gather [hbm4b:s8+s4], $0x80, v4, vm0, $0xb8;
	[tilespmem:$0x1CC00] =	vst v63  }
0x81: {  	s29 =	simm.s32 $0x16400  }
0x82: {  	[tilespmem:s29], [sflag:$0x3] =	stream.indirect_vreg.gather [hbm4b:s1+s4], $0x80, v3, vm0, $0xb8;
	[tilespmem:$0x1CC00] =	vst v63  }
0x83: {  	s30 =	simm.s32 $0x16C00  }
0x84: {  	[tilespmem:s30], [sflag:$0x3] =	stream.indirect_vreg.gather [hbm4b:s6+s4], $0x80, v3, vm0, $0xb8;
	[tilespmem:$0x1CC00] =	vst v63  }
0x85: {  	s31 =	simm.s32 $0x17400  }
0x86: {  	[tilespmem:s31], [sflag:$0x3] =	stream.indirect_vreg.gather [hbm4b:s7+s4], $0x80, v3, vm0, $0xb8;
	[tilespmem:$0x1CC00] =	vst v63  }
0x87: {  	s22 =	simm.s32 $0x17C00  }
0x88: {  	[tilespmem:s22], [sflag:$0x3] =	stream.indirect_vreg.gather [hbm4b:s8+s4], $0x80, v3, vm0, $0xb8;
	[tilespmem:$0x1CC00] =	vst v63  }
0x89: {  	v3 =	vld [tilespmem:$0x110];
	_ =	sdelay $0x4  }
0x8a: {  	v63 =	vshll.u32 v3, $0x3  }
0x8b: {  	v3 =	vand.u32 $0x7, v3;
	v4 =	vand.u32 $0xFFFFFFC0, v63  }
0x8c: {  	v3 =	vor.u32 v3, v4  }
0x8d: {  	v4 =	vperm.xlane v3, v0;
	_ =	sdelay $0x1  }
0x8e: {  	v4 =	vadd.s32 v1, v4;
	_ =	sdelay $0x3  }
0x8f: {  	s23 =	simm.s32 $0x18400  }
0x90: {  	[tilespmem:s23], [sflag:$0x3] =	stream.indirect_vreg.gather [hbm4b:s1+s4], $0x80, v4, vm0, $0xb8;
	[tilespmem:$0x1CC00] =	vst v63  }
0x91: {  	s24 =	simm.s32 $0x18C00;
	v3 =	vperm.xlane v3, v2  }
0x92: {  	[tilespmem:s24], [sflag:$0x3] =	stream.indirect_vreg.gather [hbm4b:s6+s4], $0x80, v4, vm0, $0xb8;
	[tilespmem:$0x1CC00] =	vst v63  }
0x93: {  	s25 =	simm.s32 $0x19400;
	v3 =	vadd.s32 v1, v3  }
0x94: {  	[tilespmem:s25], [sflag:$0x3] =	stream.indirect_vreg.gather [hbm4b:s7+s4], $0x80, v4, vm0, $0xb8;
	[tilespmem:$0x1CC00] =	vst v63  }
0x95: {  	s26 =	simm.s32 $0x19C00  }
0x96: {  	[tilespmem:s26], [sflag:$0x3] =	stream.indirect_vreg.gather [hbm4b:s8+s4], $0x80, v4, vm0, $0xb8;
	[tilespmem:$0x1CC00] =	vst v63  }
0x97: {  	s28 =	simm.s32 $0x1A400  }
0x98: {  	[tilespmem:s28], [sflag:$0x3] =	stream.indirect_vreg.gather [hbm4b:s1+s4], $0x80, v3, vm0, $0xb8;
	[tilespmem:$0x1CC00] =	vst v63  }
0x99: {  	s29 =	simm.s32 $0x1AC00  }
0x9a: {  	[tilespmem:s29], [sflag:$0x3] =	stream.indirect_vreg.gather [hbm4b:s6+s4], $0x80, v3, vm0, $0xb8;
	[tilespmem:$0x1CC00] =	vst v63  }
0x9b: {  	s30 =	simm.s32 $0x1B400  }
0x9c: {  	[tilespmem:s30], [sflag:$0x3] =	stream.indirect_vreg.gather [hbm4b:s7+s4], $0x80, v3, vm0, $0xb8;
	[tilespmem:$0x1CC00] =	vst v63  }
0x9d: {  	s31 =	simm.s32 $0x1BC00;
	s22 =	simm.s32 $0x0  }
0x9e: {  	[tilespmem:s31], [sflag:$0x3] =	stream.indirect_vreg.gather [hbm4b:s8+s4], $0x80, v3, vm0, $0xb8;
	[tilespmem:$0x1CC00] =	vst v63  }
.LBB2_2:
0x9f: {  	_ =	swait.ge [sflag:s19], $0x8000  }
0xa0: {  	s2 =	simm.s32 $0x0;
	s23 =	simm.s32 $0x4000;
	[sflag:s19] =	ssyncset.done $0x0  }
0xa1: {  	s24 =	sand.u32 $0x70, s2;
	s25 =	sand.u32 $0x1C00, s2;
	[sflag:s19] =	ssyncadd.s32 $0xFFFF8000  }
0xa2: {  	s28 =	sor.u32 s24, s25;
	v4 =	vld [tilespmem:s23+$0x0]  }
0xa3: {  	v3 =	vld [tilespmem:s28+$0x6780]  }
0xa4: {  	v5 =	vld [tilespmem:s28+$0x4400]  }
0xa5: {  	v6 =	vld [tilespmem:s28+$0xA780]  }
0xa6: {  	v7 =	vld [tilespmem:s28+$0x4480]  }
0xa7: {  	v8 =	vld [tilespmem:s28+$0x4500]  }
0xa8: {  	v9 =	vld [tilespmem:s28+$0x4580]  }
0xa9: {  	v10 =	vld [tilespmem:s28+$0x4600]  }
0xaa: {  	s2 =	sor.u32 s2, s2;
	v11 =	vld [tilespmem:s28+$0x4680]  }
0xab: {  	s2 =	sor.u32 $0x380, s2;
	v12 =	vld [tilespmem:s28+$0x4700]  }
0xac: {  	v13 =	vld [tilespmem:s2+$0x4400]  }
0xad: {  	v14 =	vld [tilespmem:s28+$0x6400]  }
0xae: {  	v15 =	vld [tilespmem:s28+$0x6480]  }
0xaf: {  	v16 =	vld [tilespmem:s28+$0x6500]  }
0xb0: {  	v17 =	vld [tilespmem:s28+$0x6580]  }
0xb1: {  	v18 =	vld [tilespmem:s28+$0x6600]  }
0xb2: {  	v20 =	vld [tilespmem:s28+$0x6680]  }
0xb3: {  	v23 =	vld [tilespmem:s28+$0x6700]  }
0xb4: {  	v21 =	vld [tilespmem:s28+$0x8400];
	v3 =	vmul.f32 v3, v4;
	v5 =	vmul.f32 v5, v4  }
0xb5: {  	v24 =	vld [tilespmem:s28+$0x8500];
	v7 =	vmul.f32 v7, v4;
	v8 =	vmul.f32 v8, v4  }
0xb6: {  	v25 =	vld [tilespmem:s28+$0x8580];
	v9 =	vmul.f32 v9, v4;
	v10 =	vmul.f32 v10, v4  }
0xb7: {  	v30 =	vld [tilespmem:s28+$0x8680];
	v26 =	vmul.f32 v11, v4;
	v27 =	vmul.f32 v12, v4  }
0xb8: {  	v28 =	vmul.f32 v13, v4;
	v22 =	vmul.f32 v16, v4;
	v16 =	vld [tilespmem:s28+$0x8700]  }
0xb9: {  	v29 =	vmul.f32 v14, v4;
	v3 =	vmul.f32 v6, v3;
	v6 =	vld [tilespmem:s28+$0x8480]  }
0xba: {  	v11 =	vld [tilespmem:s28+$0x8600];
	v15 =	vmul.f32 v15, v4;
	v19 =	vmul.f32 v17, v4  }
0xbb: {  	v5 =	vmul.f32 v21, v5;
	v21 =	vmul.f32 v18, v4;
	v18 =	vld [tilespmem:s28+$0xA400]  }
0xbc: {  	v31 =	vld [tilespmem:s28+$0xA480];
	v14 =	vimm.f32 $0.0e+00;
	v20 =	vmul.f32 v20, v4;
	v23 =	vmul.f32 v23, v4  }
0xbd: {  	v17 =	vld [tilespmem:s28+$0x8780];
	v4 =	vimm.f32 $0.0e+00;
	v13 =	vadd.f32 v5, v14;
	v5 =	vmul.f32 v24, v8  }
0xbe: {  	v3 =	vadd.f32 v3, v14;
	v16 =	vmul.f32 v16, v27;
	v6 =	vmul.f32 v6, v7  }
0xbf: {  	v7 =	vmul.f32 v11, v10;
	v11 =	vadd.f32 v5, v14;
	v5 =	vmul.f32 v30, v26  }
0xc0: {  	v24 =	vld [tilespmem:s28+$0xA500];
	v29 =	vmul.f32 v18, v29;
	v12 =	vadd.f32 v6, v14;
	v6 =	vmul.f32 v25, v9  }
0xc1: {  	v30 =	vmul.f32 v31, v15;
	v18 =	vimm.f32 $0.0e+00;
	v15 =	vimm.f32 $0.0e+00;
	v25 =	vld [tilespmem:s28+$0xA580]  }
0xc2: {  	v26 =	vld [tilespmem:s28+$0xA600];
	v9 =	vadd.f32 v7, v14;
	v10 =	vadd.f32 v6, v14;
	v6 =	vmul.f32 v17, v28  }
0xc3: {  	s26 =	simm.s32 $0x20;
	s24 =	simm.s32 $0x10;
	s23 =	simm.s32 $0x80;
	v27 =	vld [tilespmem:s28+$0xA680];
	v8 =	vadd.f32 v5, v14;
	v7 =	vadd.f32 v16, v14;
	v16 =	vimm.f32 $0.0e+00  }
0xc4: {  	s25 =	simm.s32 $0x4010;
	s29 =	sand.u32 $0x70, s24;
	s2 =	sand.u32 $0x1C00, s23;
	v5 =	vimm.f32 $0.0e+00;
	v17 =	vimm.f32 $0.0e+00;
	v28 =	vld [tilespmem:s28+$0xA700];
	v6 =	vadd.f32 v6, v14  }
.LBB2_3:
0xc5: {  	p0 =	sne.s32 s26, $0x3F0;
	v31 =	vld [tilespmem:s25+$0x0];
	s28 =	sor.u32 s29, s2;
	s2 =	sor.u32 s23, s24;
	v14 =	vadd.f32 v29, v14;
	v22 =	vmul.f32 v24, v22  }
0xc6: {  	s24 =	smov.u32 s26;
	s2 =	sor.u32 $0x380, s2;
	v24 =	vld [tilespmem:s28+$0x6780];
	v18 =	vadd.f32 v30, v18;
	v19 =	vmul.f32 v25, v19  }
0xc7: {  	v25 =	vld [tilespmem:s28+$0x4400];
	v17 =	vadd.f32 v22, v17;
	v21 =	vmul.f32 v26, v21  }
0xc8: {  	v22 =	vld [tilespmem:s28+$0xA780];
	v15 =	vadd.f32 v19, v15;
	v19 =	vmul.f32 v27, v20  }
0xc9: {  	v20 =	vld [tilespmem:s28+$0x4480];
	v16 =	vadd.f32 v21, v16;
	v21 =	vmul.f32 v28, v23  }
0xca: {  	v23 =	vld [tilespmem:s28+$0x4500];
	v5 =	vadd.f32 v19, v5  }
0xcb: {  	v19 =	vld [tilespmem:s28+$0x4580];
	v24 =	vmul.f32 v24, v31;
	v4 =	vadd.f32 v21, v4  }
0xcc: {  	v25 =	vmul.f32 v25, v31;
	v21 =	vld [tilespmem:s28+$0x4600]  }
0xcd: {  	v26 =	vld [tilespmem:s28+$0x4680];
	v22 =	vmul.f32 v22, v24  }
0xce: {  	v24 =	vmul.f32 v20, v31;
	v20 =	vld [tilespmem:s28+$0x4700]  }
0xcf: {  	v27 =	vmul.f32 v23, v31;
	v23 =	vld [tilespmem:s2+$0x4400];
	v3 =	vadd.f32 v22, v3  }
0xd0: {  	v28 =	vmul.f32 v19, v31;
	v19 =	vld [tilespmem:s28+$0x6400]  }
0xd1: {  	v29 =	vmul.f32 v21, v31;
	v21 =	vld [tilespmem:s28+$0x6480]  }
0xd2: {  	v26 =	vmul.f32 v26, v31;
	v22 =	vld [tilespmem:s28+$0x6500]  }
0xd3: {  	v30 =	vmul.f32 v20, v31;
	v20 =	vld [tilespmem:s28+$0x6580]  }
0xd4: {  	v32 =	vmul.f32 v23, v31;
	v23 =	vld [tilespmem:s28+$0x6600]  }
0xd5: {  	v33 =	vmul.f32 v19, v31;
	v34 =	vld [tilespmem:s28+$0x6680]  }
0xd6: {  	v35 =	vmul.f32 v21, v31;
	v36 =	vld [tilespmem:s28+$0x6700]  }
0xd7: {  	v37 =	vld [tilespmem:s28+$0x8400];
	v22 =	vmul.f32 v22, v31  }
0xd8: {  	v38 =	vld [tilespmem:s28+$0x8480];
	v19 =	vmul.f32 v20, v31  }
0xd9: {  	v39 =	vld [tilespmem:s28+$0x8500];
	v21 =	vmul.f32 v23, v31  }
0xda: {  	v40 =	vld [tilespmem:s28+$0x8580];
	v20 =	vmul.f32 v34, v31  }
0xdb: {  	v34 =	vld [tilespmem:s28+$0x8600];
	v23 =	vmul.f32 v36, v31  }
0xdc: {  	v25 =	vmul.f32 v37, v25;
	v31 =	vld [tilespmem:s28+$0x8680]  }
0xdd: {  	v24 =	vmul.f32 v38, v24;
	v36 =	vld [tilespmem:s28+$0x8700]  }
0xde: {  	v13 =	vadd.f32 v25, v13;
	v25 =	vmul.f32 v39, v27;
	v27 =	vld [tilespmem:s28+$0x8780]  }
0xdf: {  	v12 =	vadd.f32 v24, v12;
	v24 =	vmul.f32 v40, v28;
	v28 =	vld [tilespmem:s28+$0xA400]  }
0xe0: {  	v11 =	vadd.f32 v25, v11;
	v25 =	vmul.f32 v34, v29;
	v34 =	vld [tilespmem:s28+$0xA480]  }
.Ltmp0:
0xe1: {  	v10 =	vadd.f32 v24, v10;
	v26 =	vmul.f32 v31, v26;
	v24 =	vld [tilespmem:s28+$0xA500];
	(pc) =	sbr.rel @p0 .LBB2_3-.Ltmp0, $4  }
0xe2: {  	v9 =	vadd.f32 v25, v9;
	v29 =	vmul.f32 v36, v30;
	v25 =	vld [tilespmem:s28+$0xA580]  }
0xe3: {  	v8 =	vadd.f32 v26, v8;
	v30 =	vmul.f32 v27, v32;
	v26 =	vld [tilespmem:s28+$0xA600]  }
0xe4: {  	s23 =	sadd.s32 $0x80, s23;
	s25 =	sadd.s32 $0x10, s25;
	v7 =	vadd.f32 v29, v7;
	v29 =	vmul.f32 v28, v33;
	v27 =	vld [tilespmem:s28+$0xA680]  }
0xe5: {  	s26 =	sadd.s32 $0x10, s26;
	s29 =	sand.u32 $0x70, s24;
	s2 =	sand.u32 $0x1C00, s23;
	v6 =	vadd.f32 v30, v6;
	v30 =	vmul.f32 v34, v35;
	v28 =	vld [tilespmem:s28+$0xA700]  }
0xe6: {  	v31 =	vld [tilespmem:s25+$0x0];
	s30 =	sor.u32 s29, s2  }
0xe7: {  	v32 =	vld [tilespmem:s30+$0x4400]  }
0xe8: {  	v33 =	vld [tilespmem:s30+$0x4480]  }
0xe9: {  	v34 =	vld [tilespmem:s30+$0x4500]  }
0xea: {  	v35 =	vld [tilespmem:s30+$0x4580]  }
0xeb: {  	v36 =	vld [tilespmem:s30+$0x4600]  }
0xec: {  	v37 =	vld [tilespmem:s30+$0x4680]  }
0xed: {  	v38 =	vld [tilespmem:s30+$0x4700]  }
0xee: {  	v40 =	vld [tilespmem:s30+$0x6400]  }
0xef: {  	v41 =	vld [tilespmem:s30+$0x6480]  }
0xf0: {  	v42 =	vld [tilespmem:s30+$0x6500]  }
0xf1: {  	v43 =	vld [tilespmem:s30+$0x6580]  }
0xf2: {  	v44 =	vld [tilespmem:s30+$0x6600]  }
0xf3: {  	v45 =	vld [tilespmem:s30+$0x6680]  }
0xf4: {  	v47 =	vld [tilespmem:s30+$0x8400]  }
0xf5: {  	v22 =	vmul.f32 v24, v22;
	v24 =	vld [tilespmem:s30+$0x8480]  }
0xf6: {  	v19 =	vmul.f32 v25, v19;
	v25 =	vld [tilespmem:s30+$0x8500]  }
0xf7: {  	v14 =	vadd.f32 v29, v14;
	v29 =	vld [tilespmem:s30+$0x8680];
	v21 =	vmul.f32 v26, v21  }
0xf8: {  	s24 =	sor.u32 s23, s24;
	v18 =	vadd.f32 v30, v18;
	v20 =	vmul.f32 v27, v20;
	v27 =	vld [tilespmem:s30+$0x8580];
	v26 =	vmul.f32 v32, v31  }
0xf9: {  	s2 =	sor.u32 $0x380, s24;
	v17 =	vadd.f32 v22, v17;
	v22 =	vmul.f32 v28, v23;
	v28 =	vld [tilespmem:s30+$0x8600];
	v23 =	vmul.f32 v33, v31  }
0xfa: {  	v39 =	vld [tilespmem:s2+$0x4400];
	v15 =	vadd.f32 v19, v15;
	v19 =	vmul.f32 v34, v31;
	v26 =	vmul.f32 v47, v26  }
0xfb: {  	v16 =	vadd.f32 v21, v16;
	v21 =	vmul.f32 v35, v31;
	v23 =	vmul.f32 v24, v23;
	v24 =	vld [tilespmem:s30+$0x8700]  }
0xfc: {  	v46 =	vld [tilespmem:s30+$0x6700];
	v19 =	vmul.f32 v25, v19;
	v13 =	vadd.f32 v26, v13;
	v26 =	vmul.f32 v36, v31  }
0xfd: {  	v30 =	vmul.f32 v38, v31;
	v25 =	vld [tilespmem:s30+$0x8780];
	v21 =	vmul.f32 v27, v21;
	v12 =	vadd.f32 v23, v12  }
0xfe: {  	v27 =	vld [tilespmem:s30+$0xA400];
	v23 =	vmul.f32 v37, v31;
	v11 =	vadd.f32 v19, v11;
	v19 =	vmul.f32 v28, v26  }
0xff: {  	v10 =	vadd.f32 v21, v10;
	v26 =	vld [tilespmem:s30+$0xA480];
	(xrf2) =	vadd.scan.msk.f32 $0xffff, v13;
	v13 =	vmul.f32 v39, v31  }
0x100: {  	v21 =	vmul.f32 v29, v23;
	v23 =	vld [tilespmem:s30+$0xA500];
	(xrf2) =	vadd.scan.msk.f32 $0xffff, v12;
	v9 =	vadd.f32 v19, v9;
	v19 =	vmul.f32 v24, v30  }
0x101: {  	v12 =	vmul.f32 v40, v31;
	v24 =	vld [tilespmem:s30+$0xA580];
	(xrf2) =	vadd.scan.msk.f32 $0xffff, v11  }
0x102: {  	v8 =	vadd.f32 v21, v8;
	v13 =	vmul.f32 v25, v13;
	(xrf2) =	vadd.scan.msk.f32 $0xffff, v10;
	v7 =	vadd.f32 v19, v7;
	v19 =	vld [tilespmem:s30+$0xA680]  }
0x103: {  	v11 =	vmul.f32 v41, v31;
	v21 =	vld [tilespmem:s30+$0xA600];
	v10 =	vmul.f32 v42, v31;
	(xrf2) =	vadd.scan.msk.f32 $0xffff, v9  }
0x104: {  	v12 =	vmul.f32 v27, v12;
	v9 =	vmul.f32 v43, v31;
	v6 =	vadd.f32 v13, v6;
	v13 =	vld [tilespmem:s30+$0xA700];
	(xrf2) =	vadd.scan.msk.f32 $0xffff, v8  }
0x105: {  	v11 =	vmul.f32 v26, v11;
	v8 =	vld [tilespmem:s30+$0x6780];
	(xrf2) =	vadd.scan.msk.f32 $0xffff, v7;
	v7 =	vmul.f32 v45, v31  }
0x106: {  	v25 =	vmul.f32 v44, v31;
	v12 =	vadd.f32 v12, v14;
	v10 =	vmul.f32 v23, v10  }
0x107: {  	v11 =	vadd.f32 v11, v18;
	v9 =	vmul.f32 v24, v9;
	(xrf2) =	vadd.scan.msk.f32 $0xffff, v6;
	v6 =	vld [tilespmem:s30+$0xA780];
	v7 =	vmul.f32 v19, v7  }
0x108: {  	v14 =	vmul.f32 v46, v31;
	v10 =	vadd.f32 v10, v17;
	(xrf2) =	vadd.scan.msk.f32 $0xffff, v12  }
0x109: {  	v5 =	vadd.f32 v20, v5;
	v17 =	vmul.f32 v21, v25;
	v9 =	vadd.f32 v9, v15;
	(xrf2) =	vadd.scan.msk.f32 $0xffff, v11  }
0x10a: {  	v4 =	vadd.f32 v22, v4;
	v12 =	vmul.f32 v13, v14;
	v13, _, _ =	vpop (xrf2);
	(xrf2) =	vadd.scan.msk.f32 $0xffff, v10;
	v8 =	vmul.f32 v8, v31  }
0x10b: {  	v5 =	vadd.f32 v7, v5;
	v7, _, _ =	vpop (xrf2);
	(xrf2) =	vadd.scan.msk.f32 $0xffff, v9;
	v9 =	vbroadcast v13, $0xF  }
0x10c: {  	v11 =	vadd.f32 v17, v16;
	v4 =	vadd.f32 v12, v4;
	v6 =	vmul.f32 v6, v8;
	v10, _, _ =	vpop (xrf2)  }
0x10d: {  	v7 =	vbroadcast v7, $0xF;
	v8 =	vbroadcast v10, $0xF  }
0x10e: {  	(xrf2) =	vadd.scan.msk.f32 $0xffff, v11;
	v10, _, _ =	vpop (xrf2)  }
0x10f: {  	(xrf2) =	vadd.scan.msk.f32 $0xffff, v5;
	v5 =	vsel vm1, v9, v7;
	v7 =	vbroadcast v10, $0xF;
	v9, _, _ =	vpop (xrf2)  }
0x110: {  	v3 =	vadd.f32 v6, v3;
	(xrf2) =	vadd.scan.msk.f32 $0xffff, v4;
	v5 =	vsel vm2, v5, v8;
	v4, _, _ =	vpop (xrf2);
	v6 =	vbroadcast v9, $0xF  }
0x111: {  	v5 =	vsel vm3, v5, v7;
	v8, _, _ =	vpop (xrf2)  }
0x112: {  	v4 =	vbroadcast v4, $0xF;
	v5 =	vsel vm4, v5, v6;
	v6 =	vbroadcast v8, $0xF  }
0x113: {  	v7, _, _ =	vpop (xrf2)  }
0x114: {  	(xrf2) =	vadd.scan.msk.f32 $0xffff, v3;
	v3, _, _ =	vpop (xrf2);
	v4 =	vsel vm5, v5, v4;
	v5 =	vbroadcast v7, $0xF  }
0x115: {  	v7, _, _ =	vpop (xrf2);
	v4 =	vsel vm6, v4, v6;
	v3 =	vbroadcast v3, $0xF  }
0x116: {  	v4 =	vsel vm7, v4, v5;
	v5 =	vbroadcast v7, $0xF;
	v6, _, _ =	vpop (xrf2)  }
0x117: {  	v3 =	vsel vm8, v4, v3;
	v7, _, _ =	vpop (xrf2);
	v4 =	vbroadcast v6, $0xF  }
0x118: {  	v3 =	vsel vm9, v3, v5;
	v6, _, _ =	vpop (xrf2);
	v5 =	vbroadcast v7, $0xF  }
0x119: {  	v7, _, _ =	vpop (xrf2);
	v3 =	vsel vm10, v3, v4;
	v4 =	vbroadcast v6, $0xF  }
0x11a: {  	v6, _, _ =	vpop (xrf2);
	v3 =	vsel vm11, v3, v5  }
0x11b: {  	v3 =	vsel vm12, v3, v4;
	v4 =	vbroadcast v6, $0xF  }
0x11c: {  	v5 =	vbroadcast v7, $0xF;
	_ =	sdelay $0x1  }
0x11d: {  	s25 =	smul.u32 $0xC0, s22;
	v3 =	vsel vm13, v3, v5  }
0x11e: {  	s26 =	smul.u32 $0x600, s22;
	v3 =	vsel vm14, v3, v4;
	v4, _, _ =	vpop (xrf2)  }
0x11f: {  	s24 =	sshra.s32 s25, $0x2;
	v3 =	vsel vm15, v3, v4  }
0x120: {  	s23 =	sshra.s32 s26, $0x2;
	[tilespmem:s24+$0x1C400] =	vst v3  }
0x121: {  	v3 =	vld [tilespmem:s23+$0x180];
	_ =	sdelay $0x4  }
0x122: {  	v4 =	vshll.u32 v3, $0x3  }
0x123: {  	v3 =	vand.u32 $0x7, v3;
	v4 =	vand.u32 $0xFFFFFFC0, v4  }
0x124: {  	v3 =	vor.u32 v3, v4  }
0x125: {  	v4 =	vperm.xlane v3, v0;
	_ =	sdelay $0x1  }
0x126: {  	v4 =	vadd.s32 v1, v4;
	_ =	sdelay $0x3  }
0x127: {  	s2 =	simm.s32 $0x0;
	s30 =	simm.s32 $0x4400  }
0x128: {  	[tilespmem:s30], [sflag:$0x1] =	stream.indirect_vreg.gather [hbm4b:s1+s2], $0x80, v4, vm0, $0xb8;
	[tilespmem:$0x1CC00] =	vst v63  }
0x129: {  	s26 =	simm.s32 $0x4C00;
	v3 =	vperm.xlane v3, v2  }
0x12a: {  	[tilespmem:s26], [sflag:$0x1] =	stream.indirect_vreg.gather [hbm4b:s6+s2], $0x80, v4, vm0, $0xb8;
	[tilespmem:$0x1CC00] =	vst v63  }
0x12b: {  	v3 =	vadd.s32 v1, v3;
	s30 =	simm.s32 $0x5400  }
0x12c: {  	[tilespmem:s30], [sflag:$0x1] =	stream.indirect_vreg.gather [hbm4b:s7+s2], $0x80, v4, vm0, $0xb8;
	[tilespmem:$0x1CC00] =	vst v63  }
0x12d: {  	s26 =	simm.s32 $0x5C00  }
0x12e: {  	[tilespmem:s26], [sflag:$0x1] =	stream.indirect_vreg.gather [hbm4b:s8+s2], $0x80, v4, vm0, $0xb8;
	[tilespmem:$0x1CC00] =	vst v63  }
0x12f: {  	s30 =	simm.s32 $0x6400  }
0x130: {  	[tilespmem:s30], [sflag:$0x1] =	stream.indirect_vreg.gather [hbm4b:s1+s2], $0x80, v3, vm0, $0xb8;
	[tilespmem:$0x1CC00] =	vst v63  }
0x131: {  	s26 =	simm.s32 $0x6C00  }
0x132: {  	[tilespmem:s26], [sflag:$0x1] =	stream.indirect_vreg.gather [hbm4b:s6+s2], $0x80, v3, vm0, $0xb8;
	[tilespmem:$0x1CC00] =	vst v63  }
0x133: {  	s30 =	simm.s32 $0x7400  }
0x134: {  	[tilespmem:s30], [sflag:$0x1] =	stream.indirect_vreg.gather [hbm4b:s7+s2], $0x80, v3, vm0, $0xb8;
	[tilespmem:$0x1CC00] =	vst v63  }
0x135: {  	s26 =	simm.s32 $0x7C00  }
0x136: {  	[tilespmem:s26], [sflag:$0x1] =	stream.indirect_vreg.gather [hbm4b:s8+s2], $0x80, v3, vm0, $0xb8;
	[tilespmem:$0x1CC00] =	vst v63  }
0x137: {  	v3 =	vld [tilespmem:s23+$0x190];
	_ =	sdelay $0x4  }
0x138: {  	v4 =	vshll.u32 v3, $0x3  }
0x139: {  	v3 =	vand.u32 $0x7, v3;
	v4 =	vand.u32 $0xFFFFFFC0, v4  }
0x13a: {  	v3 =	vor.u32 v3, v4  }
0x13b: {  	v4 =	vperm.xlane v3, v0;
	_ =	sdelay $0x1  }
0x13c: {  	v4 =	vadd.s32 v1, v4;
	_ =	sdelay $0x3  }
0x13d: {  	s30 =	simm.s32 $0x8400  }
0x13e: {  	[tilespmem:s30], [sflag:$0x1] =	stream.indirect_vreg.gather [hbm4b:s1+s2], $0x80, v4, vm0, $0xb8;
	[tilespmem:$0x1CC00] =	vst v63  }
0x13f: {  	s26 =	simm.s32 $0x8C00;
	v3 =	vperm.xlane v3, v2  }
0x140: {  	[tilespmem:s26], [sflag:$0x1] =	stream.indirect_vreg.gather [hbm4b:s6+s2], $0x80, v4, vm0, $0xb8;
	[tilespmem:$0x1CC00] =	vst v63  }
0x141: {  	v3 =	vadd.s32 v1, v3;
	s30 =	simm.s32 $0x9400  }
0x142: {  	[tilespmem:s30], [sflag:$0x1] =	stream.indirect_vreg.gather [hbm4b:s7+s2], $0x80, v4, vm0, $0xb8;
	[tilespmem:$0x1CC00] =	vst v63  }
0x143: {  	s26 =	simm.s32 $0x9C00  }
0x144: {  	[tilespmem:s26], [sflag:$0x1] =	stream.indirect_vreg.gather [hbm4b:s8+s2], $0x80, v4, vm0, $0xb8;
	[tilespmem:$0x1CC00] =	vst v63  }
0x145: {  	s30 =	simm.s32 $0xA400  }
0x146: {  	[tilespmem:s30], [sflag:$0x1] =	stream.indirect_vreg.gather [hbm4b:s1+s2], $0x80, v3, vm0, $0xb8;
	[tilespmem:$0x1CC00] =	vst v63  }
0x147: {  	s26 =	simm.s32 $0xAC00  }
0x148: {  	[tilespmem:s26], [sflag:$0x1] =	stream.indirect_vreg.gather [hbm4b:s6+s2], $0x80, v3, vm0, $0xb8;
	[tilespmem:$0x1CC00] =	vst v63  }
0x149: {  	s30 =	simm.s32 $0xB400  }
0x14a: {  	[tilespmem:s30], [sflag:$0x1] =	stream.indirect_vreg.gather [hbm4b:s7+s2], $0x80, v3, vm0, $0xb8;
	[tilespmem:$0x1CC00] =	vst v63  }
0x14b: {  	s26 =	simm.s32 $0xBC00  }
0x14c: {  	[tilespmem:s26], [sflag:$0x1] =	stream.indirect_vreg.gather [hbm4b:s8+s2], $0x80, v3, vm0, $0xb8;
	[tilespmem:$0x1CC00] =	vst v63  }
0x14d: {  	_ =	swait.ge [sflag:s20], $0x8000  }
0x14e: {  	s28 =	sand.u32 $0x1C00, s2;
	[sflag:s20] =	ssyncset.done $0x0  }
0x14f: {  	s30 =	simm.s32 $0x4000;
	s26 =	sand.u32 $0x70, s2;
	[sflag:s20] =	ssyncadd.s32 $0xFFFF8000  }
0x150: {  	s29 =	sor.u32 s26, s28;
	v4 =	vld [tilespmem:s30+$0x0]  }
0x151: {  	v3 =	vld [tilespmem:s29+$0xE780]  }
0x152: {  	v5 =	vld [tilespmem:s29+$0xC400]  }
0x153: {  	v6 =	vld [tilespmem:s29+$0x12780]  }
0x154: {  	v7 =	vld [tilespmem:s29+$0xC480]  }
0x155: {  	v8 =	vld [tilespmem:s29+$0xC500]  }
0x156: {  	v9 =	vld [tilespmem:s29+$0xC580]  }
0x157: {  	v10 =	vld [tilespmem:s29+$0xC600]  }
0x158: {  	s2 =	sor.u32 s2, s2;
	v11 =	vld [tilespmem:s29+$0xC680]  }
0x159: {  	s2 =	sor.u32 $0x380, s2;
	v12 =	vld [tilespmem:s29+$0xC700]  }
0x15a: {  	v13 =	vld [tilespmem:s2+$0xC400]  }
0x15b: {  	v14 =	vld [tilespmem:s29+$0xE400]  }
0x15c: {  	v15 =	vld [tilespmem:s29+$0xE480]  }
0x15d: {  	v16 =	vld [tilespmem:s29+$0xE500]  }
0x15e: {  	v17 =	vld [tilespmem:s29+$0xE580]  }
0x15f: {  	v18 =	vld [tilespmem:s29+$0xE600]  }
0x160: {  	v20 =	vld [tilespmem:s29+$0xE680]  }
0x161: {  	v23 =	vld [tilespmem:s29+$0xE700]  }
0x162: {  	v21 =	vld [tilespmem:s29+$0x10400];
	v3 =	vmul.f32 v3, v4;
	v5 =	vmul.f32 v5, v4  }
0x163: {  	v24 =	vld [tilespmem:s29+$0x10500];
	v7 =	vmul.f32 v7, v4;
	v8 =	vmul.f32 v8, v4  }
0x164: {  	v25 =	vld [tilespmem:s29+$0x10580];
	v9 =	vmul.f32 v9, v4;
	v10 =	vmul.f32 v10, v4  }
0x165: {  	v30 =	vld [tilespmem:s29+$0x10680];
	v26 =	vmul.f32 v11, v4;
	v27 =	vmul.f32 v12, v4  }
0x166: {  	v28 =	vmul.f32 v13, v4;
	v22 =	vmul.f32 v16, v4;
	v16 =	vld [tilespmem:s29+$0x10700]  }
0x167: {  	v29 =	vmul.f32 v14, v4;
	v3 =	vmul.f32 v6, v3;
	v6 =	vld [tilespmem:s29+$0x10480]  }
0x168: {  	v11 =	vld [tilespmem:s29+$0x10600];
	v15 =	vmul.f32 v15, v4;
	v19 =	vmul.f32 v17, v4  }
0x169: {  	v5 =	vmul.f32 v21, v5;
	v21 =	vmul.f32 v18, v4;
	v18 =	vld [tilespmem:s29+$0x12400]  }
0x16a: {  	v31 =	vld [tilespmem:s29+$0x12480];
	v14 =	vimm.f32 $0.0e+00;
	v20 =	vmul.f32 v20, v4;
	v23 =	vmul.f32 v23, v4  }
0x16b: {  	v17 =	vld [tilespmem:s29+$0x10780];
	v4 =	vimm.f32 $0.0e+00;
	v13 =	vadd.f32 v5, v14;
	v5 =	vmul.f32 v24, v8  }
0x16c: {  	v3 =	vadd.f32 v3, v14;
	v16 =	vmul.f32 v16, v27;
	v6 =	vmul.f32 v6, v7  }
0x16d: {  	v7 =	vmul.f32 v11, v10;
	v11 =	vadd.f32 v5, v14;
	v5 =	vmul.f32 v30, v26  }
0x16e: {  	v24 =	vld [tilespmem:s29+$0x12500];
	v29 =	vmul.f32 v18, v29;
	v12 =	vadd.f32 v6, v14;
	v6 =	vmul.f32 v25, v9  }
0x16f: {  	v30 =	vmul.f32 v31, v15;
	v18 =	vimm.f32 $0.0e+00;
	v15 =	vimm.f32 $0.0e+00;
	v25 =	vld [tilespmem:s29+$0x12580]  }
0x170: {  	v26 =	vld [tilespmem:s29+$0x12600];
	v9 =	vadd.f32 v7, v14;
	v10 =	vadd.f32 v6, v14;
	v6 =	vmul.f32 v17, v28  }
0x171: {  	s25 =	simm.s32 $0x80;
	s26 =	simm.s32 $0x10;
	s28 =	simm.s32 $0x4010;
	v27 =	vld [tilespmem:s29+$0x12680];
	v8 =	vadd.f32 v5, v14;
	v7 =	vadd.f32 v16, v14;
	v16 =	vimm.f32 $0.0e+00  }
0x172: {  	s31 =	sand.u32 $0x70, s26;
	s2 =	sand.u32 $0x1C00, s25;
	v5 =	vimm.f32 $0.0e+00;
	v17 =	vimm.f32 $0.0e+00;
	v28 =	vld [tilespmem:s29+$0x12700];
	s29 =	simm.s32 $0x20;
	v6 =	vadd.f32 v6, v14  }
.LBB2_5:
0x173: {  	p0 =	sne.s32 s29, $0x3F0;
	v31 =	vld [tilespmem:s28+$0x0];
	s30 =	sor.u32 s31, s2;
	s2 =	sor.u32 s25, s26;
	v14 =	vadd.f32 v29, v14;
	v22 =	vmul.f32 v24, v22  }
0x174: {  	s26 =	smov.u32 s29;
	s2 =	sor.u32 $0x380, s2;
	v24 =	vld [tilespmem:s30+$0xE780];
	v18 =	vadd.f32 v30, v18;
	v19 =	vmul.f32 v25, v19  }
0x175: {  	v25 =	vld [tilespmem:s30+$0xC400];
	v17 =	vadd.f32 v22, v17;
	v21 =	vmul.f32 v26, v21  }
0x176: {  	v22 =	vld [tilespmem:s30+$0x12780];
	v15 =	vadd.f32 v19, v15;
	v19 =	vmul.f32 v27, v20  }
0x177: {  	v20 =	vld [tilespmem:s30+$0xC480];
	v16 =	vadd.f32 v21, v16;
	v21 =	vmul.f32 v28, v23  }
0x178: {  	v23 =	vld [tilespmem:s30+$0xC500];
	v5 =	vadd.f32 v19, v5  }
0x179: {  	v19 =	vld [tilespmem:s30+$0xC580];
	v24 =	vmul.f32 v24, v31;
	v4 =	vadd.f32 v21, v4  }
0x17a: {  	v25 =	vmul.f32 v25, v31;
	v21 =	vld [tilespmem:s30+$0xC600]  }
0x17b: {  	v26 =	vld [tilespmem:s30+$0xC680];
	v22 =	vmul.f32 v22, v24  }
0x17c: {  	v24 =	vmul.f32 v20, v31;
	v20 =	vld [tilespmem:s30+$0xC700]  }
0x17d: {  	v27 =	vmul.f32 v23, v31;
	v23 =	vld [tilespmem:s2+$0xC400];
	v3 =	vadd.f32 v22, v3  }
0x17e: {  	v28 =	vmul.f32 v19, v31;
	v19 =	vld [tilespmem:s30+$0xE400]  }
0x17f: {  	v29 =	vmul.f32 v21, v31;
	v21 =	vld [tilespmem:s30+$0xE480]  }
0x180: {  	v26 =	vmul.f32 v26, v31;
	v22 =	vld [tilespmem:s30+$0xE500]  }
0x181: {  	v30 =	vmul.f32 v20, v31;
	v20 =	vld [tilespmem:s30+$0xE580]  }
0x182: {  	v32 =	vmul.f32 v23, v31;
	v23 =	vld [tilespmem:s30+$0xE600]  }
0x183: {  	v33 =	vmul.f32 v19, v31;
	v34 =	vld [tilespmem:s30+$0xE680]  }
0x184: {  	v35 =	vmul.f32 v21, v31;
	v36 =	vld [tilespmem:s30+$0xE700]  }
0x185: {  	v37 =	vld [tilespmem:s30+$0x10400];
	v22 =	vmul.f32 v22, v31  }
0x186: {  	v38 =	vld [tilespmem:s30+$0x10480];
	v19 =	vmul.f32 v20, v31  }
0x187: {  	v39 =	vld [tilespmem:s30+$0x10500];
	v21 =	vmul.f32 v23, v31  }
0x188: {  	v40 =	vld [tilespmem:s30+$0x10580];
	v20 =	vmul.f32 v34, v31  }
0x189: {  	v34 =	vld [tilespmem:s30+$0x10600];
	v23 =	vmul.f32 v36, v31  }
0x18a: {  	v25 =	vmul.f32 v37, v25;
	v31 =	vld [tilespmem:s30+$0x10680]  }
0x18b: {  	v24 =	vmul.f32 v38, v24;
	v36 =	vld [tilespmem:s30+$0x10700]  }
0x18c: {  	v13 =	vadd.f32 v25, v13;
	v25 =	vmul.f32 v39, v27;
	v27 =	vld [tilespmem:s30+$0x10780]  }
0x18d: {  	v12 =	vadd.f32 v24, v12;
	v24 =	vmul.f32 v40, v28;
	v28 =	vld [tilespmem:s30+$0x12400]  }
0x18e: {  	v11 =	vadd.f32 v25, v11;
	v25 =	vmul.f32 v34, v29;
	v34 =	vld [tilespmem:s30+$0x12480]  }
.Ltmp1:
0x18f: {  	v10 =	vadd.f32 v24, v10;
	v26 =	vmul.f32 v31, v26;
	v24 =	vld [tilespmem:s30+$0x12500];
	(pc) =	sbr.rel @p0 .LBB2_5-.Ltmp1, $4  }
0x190: {  	v9 =	vadd.f32 v25, v9;
	v29 =	vmul.f32 v36, v30;
	v25 =	vld [tilespmem:s30+$0x12580]  }
0x191: {  	v8 =	vadd.f32 v26, v8;
	v30 =	vmul.f32 v27, v32;
	v26 =	vld [tilespmem:s30+$0x12600]  }
0x192: {  	s25 =	sadd.s32 $0x80, s25;
	s28 =	sadd.s32 $0x10, s28;
	v7 =	vadd.f32 v29, v7;
	v29 =	vmul.f32 v28, v33;
	v27 =	vld [tilespmem:s30+$0x12680]  }
0x193: {  	s29 =	sadd.s32 $0x10, s29;
	s31 =	sand.u32 $0x70, s26;
	s2 =	sand.u32 $0x1C00, s25;
	v6 =	vadd.f32 v30, v6;
	v30 =	vmul.f32 v34, v35;
	v28 =	vld [tilespmem:s30+$0x12700]  }
0x194: {  	v31 =	vld [tilespmem:s28+$0x0];
	s28 =	sor.u32 s31, s2  }
0x195: {  	v32 =	vld [tilespmem:s28+$0xC400]  }
0x196: {  	v33 =	vld [tilespmem:s28+$0xC480]  }
0x197: {  	v34 =	vld [tilespmem:s28+$0xC500]  }
0x198: {  	v35 =	vld [tilespmem:s28+$0xC580]  }
0x199: {  	v36 =	vld [tilespmem:s28+$0xC600]  }
0x19a: {  	v37 =	vld [tilespmem:s28+$0xC680]  }
0x19b: {  	v38 =	vld [tilespmem:s28+$0xC700]  }
0x19c: {  	v40 =	vld [tilespmem:s28+$0xE400]  }
0x19d: {  	v41 =	vld [tilespmem:s28+$0xE480]  }
0x19e: {  	v42 =	vld [tilespmem:s28+$0xE500]  }
0x19f: {  	v43 =	vld [tilespmem:s28+$0xE580]  }
0x1a0: {  	v44 =	vld [tilespmem:s28+$0xE600]  }
0x1a1: {  	v45 =	vld [tilespmem:s28+$0xE680]  }
0x1a2: {  	v47 =	vld [tilespmem:s28+$0x10400]  }
0x1a3: {  	v22 =	vmul.f32 v24, v22;
	v24 =	vld [tilespmem:s28+$0x10480]  }
0x1a4: {  	v19 =	vmul.f32 v25, v19;
	v25 =	vld [tilespmem:s28+$0x10500]  }
0x1a5: {  	v14 =	vadd.f32 v29, v14;
	v29 =	vld [tilespmem:s28+$0x10680];
	v21 =	vmul.f32 v26, v21  }
0x1a6: {  	s25 =	sor.u32 s25, s26;
	v18 =	vadd.f32 v30, v18;
	v20 =	vmul.f32 v27, v20;
	v27 =	vld [tilespmem:s28+$0x10580];
	v26 =	vmul.f32 v32, v31  }
0x1a7: {  	s2 =	sor.u32 $0x380, s25;
	v17 =	vadd.f32 v22, v17;
	v22 =	vmul.f32 v28, v23;
	v28 =	vld [tilespmem:s28+$0x10600];
	v23 =	vmul.f32 v33, v31  }
0x1a8: {  	v39 =	vld [tilespmem:s2+$0xC400];
	v15 =	vadd.f32 v19, v15;
	v19 =	vmul.f32 v34, v31;
	v26 =	vmul.f32 v47, v26  }
0x1a9: {  	v16 =	vadd.f32 v21, v16;
	v21 =	vmul.f32 v35, v31;
	v23 =	vmul.f32 v24, v23;
	v24 =	vld [tilespmem:s28+$0x10700]  }
0x1aa: {  	v46 =	vld [tilespmem:s28+$0xE700];
	v19 =	vmul.f32 v25, v19;
	v13 =	vadd.f32 v26, v13;
	v26 =	vmul.f32 v36, v31  }
0x1ab: {  	v30 =	vmul.f32 v38, v31;
	v25 =	vld [tilespmem:s28+$0x10780];
	v21 =	vmul.f32 v27, v21;
	v12 =	vadd.f32 v23, v12  }
0x1ac: {  	v27 =	vld [tilespmem:s28+$0x12400];
	v23 =	vmul.f32 v37, v31;
	v11 =	vadd.f32 v19, v11;
	v19 =	vmul.f32 v28, v26  }
0x1ad: {  	v10 =	vadd.f32 v21, v10;
	v26 =	vld [tilespmem:s28+$0x12480];
	(xrf2) =	vadd.scan.msk.f32 $0xffff, v13;
	v13 =	vmul.f32 v39, v31  }
0x1ae: {  	v21 =	vmul.f32 v29, v23;
	v23 =	vld [tilespmem:s28+$0x12500];
	(xrf2) =	vadd.scan.msk.f32 $0xffff, v12;
	v9 =	vadd.f32 v19, v9;
	v19 =	vmul.f32 v24, v30  }
0x1af: {  	v12 =	vmul.f32 v40, v31;
	v24 =	vld [tilespmem:s28+$0x12580];
	(xrf2) =	vadd.scan.msk.f32 $0xffff, v11  }
0x1b0: {  	v8 =	vadd.f32 v21, v8;
	v13 =	vmul.f32 v25, v13;
	(xrf2) =	vadd.scan.msk.f32 $0xffff, v10;
	v7 =	vadd.f32 v19, v7;
	v19 =	vld [tilespmem:s28+$0x12680]  }
0x1b1: {  	v11 =	vmul.f32 v41, v31;
	v21 =	vld [tilespmem:s28+$0x12600];
	v10 =	vmul.f32 v42, v31;
	(xrf2) =	vadd.scan.msk.f32 $0xffff, v9  }
0x1b2: {  	v12 =	vmul.f32 v27, v12;
	v9 =	vmul.f32 v43, v31;
	v6 =	vadd.f32 v13, v6;
	v13 =	vld [tilespmem:s28+$0x12700];
	(xrf2) =	vadd.scan.msk.f32 $0xffff, v8  }
0x1b3: {  	v11 =	vmul.f32 v26, v11;
	v8 =	vld [tilespmem:s28+$0xE780];
	(xrf2) =	vadd.scan.msk.f32 $0xffff, v7;
	v7 =	vmul.f32 v45, v31  }
0x1b4: {  	v25 =	vmul.f32 v44, v31;
	v12 =	vadd.f32 v12, v14;
	v10 =	vmul.f32 v23, v10  }
0x1b5: {  	v11 =	vadd.f32 v11, v18;
	v9 =	vmul.f32 v24, v9;
	(xrf2) =	vadd.scan.msk.f32 $0xffff, v6;
	v6 =	vld [tilespmem:s28+$0x12780];
	v7 =	vmul.f32 v19, v7  }
0x1b6: {  	v14 =	vmul.f32 v46, v31;
	v10 =	vadd.f32 v10, v17;
	(xrf2) =	vadd.scan.msk.f32 $0xffff, v12  }
0x1b7: {  	v5 =	vadd.f32 v20, v5;
	v17 =	vmul.f32 v21, v25;
	v9 =	vadd.f32 v9, v15;
	(xrf2) =	vadd.scan.msk.f32 $0xffff, v11  }
0x1b8: {  	v4 =	vadd.f32 v22, v4;
	v12 =	vmul.f32 v13, v14;
	v13, _, _ =	vpop (xrf2);
	(xrf2) =	vadd.scan.msk.f32 $0xffff, v10;
	v8 =	vmul.f32 v8, v31  }
0x1b9: {  	v5 =	vadd.f32 v7, v5;
	v7, _, _ =	vpop (xrf2);
	(xrf2) =	vadd.scan.msk.f32 $0xffff, v9;
	v9 =	vbroadcast v13, $0xF  }
0x1ba: {  	v11 =	vadd.f32 v17, v16;
	v4 =	vadd.f32 v12, v4;
	v6 =	vmul.f32 v6, v8;
	v10, _, _ =	vpop (xrf2)  }
0x1bb: {  	v7 =	vbroadcast v7, $0xF;
	v8 =	vbroadcast v10, $0xF  }
0x1bc: {  	(xrf2) =	vadd.scan.msk.f32 $0xffff, v11;
	v10, _, _ =	vpop (xrf2)  }
0x1bd: {  	(xrf2) =	vadd.scan.msk.f32 $0xffff, v5;
	v5 =	vsel vm1, v9, v7;
	v7 =	vbroadcast v10, $0xF;
	v9, _, _ =	vpop (xrf2)  }
0x1be: {  	v3 =	vadd.f32 v6, v3;
	(xrf2) =	vadd.scan.msk.f32 $0xffff, v4;
	v5 =	vsel vm2, v5, v8;
	v4, _, _ =	vpop (xrf2);
	v6 =	vbroadcast v9, $0xF  }
0x1bf: {  	v5 =	vsel vm3, v5, v7;
	v8, _, _ =	vpop (xrf2)  }
0x1c0: {  	v4 =	vbroadcast v4, $0xF;
	v5 =	vsel vm4, v5, v6;
	v6 =	vbroadcast v8, $0xF  }
0x1c1: {  	v7, _, _ =	vpop (xrf2)  }
0x1c2: {  	(xrf2) =	vadd.scan.msk.f32 $0xffff, v3;
	v3, _, _ =	vpop (xrf2);
	v4 =	vsel vm5, v5, v4;
	v5 =	vbroadcast v7, $0xF  }
0x1c3: {  	v7, _, _ =	vpop (xrf2);
	v4 =	vsel vm6, v4, v6;
	v3 =	vbroadcast v3, $0xF  }
0x1c4: {  	v4 =	vsel vm7, v4, v5;
	v5 =	vbroadcast v7, $0xF;
	v6, _, _ =	vpop (xrf2)  }
0x1c5: {  	v3 =	vsel vm8, v4, v3;
	v7, _, _ =	vpop (xrf2);
	v4 =	vbroadcast v6, $0xF  }
0x1c6: {  	v3 =	vsel vm9, v3, v5;
	v6, _, _ =	vpop (xrf2);
	v5 =	vbroadcast v7, $0xF  }
0x1c7: {  	v7, _, _ =	vpop (xrf2);
	v3 =	vsel vm10, v3, v4;
	v4 =	vbroadcast v6, $0xF  }
0x1c8: {  	v6, _, _ =	vpop (xrf2);
	v3 =	vsel vm11, v3, v5  }
0x1c9: {  	v3 =	vsel vm12, v3, v4;
	v4 =	vbroadcast v6, $0xF  }
0x1ca: {  	v5 =	vbroadcast v7, $0xF;
	_ =	sdelay $0x1  }
0x1cb: {  	v3 =	vsel vm13, v3, v5  }
0x1cc: {  	v3 =	vsel vm14, v3, v4;
	v4, _, _ =	vpop (xrf2)  }
0x1cd: {  	v3 =	vsel vm15, v3, v4  }
0x1ce: {  	[tilespmem:s24+$0x1C410] =	vst v3  }
0x1cf: {  	v3 =	vld [tilespmem:s23+$0x200];
	_ =	sdelay $0x4  }
0x1d0: {  	v4 =	vshll.u32 v3, $0x3  }
0x1d1: {  	v3 =	vand.u32 $0x7, v3;
	v4 =	vand.u32 $0xFFFFFFC0, v4  }
0x1d2: {  	v3 =	vor.u32 v3, v4  }
0x1d3: {  	v4 =	vperm.xlane v3, v0;
	_ =	sdelay $0x1  }
0x1d4: {  	v4 =	vadd.s32 v1, v4;
	_ =	sdelay $0x3  }
0x1d5: {  	s26 =	simm.s32 $0xC400;
	s2 =	simm.s32 $0x0  }
0x1d6: {  	[tilespmem:s26], [sflag:$0x2] =	stream.indirect_vreg.gather [hbm4b:s1+s2], $0x80, v4, vm0, $0xb8;
	[tilespmem:$0x1CC00] =	vst v63  }
0x1d7: {  	v3 =	vperm.xlane v3, v2;
	s26 =	simm.s32 $0xCC00  }
0x1d8: {  	[tilespmem:s26], [sflag:$0x2] =	stream.indirect_vreg.gather [hbm4b:s6+s2], $0x80, v4, vm0, $0xb8;
	[tilespmem:$0x1CC00] =	vst v63  }
0x1d9: {  	v3 =	vadd.s32 v1, v3;
	s26 =	simm.s32 $0xD400  }
0x1da: {  	[tilespmem:s26], [sflag:$0x2] =	stream.indirect_vreg.gather [hbm4b:s7+s2], $0x80, v4, vm0, $0xb8;
	[tilespmem:$0x1CC00] =	vst v63  }
0x1db: {  	_ = 	snop  }
0x1dc: {  	[tilespmem:s0], [sflag:$0x2] =	stream.indirect_vreg.gather [hbm4b:s8+s2], $0x80, v4, vm0, $0xb8;
	[tilespmem:$0x1CC00] =	vst v63  }
0x1dd: {  	_ = 	snop  }
0x1de: {  	[tilespmem:s3], [sflag:$0x2] =	stream.indirect_vreg.gather [hbm4b:s1+s2], $0x80, v3, vm0, $0xb8;
	[tilespmem:$0x1CC00] =	vst v63  }
0x1df: {  	_ = 	snop  }
0x1e0: {  	[tilespmem:s12], [sflag:$0x2] =	stream.indirect_vreg.gather [hbm4b:s6+s2], $0x80, v3, vm0, $0xb8;
	[tilespmem:$0x1CC00] =	vst v63  }
0x1e1: {  	_ = 	snop  }
0x1e2: {  	[tilespmem:s5], [sflag:$0x2] =	stream.indirect_vreg.gather [hbm4b:s7+s2], $0x80, v3, vm0, $0xb8;
	[tilespmem:$0x1CC00] =	vst v63  }
0x1e3: {  	_ = 	snop  }
0x1e4: {  	[tilespmem:s9], [sflag:$0x2] =	stream.indirect_vreg.gather [hbm4b:s8+s2], $0x80, v3, vm0, $0xb8;
	[tilespmem:$0x1CC00] =	vst v63  }
0x1e5: {  	v3 =	vld [tilespmem:s23+$0x210];
	_ =	sdelay $0x4  }
0x1e6: {  	v4 =	vshll.u32 v3, $0x3  }
0x1e7: {  	v3 =	vand.u32 $0x7, v3;
	v4 =	vand.u32 $0xFFFFFFC0, v4  }
0x1e8: {  	v3 =	vor.u32 v3, v4  }
0x1e9: {  	v4 =	vperm.xlane v3, v0;
	_ =	sdelay $0x1  }
0x1ea: {  	v4 =	vadd.s32 v1, v4;
	_ =	sdelay $0x4  }
0x1eb: {  	[tilespmem:s10], [sflag:$0x2] =	stream.indirect_vreg.gather [hbm4b:s1+s2], $0x80, v4, vm0, $0xb8;
	[tilespmem:$0x1CC00] =	vst v63  }
0x1ec: {  	v3 =	vperm.xlane v3, v2  }
0x1ed: {  	[tilespmem:s11], [sflag:$0x2] =	stream.indirect_vreg.gather [hbm4b:s6+s2], $0x80, v4, vm0, $0xb8;
	[tilespmem:$0x1CC00] =	vst v63  }
0x1ee: {  	v3 =	vadd.s32 v1, v3  }
0x1ef: {  	[tilespmem:s13], [sflag:$0x2] =	stream.indirect_vreg.gather [hbm4b:s7+s2], $0x80, v4, vm0, $0xb8;
	[tilespmem:$0x1CC00] =	vst v63  }
0x1f0: {  	_ = 	snop  }
0x1f1: {  	[tilespmem:s14], [sflag:$0x2] =	stream.indirect_vreg.gather [hbm4b:s8+s2], $0x80, v4, vm0, $0xb8;
	[tilespmem:$0x1CC00] =	vst v63  }
0x1f2: {  	_ = 	snop  }
0x1f3: {  	[tilespmem:s15], [sflag:$0x2] =	stream.indirect_vreg.gather [hbm4b:s1+s2], $0x80, v3, vm0, $0xb8;
	[tilespmem:$0x1CC00] =	vst v63  }
0x1f4: {  	_ = 	snop  }
0x1f5: {  	[tilespmem:s16], [sflag:$0x2] =	stream.indirect_vreg.gather [hbm4b:s6+s2], $0x80, v3, vm0, $0xb8;
	[tilespmem:$0x1CC00] =	vst v63  }
0x1f6: {  	_ = 	snop  }
0x1f7: {  	[tilespmem:s17], [sflag:$0x2] =	stream.indirect_vreg.gather [hbm4b:s7+s2], $0x80, v3, vm0, $0xb8;
	[tilespmem:$0x1CC00] =	vst v63  }
0x1f8: {  	_ = 	snop  }
0x1f9: {  	[tilespmem:s18], [sflag:$0x2] =	stream.indirect_vreg.gather [hbm4b:s8+s2], $0x80, v3, vm0, $0xb8;
	[tilespmem:$0x1CC00] =	vst v63  }
0x1fa: {  	_ =	swait.ge [sflag:s21], $0x8000  }
0x1fb: {  	s28 =	sand.u32 $0x1C00, s2;
	s26 =	sand.u32 $0x70, s2;
	[sflag:s21] =	ssyncset.done $0x0  }
0x1fc: {  	s25 =	simm.s32 $0x4000;
	s26 =	sor.u32 s26, s28;
	[sflag:s21] =	ssyncadd.s32 $0xFFFF8000  }
0x1fd: {  	s28 =	sadd.s32 $0x14400, s26;
	v3 =	vld [tilespmem:s25+$0x0]  }
0x1fe: {  	v4 =	vld [tilespmem:s28+$0x300]  }
0x1ff: {  	v5 =	vld [tilespmem:s28+$0x80]  }
0x200: {  	v6 =	vld [tilespmem:s26+$0x18700]  }
0x201: {  	v7 =	vld [tilespmem:s28+$0x100]  }
0x202: {  	v8 =	vld [tilespmem:s28+$0x180]  }
0x203: {  	v9 =	vld [tilespmem:s28+$0x200]  }
0x204: {  	s2 =	sor.u32 s2, s2;
	v10 =	vld [tilespmem:s28+$0x280]  }
0x205: {  	s2 =	sor.u32 $0x380, s2;
	v11 =	vld [tilespmem:s26+$0x14400]  }
0x206: {  	v12 =	vld [tilespmem:s2+$0x14400]  }
0x207: {  	v13 =	vld [tilespmem:s26+$0x16400]  }
0x208: {  	v14 =	vld [tilespmem:s26+$0x16480]  }
0x209: {  	v15 =	vld [tilespmem:s26+$0x16500]  }
0x20a: {  	v16 =	vld [tilespmem:s26+$0x16580]  }
0x20b: {  	v17 =	vld [tilespmem:s26+$0x16600]  }
0x20c: {  	v18 =	vld [tilespmem:s26+$0x16680]  }
0x20d: {  	v19 =	vld [tilespmem:s26+$0x16700]  }
0x20e: {  	v25 =	vld [tilespmem:s26+$0x16780];
	v4 =	vmul.f32 v4, v3  }
0x20f: {  	v26 =	vld [tilespmem:s26+$0x18480];
	v5 =	vmul.f32 v5, v3;
	v7 =	vmul.f32 v7, v3  }
0x210: {  	v28 =	vld [tilespmem:s26+$0x18500];
	v8 =	vmul.f32 v8, v3;
	v9 =	vmul.f32 v9, v3  }
0x211: {  	v27 =	vmul.f32 v10, v3;
	v21 =	vmul.f32 v18, v3;
	v18 =	vld [tilespmem:s26+$0x1A400]  }
0x212: {  	v10 =	vmul.f32 v11, v3;
	v4 =	vmul.f32 v6, v4;
	v6 =	vld [tilespmem:s26+$0x18400]  }
0x213: {  	v29 =	vmul.f32 v12, v3;
	v11 =	vld [tilespmem:s26+$0x18580];
	v30 =	vmul.f32 v13, v3  }
0x214: {  	v63 =	vmul.f32 v14, v3;
	v12 =	vld [tilespmem:s26+$0x18600];
	v24 =	vmul.f32 v15, v3  }
0x215: {  	v23 =	vmul.f32 v16, v3;
	v16 =	vld [tilespmem:s26+$0x18680];
	v22 =	vmul.f32 v17, v3  }
0x216: {  	v15 =	vimm.f32 $0.0e+00;
	v20 =	vmul.f32 v19, v3;
	v19 =	vimm.f32 $0.0e+00  }
0x217: {  	v17 =	vld [tilespmem:s26+$0x18780];
	v4 =	vadd.f32 v4, v15;
	v31 =	vmul.f32 v18, v30;
	v6 =	vmul.f32 v6, v10  }
0x218: {  	v18 =	vimm.f32 $0.0e+00;
	v10 =	vmul.f32 v25, v3;
	v3 =	vmul.f32 v26, v5;
	v5 =	vld [tilespmem:s26+$0x1A480]  }
0x219: {  	v14 =	vadd.f32 v6, v15;
	v6 =	vmul.f32 v28, v7;
	v7 =	vmul.f32 v11, v8  }
0x21a: {  	v13 =	vadd.f32 v3, v15;
	v3 =	vmul.f32 v12, v9;
	v8 =	vmul.f32 v16, v27;
	v28 =	vld [tilespmem:s26+$0x1A500]  }
0x21b: {  	v25 =	vld [tilespmem:s26+$0x1A580];
	v16 =	vimm.f32 $0.0e+00;
	v12 =	vadd.f32 v6, v15;
	v11 =	vadd.f32 v7, v15  }
0x21c: {  	v26 =	vld [tilespmem:s26+$0x1A600];
	v6 =	vmul.f32 v17, v29;
	v9 =	vadd.f32 v3, v15;
	v8 =	vadd.f32 v8, v15  }
0x21d: {  	s29 =	simm.s32 $0x10;
	s28 =	simm.s32 $0x80;
	v27 =	vld [tilespmem:s26+$0x1A680];
	v17 =	vimm.f32 $0.0e+00;
	v3 =	vimm.f32 $0.0e+00;
	v30 =	vmul.f32 v5, v63  }
0x21e: {  	s30 =	simm.s32 $0x20;
	s31 =	sand.u32 $0x70, s29;
	s2 =	sand.u32 $0x1C00, s28;
	v29 =	vld [tilespmem:s26+$0x1A700];
	v5 =	vimm.f32 $0.0e+00;
	v7 =	vadd.f32 v6, v15;
	v6 =	vimm.f32 $0.0e+00  }
.LBB2_7:
0x21f: {  	p0 =	sne.s32 s30, $0x3F0;
	v15 =	vadd.f32 v31, v15;
	v24 =	vmul.f32 v28, v24;
	v28 =	vld [tilespmem:s26+$0x1A780];
	s26 =	sor.u32 s31, s2;
	s25 =	sadd.s32 $0x10, s25  }
0x220: {  	s31 =	sor.u32 s28, s29;
	s29 =	smov.u32 s30;
	v31 =	vld [tilespmem:s25+$0x0];
	s2 =	sadd.s32 $0x14400, s26;
	v18 =	vadd.f32 v30, v18;
	v23 =	vmul.f32 v25, v23  }
0x221: {  	s31 =	sor.u32 $0x380, s31;
	v25 =	vld [tilespmem:s2+$0x300];
	v19 =	vadd.f32 v24, v19;
	v22 =	vmul.f32 v26, v22  }
0x222: {  	v24 =	vld [tilespmem:s2+$0x80];
	v17 =	vadd.f32 v23, v17;
	v21 =	vmul.f32 v27, v21  }
0x223: {  	v23 =	vld [tilespmem:s26+$0x18700];
	v16 =	vadd.f32 v22, v16;
	v20 =	vmul.f32 v29, v20  }
0x224: {  	v22 =	vld [tilespmem:s2+$0x100];
	v6 =	vadd.f32 v21, v6;
	v10 =	vmul.f32 v28, v10  }
0x225: {  	v21 =	vld [tilespmem:s2+$0x180];
	v5 =	vadd.f32 v20, v5  }
0x226: {  	v20 =	vld [tilespmem:s2+$0x200];
	v25 =	vmul.f32 v25, v31;
	v3 =	vadd.f32 v10, v3  }
0x227: {  	v26 =	vmul.f32 v24, v31;
	v10 =	vld [tilespmem:s2+$0x280]  }
0x228: {  	v24 =	vld [tilespmem:s26+$0x14400];
	v23 =	vmul.f32 v23, v25  }
0x229: {  	v25 =	vmul.f32 v22, v31;
	v22 =	vld [tilespmem:s31+$0x14400]  }
0x22a: {  	v27 =	vmul.f32 v21, v31;
	v4 =	vadd.f32 v23, v4;
	v21 =	vld [tilespmem:s26+$0x16400]  }
0x22b: {  	v28 =	vmul.f32 v20, v31;
	v20 =	vld [tilespmem:s26+$0x16480]  }
0x22c: {  	v29 =	vmul.f32 v10, v31;
	v10 =	vld [tilespmem:s26+$0x16500]  }
0x22d: {  	v30 =	vmul.f32 v24, v31;
	v23 =	vld [tilespmem:s26+$0x16580]  }
0x22e: {  	v32 =	vmul.f32 v22, v31;
	v22 =	vld [tilespmem:s26+$0x16600]  }
0x22f: {  	v33 =	vmul.f32 v21, v31;
	v21 =	vld [tilespmem:s26+$0x16680]  }
0x230: {  	v34 =	vmul.f32 v20, v31;
	v20 =	vld [tilespmem:s26+$0x16700]  }
0x231: {  	v24 =	vmul.f32 v10, v31;
	v10 =	vld [tilespmem:s26+$0x16780]  }
0x232: {  	v35 =	vld [tilespmem:s26+$0x18400];
	v23 =	vmul.f32 v23, v31  }
0x233: {  	v36 =	vld [tilespmem:s26+$0x18480];
	v22 =	vmul.f32 v22, v31  }
0x234: {  	v37 =	vld [tilespmem:s26+$0x18500];
	v21 =	vmul.f32 v21, v31  }
0x235: {  	v38 =	vld [tilespmem:s26+$0x18580];
	v20 =	vmul.f32 v20, v31  }
0x236: {  	v39 =	vld [tilespmem:s26+$0x18600];
	v10 =	vmul.f32 v10, v31  }
0x237: {  	v30 =	vmul.f32 v35, v30;
	v31 =	vld [tilespmem:s26+$0x18680]  }
0x238: {  	v26 =	vmul.f32 v36, v26;
	v35 =	vld [tilespmem:s26+$0x18780]  }
0x239: {  	v14 =	vadd.f32 v30, v14;
	v25 =	vmul.f32 v37, v25;
	v30 =	vld [tilespmem:s26+$0x1A400]  }
0x23a: {  	v13 =	vadd.f32 v26, v13;
	v26 =	vmul.f32 v38, v27;
	v36 =	vld [tilespmem:s26+$0x1A480]  }
.Ltmp2:
0x23b: {  	v12 =	vadd.f32 v25, v12;
	v27 =	vmul.f32 v39, v28;
	v28 =	vld [tilespmem:s26+$0x1A500];
	(pc) =	sbr.rel @p0 .LBB2_7-.Ltmp2, $4  }
0x23c: {  	v11 =	vadd.f32 v26, v11;
	v29 =	vmul.f32 v31, v29;
	v25 =	vld [tilespmem:s26+$0x1A580]  }
0x23d: {  	v9 =	vadd.f32 v27, v9;
	v32 =	vmul.f32 v35, v32;
	v26 =	vld [tilespmem:s26+$0x1A600]  }
0x23e: {  	s28 =	sadd.s32 $0x80, s28;
	v8 =	vadd.f32 v29, v8;
	v31 =	vmul.f32 v30, v33;
	v27 =	vld [tilespmem:s26+$0x1A680]  }
0x23f: {  	s30 =	sadd.s32 $0x10, s30;
	s2 =	sand.u32 $0x1C00, s28;
	s31 =	sand.u32 $0x70, s29;
	v7 =	vadd.f32 v32, v7;
	v30 =	vmul.f32 v36, v34;
	v29 =	vld [tilespmem:s26+$0x1A700]  }
0x240: {  	v32 =	vld [tilespmem:s26+$0x1A780];
	s25 =	sadd.s32 $0x10, s25  }
0x241: {  	s30 =	sor.u32 s31, s2;
	v33 =	vld [tilespmem:s25+$0x0]  }
0x242: {  	v36 =	vld [tilespmem:s30+$0x18700]  }
0x243: {  	v41 =	vld [tilespmem:s30+$0x14400]  }
0x244: {  	v43 =	vld [tilespmem:s30+$0x16400]  }
0x245: {  	v44 =	vld [tilespmem:s30+$0x16480]  }
0x246: {  	v45 =	vld [tilespmem:s30+$0x16500]  }
0x247: {  	v46 =	vld [tilespmem:s30+$0x16580]  }
0x248: {  	v47 =	vld [tilespmem:s30+$0x16600]  }
0x249: {  	v48 =	vld [tilespmem:s30+$0x16680]  }
0x24a: {  	v49 =	vld [tilespmem:s30+$0x18400]  }
0x24b: {  	v56 =	vld [tilespmem:s30+$0x18480]  }
0x24c: {  	v57 =	vld [tilespmem:s30+$0x18500]  }
0x24d: {  	v59 =	vld [tilespmem:s30+$0x18580]  }
0x24e: {  	v61 =	vld [tilespmem:s30+$0x18600]  }
0x24f: {  	v63 =	vld [tilespmem:s30+$0x18680]  }
0x250: {  	s26 =	sadd.s32 $0x14400, s30;
	v51 =	vld [tilespmem:s30+$0x1A480]  }
0x251: {  	v35 =	vld [tilespmem:s26+$0x80]  }
0x252: {  	v37 =	vld [tilespmem:s26+$0x100]  }
0x253: {  	v24 =	vmul.f32 v28, v24;
	v15 =	vadd.f32 v31, v15;
	v23 =	vmul.f32 v25, v23;
	v38 =	vld [tilespmem:s26+$0x180]  }
0x254: {  	v18 =	vadd.f32 v30, v18;
	v39 =	vld [tilespmem:s26+$0x200];
	v22 =	vmul.f32 v26, v22;
	v21 =	vmul.f32 v27, v21  }
0x255: {  	s29 =	sor.u32 s28, s29;
	v40 =	vld [tilespmem:s26+$0x280];
	v19 =	vadd.f32 v24, v19;
	v20 =	vmul.f32 v29, v20;
	v58 =	vmul.f32 v41, v33  }
0x256: {  	s31 =	sor.u32 $0x380, s29;
	v34 =	vld [tilespmem:s26+$0x300];
	v17 =	vadd.f32 v23, v17;
	v10 =	vmul.f32 v32, v10;
	v60 =	vmul.f32 v35, v33  }
0x257: {  	v42 =	vld [tilespmem:s31+$0x14400];
	v16 =	vadd.f32 v22, v16;
	v62 =	vmul.f32 v37, v33;
	v26 =	vmul.f32 v49, v58  }
0x258: {  	v53 =	vld [tilespmem:s30+$0x1A500];
	v6 =	vadd.f32 v21, v6;
	v35 =	vmul.f32 v38, v33;
	v24 =	vmul.f32 v56, v60  }
0x259: {  	v38 =	vmul.f32 v39, v33;
	v39 =	vld [tilespmem:s30+$0x18780];
	v23 =	vmul.f32 v57, v62;
	v14 =	vadd.f32 v26, v14  }
0x25a: {  	v41 =	vld [tilespmem:s30+$0x1A400];
	v40 =	vmul.f32 v40, v33;
	v22 =	vmul.f32 v59, v35;
	v13 =	vadd.f32 v24, v13  }
0x25b: {  	v27 =	vld [tilespmem:s30+$0x16780];
	v50 =	vmul.f32 v34, v33;
	v49 =	vmul.f32 v61, v38;
	v12 =	vadd.f32 v23, v12;
	(xrf2) =	vadd.scan.msk.f32 $0xffff, v14  }
0x25c: {  	v37 =	vld [tilespmem:s30+$0x16700];
	v52 =	vmul.f32 v42, v33;
	v11 =	vadd.f32 v22, v11;
	v24 =	vmul.f32 v63, v40;
	(xrf2) =	vadd.scan.msk.f32 $0xffff, v13  }
0x25d: {  	v55 =	vmul.f32 v43, v33;
	v54 =	vmul.f32 v36, v50;
	v56 =	vld [tilespmem:s30+$0x1A580];
	v9 =	vadd.f32 v49, v9;
	(xrf2) =	vadd.scan.msk.f32 $0xffff, v12  }
0x25e: {  	v57 =	vmul.f32 v44, v33;
	v59 =	vld [tilespmem:s30+$0x1A600];
	v58 =	vmul.f32 v39, v52;
	v8 =	vadd.f32 v24, v8;
	(xrf2) =	vadd.scan.msk.f32 $0xffff, v11  }
0x25f: {  	v60 =	vmul.f32 v45, v33;
	v62 =	vld [tilespmem:s30+$0x1A680];
	v4 =	vadd.f32 v54, v4;
	v61 =	vmul.f32 v41, v55;
	(xrf2) =	vadd.scan.msk.f32 $0xffff, v9  }
0x260: {  	v26 =	vld [tilespmem:s30+$0x1A700];
	v63 =	vmul.f32 v46, v33;
	v7 =	vadd.f32 v58, v7;
	v12 =	vmul.f32 v51, v57;
	(xrf2) =	vadd.scan.msk.f32 $0xffff, v8  }
0x261: {  	v29 =	vmul.f32 v47, v33;
	v35 =	vld [tilespmem:s30+$0x1A780];
	v13 =	vadd.f32 v61, v15;
	v11 =	vmul.f32 v53, v60;
	(xrf2) =	vadd.scan.msk.f32 $0xffff, v4  }
0x262: {  	v31 =	vmul.f32 v48, v33;
	v12 =	vadd.f32 v12, v18;
	v9 =	vmul.f32 v56, v63;
	(xrf2) =	vadd.scan.msk.f32 $0xffff, v7  }
0x263: {  	v34 =	vmul.f32 v37, v33;
	v36 =	vmul.f32 v59, v29;
	v11 =	vadd.f32 v11, v19;
	(xrf2) =	vadd.scan.msk.f32 $0xffff, v13  }
0x264: {  	v8 =	vmul.f32 v27, v33;
	v9 =	vadd.f32 v9, v17;
	v4 =	vmul.f32 v62, v31;
	(xrf2) =	vadd.scan.msk.f32 $0xffff, v12  }
0x265: {  	v5 =	vadd.f32 v20, v5;
	v37 =	vadd.f32 v36, v16;
	v7 =	vmul.f32 v26, v34;
	v38, _, _ =	vpop (xrf2);
	(xrf2) =	vadd.scan.msk.f32 $0xffff, v11  }
0x266: {  	v3 =	vadd.f32 v10, v3;
	v8 =	vmul.f32 v35, v8;
	v4 =	vadd.f32 v4, v6;
	v39, _, _ =	vpop (xrf2);
	(xrf2) =	vadd.scan.msk.f32 $0xffff, v9  }
0x267: {  	v5 =	vadd.f32 v7, v5;
	v40 =	vbroadcast v38, $0xF;
	v6 =	vbroadcast v39, $0xF;
	v41, _, _ =	vpop (xrf2);
	(xrf2) =	vadd.scan.msk.f32 $0xffff, v37  }
0x268: {  	v9 =	vbroadcast v41, $0xF;
	v42, _, _ =	vpop (xrf2);
	(xrf2) =	vadd.scan.msk.f32 $0xffff, v4  }
0x269: {  	v3 =	vadd.f32 v8, v3;
	v43 =	vsel vm1, v40, v6;
	v44 =	vbroadcast v42, $0xF;
	v45, _, _ =	vpop (xrf2);
	(xrf2) =	vadd.scan.msk.f32 $0xffff, v5  }
0x26a: {  	v46, _, _ =	vpop (xrf2);
	v4 =	vsel vm2, v43, v9;
	v7 =	vbroadcast v45, $0xF  }
0x26b: {  	v47, _, _ =	vpop (xrf2);
	v4 =	vsel vm3, v4, v44;
	v5 =	vbroadcast v46, $0xF  }
0x26c: {  	(xrf2) =	vadd.scan.msk.f32 $0xffff, v3;
	v4 =	vsel vm4, v4, v7;
	v48 =	vbroadcast v47, $0xF;
	v49, _, _ =	vpop (xrf2)  }
0x26d: {  	v3, _, _ =	vpop (xrf2);
	v4 =	vsel vm5, v4, v5;
	v50 =	vbroadcast v49, $0xF  }
0x26e: {  	v51, _, _ =	vpop (xrf2);
	v4 =	vsel vm6, v4, v48;
	v3 =	vbroadcast v3, $0xF  }
0x26f: {  	v52, _, _ =	vpop (xrf2);
	v4 =	vsel vm7, v4, v50;
	v53 =	vbroadcast v51, $0xF  }
0x270: {  	v54, _, _ =	vpop (xrf2);
	v3 =	vsel vm8, v4, v3;
	v55 =	vbroadcast v52, $0xF  }
0x271: {  	v56, _, _ =	vpop (xrf2);
	v3 =	vsel vm9, v3, v53;
	v57 =	vbroadcast v54, $0xF  }
0x272: {  	v58, _, _ =	vpop (xrf2);
	v3 =	vsel vm10, v3, v55;
	v59 =	vbroadcast v56, $0xF  }
0x273: {  	p0 =	seq.s32 s22, $0x29;
	v60, _, _ =	vpop (xrf2);
	v3 =	vsel vm11, v3, v57;
	v61 =	vbroadcast v58, $0xF  }
.Ltmp3:
0x274: {  	v3 =	vsel vm12, v3, v59;
	v62 =	vbroadcast v60, $0xF;
	(pc) =	sbr.rel @p0 .LBB2_10-.Ltmp3, $4  }
0x275: {  	v3 =	vsel vm13, v3, v61  }
0x276: {  	v63, _, _ =	vpop (xrf2);
	v3 =	vsel vm14, v3, v62  }
0x277: {  	v3 =	vsel vm15, v3, v63  }
0x278: {  	[tilespmem:s24+$0x1C420] =	vst v3  }
0x279: {  	v3 =	vld [tilespmem:s23+$0x280];
	_ =	sdelay $0x4  }
0x27a: {  	v4 =	vshll.u32 v3, $0x3  }
0x27b: {  	v3 =	vand.u32 $0x7, v3;
	v4 =	vand.u32 $0xFFFFFFC0, v4  }
0x27c: {  	v3 =	vor.u32 v3, v4  }
0x27d: {  	v4 =	vperm.xlane v3, v0;
	_ =	sdelay $0x1  }
0x27e: {  	v4 =	vadd.s32 v1, v4;
	_ =	sdelay $0x3  }
0x27f: {  	s2 =	simm.s32 $0x14400  }
0x280: {  	[tilespmem:s2], [sflag:$0x3] =	stream.indirect_vreg.gather [hbm4b:s1+s4], $0x80, v4, vm0, $0xb8;
	[tilespmem:$0x1CC00] =	vst v63  }
0x281: {  	s24 =	simm.s32 $0x14C00;
	v3 =	vperm.xlane v3, v2  }
0x282: {  	[tilespmem:s24], [sflag:$0x3] =	stream.indirect_vreg.gather [hbm4b:s6+s4], $0x80, v4, vm0, $0xb8;
	[tilespmem:$0x1CC00] =	vst v63  }
0x283: {  	s25 =	simm.s32 $0x15400;
	v3 =	vadd.s32 v1, v3  }
0x284: {  	[tilespmem:s25], [sflag:$0x3] =	stream.indirect_vreg.gather [hbm4b:s7+s4], $0x80, v4, vm0, $0xb8;
	[tilespmem:$0x1CC00] =	vst v63  }
0x285: {  	s26 =	simm.s32 $0x15C00  }
0x286: {  	[tilespmem:s26], [sflag:$0x3] =	stream.indirect_vreg.gather [hbm4b:s8+s4], $0x80, v4, vm0, $0xb8;
	[tilespmem:$0x1CC00] =	vst v63  }
0x287: {  	s28 =	simm.s32 $0x16400  }
0x288: {  	[tilespmem:s28], [sflag:$0x3] =	stream.indirect_vreg.gather [hbm4b:s1+s4], $0x80, v3, vm0, $0xb8;
	[tilespmem:$0x1CC00] =	vst v63  }
0x289: {  	s29 =	simm.s32 $0x16C00  }
0x28a: {  	[tilespmem:s29], [sflag:$0x3] =	stream.indirect_vreg.gather [hbm4b:s6+s4], $0x80, v3, vm0, $0xb8;
	[tilespmem:$0x1CC00] =	vst v63  }
0x28b: {  	s30 =	simm.s32 $0x17400  }
0x28c: {  	[tilespmem:s30], [sflag:$0x3] =	stream.indirect_vreg.gather [hbm4b:s7+s4], $0x80, v3, vm0, $0xb8;
	[tilespmem:$0x1CC00] =	vst v63  }
0x28d: {  	s31 =	simm.s32 $0x17C00  }
0x28e: {  	[tilespmem:s31], [sflag:$0x3] =	stream.indirect_vreg.gather [hbm4b:s8+s4], $0x80, v3, vm0, $0xb8;
	[tilespmem:$0x1CC00] =	vst v63  }
0x28f: {  	v3 =	vld [tilespmem:s23+$0x290];
	_ =	sdelay $0x4  }
0x290: {  	v63 =	vshll.u32 v3, $0x3  }
0x291: {  	v3 =	vand.u32 $0x7, v3;
	v4 =	vand.u32 $0xFFFFFFC0, v63  }
0x292: {  	v3 =	vor.u32 v3, v4  }
0x293: {  	v4 =	vperm.xlane v3, v0;
	_ =	sdelay $0x1  }
0x294: {  	v4 =	vadd.s32 v1, v4;
	_ =	sdelay $0x3  }
0x295: {  	s23 =	simm.s32 $0x18400  }
0x296: {  	[tilespmem:s23], [sflag:$0x3] =	stream.indirect_vreg.gather [hbm4b:s1+s4], $0x80, v4, vm0, $0xb8;
	[tilespmem:$0x1CC00] =	vst v63  }
0x297: {  	s24 =	simm.s32 $0x18C00;
	v3 =	vperm.xlane v3, v2  }
0x298: {  	[tilespmem:s24], [sflag:$0x3] =	stream.indirect_vreg.gather [hbm4b:s6+s4], $0x80, v4, vm0, $0xb8;
	[tilespmem:$0x1CC00] =	vst v63  }
0x299: {  	s25 =	simm.s32 $0x19400;
	v3 =	vadd.s32 v1, v3  }
0x29a: {  	[tilespmem:s25], [sflag:$0x3] =	stream.indirect_vreg.gather [hbm4b:s7+s4], $0x80, v4, vm0, $0xb8;
	[tilespmem:$0x1CC00] =	vst v63  }
0x29b: {  	s26 =	simm.s32 $0x19C00  }
0x29c: {  	[tilespmem:s26], [sflag:$0x3] =	stream.indirect_vreg.gather [hbm4b:s8+s4], $0x80, v4, vm0, $0xb8;
	[tilespmem:$0x1CC00] =	vst v63  }
0x29d: {  	s28 =	simm.s32 $0x1A400  }
0x29e: {  	[tilespmem:s28], [sflag:$0x3] =	stream.indirect_vreg.gather [hbm4b:s1+s4], $0x80, v3, vm0, $0xb8;
	[tilespmem:$0x1CC00] =	vst v63  }
0x29f: {  	s29 =	simm.s32 $0x1AC00  }
0x2a0: {  	[tilespmem:s29], [sflag:$0x3] =	stream.indirect_vreg.gather [hbm4b:s6+s4], $0x80, v3, vm0, $0xb8;
	[tilespmem:$0x1CC00] =	vst v63  }
.Ltmp4:
0x2a1: {  	_ = 	snop;
	(pc) =	sbr.rel .LBB2_2-.Ltmp4, $4  }
0x2a2: {  	s30 =	simm.s32 $0x1B400  }
0x2a3: {  	[tilespmem:s30], [sflag:$0x3] =	stream.indirect_vreg.gather [hbm4b:s7+s4], $0x80, v3, vm0, $0xb8;
	[tilespmem:$0x1CC00] =	vst v63  }
0x2a4: {  	s22 =	sadd.s32 $0x1, s22;
	s31 =	simm.s32 $0x1BC00  }
0x2a5: {  	[tilespmem:s31], [sflag:$0x3] =	stream.indirect_vreg.gather [hbm4b:s8+s4], $0x80, v3, vm0, $0xb8;
	[tilespmem:$0x1CC00] =	vst v63  }
.LBB2_10:
0x2a6: {  	_ =	swait.ge [sflag:s19], $0x8000  }
0x2a7: {  	s2 =	simm.s32 $0x0;
	s22 =	simm.s32 $0x4000;
	[sflag:s19] =	ssyncset.done $0x0  }
0x2a8: {  	s23 =	sand.u32 $0x70, s2;
	s24 =	sand.u32 $0x1C00, s2;
	[sflag:s19] =	ssyncadd.s32 $0xFFFF8000  }
0x2a9: {  	s26 =	sor.u32 s23, s24;
	v4 =	vld [tilespmem:s22+$0x0]  }
0x2aa: {  	v3 =	vld [tilespmem:s26+$0x6780]  }
0x2ab: {  	v5 =	vld [tilespmem:s26+$0x4400]  }
0x2ac: {  	v6 =	vld [tilespmem:s26+$0xA780]  }
0x2ad: {  	v7 =	vld [tilespmem:s26+$0x4480]  }
0x2ae: {  	v8 =	vld [tilespmem:s26+$0x4500]  }
0x2af: {  	v9 =	vld [tilespmem:s26+$0x4580]  }
0x2b0: {  	v10 =	vld [tilespmem:s26+$0x4600]  }
0x2b1: {  	s2 =	sor.u32 s2, s2;
	v11 =	vld [tilespmem:s26+$0x4680]  }
0x2b2: {  	s2 =	sor.u32 $0x380, s2;
	v12 =	vld [tilespmem:s26+$0x4700]  }
0x2b3: {  	v13 =	vld [tilespmem:s2+$0x4400]  }
0x2b4: {  	v14 =	vld [tilespmem:s26+$0x6400]  }
0x2b5: {  	v15 =	vld [tilespmem:s26+$0x6480]  }
0x2b6: {  	v16 =	vld [tilespmem:s26+$0x6500]  }
0x2b7: {  	v17 =	vld [tilespmem:s26+$0x6580]  }
0x2b8: {  	v18 =	vld [tilespmem:s26+$0x6600]  }
0x2b9: {  	v20 =	vld [tilespmem:s26+$0x6680]  }
0x2ba: {  	v23 =	vld [tilespmem:s26+$0x6700]  }
0x2bb: {  	v21 =	vld [tilespmem:s26+$0x8400];
	v3 =	vmul.f32 v3, v4;
	v5 =	vmul.f32 v5, v4  }
0x2bc: {  	v24 =	vld [tilespmem:s26+$0x8500];
	v7 =	vmul.f32 v7, v4;
	v8 =	vmul.f32 v8, v4  }
0x2bd: {  	v25 =	vld [tilespmem:s26+$0x8580];
	v9 =	vmul.f32 v9, v4;
	v10 =	vmul.f32 v10, v4  }
0x2be: {  	v30 =	vld [tilespmem:s26+$0x8680];
	v26 =	vmul.f32 v11, v4;
	v27 =	vmul.f32 v12, v4  }
0x2bf: {  	v28 =	vmul.f32 v13, v4;
	v22 =	vmul.f32 v16, v4;
	v16 =	vld [tilespmem:s26+$0x8700]  }
0x2c0: {  	v29 =	vmul.f32 v14, v4;
	v3 =	vmul.f32 v6, v3;
	v6 =	vld [tilespmem:s26+$0x8480]  }
0x2c1: {  	v11 =	vld [tilespmem:s26+$0x8600];
	v15 =	vmul.f32 v15, v4;
	v19 =	vmul.f32 v17, v4  }
0x2c2: {  	v5 =	vmul.f32 v21, v5;
	v21 =	vmul.f32 v18, v4;
	v18 =	vld [tilespmem:s26+$0xA400]  }
0x2c3: {  	v31 =	vld [tilespmem:s26+$0xA480];
	v14 =	vimm.f32 $0.0e+00;
	v20 =	vmul.f32 v20, v4;
	v23 =	vmul.f32 v23, v4  }
0x2c4: {  	v17 =	vld [tilespmem:s26+$0x8780];
	v4 =	vimm.f32 $0.0e+00;
	v13 =	vadd.f32 v5, v14;
	v5 =	vmul.f32 v24, v8  }
0x2c5: {  	v3 =	vadd.f32 v3, v14;
	v16 =	vmul.f32 v16, v27;
	v6 =	vmul.f32 v6, v7  }
0x2c6: {  	v7 =	vmul.f32 v11, v10;
	v11 =	vadd.f32 v5, v14;
	v5 =	vmul.f32 v30, v26  }
0x2c7: {  	v24 =	vld [tilespmem:s26+$0xA500];
	v29 =	vmul.f32 v18, v29;
	v12 =	vadd.f32 v6, v14;
	v6 =	vmul.f32 v25, v9  }
0x2c8: {  	v30 =	vmul.f32 v31, v15;
	v18 =	vimm.f32 $0.0e+00;
	v15 =	vimm.f32 $0.0e+00;
	v25 =	vld [tilespmem:s26+$0xA580]  }
0x2c9: {  	v26 =	vld [tilespmem:s26+$0xA600];
	v9 =	vadd.f32 v7, v14;
	v10 =	vadd.f32 v6, v14;
	v6 =	vmul.f32 v17, v28  }
0x2ca: {  	s25 =	simm.s32 $0x20;
	s23 =	simm.s32 $0x10;
	s22 =	simm.s32 $0x80;
	v27 =	vld [tilespmem:s26+$0xA680];
	v8 =	vadd.f32 v5, v14;
	v7 =	vadd.f32 v16, v14;
	v16 =	vimm.f32 $0.0e+00  }
0x2cb: {  	s24 =	simm.s32 $0x4010;
	s28 =	sand.u32 $0x70, s23;
	s2 =	sand.u32 $0x1C00, s22;
	v5 =	vimm.f32 $0.0e+00;
	v17 =	vimm.f32 $0.0e+00;
	v28 =	vld [tilespmem:s26+$0xA700];
	v6 =	vadd.f32 v6, v14  }
.LBB2_11:
0x2cc: {  	p0 =	sne.s32 s25, $0x3F0;
	v31 =	vld [tilespmem:s24+$0x0];
	s26 =	sor.u32 s28, s2;
	s2 =	sor.u32 s22, s23;
	v14 =	vadd.f32 v29, v14;
	v22 =	vmul.f32 v24, v22  }
0x2cd: {  	s23 =	smov.u32 s25;
	s2 =	sor.u32 $0x380, s2;
	v24 =	vld [tilespmem:s26+$0x6780];
	v18 =	vadd.f32 v30, v18;
	v19 =	vmul.f32 v25, v19  }
0x2ce: {  	v25 =	vld [tilespmem:s26+$0x4400];
	v17 =	vadd.f32 v22, v17;
	v21 =	vmul.f32 v26, v21  }
0x2cf: {  	v22 =	vld [tilespmem:s26+$0xA780];
	v15 =	vadd.f32 v19, v15;
	v19 =	vmul.f32 v27, v20  }
0x2d0: {  	v20 =	vld [tilespmem:s26+$0x4480];
	v16 =	vadd.f32 v21, v16;
	v21 =	vmul.f32 v28, v23  }
0x2d1: {  	v23 =	vld [tilespmem:s26+$0x4500];
	v5 =	vadd.f32 v19, v5  }
0x2d2: {  	v19 =	vld [tilespmem:s26+$0x4580];
	v24 =	vmul.f32 v24, v31;
	v4 =	vadd.f32 v21, v4  }
0x2d3: {  	v25 =	vmul.f32 v25, v31;
	v21 =	vld [tilespmem:s26+$0x4600]  }
0x2d4: {  	v26 =	vld [tilespmem:s26+$0x4680];
	v22 =	vmul.f32 v22, v24  }
0x2d5: {  	v24 =	vmul.f32 v20, v31;
	v20 =	vld [tilespmem:s26+$0x4700]  }
0x2d6: {  	v27 =	vmul.f32 v23, v31;
	v23 =	vld [tilespmem:s2+$0x4400];
	v3 =	vadd.f32 v22, v3  }
0x2d7: {  	v28 =	vmul.f32 v19, v31;
	v19 =	vld [tilespmem:s26+$0x6400]  }
0x2d8: {  	v29 =	vmul.f32 v21, v31;
	v21 =	vld [tilespmem:s26+$0x6480]  }
0x2d9: {  	v26 =	vmul.f32 v26, v31;
	v22 =	vld [tilespmem:s26+$0x6500]  }
0x2da: {  	v30 =	vmul.f32 v20, v31;
	v20 =	vld [tilespmem:s26+$0x6580]  }
0x2db: {  	v32 =	vmul.f32 v23, v31;
	v23 =	vld [tilespmem:s26+$0x6600]  }
0x2dc: {  	v33 =	vmul.f32 v19, v31;
	v34 =	vld [tilespmem:s26+$0x6680]  }
0x2dd: {  	v35 =	vmul.f32 v21, v31;
	v36 =	vld [tilespmem:s26+$0x6700]  }
0x2de: {  	v37 =	vld [tilespmem:s26+$0x8400];
	v22 =	vmul.f32 v22, v31  }
0x2df: {  	v38 =	vld [tilespmem:s26+$0x8480];
	v19 =	vmul.f32 v20, v31  }
0x2e0: {  	v39 =	vld [tilespmem:s26+$0x8500];
	v21 =	vmul.f32 v23, v31  }
0x2e1: {  	v40 =	vld [tilespmem:s26+$0x8580];
	v20 =	vmul.f32 v34, v31  }
0x2e2: {  	v34 =	vld [tilespmem:s26+$0x8600];
	v23 =	vmul.f32 v36, v31  }
0x2e3: {  	v25 =	vmul.f32 v37, v25;
	v31 =	vld [tilespmem:s26+$0x8680]  }
0x2e4: {  	v24 =	vmul.f32 v38, v24;
	v36 =	vld [tilespmem:s26+$0x8700]  }
0x2e5: {  	v13 =	vadd.f32 v25, v13;
	v25 =	vmul.f32 v39, v27;
	v27 =	vld [tilespmem:s26+$0x8780]  }
0x2e6: {  	v12 =	vadd.f32 v24, v12;
	v24 =	vmul.f32 v40, v28;
	v28 =	vld [tilespmem:s26+$0xA400]  }
0x2e7: {  	v11 =	vadd.f32 v25, v11;
	v25 =	vmul.f32 v34, v29;
	v34 =	vld [tilespmem:s26+$0xA480]  }
.Ltmp5:
0x2e8: {  	v10 =	vadd.f32 v24, v10;
	v26 =	vmul.f32 v31, v26;
	v24 =	vld [tilespmem:s26+$0xA500];
	(pc) =	sbr.rel @p0 .LBB2_11-.Ltmp5, $4  }
0x2e9: {  	v9 =	vadd.f32 v25, v9;
	v29 =	vmul.f32 v36, v30;
	v25 =	vld [tilespmem:s26+$0xA580]  }
0x2ea: {  	v8 =	vadd.f32 v26, v8;
	v30 =	vmul.f32 v27, v32;
	v26 =	vld [tilespmem:s26+$0xA600]  }
0x2eb: {  	s22 =	sadd.s32 $0x80, s22;
	s24 =	sadd.s32 $0x10, s24;
	v7 =	vadd.f32 v29, v7;
	v29 =	vmul.f32 v28, v33;
	v27 =	vld [tilespmem:s26+$0xA680]  }
0x2ec: {  	s25 =	sadd.s32 $0x10, s25;
	s28 =	sand.u32 $0x70, s23;
	s2 =	sand.u32 $0x1C00, s22;
	v6 =	vadd.f32 v30, v6;
	v30 =	vmul.f32 v34, v35;
	v28 =	vld [tilespmem:s26+$0xA700]  }
0x2ed: {  	v31 =	vld [tilespmem:s24+$0x0];
	s31 =	sor.u32 s28, s2  }
0x2ee: {  	v32 =	vld [tilespmem:s31+$0x4400]  }
0x2ef: {  	v33 =	vld [tilespmem:s31+$0x4480]  }
0x2f0: {  	v34 =	vld [tilespmem:s31+$0x4500]  }
0x2f1: {  	v35 =	vld [tilespmem:s31+$0x4580]  }
0x2f2: {  	v36 =	vld [tilespmem:s31+$0x4600]  }
0x2f3: {  	v37 =	vld [tilespmem:s31+$0x4680]  }
0x2f4: {  	v38 =	vld [tilespmem:s31+$0x4700]  }
0x2f5: {  	v40 =	vld [tilespmem:s31+$0x6400]  }
0x2f6: {  	v41 =	vld [tilespmem:s31+$0x6480]  }
0x2f7: {  	v42 =	vld [tilespmem:s31+$0x6500]  }
0x2f8: {  	v43 =	vld [tilespmem:s31+$0x6580]  }
0x2f9: {  	v44 =	vld [tilespmem:s31+$0x6600]  }
0x2fa: {  	v45 =	vld [tilespmem:s31+$0x6680]  }
0x2fb: {  	v47 =	vld [tilespmem:s31+$0x8400]  }
0x2fc: {  	v22 =	vmul.f32 v24, v22;
	v24 =	vld [tilespmem:s31+$0x8480]  }
0x2fd: {  	v19 =	vmul.f32 v25, v19;
	v25 =	vld [tilespmem:s31+$0x8500]  }
0x2fe: {  	v14 =	vadd.f32 v29, v14;
	v29 =	vld [tilespmem:s31+$0x8680];
	v21 =	vmul.f32 v26, v21  }
0x2ff: {  	s23 =	sor.u32 s22, s23;
	v18 =	vadd.f32 v30, v18;
	v20 =	vmul.f32 v27, v20;
	v27 =	vld [tilespmem:s31+$0x8580];
	v26 =	vmul.f32 v32, v31  }
0x300: {  	s2 =	sor.u32 $0x380, s23;
	v17 =	vadd.f32 v22, v17;
	v22 =	vmul.f32 v28, v23;
	v28 =	vld [tilespmem:s31+$0x8600];
	v23 =	vmul.f32 v33, v31  }
0x301: {  	v39 =	vld [tilespmem:s2+$0x4400];
	v15 =	vadd.f32 v19, v15;
	v19 =	vmul.f32 v34, v31;
	v26 =	vmul.f32 v47, v26  }
0x302: {  	v16 =	vadd.f32 v21, v16;
	v21 =	vmul.f32 v35, v31;
	v23 =	vmul.f32 v24, v23;
	v24 =	vld [tilespmem:s31+$0x8700]  }
0x303: {  	v46 =	vld [tilespmem:s31+$0x6700];
	v19 =	vmul.f32 v25, v19;
	v13 =	vadd.f32 v26, v13;
	v26 =	vmul.f32 v36, v31  }
0x304: {  	v30 =	vmul.f32 v38, v31;
	v25 =	vld [tilespmem:s31+$0x8780];
	v21 =	vmul.f32 v27, v21;
	v12 =	vadd.f32 v23, v12  }
0x305: {  	v27 =	vld [tilespmem:s31+$0xA400];
	v23 =	vmul.f32 v37, v31;
	v11 =	vadd.f32 v19, v11;
	v19 =	vmul.f32 v28, v26  }
0x306: {  	v10 =	vadd.f32 v21, v10;
	v26 =	vld [tilespmem:s31+$0xA480];
	(xrf2) =	vadd.scan.msk.f32 $0xffff, v13;
	v13 =	vmul.f32 v39, v31  }
0x307: {  	v21 =	vmul.f32 v29, v23;
	v23 =	vld [tilespmem:s31+$0xA500];
	(xrf2) =	vadd.scan.msk.f32 $0xffff, v12;
	v9 =	vadd.f32 v19, v9;
	v19 =	vmul.f32 v24, v30  }
0x308: {  	v12 =	vmul.f32 v40, v31;
	v24 =	vld [tilespmem:s31+$0xA580];
	(xrf2) =	vadd.scan.msk.f32 $0xffff, v11  }
0x309: {  	v8 =	vadd.f32 v21, v8;
	v13 =	vmul.f32 v25, v13;
	(xrf2) =	vadd.scan.msk.f32 $0xffff, v10;
	v7 =	vadd.f32 v19, v7;
	v19 =	vld [tilespmem:s31+$0xA680]  }
0x30a: {  	v11 =	vmul.f32 v41, v31;
	v21 =	vld [tilespmem:s31+$0xA600];
	v10 =	vmul.f32 v42, v31;
	(xrf2) =	vadd.scan.msk.f32 $0xffff, v9  }
0x30b: {  	v12 =	vmul.f32 v27, v12;
	v9 =	vmul.f32 v43, v31;
	v6 =	vadd.f32 v13, v6;
	v13 =	vld [tilespmem:s31+$0xA700];
	(xrf2) =	vadd.scan.msk.f32 $0xffff, v8  }
0x30c: {  	v11 =	vmul.f32 v26, v11;
	v8 =	vld [tilespmem:s31+$0x6780];
	(xrf2) =	vadd.scan.msk.f32 $0xffff, v7;
	v7 =	vmul.f32 v45, v31  }
0x30d: {  	v25 =	vmul.f32 v44, v31;
	v12 =	vadd.f32 v12, v14;
	v10 =	vmul.f32 v23, v10  }
0x30e: {  	v11 =	vadd.f32 v11, v18;
	v9 =	vmul.f32 v24, v9;
	(xrf2) =	vadd.scan.msk.f32 $0xffff, v6;
	v6 =	vld [tilespmem:s31+$0xA780];
	v7 =	vmul.f32 v19, v7  }
0x30f: {  	v14 =	vmul.f32 v46, v31;
	v10 =	vadd.f32 v10, v17;
	(xrf2) =	vadd.scan.msk.f32 $0xffff, v12  }
0x310: {  	v5 =	vadd.f32 v20, v5;
	v17 =	vmul.f32 v21, v25;
	v9 =	vadd.f32 v9, v15;
	(xrf2) =	vadd.scan.msk.f32 $0xffff, v11  }
0x311: {  	v4 =	vadd.f32 v22, v4;
	v12 =	vmul.f32 v13, v14;
	v13, _, _ =	vpop (xrf2);
	(xrf2) =	vadd.scan.msk.f32 $0xffff, v10;
	v8 =	vmul.f32 v8, v31  }
0x312: {  	v5 =	vadd.f32 v7, v5;
	v7, _, _ =	vpop (xrf2);
	(xrf2) =	vadd.scan.msk.f32 $0xffff, v9;
	v9 =	vbroadcast v13, $0xF  }
0x313: {  	v11 =	vadd.f32 v17, v16;
	v4 =	vadd.f32 v12, v4;
	v6 =	vmul.f32 v6, v8;
	v10, _, _ =	vpop (xrf2)  }
0x314: {  	v7 =	vbroadcast v7, $0xF;
	v8 =	vbroadcast v10, $0xF  }
0x315: {  	(xrf2) =	vadd.scan.msk.f32 $0xffff, v11;
	v10, _, _ =	vpop (xrf2)  }
0x316: {  	(xrf2) =	vadd.scan.msk.f32 $0xffff, v5;
	v5 =	vsel vm1, v9, v7;
	v7 =	vbroadcast v10, $0xF;
	v9, _, _ =	vpop (xrf2)  }
0x317: {  	v3 =	vadd.f32 v6, v3;
	(xrf2) =	vadd.scan.msk.f32 $0xffff, v4;
	v5 =	vsel vm2, v5, v8;
	v4, _, _ =	vpop (xrf2);
	v6 =	vbroadcast v9, $0xF  }
0x318: {  	v5 =	vsel vm3, v5, v7;
	v8, _, _ =	vpop (xrf2)  }
0x319: {  	v4 =	vbroadcast v4, $0xF;
	v5 =	vsel vm4, v5, v6;
	v6 =	vbroadcast v8, $0xF  }
0x31a: {  	v7, _, _ =	vpop (xrf2)  }
0x31b: {  	(xrf2) =	vadd.scan.msk.f32 $0xffff, v3;
	v3, _, _ =	vpop (xrf2);
	v4 =	vsel vm5, v5, v4;
	v5 =	vbroadcast v7, $0xF  }
0x31c: {  	v7, _, _ =	vpop (xrf2);
	v4 =	vsel vm6, v4, v6;
	v3 =	vbroadcast v3, $0xF  }
0x31d: {  	v4 =	vsel vm7, v4, v5;
	v5 =	vbroadcast v7, $0xF;
	v6, _, _ =	vpop (xrf2)  }
0x31e: {  	v3 =	vsel vm8, v4, v3;
	v7, _, _ =	vpop (xrf2);
	v4 =	vbroadcast v6, $0xF  }
0x31f: {  	v3 =	vsel vm9, v3, v5;
	v6, _, _ =	vpop (xrf2);
	v5 =	vbroadcast v7, $0xF  }
0x320: {  	v7, _, _ =	vpop (xrf2);
	v3 =	vsel vm10, v3, v4;
	v4 =	vbroadcast v6, $0xF  }
0x321: {  	v6, _, _ =	vpop (xrf2);
	v3 =	vsel vm11, v3, v5  }
0x322: {  	v3 =	vsel vm12, v3, v4;
	v4 =	vbroadcast v6, $0xF  }
0x323: {  	v5 =	vbroadcast v7, $0xF;
	_ =	sdelay $0x1  }
0x324: {  	v3 =	vsel vm13, v3, v5  }
0x325: {  	v3 =	vsel vm14, v3, v4;
	v4, _, _ =	vpop (xrf2)  }
0x326: {  	v3 =	vsel vm15, v3, v4  }
0x327: {  	[tilespmem:$0x1CBE0] =	vst v3  }
0x328: {  	_ =	swait.ge [sflag:s20], $0x8000  }
0x329: {  	s25 =	simm.s32 $0x0;
	s29 =	simm.s32 $0x4000;
	[sflag:s20] =	ssyncset.done $0x0  }
0x32a: {  	s30 =	sand.u32 $0x70, s25;
	s31 =	sand.u32 $0x1C00, s25;
	[sflag:s20] =	ssyncadd.s32 $0xFFFF8000  }
0x32b: {  	s26 =	sor.u32 s30, s31;
	v4 =	vld [tilespmem:s29+$0x0]  }
0x32c: {  	v3 =	vld [tilespmem:s26+$0xE780]  }
0x32d: {  	v5 =	vld [tilespmem:s26+$0xC400]  }
0x32e: {  	v6 =	vld [tilespmem:s26+$0x12780]  }
0x32f: {  	v7 =	vld [tilespmem:s26+$0xC480]  }
0x330: {  	v8 =	vld [tilespmem:s26+$0xC500]  }
0x331: {  	v9 =	vld [tilespmem:s26+$0xC580]  }
0x332: {  	v10 =	vld [tilespmem:s26+$0xC600]  }
0x333: {  	s2 =	sor.u32 s25, s25;
	v11 =	vld [tilespmem:s26+$0xC680]  }
0x334: {  	s2 =	sor.u32 $0x380, s2;
	v12 =	vld [tilespmem:s26+$0xC700]  }
0x335: {  	v13 =	vld [tilespmem:s2+$0xC400]  }
0x336: {  	v14 =	vld [tilespmem:s26+$0xE400]  }
0x337: {  	v15 =	vld [tilespmem:s26+$0xE480]  }
0x338: {  	v16 =	vld [tilespmem:s26+$0xE500]  }
0x339: {  	v17 =	vld [tilespmem:s26+$0xE580]  }
0x33a: {  	v18 =	vld [tilespmem:s26+$0xE600]  }
0x33b: {  	v20 =	vld [tilespmem:s26+$0xE680]  }
0x33c: {  	v23 =	vld [tilespmem:s26+$0xE700]  }
0x33d: {  	v21 =	vld [tilespmem:s26+$0x10400];
	v3 =	vmul.f32 v3, v4;
	v5 =	vmul.f32 v5, v4  }
0x33e: {  	v24 =	vld [tilespmem:s26+$0x10500];
	v7 =	vmul.f32 v7, v4;
	v8 =	vmul.f32 v8, v4  }
0x33f: {  	v25 =	vld [tilespmem:s26+$0x10580];
	v9 =	vmul.f32 v9, v4;
	v10 =	vmul.f32 v10, v4  }
0x340: {  	v30 =	vld [tilespmem:s26+$0x10680];
	v26 =	vmul.f32 v11, v4;
	v27 =	vmul.f32 v12, v4  }
0x341: {  	v28 =	vmul.f32 v13, v4;
	v22 =	vmul.f32 v16, v4;
	v16 =	vld [tilespmem:s26+$0x10700]  }
0x342: {  	v29 =	vmul.f32 v14, v4;
	v3 =	vmul.f32 v6, v3;
	v6 =	vld [tilespmem:s26+$0x10480]  }
0x343: {  	v11 =	vld [tilespmem:s26+$0x10600];
	v15 =	vmul.f32 v15, v4;
	v19 =	vmul.f32 v17, v4  }
0x344: {  	v5 =	vmul.f32 v21, v5;
	v21 =	vmul.f32 v18, v4;
	v18 =	vld [tilespmem:s26+$0x12400]  }
0x345: {  	v31 =	vld [tilespmem:s26+$0x12480];
	v14 =	vimm.f32 $0.0e+00;
	v20 =	vmul.f32 v20, v4;
	v23 =	vmul.f32 v23, v4  }
0x346: {  	v17 =	vld [tilespmem:s26+$0x10780];
	v4 =	vimm.f32 $0.0e+00;
	v13 =	vadd.f32 v5, v14;
	v5 =	vmul.f32 v24, v8  }
0x347: {  	v3 =	vadd.f32 v3, v14;
	v16 =	vmul.f32 v16, v27;
	v6 =	vmul.f32 v6, v7  }
0x348: {  	v7 =	vmul.f32 v11, v10;
	v11 =	vadd.f32 v5, v14;
	v5 =	vmul.f32 v30, v26  }
0x349: {  	v24 =	vld [tilespmem:s26+$0x12500];
	v29 =	vmul.f32 v18, v29;
	v12 =	vadd.f32 v6, v14;
	v6 =	vmul.f32 v25, v9  }
0x34a: {  	v30 =	vmul.f32 v31, v15;
	v18 =	vimm.f32 $0.0e+00;
	v15 =	vimm.f32 $0.0e+00;
	v25 =	vld [tilespmem:s26+$0x12580]  }
0x34b: {  	v26 =	vld [tilespmem:s26+$0x12600];
	v9 =	vadd.f32 v7, v14;
	v10 =	vadd.f32 v6, v14;
	v6 =	vmul.f32 v17, v28  }
0x34c: {  	s22 =	simm.s32 $0x80;
	s24 =	simm.s32 $0x4010;
	s23 =	simm.s32 $0x10;
	v27 =	vld [tilespmem:s26+$0x12680];
	v8 =	vadd.f32 v5, v14;
	v7 =	vadd.f32 v16, v14;
	v16 =	vimm.f32 $0.0e+00  }
0x34d: {  	s28 =	sand.u32 $0x70, s23;
	s25 =	simm.s32 $0x20;
	s2 =	sand.u32 $0x1C00, s22;
	v5 =	vimm.f32 $0.0e+00;
	v17 =	vimm.f32 $0.0e+00;
	v28 =	vld [tilespmem:s26+$0x12700];
	v6 =	vadd.f32 v6, v14  }
.LBB2_13:
0x34e: {  	p0 =	sne.s32 s25, $0x3F0;
	v31 =	vld [tilespmem:s24+$0x0];
	s26 =	sor.u32 s28, s2;
	s2 =	sor.u32 s22, s23;
	v14 =	vadd.f32 v29, v14;
	v22 =	vmul.f32 v24, v22  }
0x34f: {  	s23 =	smov.u32 s25;
	s2 =	sor.u32 $0x380, s2;
	v24 =	vld [tilespmem:s26+$0xE780];
	v18 =	vadd.f32 v30, v18;
	v19 =	vmul.f32 v25, v19  }
0x350: {  	v25 =	vld [tilespmem:s26+$0xC400];
	v17 =	vadd.f32 v22, v17;
	v21 =	vmul.f32 v26, v21  }
0x351: {  	v22 =	vld [tilespmem:s26+$0x12780];
	v15 =	vadd.f32 v19, v15;
	v19 =	vmul.f32 v27, v20  }
0x352: {  	v20 =	vld [tilespmem:s26+$0xC480];
	v16 =	vadd.f32 v21, v16;
	v21 =	vmul.f32 v28, v23  }
0x353: {  	v23 =	vld [tilespmem:s26+$0xC500];
	v5 =	vadd.f32 v19, v5  }
0x354: {  	v19 =	vld [tilespmem:s26+$0xC580];
	v24 =	vmul.f32 v24, v31;
	v4 =	vadd.f32 v21, v4  }
0x355: {  	v25 =	vmul.f32 v25, v31;
	v21 =	vld [tilespmem:s26+$0xC600]  }
0x356: {  	v26 =	vld [tilespmem:s26+$0xC680];
	v22 =	vmul.f32 v22, v24  }
0x357: {  	v24 =	vmul.f32 v20, v31;
	v20 =	vld [tilespmem:s26+$0xC700]  }
0x358: {  	v27 =	vmul.f32 v23, v31;
	v23 =	vld [tilespmem:s2+$0xC400];
	v3 =	vadd.f32 v22, v3  }
0x359: {  	v28 =	vmul.f32 v19, v31;
	v19 =	vld [tilespmem:s26+$0xE400]  }
0x35a: {  	v29 =	vmul.f32 v21, v31;
	v21 =	vld [tilespmem:s26+$0xE480]  }
0x35b: {  	v26 =	vmul.f32 v26, v31;
	v22 =	vld [tilespmem:s26+$0xE500]  }
0x35c: {  	v30 =	vmul.f32 v20, v31;
	v20 =	vld [tilespmem:s26+$0xE580]  }
0x35d: {  	v32 =	vmul.f32 v23, v31;
	v23 =	vld [tilespmem:s26+$0xE600]  }
0x35e: {  	v33 =	vmul.f32 v19, v31;
	v34 =	vld [tilespmem:s26+$0xE680]  }
0x35f: {  	v35 =	vmul.f32 v21, v31;
	v36 =	vld [tilespmem:s26+$0xE700]  }
0x360: {  	v37 =	vld [tilespmem:s26+$0x10400];
	v22 =	vmul.f32 v22, v31  }
0x361: {  	v38 =	vld [tilespmem:s26+$0x10480];
	v19 =	vmul.f32 v20, v31  }
0x362: {  	v39 =	vld [tilespmem:s26+$0x10500];
	v21 =	vmul.f32 v23, v31  }
0x363: {  	v40 =	vld [tilespmem:s26+$0x10580];
	v20 =	vmul.f32 v34, v31  }
0x364: {  	v34 =	vld [tilespmem:s26+$0x10600];
	v23 =	vmul.f32 v36, v31  }
0x365: {  	v25 =	vmul.f32 v37, v25;
	v31 =	vld [tilespmem:s26+$0x10680]  }
0x366: {  	v24 =	vmul.f32 v38, v24;
	v36 =	vld [tilespmem:s26+$0x10700]  }
0x367: {  	v13 =	vadd.f32 v25, v13;
	v25 =	vmul.f32 v39, v27;
	v27 =	vld [tilespmem:s26+$0x10780]  }
0x368: {  	v12 =	vadd.f32 v24, v12;
	v24 =	vmul.f32 v40, v28;
	v28 =	vld [tilespmem:s26+$0x12400]  }
0x369: {  	v11 =	vadd.f32 v25, v11;
	v25 =	vmul.f32 v34, v29;
	v34 =	vld [tilespmem:s26+$0x12480]  }
.Ltmp6:
0x36a: {  	v10 =	vadd.f32 v24, v10;
	v26 =	vmul.f32 v31, v26;
	v24 =	vld [tilespmem:s26+$0x12500];
	(pc) =	sbr.rel @p0 .LBB2_13-.Ltmp6, $4  }
0x36b: {  	v9 =	vadd.f32 v25, v9;
	v29 =	vmul.f32 v36, v30;
	v25 =	vld [tilespmem:s26+$0x12580]  }
0x36c: {  	v8 =	vadd.f32 v26, v8;
	v30 =	vmul.f32 v27, v32;
	v26 =	vld [tilespmem:s26+$0x12600]  }
0x36d: {  	s22 =	sadd.s32 $0x80, s22;
	s24 =	sadd.s32 $0x10, s24;
	v7 =	vadd.f32 v29, v7;
	v29 =	vmul.f32 v28, v33;
	v27 =	vld [tilespmem:s26+$0x12680]  }
0x36e: {  	s25 =	sadd.s32 $0x10, s25;
	s28 =	sand.u32 $0x70, s23;
	s2 =	sand.u32 $0x1C00, s22;
	v6 =	vadd.f32 v30, v6;
	v30 =	vmul.f32 v34, v35;
	v28 =	vld [tilespmem:s26+$0x12700]  }
0x36f: {  	v31 =	vld [tilespmem:s24+$0x0];
	s25 =	sor.u32 s28, s2  }
0x370: {  	v32 =	vld [tilespmem:s25+$0xC400]  }
0x371: {  	v33 =	vld [tilespmem:s25+$0xC480]  }
0x372: {  	v34 =	vld [tilespmem:s25+$0xC500]  }
0x373: {  	v35 =	vld [tilespmem:s25+$0xC580]  }
0x374: {  	v36 =	vld [tilespmem:s25+$0xC600]  }
0x375: {  	v37 =	vld [tilespmem:s25+$0xC680]  }
0x376: {  	v38 =	vld [tilespmem:s25+$0xC700]  }
0x377: {  	v40 =	vld [tilespmem:s25+$0xE400]  }
0x378: {  	v41 =	vld [tilespmem:s25+$0xE480]  }
0x379: {  	v42 =	vld [tilespmem:s25+$0xE500]  }
0x37a: {  	v43 =	vld [tilespmem:s25+$0xE580]  }
0x37b: {  	v44 =	vld [tilespmem:s25+$0xE600]  }
0x37c: {  	v45 =	vld [tilespmem:s25+$0xE680]  }
0x37d: {  	v46 =	vld [tilespmem:s25+$0xE700]  }
0x37e: {  	v47 =	vld [tilespmem:s25+$0x10400]  }
0x37f: {  	v56 =	vld [tilespmem:s25+$0x10480]  }
0x380: {  	v57 =	vld [tilespmem:s25+$0x10500]  }
0x381: {  	v22 =	vmul.f32 v24, v22;
	v14 =	vadd.f32 v29, v14;
	v59 =	vld [tilespmem:s25+$0x10580]  }
0x382: {  	v19 =	vmul.f32 v25, v19;
	v18 =	vadd.f32 v30, v18;
	v61 =	vld [tilespmem:s25+$0x10600];
	v21 =	vmul.f32 v26, v21  }
0x383: {  	s26 =	sor.u32 s22, s23;
	v63 =	vld [tilespmem:s25+$0x10680];
	v17 =	vadd.f32 v22, v17;
	v20 =	vmul.f32 v27, v20;
	v58 =	vmul.f32 v32, v31  }
0x384: {  	s2 =	sor.u32 $0x380, s26;
	v50 =	vld [tilespmem:s25+$0x12480];
	v15 =	vadd.f32 v19, v15;
	v22 =	vmul.f32 v28, v23;
	v60 =	vmul.f32 v33, v31  }
0x385: {  	v39 =	vld [tilespmem:s2+$0xC400];
	v16 =	vadd.f32 v21, v16;
	v62 =	vmul.f32 v34, v31;
	v26 =	vmul.f32 v47, v58  }
0x386: {  	v5 =	vadd.f32 v20, v5;
	v33 =	vmul.f32 v35, v31;
	v34 =	vld [tilespmem:s25+$0x10700];
	v23 =	vmul.f32 v56, v60  }
0x387: {  	v35 =	vmul.f32 v36, v31;
	v36 =	vld [tilespmem:s25+$0x10780];
	v19 =	vmul.f32 v57, v62;
	v13 =	vadd.f32 v26, v13  }
0x388: {  	v37 =	vmul.f32 v37, v31;
	v21 =	vmul.f32 v59, v33;
	v47 =	vld [tilespmem:s25+$0x12400];
	v12 =	vadd.f32 v23, v12  }
0x389: {  	v53 =	vld [tilespmem:s25+$0x12500];
	v48 =	vmul.f32 v38, v31;
	v49 =	vmul.f32 v61, v35;
	v11 =	vadd.f32 v19, v11;
	(xrf2) =	vadd.scan.msk.f32 $0xffff, v13  }
0x38a: {  	v51 =	vmul.f32 v39, v31;
	v52 =	vmul.f32 v63, v37;
	v56 =	vld [tilespmem:s25+$0x12580];
	v10 =	vadd.f32 v21, v10;
	(xrf2) =	vadd.scan.msk.f32 $0xffff, v12  }
0x38b: {  	v54 =	vmul.f32 v40, v31;
	v58 =	vld [tilespmem:s25+$0x12600];
	v9 =	vadd.f32 v49, v9;
	v55 =	vmul.f32 v34, v48;
	(xrf2) =	vadd.scan.msk.f32 $0xffff, v11  }
0x38c: {  	v57 =	vmul.f32 v41, v31;
	v60 =	vld [tilespmem:s25+$0x12680];
	v8 =	vadd.f32 v52, v8;
	v13 =	vmul.f32 v36, v51;
	(xrf2) =	vadd.scan.msk.f32 $0xffff, v10  }
0x38d: {  	v59 =	vmul.f32 v42, v31;
	v63 =	vld [tilespmem:s25+$0xE780];
	v7 =	vadd.f32 v55, v7;
	v12 =	vmul.f32 v47, v54;
	(xrf2) =	vadd.scan.msk.f32 $0xffff, v9  }
0x38e: {  	v61 =	vmul.f32 v43, v31;
	v62 =	vld [tilespmem:s25+$0x12700];
	v6 =	vadd.f32 v13, v6;
	v11 =	vmul.f32 v50, v57;
	(xrf2) =	vadd.scan.msk.f32 $0xffff, v8  }
0x38f: {  	v30 =	vld [tilespmem:s25+$0x12780];
	v28 =	vmul.f32 v44, v31;
	v12 =	vadd.f32 v12, v14;
	v10 =	vmul.f32 v53, v59;
	(xrf2) =	vadd.scan.msk.f32 $0xffff, v7  }
0x390: {  	v29 =	vmul.f32 v45, v31;
	v11 =	vadd.f32 v11, v18;
	v9 =	vmul.f32 v56, v61;
	(xrf2) =	vadd.scan.msk.f32 $0xffff, v6  }
0x391: {  	v32 =	vmul.f32 v46, v31;
	v33 =	vmul.f32 v58, v28;
	v10 =	vadd.f32 v10, v17;
	(xrf2) =	vadd.scan.msk.f32 $0xffff, v12  }
0x392: {  	v8 =	vmul.f32 v63, v31;
	v9 =	vadd.f32 v9, v15;
	v7 =	vmul.f32 v60, v29;
	(xrf2) =	vadd.scan.msk.f32 $0xffff, v11  }
0x393: {  	v4 =	vadd.f32 v22, v4;
	v35 =	vmul.f32 v62, v32;
	v34 =	vadd.f32 v33, v16;
	v36, _, _ =	vpop (xrf2);
	(xrf2) =	vadd.scan.msk.f32 $0xffff, v10  }
0x394: {  	v6 =	vmul.f32 v30, v8;
	v5 =	vadd.f32 v7, v5;
	v37, _, _ =	vpop (xrf2);
	(xrf2) =	vadd.scan.msk.f32 $0xffff, v9  }
0x395: {  	v4 =	vadd.f32 v35, v4;
	v38 =	vbroadcast v36, $0xF;
	v7 =	vbroadcast v37, $0xF;
	v39, _, _ =	vpop (xrf2);
	(xrf2) =	vadd.scan.msk.f32 $0xffff, v34  }
0x396: {  	v40 =	vbroadcast v39, $0xF;
	v41, _, _ =	vpop (xrf2);
	(xrf2) =	vadd.scan.msk.f32 $0xffff, v5  }
0x397: {  	v3 =	vadd.f32 v6, v3;
	v42 =	vsel vm1, v38, v7;
	v43 =	vbroadcast v41, $0xF;
	v44, _, _ =	vpop (xrf2);
	(xrf2) =	vadd.scan.msk.f32 $0xffff, v4  }
0x398: {  	v45, _, _ =	vpop (xrf2);
	v5 =	vsel vm2, v42, v40;
	v46 =	vbroadcast v44, $0xF  }
0x399: {  	v47, _, _ =	vpop (xrf2);
	v5 =	vsel vm3, v5, v43;
	v4 =	vbroadcast v45, $0xF  }
0x39a: {  	(xrf2) =	vadd.scan.msk.f32 $0xffff, v3;
	v5 =	vsel vm4, v5, v46;
	v48 =	vbroadcast v47, $0xF;
	v49, _, _ =	vpop (xrf2)  }
0x39b: {  	v3, _, _ =	vpop (xrf2);
	v4 =	vsel vm5, v5, v4;
	v50 =	vbroadcast v49, $0xF  }
0x39c: {  	v51, _, _ =	vpop (xrf2);
	v4 =	vsel vm6, v4, v48;
	v3 =	vbroadcast v3, $0xF  }
0x39d: {  	v52, _, _ =	vpop (xrf2);
	v4 =	vsel vm7, v4, v50;
	v53 =	vbroadcast v51, $0xF  }
0x39e: {  	v54, _, _ =	vpop (xrf2);
	v3 =	vsel vm8, v4, v3;
	v55 =	vbroadcast v52, $0xF  }
0x39f: {  	v56, _, _ =	vpop (xrf2);
	v3 =	vsel vm9, v3, v53;
	v57 =	vbroadcast v54, $0xF  }
0x3a0: {  	v58, _, _ =	vpop (xrf2);
	v3 =	vsel vm10, v3, v55;
	v59 =	vbroadcast v56, $0xF  }
0x3a1: {  	v60, _, _ =	vpop (xrf2);
	v3 =	vsel vm11, v3, v57;
	v61 =	vbroadcast v58, $0xF  }
0x3a2: {  	v3 =	vsel vm12, v3, v59;
	v62 =	vbroadcast v60, $0xF  }
0x3a3: {  	v3 =	vsel vm13, v3, v61  }
0x3a4: {  	v63, _, _ =	vpop (xrf2);
	v3 =	vsel vm14, v3, v62  }
0x3a5: {  	v3 =	vsel vm15, v3, v63  }
0x3a6: {  	s28 =	rddreg [dreg:$0x6];
	s29 =	simm.s32 $0x1C400;
	s22 =	simm.s32 $0x4;
	[tilespmem:$0x1CBF0] =	vst v3  }
0x3a7: {  	[hbm4b:s28+s4] =	stream.linear.scatter [tilespmem:s29], [sflag:$0x4], $0x800, $0x38;
	[tilespmem:$0x1CC00] =	vst v63  }
0x3a8: {  	_ =	swait.ge [sflag:s22], $0x800  }
0x3a9: {  	s30 =	rddreg [dreg:$0x8]  }
0x3aa: {  	s31 =	rddreg [dreg:$0x7];
	s23 =	sadd.s32 $0x1, s30  }
0x3ab: {  	p0 =	sne.s32 s23, s31  }
.Ltmp7:
0x3ac: {  	_ = 	snop;
	(pc) =	sbr.rel @p0 .LBB2_1-.Ltmp7, $3  }
0x3ad: {  	_ =	sdelay $0x1  }
0x3ae: {  	[sflag:s22] =	ssyncset.done $0x0  }
0x3af: {  	[sflag:s22] =	ssyncadd.s32 $0xFFFFF800  }
0x3b0: {  	_ =	sfence.sel $0x180000  }
0x3b1: {  	[bflag:$0x0] =	sbarrier.arrive $0xFFFF  }
0x3b2: {  	_ =	strace $0x90000047  }
0x3b3: {  	s0 =	stileid.u32;
	[bflag:$0x2] =	sbarrier.arrive $0xFFFF  }
0x3b4: {  	p0 =	sne.s32 s0, $0x0;
	s0 =	rddreg [dreg:$0x4]  }
0x3b5: {  	s0 =	sadd.s32 @!p0 $0x100000, s0  }
0x3b6: {  	[sflag:s0] =	ssyncadd.tile.s32 @!p0 $0x1;
	_ =	shalt  }
.Lfunc_end2:
_tile_overlayer_lowered:
.L_overlay_start_2:
0x3b7: {  	(tag) =	ssettag $0x2  }
0x3b8: {  	s0 =	rddreg [dreg:$0x0];
	s2 =	stileid.u32  }
0x3b9: {  	s1 =	rddreg [dreg:$0x1];
	p0 =	sne.s32 s2, $0x0  }
0x3ba: {  	s3 =	rddreg [dreg:$0x2];
	[bflag:$0x3] =	sbarrier.arrive $0xFFFF;
	s2 =	simm.s32 @!p0 $0x1C04  }
0x3bb: {  	[timem:s3], [sflag:s2] =	dma.local @!p0 [hbm:s0], s1  }
0x3bc: {  	s0 =	simm.s32 @!p0 $0x4  }
0x3bd: {  	_ =	swait.ge @!p0 [sflag:s0], s1  }
0x3be: {  	s1 =	ssub.s32 @!p0 $0x0, s1;
	[sflag:s0] =	ssyncset.done @!p0 $0x0  }
0x3bf: {  	[sflag:s0] =	ssyncadd.s32 @!p0 s1  }
0x3c0: {  	[bflag:$0x3] =	sbarrier.arrive $0xFFFF  }
0x3c1: {  	_ =	shalt  }

</sc_bundles>
